<compile_context>
chip_gen: v7x
topology: tpu7x:2x2x1
jax: 0.10.2.dev20260603
libtpu: 0.0.44.dev20260713+nightly
codegen_flags: <defaults>
</compile_context>

<pallas_src>
import jax
import jax.numpy as jnp
from jax import lax
from jax.experimental import pallas as pl
from jax.experimental.pallas import tpu as pltpu
from jax.experimental.pallas import tpu_sc as plsc

N = 10000
E = 160000
D_IN = 256
D_HID = 256
NCLS = 40
NCP = 48

NC, NS = 2, 16
G = 128
EPAD = NC * NS * 40 * G
NGRP = EPAD // G
FEAT_GPT = NGRP // NS
DEG_GPT = NGRP // (NC * NS)
ACC_ROWS = 10240
ZCHUNK = ACC_ROWS // NS
OCHUNK = 624
OLAST = N - (NS - 1) * OCHUNK
CH = 8
CH2 = 5

def _sc1_body(xbf, srcf, dstg, zbf, z16, ones_in,
              m1, dg,
              acc, dacc, sidxs, didx, rows0, rows1, ones,
              gsem0, gsem1, ssem0, ssem1, dsem):
    c = lax.axis_index("c")
    s = lax.axis_index("s")

    pltpu.sync_copy(zbf.at[pl.ds(s * ZCHUNK, ZCHUNK)],
                    acc.at[pl.ds(s * ZCHUNK, ZCHUNK)])
    pltpu.sync_copy(z16.at[pl.ds(s * ZCHUNK, ZCHUNK)],
                    dacc.at[pl.ds(s * ZCHUNK, ZCHUNK)])

    pltpu.sync_copy(ones_in, ones)
    plsc.subcore_barrier()

    wid = c * NS + s
    baseg = wid * DEG_GPT
    basee = baseg * G
    rbufs = (rows0, rows1)
    gsems = (gsem0, gsem1)
    ssems = (ssem0, ssem1)

    def _degslab(blk, carry):
        pltpu.sync_copy(dstg.at[pl.ds(baseg + blk * CH, CH)], didx)
        descs = [pltpu.async_copy(ones, dacc.at[didx.at[j]], dsem, add=True)
                 for j in range(CH)]
        for d in descs:
            d.wait()
        return carry

    lax.fori_loop(0, DEG_GPT // CH, _degslab, 0)

    def _slab(blk, carry):
        pltpu.sync_copy(dstg.at[pl.ds(baseg + blk * CH, CH)], didx)
        pltpu.sync_copy(srcf.at[pl.ds(basee + blk * CH * G, CH * G)], sidxs)
        gd = [None, None]
        sd = [None, None]
        gd[0] = pltpu.async_copy(xbf.at[sidxs.at[pl.ds(0, G)]],
                                 rbufs[0], gsems[0])
        for j in range(CH):
            b = j & 1
            nb = (j + 1) & 1
            if j + 1 < CH:
                if sd[nb] is not None:
                    sd[nb].wait()
                gd[nb] = pltpu.async_copy(
                    xbf.at[sidxs.at[pl.ds((j + 1) * G, G)]],
                    rbufs[nb], gsems[nb])
            gd[b].wait()
            sd[b] = pltpu.async_copy(rbufs[b], acc.at[didx.at[j]],
                                     ssems[b], add=True)
        sd[0].wait()
        sd[1].wait()
        return carry

    lax.fori_loop(0, DEG_GPT // CH, _slab, 0)
    plsc.subcore_barrier()

    @pl.when(s < NS - 1)
    def _():
        pltpu.sync_copy(acc.at[pl.ds(s * OCHUNK, OCHUNK)],
                        m1.at[pl.ds(c * N + s * OCHUNK, OCHUNK)])
        pltpu.sync_copy(dacc.at[pl.ds(s * OCHUNK, OCHUNK)],
                        dg.at[pl.ds(c * N + s * OCHUNK, OCHUNK)])

    @pl.when(s == NS - 1)
    def _():
        pltpu.sync_copy(acc.at[pl.ds((NS - 1) * OCHUNK, OLAST)],
                        m1.at[pl.ds(c * N + (NS - 1) * OCHUNK, OLAST)])
        pltpu.sync_copy(dacc.at[pl.ds((NS - 1) * OCHUNK, OLAST)],
                        dg.at[pl.ds(c * N + (NS - 1) * OCHUNK, OLAST)])


_sc_cache = {}


def _sc1(*args):
    k = _sc_cache.get("sc1")
    if k is None:
        mesh = plsc.VectorSubcoreMesh(core_axis_name="c", subcore_axis_name="s")
        k = _sc_cache["sc1"] = pl.kernel(
            _sc1_body,
            out_type=[jax.ShapeDtypeStruct((2 * N, D_IN), jnp.bfloat16),
                      jax.ShapeDtypeStruct((2 * N, 16), jnp.float32)],
            mesh=mesh,
            scratch_types=[
                pltpu.VMEM_SHARED((ACC_ROWS, D_IN), jnp.bfloat16),
                pltpu.VMEM_SHARED((ACC_ROWS, 16), jnp.float32),
                pltpu.VMEM((CH * G,), jnp.int32),
                pltpu.VMEM((CH, G), jnp.int32),
                pltpu.VMEM((G, D_IN), jnp.bfloat16),
                pltpu.VMEM((G, D_IN), jnp.bfloat16),
                pltpu.VMEM((G, 16), jnp.float32),
                pltpu.SemaphoreType.DMA,
                pltpu.SemaphoreType.DMA,
                pltpu.SemaphoreType.DMA,
                pltpu.SemaphoreType.DMA,
                pltpu.SemaphoreType.DMA,
            ],
            compiler_params=pltpu.CompilerParams(use_tc_tiling_on_sc=False),
        )
    return k(*args)


def _sc2_body(p2, srcf, dstg, z48,
              m2,
              acc, sidx0, sidx1, didx, rows0, rows1,
              gsem0, gsem1, ssem0, ssem1):
    c = lax.axis_index("c")
    s = lax.axis_index("s")

    pltpu.sync_copy(z48.at[pl.ds(s * ZCHUNK, ZCHUNK)],
                    acc.at[pl.ds(s * ZCHUNK, ZCHUNK)])
    plsc.subcore_barrier()

    wid = c * NS + s
    base = wid * DEG_GPT
    basee = base * G
    SS = CH2 * G
    rbufs = (rows0, rows1)
    sibufs = (sidx0, sidx1)
    gsems = (gsem0, gsem1)
    ssems = (ssem0, ssem1)
    NCHUNK = DEG_GPT // CH2
    gd = [None, None]

    def _gather(ch, b):
        pltpu.sync_copy(srcf.at[pl.ds(basee + ch * SS, SS)], sibufs[b])
        gd[b] = pltpu.async_copy(p2.at[sibufs[b]], rbufs[b], gsems[b])

    _gather(0, 0)
    for ch in range(NCHUNK):
        b = ch & 1
        if ch + 1 < NCHUNK:
            _gather(ch + 1, (ch + 1) & 1)
        gd[b].wait()
        pltpu.sync_copy(dstg.at[pl.ds(base + ch * CH2, CH2)], didx)
        sds = [pltpu.async_copy(rbufs[b].at[pl.ds(j * G, G)],
                                acc.at[didx.at[j]], ssems[j & 1], add=True)
               for j in range(CH2)]
        for d in sds:
            d.wait()
    plsc.subcore_barrier()

    @pl.when(s < NS - 1)
    def _():
        pltpu.sync_copy(acc.at[pl.ds(s * OCHUNK, OCHUNK)],
                        m2.at[pl.ds(c * N + s * OCHUNK, OCHUNK)])

    @pl.when(s == NS - 1)
    def _():
        pltpu.sync_copy(acc.at[pl.ds((NS - 1) * OCHUNK, OLAST)],
                        m2.at[pl.ds(c * N + (NS - 1) * OCHUNK, OLAST)])


def _sc2(*args):
    k = _sc_cache.get("sc2")
    if k is None:
        mesh = plsc.VectorSubcoreMesh(core_axis_name="c", subcore_axis_name="s")
        k = _sc_cache["sc2"] = pl.kernel(
            _sc2_body,
            out_type=jax.ShapeDtypeStruct((2 * N, NCP), jnp.float32),
            mesh=mesh,
            scratch_types=[
                pltpu.VMEM_SHARED((ACC_ROWS, NCP), jnp.float32),
                pltpu.VMEM((CH2 * G,), jnp.int32),
                pltpu.VMEM((CH2 * G,), jnp.int32),
                pltpu.VMEM((CH2, G), jnp.int32),
                pltpu.VMEM((CH2 * G, NCP), jnp.float32),
                pltpu.VMEM((CH2 * G, NCP), jnp.float32),
                pltpu.SemaphoreType.DMA,
                pltpu.SemaphoreType.DMA,
                pltpu.SemaphoreType.DMA,
                pltpu.SemaphoreType.DMA,
            ],
            compiler_params=pltpu.CompilerParams(use_tc_tiling_on_sc=False),
        )
    return k(*args)



_MB = 1000


def _tc2_body(x, m1, dg, w1s, w1n, b1r, w2, b2r, s2, p2):
    dgb = dg[:]
    deg = dgb[0] + dgb[1]
    rdeg = 1.0 / jnp.maximum(deg[:, 0:1], 1.0)
    m1b = m1[:].astype(jnp.float32)
    meanx = (m1b[0] + m1b[1]) * rdeg
    h = jnp.dot(x[:], w1s[:], preferred_element_type=jnp.float32)
    h = h + jnp.dot(meanx, w1n[:], preferred_element_type=jnp.float32)
    h = jnp.maximum(h + b1r[:], 0.0)
    z = jnp.dot(h, w2[:], preferred_element_type=jnp.float32) + b2r[:]
    s2[:] = z[:, :NCP]
    p2[:] = z[:, NCP:]


def _tc3_body(s2, m2, dg, out):
    dgb = dg[:]
    deg = dgb[0] + dgb[1]
    rdeg = 1.0 / jnp.maximum(deg[:, 0:1], 1.0)
    m2b = m2[:]
    out[:] = s2[:] + (m2b[0] + m2b[1]) * rdeg


def kernel(input_matrix, adj, W1_self, W1_neigh, b1, W2_self, W2_neigh, b2):
    f32 = jnp.float32
    x = input_matrix.astype(f32)

    src = adj[0].astype(jnp.int32)
    dst = adj[1].astype(jnp.int32)
    pad = EPAD - E
    srcg = jnp.concatenate([src, jnp.zeros((pad,), jnp.int32)]).reshape(NGRP, G)
    dstg = jnp.concatenate([dst, jnp.full((pad,), N, jnp.int32)]).reshape(NGRP, G)

    bc1 = b1.reshape(1, D_HID)
    zpad = jnp.zeros((D_HID, NCP - NCLS), f32)
    w2 = jnp.concatenate([W2_self, zpad, W2_neigh, zpad], axis=1)
    bc2 = jnp.concatenate(
        [b2, jnp.zeros((2 * NCP - NCLS,), f32)]).reshape(1, 2 * NCP)

    zbf = jnp.zeros((ACC_ROWS, D_IN), jnp.bfloat16)
    z16 = jnp.zeros((ACC_ROWS, 16), f32)
    z48 = jnp.zeros((ACC_ROWS, NCP), f32)

    xbf = x.astype(jnp.bfloat16)
    ones_in = jnp.ones((G, 16), f32)
    m1, dg = _sc1(xbf, srcg.reshape(-1), dstg, zbf, z16, ones_in)
    m1 = m1.reshape(2, N, D_IN)
    dg = dg.reshape(2, N, 16)

    s2, p2 = pl.pallas_call(
        _tc2_body,
        grid=(N // _MB,),
        in_specs=[pl.BlockSpec((_MB, D_IN), lambda i: (i, 0)),
                  pl.BlockSpec((2, _MB, D_IN), lambda i: (0, i, 0)),
                  pl.BlockSpec((2, _MB, 16), lambda i: (0, i, 0)),
                  pl.BlockSpec((D_IN, D_HID), lambda i: (0, 0)),
                  pl.BlockSpec((D_IN, D_HID), lambda i: (0, 0)),
                  pl.BlockSpec((1, D_HID), lambda i: (0, 0)),
                  pl.BlockSpec((D_HID, 2 * NCP), lambda i: (0, 0)),
                  pl.BlockSpec((1, 2 * NCP), lambda i: (0, 0))],
        out_specs=[pl.BlockSpec((_MB, NCP), lambda i: (i, 0)),
                   pl.BlockSpec((_MB, NCP), lambda i: (i, 0))],
        out_shape=[jax.ShapeDtypeStruct((N, NCP), f32),
                   jax.ShapeDtypeStruct((N, NCP), f32)],
    )(x, m1, dg, W1_self, W1_neigh, bc1, w2, bc2)

    m2 = _sc2(p2, srcg.reshape(-1), dstg, z48).reshape(2, N, NCP)

    out = pl.pallas_call(
        _tc3_body,
        grid=(N // _MB,),
        in_specs=[pl.BlockSpec((_MB, NCP), lambda i: (i, 0)),
                  pl.BlockSpec((2, _MB, NCP), lambda i: (0, i, 0)),
                  pl.BlockSpec((2, _MB, 16), lambda i: (0, i, 0))],
        out_specs=pl.BlockSpec((_MB, NCP), lambda i: (i, 0)),
        out_shape=jax.ShapeDtypeStruct((N, NCP), f32),
    )(s2, m2, dg)

    return out[:, :NCLS]

# --- scband reference (transcript-rebuilt; emitter-appended) ---
"""Pipeline reference for scband-graph-sage-net-6854767804433 (READ-ONLY COPY).

The authoritative reference and input builder live on the scoring server;
editing this copy changes nothing except your own understanding.
"""

import jax, jax.numpy as jnp
import numpy as np

N_NODES = 10000
N_EDGES = 160000
D_IN = 256
D_HID = 256
N_CLASSES = 40


def setup_inputs(seed: int = 0) -> dict:
    key = jax.random.key(seed)
    ks = [jax.random.fold_in(key, i) for i in range(10)]
    x = jax.random.normal(ks[0], (N_NODES, D_IN), dtype=jnp.float32)
    adj = jax.random.randint(ks[1], (2, N_EDGES), 0, N_NODES, dtype=jnp.int64)
    s1 = 1.0 / np.sqrt(D_IN)
    s2 = 1.0 / np.sqrt(D_HID)
    W1_self = jax.random.normal(ks[2], (D_IN, D_HID), dtype=jnp.float32) * s1
    W1_neigh = jax.random.normal(ks[3], (D_IN, D_HID), dtype=jnp.float32) * s1
    b1 = jnp.zeros((D_HID,), dtype=jnp.float32)
    W2_self = jax.random.normal(ks[4], (D_HID, N_CLASSES), dtype=jnp.float32) * s2
    W2_neigh = jax.random.normal(ks[5], (D_HID, N_CLASSES), dtype=jnp.float32) * s2
    b2 = jnp.zeros((N_CLASSES,), dtype=jnp.float32)
    return {"input_matrix": x, "adj": adj, "W1_self": W1_self, "W1_neigh": W1_neigh, "b1": b1,
            "W2_self": W2_self, "W2_neigh": W2_neigh, "b2": b2}


def _sage_layer(x, edge_index, W_self, W_neigh, b, act):
    # GraphSAGE mean aggregator: h_v = act(x_v @ W_self + mean_{u in N(v)} x_u @ W_neigh + b)
    src = edge_index[0]
    dst = edge_index[1]
    n = x.shape[0]
    msgs = jnp.take(x, src, axis=0)
    summed = jax.ops.segment_sum(msgs, dst, num_segments=n)
    deg = jax.ops.segment_sum(jnp.ones((edge_index.shape[1],), dtype=x.dtype), dst, num_segments=n)
    mean_neigh = summed / jnp.clip(deg, 1.0)[:, None]
    out = x @ W_self + mean_neigh @ W_neigh + b
    return act(out)


def reference(input_matrix, adj, W1_self, W1_neigh, b1, W2_self, W2_neigh, b2):
    # Single adj is reused for both layers (len(adjs) == 1 path in forward).
    h = _sage_layer(input_matrix, adj, W1_self, W1_neigh, b1, jax.nn.relu)
    out = _sage_layer(h, adj, W2_self, W2_neigh, b2, lambda t: t)
    return out

if __name__ == "__main__":
    import jax
    _d = setup_inputs()
    print(jax.jit(kernel)(*tuple(_d.values())))

</pallas_src>

<mosaic_0001>
#map = affine_map<(d0, d1) -> (0, 0)>
#map1 = affine_map<(d0, d1) -> (0)>
module attributes {stable_mosaic.version = 14 : i64} {
  func.func @_sc1_body(%arg0: i32, %arg1: i32, %arg2: memref<10000x256xbf16, #tpu.memory_space<hbm>>, %arg3: memref<163840xi32, #tpu.memory_space<hbm>>, %arg4: memref<1280x128xi32, #tpu.memory_space<hbm>>, %arg5: memref<10240x256xbf16, #tpu.memory_space<hbm>>, %arg6: memref<10240x16xf32, #tpu.memory_space<hbm>>, %arg7: memref<128x16xf32, #tpu.memory_space<hbm>>, %arg8: memref<20000x256xbf16, #tpu.memory_space<hbm>>, %arg9: memref<20000x16xf32, #tpu.memory_space<hbm>>, %arg10: memref<10240x256xbf16, #tpu.memory_space<vmem_shared>>, %arg11: memref<10240x16xf32, #tpu.memory_space<vmem_shared>>, %arg12: memref<1024xi32, #tpu.memory_space<vmem>>, %arg13: memref<8x128xi32, #tpu.memory_space<vmem>>, %arg14: memref<128x256xbf16, #tpu.memory_space<vmem>>, %arg15: memref<128x256xbf16, #tpu.memory_space<vmem>>, %arg16: memref<128x16xf32, #tpu.memory_space<vmem>>, %arg17: memref<!tpu.dma_semaphore, #tpu.memory_space<semaphore_mem>>, %arg18: memref<!tpu.dma_semaphore, #tpu.memory_space<semaphore_mem>>, %arg19: memref<!tpu.dma_semaphore, #tpu.memory_space<semaphore_mem>>, %arg20: memref<!tpu.dma_semaphore, #tpu.memory_space<semaphore_mem>>, %arg21: memref<!tpu.dma_semaphore, #tpu.memory_space<semaphore_mem>>) attributes {dimension_semantics = [#tpu.dimension_semantics<core_parallel>, #tpu.dimension_semantics<subcore_parallel>], iteration_bounds = array<i64: 2, 16>, scalar_prefetch = 0 : i64, scratch_operands = 12 : i64, tpu.core_type = #tpu.core_type<sc_vector_subcore>, window_params = [{transform_indices = #map}, {transform_indices = #map1}, {transform_indices = #map}, {transform_indices = #map}, {transform_indices = #map}, {transform_indices = #map}, {transform_indices = #map}, {transform_indices = #map}]} {
    %mul3A = arith.constant 640 : i32
    %mul3A_0 = arith.muli %arg1, %mul3A : i32
    %mul3A_1 = arith.constant 640 : i32
    %mul3A_2 = arith.muli %arg1, %mul3A_1 : i32
    "tpu.region"() ({
      %run_scoped3A = tpu.sem_alloc : memref<!tpu.dma_semaphore, #tpu.memory_space<semaphore_mem>>
      %dma_start3A = arith.constant 0 : i32
      %dma_start3A_31 = tpu.memref_slice %arg10[%mul3A_2, %dma_start3A] : memref<10240x256xbf16, #tpu.memory_space<vmem_shared>> -> memref<640x256xbf16, #tpu.memory_space<vmem_shared>>
      %dma_start3A_32 = arith.constant 0 : i32
      %dma_start3A_33 = tpu.memref_slice %arg5[%mul3A_0, %dma_start3A_32] : memref<10240x256xbf16, #tpu.memory_space<hbm>> -> memref<640x256xbf16, #tpu.memory_space<hbm>>
      tpu.enqueue_dma source(%dma_start3A_33 : memref<640x256xbf16, #tpu.memory_space<hbm>>) target(%dma_start3A_31 : memref<640x256xbf16, #tpu.memory_space<vmem_shared>>) target_semaphore(%run_scoped3A : memref<!tpu.dma_semaphore, #tpu.memory_space<semaphore_mem>>)
      %dma_wait3A = arith.constant 0 : i32
      %dma_wait3A_34 = tpu.memref_slice %arg10[%mul3A_2, %dma_wait3A] : memref<10240x256xbf16, #tpu.memory_space<vmem_shared>> -> memref<640x256xbf16, #tpu.memory_space<vmem_shared>>
      %dma_wait3A_35 = arith.constant 0 : i32
      %dma_wait3A_36 = tpu.memref_slice %arg5[%mul3A_0, %dma_wait3A_35] : memref<10240x256xbf16, #tpu.memory_space<hbm>> -> memref<640x256xbf16, #tpu.memory_space<hbm>>
      tpu.wait_dma2 semaphore(%run_scoped3A : memref<!tpu.dma_semaphore, #tpu.memory_space<semaphore_mem>>) src(%dma_wait3A_36 : memref<640x256xbf16, #tpu.memory_space<hbm>>) dst(%dma_wait3A_34 : memref<640x256xbf16, #tpu.memory_space<vmem_shared>>)
      tpu.yield
    }) : () -> ()
    %mul3A_3 = arith.constant 640 : i32
    %mul3A_4 = arith.muli %arg1, %mul3A_3 : i32
    %mul3A_5 = arith.constant 640 : i32
    %mul3A_6 = arith.muli %arg1, %mul3A_5 : i32
    "tpu.region"() ({
      %run_scoped3A = tpu.sem_alloc : memref<!tpu.dma_semaphore, #tpu.memory_space<semaphore_mem>>
      %dma_start3A = arith.constant 0 : i32
      %dma_start3A_31 = tpu.memref_slice %arg11[%mul3A_6, %dma_start3A] : memref<10240x16xf32, #tpu.memory_space<vmem_shared>> -> memref<640x16xf32, #tpu.memory_space<vmem_shared>>
      %dma_start3A_32 = arith.constant 0 : i32
      %dma_start3A_33 = tpu.memref_slice %arg6[%mul3A_4, %dma_start3A_32] : memref<10240x16xf32, #tpu.memory_space<hbm>> -> memref<640x16xf32, #tpu.memory_space<hbm>>
      tpu.enqueue_dma source(%dma_start3A_33 : memref<640x16xf32, #tpu.memory_space<hbm>>) target(%dma_start3A_31 : memref<640x16xf32, #tpu.memory_space<vmem_shared>>) target_semaphore(%run_scoped3A : memref<!tpu.dma_semaphore, #tpu.memory_space<semaphore_mem>>)
      %dma_wait3A = arith.constant 0 : i32
      %dma_wait3A_34 = tpu.memref_slice %arg11[%mul3A_6, %dma_wait3A] : memref<10240x16xf32, #tpu.memory_space<vmem_shared>> -> memref<640x16xf32, #tpu.memory_space<vmem_shared>>
      %dma_wait3A_35 = arith.constant 0 : i32
      %dma_wait3A_36 = tpu.memref_slice %arg6[%mul3A_4, %dma_wait3A_35] : memref<10240x16xf32, #tpu.memory_space<hbm>> -> memref<640x16xf32, #tpu.memory_space<hbm>>
      tpu.wait_dma2 semaphore(%run_scoped3A : memref<!tpu.dma_semaphore, #tpu.memory_space<semaphore_mem>>) src(%dma_wait3A_36 : memref<640x16xf32, #tpu.memory_space<hbm>>) dst(%dma_wait3A_34 : memref<640x16xf32, #tpu.memory_space<vmem_shared>>)
      tpu.yield
    }) : () -> ()
    "tpu.region"() ({
      %run_scoped3A = tpu.sem_alloc : memref<!tpu.dma_semaphore, #tpu.memory_space<semaphore_mem>>
      tpu.enqueue_dma source(%arg7 : memref<128x16xf32, #tpu.memory_space<hbm>>) target(%arg16 : memref<128x16xf32, #tpu.memory_space<vmem>>) target_semaphore(%run_scoped3A : memref<!tpu.dma_semaphore, #tpu.memory_space<semaphore_mem>>)
      tpu.wait_dma2 semaphore(%run_scoped3A : memref<!tpu.dma_semaphore, #tpu.memory_space<semaphore_mem>>) src(%arg7 : memref<128x16xf32, #tpu.memory_space<hbm>>) dst(%arg16 : memref<128x16xf32, #tpu.memory_space<vmem>>)
      tpu.yield
    }) : () -> ()
    %barrier3A = arith.constant 0 : index
    tpu.barrier barrier_id(%barrier3A)
    %mul3A_7 = arith.constant 16 : i32
    %mul3A_8 = arith.muli %arg0, %mul3A_7 : i32
    %add3A = arith.addi %mul3A_8, %arg1 : i32
    %mul3A_9 = arith.constant 40 : i32
    %mul3A_10 = arith.muli %add3A, %mul3A_9 : i32
    %mul3A_11 = arith.constant 128 : i32
    %mul3A_12 = arith.muli %mul3A_10, %mul3A_11 : i32
    %scan3A = arith.constant 0 : i32
    %scan3A_13 = arith.constant 0 : i32
    %scan3A_14 = arith.constant 5 : i32
    %scan3A_15 = arith.addi %scan3A_13, %scan3A_14 : i32
    %scan3A_16 = arith.constant 1 : i32
    scf.for %scan3A_31 = %scan3A_13 to %scan3A_15 step %scan3A_16  : i32 {
      %mul3A_32 = arith.constant 8 : i32
      %mul3A_33 = arith.muli %scan3A_31, %mul3A_32 : i32
      %add3A_34 = arith.addi %mul3A_10, %mul3A_33 : i32
      "tpu.region"() ({
        %run_scoped3A = tpu.sem_alloc : memref<!tpu.dma_semaphore, #tpu.memory_space<semaphore_mem>>
        %dma_start3A_145 = arith.constant 0 : i32
        %dma_start3A_146 = tpu.memref_slice %arg4[%add3A_34, %dma_start3A_145] : memref<1280x128xi32, #tpu.memory_space<hbm>> -> memref<8x128xi32, #tpu.memory_space<hbm>>
        %dma_start3A_147 = arith.constant 0 : i32
        %dma_start3A_148 = tpu.memref_slice %arg4[%add3A_34, %dma_start3A_147] : memref<1280x128xi32, #tpu.memory_space<hbm>> -> memref<8x128xi32, #tpu.memory_space<hbm>>
        tpu.enqueue_dma source(%dma_start3A_148 : memref<8x128xi32, #tpu.memory_space<hbm>>) target(%arg13 : memref<8x128xi32, #tpu.memory_space<vmem>>) target_semaphore(%run_scoped3A : memref<!tpu.dma_semaphore, #tpu.memory_space<semaphore_mem>>)
        %dma_wait3A_149 = arith.constant 0 : i32
        %dma_wait3A_150 = tpu.memref_slice %arg4[%add3A_34, %dma_wait3A_149] : memref<1280x128xi32, #tpu.memory_space<hbm>> -> memref<8x128xi32, #tpu.memory_space<hbm>>
        %dma_wait3A_151 = arith.constant 0 : i32
        %dma_wait3A_152 = tpu.memref_slice %arg4[%add3A_34, %dma_wait3A_151] : memref<1280x128xi32, #tpu.memory_space<hbm>> -> memref<8x128xi32, #tpu.memory_space<hbm>>
        tpu.wait_dma2 semaphore(%run_scoped3A : memref<!tpu.dma_semaphore, #tpu.memory_space<semaphore_mem>>) src(%dma_wait3A_152 : memref<8x128xi32, #tpu.memory_space<hbm>>) dst(%arg13 : memref<8x128xi32, #tpu.memory_space<vmem>>)
        tpu.yield
      }) : () -> ()
      %dma_start3A = arith.constant 0 : i32
      %dma_start3A_35 = arith.constant 0 : i32
      %dma_start3A_36 = tpu.memref_slice %arg13[%dma_start3A, %dma_start3A_35] : memref<8x128xi32, #tpu.memory_space<vmem>> -> memref<1x128xi32, #tpu.memory_space<vmem>>
      %dma_start3A_37 = tpu.memref_squeeze %dma_start3A_36 : memref<1x128xi32, #tpu.memory_space<vmem>> -> memref<128xi32, #tpu.memory_space<vmem>>
      %dma_start3A_38 = arith.constant 0 : i32
      %dma_start3A_39 = arith.constant 0 : i32
      %dma_start3A_40 = tpu.memref_slice %arg11[%dma_start3A_38, %dma_start3A_39] : memref<10240x16xf32, #tpu.memory_space<vmem_shared>> -> memref<10240x16xf32, #tpu.memory_space<vmem_shared>>
      tpu.enqueue_indirect_dma source(%arg16 : memref<128x16xf32, #tpu.memory_space<vmem>>) target(%dma_start3A_40 : memref<10240x16xf32, #tpu.memory_space<vmem_shared>>) offsets(%dma_start3A_37 : memref<128xi32, #tpu.memory_space<vmem>>) semaphore(%arg21 : memref<!tpu.dma_semaphore, #tpu.memory_space<semaphore_mem>>) {add = true}
      %dma_start3A_41 = arith.constant 1 : i32
      %dma_start3A_42 = arith.constant 0 : i32
      %dma_start3A_43 = tpu.memref_slice %arg13[%dma_start3A_41, %dma_start3A_42] : memref<8x128xi32, #tpu.memory_space<vmem>> -> memref<1x128xi32, #tpu.memory_space<vmem>>
      %dma_start3A_44 = tpu.memref_squeeze %dma_start3A_43 : memref<1x128xi32, #tpu.memory_space<vmem>> -> memref<128xi32, #tpu.memory_space<vmem>>
      %dma_start3A_45 = arith.constant 0 : i32
      %dma_start3A_46 = arith.constant 0 : i32
      %dma_start3A_47 = tpu.memref_slice %arg11[%dma_start3A_45, %dma_start3A_46] : memref<10240x16xf32, #tpu.memory_space<vmem_shared>> -> memref<10240x16xf32, #tpu.memory_space<vmem_shared>>
      tpu.enqueue_indirect_dma source(%arg16 : memref<128x16xf32, #tpu.memory_space<vmem>>) target(%dma_start3A_47 : memref<10240x16xf32, #tpu.memory_space<vmem_shared>>) offsets(%dma_start3A_44 : memref<128xi32, #tpu.memory_space<vmem>>) semaphore(%arg21 : memref<!tpu.dma_semaphore, #tpu.memory_space<semaphore_mem>>) {add = true}
      %dma_start3A_48 = arith.constant 2 : i32
      %dma_start3A_49 = arith.constant 0 : i32
      %dma_start3A_50 = tpu.memref_slice %arg13[%dma_start3A_48, %dma_start3A_49] : memref<8x128xi32, #tpu.memory_space<vmem>> -> memref<1x128xi32, #tpu.memory_space<vmem>>
      %dma_start3A_51 = tpu.memref_squeeze %dma_start3A_50 : memref<1x128xi32, #tpu.memory_space<vmem>> -> memref<128xi32, #tpu.memory_space<vmem>>
      %dma_start3A_52 = arith.constant 0 : i32
      %dma_start3A_53 = arith.constant 0 : i32
      %dma_start3A_54 = tpu.memref_slice %arg11[%dma_start3A_52, %dma_start3A_53] : memref<10240x16xf32, #tpu.memory_space<vmem_shared>> -> memref<10240x16xf32, #tpu.memory_space<vmem_shared>>
      tpu.enqueue_indirect_dma source(%arg16 : memref<128x16xf32, #tpu.memory_space<vmem>>) target(%dma_start3A_54 : memref<10240x16xf32, #tpu.memory_space<vmem_shared>>) offsets(%dma_start3A_51 : memref<128xi32, #tpu.memory_space<vmem>>) semaphore(%arg21 : memref<!tpu.dma_semaphore, #tpu.memory_space<semaphore_mem>>) {add = true}
      %dma_start3A_55 = arith.constant 3 : i32
      %dma_start3A_56 = arith.constant 0 : i32
      %dma_start3A_57 = tpu.memref_slice %arg13[%dma_start3A_55, %dma_start3A_56] : memref<8x128xi32, #tpu.memory_space<vmem>> -> memref<1x128xi32, #tpu.memory_space<vmem>>
      %dma_start3A_58 = tpu.memref_squeeze %dma_start3A_57 : memref<1x128xi32, #tpu.memory_space<vmem>> -> memref<128xi32, #tpu.memory_space<vmem>>
      %dma_start3A_59 = arith.constant 0 : i32
      %dma_start3A_60 = arith.constant 0 : i32
      %dma_start3A_61 = tpu.memref_slice %arg11[%dma_start3A_59, %dma_start3A_60] : memref<10240x16xf32, #tpu.memory_space<vmem_shared>> -> memref<10240x16xf32, #tpu.memory_space<vmem_shared>>
      tpu.enqueue_indirect_dma source(%arg16 : memref<128x16xf32, #tpu.memory_space<vmem>>) target(%dma_start3A_61 : memref<10240x16xf32, #tpu.memory_space<vmem_shared>>) offsets(%dma_start3A_58 : memref<128xi32, #tpu.memory_space<vmem>>) semaphore(%arg21 : memref<!tpu.dma_semaphore, #tpu.memory_space<semaphore_mem>>) {add = true}
      %dma_start3A_62 = arith.constant 4 : i32
      %dma_start3A_63 = arith.constant 0 : i32
      %dma_start3A_64 = tpu.memref_slice %arg13[%dma_start3A_62, %dma_start3A_63] : memref<8x128xi32, #tpu.memory_space<vmem>> -> memref<1x128xi32, #tpu.memory_space<vmem>>
      %dma_start3A_65 = tpu.memref_squeeze %dma_start3A_64 : memref<1x128xi32, #tpu.memory_space<vmem>> -> memref<128xi32, #tpu.memory_space<vmem>>
      %dma_start3A_66 = arith.constant 0 : i32
      %dma_start3A_67 = arith.constant 0 : i32
      %dma_start3A_68 = tpu.memref_slice %arg11[%dma_start3A_66, %dma_start3A_67] : memref<10240x16xf32, #tpu.memory_space<vmem_shared>> -> memref<10240x16xf32, #tpu.memory_space<vmem_shared>>
      tpu.enqueue_indirect_dma source(%arg16 : memref<128x16xf32, #tpu.memory_space<vmem>>) target(%dma_start3A_68 : memref<10240x16xf32, #tpu.memory_space<vmem_shared>>) offsets(%dma_start3A_65 : memref<128xi32, #tpu.memory_space<vmem>>) semaphore(%arg21 : memref<!tpu.dma_semaphore, #tpu.memory_space<semaphore_mem>>) {add = true}
      %dma_start3A_69 = arith.constant 5 : i32
      %dma_start3A_70 = arith.constant 0 : i32
      %dma_start3A_71 = tpu.memref_slice %arg13[%dma_start3A_69, %dma_start3A_70] : memref<8x128xi32, #tpu.memory_space<vmem>> -> memref<1x128xi32, #tpu.memory_space<vmem>>
      %dma_start3A_72 = tpu.memref_squeeze %dma_start3A_71 : memref<1x128xi32, #tpu.memory_space<vmem>> -> memref<128xi32, #tpu.memory_space<vmem>>
      %dma_start3A_73 = arith.constant 0 : i32
      %dma_start3A_74 = arith.constant 0 : i32
      %dma_start3A_75 = tpu.memref_slice %arg11[%dma_start3A_73, %dma_start3A_74] : memref<10240x16xf32, #tpu.memory_space<vmem_shared>> -> memref<10240x16xf32, #tpu.memory_space<vmem_shared>>
      tpu.enqueue_indirect_dma source(%arg16 : memref<128x16xf32, #tpu.memory_space<vmem>>) target(%dma_start3A_75 : memref<10240x16xf32, #tpu.memory_space<vmem_shared>>) offsets(%dma_start3A_72 : memref<128xi32, #tpu.memory_space<vmem>>) semaphore(%arg21 : memref<!tpu.dma_semaphore, #tpu.memory_space<semaphore_mem>>) {add = true}
      %dma_start3A_76 = arith.constant 6 : i32
      %dma_start3A_77 = arith.constant 0 : i32
      %dma_start3A_78 = tpu.memref_slice %arg13[%dma_start3A_76, %dma_start3A_77] : memref<8x128xi32, #tpu.memory_space<vmem>> -> memref<1x128xi32, #tpu.memory_space<vmem>>
      %dma_start3A_79 = tpu.memref_squeeze %dma_start3A_78 : memref<1x128xi32, #tpu.memory_space<vmem>> -> memref<128xi32, #tpu.memory_space<vmem>>
      %dma_start3A_80 = arith.constant 0 : i32
      %dma_start3A_81 = arith.constant 0 : i32
      %dma_start3A_82 = tpu.memref_slice %arg11[%dma_start3A_80, %dma_start3A_81] : memref<10240x16xf32, #tpu.memory_space<vmem_shared>> -> memref<10240x16xf32, #tpu.memory_space<vmem_shared>>
      tpu.enqueue_indirect_dma source(%arg16 : memref<128x16xf32, #tpu.memory_space<vmem>>) target(%dma_start3A_82 : memref<10240x16xf32, #tpu.memory_space<vmem_shared>>) offsets(%dma_start3A_79 : memref<128xi32, #tpu.memory_space<vmem>>) semaphore(%arg21 : memref<!tpu.dma_semaphore, #tpu.memory_space<semaphore_mem>>) {add = true}
      %dma_start3A_83 = arith.constant 7 : i32
      %dma_start3A_84 = arith.constant 0 : i32
      %dma_start3A_85 = tpu.memref_slice %arg13[%dma_start3A_83, %dma_start3A_84] : memref<8x128xi32, #tpu.memory_space<vmem>> -> memref<1x128xi32, #tpu.memory_space<vmem>>
      %dma_start3A_86 = tpu.memref_squeeze %dma_start3A_85 : memref<1x128xi32, #tpu.memory_space<vmem>> -> memref<128xi32, #tpu.memory_space<vmem>>
      %dma_start3A_87 = arith.constant 0 : i32
      %dma_start3A_88 = arith.constant 0 : i32
      %dma_start3A_89 = tpu.memref_slice %arg11[%dma_start3A_87, %dma_start3A_88] : memref<10240x16xf32, #tpu.memory_space<vmem_shared>> -> memref<10240x16xf32, #tpu.memory_space<vmem_shared>>
      tpu.enqueue_indirect_dma source(%arg16 : memref<128x16xf32, #tpu.memory_space<vmem>>) target(%dma_start3A_89 : memref<10240x16xf32, #tpu.memory_space<vmem_shared>>) offsets(%dma_start3A_86 : memref<128xi32, #tpu.memory_space<vmem>>) semaphore(%arg21 : memref<!tpu.dma_semaphore, #tpu.memory_space<semaphore_mem>>) {add = true}
      %dma_wait3A = arith.constant 0 : i32
      %dma_wait3A_90 = arith.constant 0 : i32
      %dma_wait3A_91 = tpu.memref_slice %arg13[%dma_wait3A, %dma_wait3A_90] : memref<8x128xi32, #tpu.memory_space<vmem>> -> memref<1x128xi32, #tpu.memory_space<vmem>>
      %dma_wait3A_92 = tpu.memref_squeeze %dma_wait3A_91 : memref<1x128xi32, #tpu.memory_space<vmem>> -> memref<128xi32, #tpu.memory_space<vmem>>
      %dma_wait3A_93 = arith.constant 0 : i32
      %dma_wait3A_94 = arith.constant 0 : i32
      %dma_wait3A_95 = tpu.memref_slice %arg11[%dma_wait3A_93, %dma_wait3A_94] : memref<10240x16xf32, #tpu.memory_space<vmem_shared>> -> memref<10240x16xf32, #tpu.memory_space<vmem_shared>>
      tpu.wait_indirect_dma semaphore(%arg21 : memref<!tpu.dma_semaphore, #tpu.memory_space<semaphore_mem>>) src(%arg16 : memref<128x16xf32, #tpu.memory_space<vmem>>) dst(%dma_wait3A_95 : memref<10240x16xf32, #tpu.memory_space<vmem_shared>>)
      %dma_wait3A_96 = arith.constant 1 : i32
      %dma_wait3A_97 = arith.constant 0 : i32
      %dma_wait3A_98 = tpu.memref_slice %arg13[%dma_wait3A_96, %dma_wait3A_97] : memref<8x128xi32, #tpu.memory_space<vmem>> -> memref<1x128xi32, #tpu.memory_space<vmem>>
      %dma_wait3A_99 = tpu.memref_squeeze %dma_wait3A_98 : memref<1x128xi32, #tpu.memory_space<vmem>> -> memref<128xi32, #tpu.memory_space<vmem>>
      %dma_wait3A_100 = arith.constant 0 : i32
      %dma_wait3A_101 = arith.constant 0 : i32
      %dma_wait3A_102 = tpu.memref_slice %arg11[%dma_wait3A_100, %dma_wait3A_101] : memref<10240x16xf32, #tpu.memory_space<vmem_shared>> -> memref<10240x16xf32, #tpu.memory_space<vmem_shared>>
      tpu.wait_indirect_dma semaphore(%arg21 : memref<!tpu.dma_semaphore, #tpu.memory_space<semaphore_mem>>) src(%arg16 : memref<128x16xf32, #tpu.memory_space<vmem>>) dst(%dma_wait3A_102 : memref<10240x16xf32, #tpu.memory_space<vmem_shared>>)
      %dma_wait3A_103 = arith.constant 2 : i32
      %dma_wait3A_104 = arith.constant 0 : i32
      %dma_wait3A_105 = tpu.memref_slice %arg13[%dma_wait3A_103, %dma_wait3A_104] : memref<8x128xi32, #tpu.memory_space<vmem>> -> memref<1x128xi32, #tpu.memory_space<vmem>>
      %dma_wait3A_106 = tpu.memref_squeeze %dma_wait3A_105 : memref<1x128xi32, #tpu.memory_space<vmem>> -> memref<128xi32, #tpu.memory_space<vmem>>
      %dma_wait3A_107 = arith.constant 0 : i32
      %dma_wait3A_108 = arith.constant 0 : i32
      %dma_wait3A_109 = tpu.memref_slice %arg11[%dma_wait3A_107, %dma_wait3A_108] : memref<10240x16xf32, #tpu.memory_space<vmem_shared>> -> memref<10240x16xf32, #tpu.memory_space<vmem_shared>>
      tpu.wait_indirect_dma semaphore(%arg21 : memref<!tpu.dma_semaphore, #tpu.memory_space<semaphore_mem>>) src(%arg16 : memref<128x16xf32, #tpu.memory_space<vmem>>) dst(%dma_wait3A_109 : memref<10240x16xf32, #tpu.memory_space<vmem_shared>>)
      %dma_wait3A_110 = arith.constant 3 : i32
      %dma_wait3A_111 = arith.constant 0 : i32
      %dma_wait3A_112 = tpu.memref_slice %arg13[%dma_wait3A_110, %dma_wait3A_111] : memref<8x128xi32, #tpu.memory_space<vmem>> -> memref<1x128xi32, #tpu.memory_space<vmem>>
      %dma_wait3A_113 = tpu.memref_squeeze %dma_wait3A_112 : memref<1x128xi32, #tpu.memory_space<vmem>> -> memref<128xi32, #tpu.memory_space<vmem>>
      %dma_wait3A_114 = arith.constant 0 : i32
      %dma_wait3A_115 = arith.constant 0 : i32
      %dma_wait3A_116 = tpu.memref_slice %arg11[%dma_wait3A_114, %dma_wait3A_115] : memref<10240x16xf32, #tpu.memory_space<vmem_shared>> -> memref<10240x16xf32, #tpu.memory_space<vmem_shared>>
      tpu.wait_indirect_dma semaphore(%arg21 : memref<!tpu.dma_semaphore, #tpu.memory_space<semaphore_mem>>) src(%arg16 : memref<128x16xf32, #tpu.memory_space<vmem>>) dst(%dma_wait3A_116 : memref<10240x16xf32, #tpu.memory_space<vmem_shared>>)
      %dma_wait3A_117 = arith.constant 4 : i32
      %dma_wait3A_118 = arith.constant 0 : i32
      %dma_wait3A_119 = tpu.memref_slice %arg13[%dma_wait3A_117, %dma_wait3A_118] : memref<8x128xi32, #tpu.memory_space<vmem>> -> memref<1x128xi32, #tpu.memory_space<vmem>>
      %dma_wait3A_120 = tpu.memref_squeeze %dma_wait3A_119 : memref<1x128xi32, #tpu.memory_space<vmem>> -> memref<128xi32, #tpu.memory_space<vmem>>
      %dma_wait3A_121 = arith.constant 0 : i32
      %dma_wait3A_122 = arith.constant 0 : i32
      %dma_wait3A_123 = tpu.memref_slice %arg11[%dma_wait3A_121, %dma_wait3A_122] : memref<10240x16xf32, #tpu.memory_space<vmem_shared>> -> memref<10240x16xf32, #tpu.memory_space<vmem_shared>>
      tpu.wait_indirect_dma semaphore(%arg21 : memref<!tpu.dma_semaphore, #tpu.memory_space<semaphore_mem>>) src(%arg16 : memref<128x16xf32, #tpu.memory_space<vmem>>) dst(%dma_wait3A_123 : memref<10240x16xf32, #tpu.memory_space<vmem_shared>>)
      %dma_wait3A_124 = arith.constant 5 : i32
      %dma_wait3A_125 = arith.constant 0 : i32
      %dma_wait3A_126 = tpu.memref_slice %arg13[%dma_wait3A_124, %dma_wait3A_125] : memref<8x128xi32, #tpu.memory_space<vmem>> -> memref<1x128xi32, #tpu.memory_space<vmem>>
      %dma_wait3A_127 = tpu.memref_squeeze %dma_wait3A_126 : memref<1x128xi32, #tpu.memory_space<vmem>> -> memref<128xi32, #tpu.memory_space<vmem>>
      %dma_wait3A_128 = arith.constant 0 : i32
      %dma_wait3A_129 = arith.constant 0 : i32
      %dma_wait3A_130 = tpu.memref_slice %arg11[%dma_wait3A_128, %dma_wait3A_129] : memref<10240x16xf32, #tpu.memory_space<vmem_shared>> -> memref<10240x16xf32, #tpu.memory_space<vmem_shared>>
      tpu.wait_indirect_dma semaphore(%arg21 : memref<!tpu.dma_semaphore, #tpu.memory_space<semaphore_mem>>) src(%arg16 : memref<128x16xf32, #tpu.memory_space<vmem>>) dst(%dma_wait3A_130 : memref<10240x16xf32, #tpu.memory_space<vmem_shared>>)
      %dma_wait3A_131 = arith.constant 6 : i32
      %dma_wait3A_132 = arith.constant 0 : i32
      %dma_wait3A_133 = tpu.memref_slice %arg13[%dma_wait3A_131, %dma_wait3A_132] : memref<8x128xi32, #tpu.memory_space<vmem>> -> memref<1x128xi32, #tpu.memory_space<vmem>>
      %dma_wait3A_134 = tpu.memref_squeeze %dma_wait3A_133 : memref<1x128xi32, #tpu.memory_space<vmem>> -> memref<128xi32, #tpu.memory_space<vmem>>
      %dma_wait3A_135 = arith.constant 0 : i32
      %dma_wait3A_136 = arith.constant 0 : i32
      %dma_wait3A_137 = tpu.memref_slice %arg11[%dma_wait3A_135, %dma_wait3A_136] : memref<10240x16xf32, #tpu.memory_space<vmem_shared>> -> memref<10240x16xf32, #tpu.memory_space<vmem_shared>>
      tpu.wait_indirect_dma semaphore(%arg21 : memref<!tpu.dma_semaphore, #tpu.memory_space<semaphore_mem>>) src(%arg16 : memref<128x16xf32, #tpu.memory_space<vmem>>) dst(%dma_wait3A_137 : memref<10240x16xf32, #tpu.memory_space<vmem_shared>>)
      %dma_wait3A_138 = arith.constant 7 : i32
      %dma_wait3A_139 = arith.constant 0 : i32
      %dma_wait3A_140 = tpu.memref_slice %arg13[%dma_wait3A_138, %dma_wait3A_139] : memref<8x128xi32, #tpu.memory_space<vmem>> -> memref<1x128xi32, #tpu.memory_space<vmem>>
      %dma_wait3A_141 = tpu.memref_squeeze %dma_wait3A_140 : memref<1x128xi32, #tpu.memory_space<vmem>> -> memref<128xi32, #tpu.memory_space<vmem>>
      %dma_wait3A_142 = arith.constant 0 : i32
      %dma_wait3A_143 = arith.constant 0 : i32
      %dma_wait3A_144 = tpu.memref_slice %arg11[%dma_wait3A_142, %dma_wait3A_143] : memref<10240x16xf32, #tpu.memory_space<vmem_shared>> -> memref<10240x16xf32, #tpu.memory_space<vmem_shared>>
      tpu.wait_indirect_dma semaphore(%arg21 : memref<!tpu.dma_semaphore, #tpu.memory_space<semaphore_mem>>) src(%arg16 : memref<128x16xf32, #tpu.memory_space<vmem>>) dst(%dma_wait3A_144 : memref<10240x16xf32, #tpu.memory_space<vmem_shared>>)
    }
    %scan3A_17 = arith.constant 5 : i32
    %scan3A_18 = arith.constant 0 : i32
    %scan3A_19 = arith.constant 0 : i32
    %scan3A_20 = arith.constant 5 : i32
    %scan3A_21 = arith.addi %scan3A_19, %scan3A_20 : i32
    %scan3A_22 = arith.constant 1 : i32
    scf.for %scan3A_31 = %scan3A_19 to %scan3A_21 step %scan3A_22  : i32 {
      %mul3A_32 = arith.constant 8 : i32
      %mul3A_33 = arith.muli %scan3A_31, %mul3A_32 : i32
      %add3A_34 = arith.addi %mul3A_10, %mul3A_33 : i32
      "tpu.region"() ({
        %run_scoped3A = tpu.sem_alloc : memref<!tpu.dma_semaphore, #tpu.memory_space<semaphore_mem>>
        %dma_start3A_230 = arith.constant 0 : i32
        %dma_start3A_231 = tpu.memref_slice %arg4[%add3A_34, %dma_start3A_230] : memref<1280x128xi32, #tpu.memory_space<hbm>> -> memref<8x128xi32, #tpu.memory_space<hbm>>
        %dma_start3A_232 = arith.constant 0 : i32
        %dma_start3A_233 = tpu.memref_slice %arg4[%add3A_34, %dma_start3A_232] : memref<1280x128xi32, #tpu.memory_space<hbm>> -> memref<8x128xi32, #tpu.memory_space<hbm>>
        tpu.enqueue_dma source(%dma_start3A_233 : memref<8x128xi32, #tpu.memory_space<hbm>>) target(%arg13 : memref<8x128xi32, #tpu.memory_space<vmem>>) target_semaphore(%run_scoped3A : memref<!tpu.dma_semaphore, #tpu.memory_space<semaphore_mem>>)
        %dma_wait3A_234 = arith.constant 0 : i32
        %dma_wait3A_235 = tpu.memref_slice %arg4[%add3A_34, %dma_wait3A_234] : memref<1280x128xi32, #tpu.memory_space<hbm>> -> memref<8x128xi32, #tpu.memory_space<hbm>>
        %dma_wait3A_236 = arith.constant 0 : i32
        %dma_wait3A_237 = tpu.memref_slice %arg4[%add3A_34, %dma_wait3A_236] : memref<1280x128xi32, #tpu.memory_space<hbm>> -> memref<8x128xi32, #tpu.memory_space<hbm>>
        tpu.wait_dma2 semaphore(%run_scoped3A : memref<!tpu.dma_semaphore, #tpu.memory_space<semaphore_mem>>) src(%dma_wait3A_237 : memref<8x128xi32, #tpu.memory_space<hbm>>) dst(%arg13 : memref<8x128xi32, #tpu.memory_space<vmem>>)
        tpu.yield
      }) : () -> ()
      %mul3A_35 = arith.constant 8 : i32
      %mul3A_36 = arith.muli %scan3A_31, %mul3A_35 : i32
      %mul3A_37 = arith.constant 128 : i32
      %mul3A_38 = arith.muli %mul3A_36, %mul3A_37 : i32
      %add3A_39 = arith.addi %mul3A_12, %mul3A_38 : i32
      "tpu.region"() ({
        %run_scoped3A = tpu.sem_alloc : memref<!tpu.dma_semaphore, #tpu.memory_space<semaphore_mem>>
        %dma_start3A_230 = tpu.memref_slice %arg3[%add3A_39] : memref<163840xi32, #tpu.memory_space<hbm>> -> memref<1024xi32, #tpu.memory_space<hbm>>
        %dma_start3A_231 = tpu.memref_slice %arg3[%add3A_39] : memref<163840xi32, #tpu.memory_space<hbm>> -> memref<1024xi32, #tpu.memory_space<hbm>>
        tpu.enqueue_dma source(%dma_start3A_231 : memref<1024xi32, #tpu.memory_space<hbm>>) target(%arg12 : memref<1024xi32, #tpu.memory_space<vmem>>) target_semaphore(%run_scoped3A : memref<!tpu.dma_semaphore, #tpu.memory_space<semaphore_mem>>)
        %dma_wait3A_232 = tpu.memref_slice %arg3[%add3A_39] : memref<163840xi32, #tpu.memory_space<hbm>> -> memref<1024xi32, #tpu.memory_space<hbm>>
        %dma_wait3A_233 = tpu.memref_slice %arg3[%add3A_39] : memref<163840xi32, #tpu.memory_space<hbm>> -> memref<1024xi32, #tpu.memory_space<hbm>>
        tpu.wait_dma2 semaphore(%run_scoped3A : memref<!tpu.dma_semaphore, #tpu.memory_space<semaphore_mem>>) src(%dma_wait3A_233 : memref<1024xi32, #tpu.memory_space<hbm>>) dst(%arg12 : memref<1024xi32, #tpu.memory_space<vmem>>)
        tpu.yield
      }) : () -> ()
      %dma_start3A = arith.constant 0 : i32
      %dma_start3A_40 = tpu.memref_slice %arg12[%dma_start3A] : memref<1024xi32, #tpu.memory_space<vmem>> -> memref<128xi32, #tpu.memory_space<vmem>>
      %dma_start3A_41 = arith.constant 0 : i32
      %dma_start3A_42 = arith.constant 0 : i32
      %dma_start3A_43 = tpu.memref_slice %arg2[%dma_start3A_41, %dma_start3A_42] : memref<10000x256xbf16, #tpu.memory_space<hbm>> -> memref<10000x256xbf16, #tpu.memory_space<hbm>>
      tpu.enqueue_indirect_dma source(%dma_start3A_43 : memref<10000x256xbf16, #tpu.memory_space<hbm>>) target(%arg14 : memref<128x256xbf16, #tpu.memory_space<vmem>>) offsets(%dma_start3A_40 : memref<128xi32, #tpu.memory_space<vmem>>) semaphore(%arg17 : memref<!tpu.dma_semaphore, #tpu.memory_space<semaphore_mem>>)
      %dma_start3A_44 = arith.constant 128 : i32
      %dma_start3A_45 = tpu.memref_slice %arg12[%dma_start3A_44] : memref<1024xi32, #tpu.memory_space<vmem>> -> memref<128xi32, #tpu.memory_space<vmem>>
      %dma_start3A_46 = arith.constant 0 : i32
      %dma_start3A_47 = arith.constant 0 : i32
      %dma_start3A_48 = tpu.memref_slice %arg2[%dma_start3A_46, %dma_start3A_47] : memref<10000x256xbf16, #tpu.memory_space<hbm>> -> memref<10000x256xbf16, #tpu.memory_space<hbm>>
      tpu.enqueue_indirect_dma source(%dma_start3A_48 : memref<10000x256xbf16, #tpu.memory_space<hbm>>) target(%arg15 : memref<128x256xbf16, #tpu.memory_space<vmem>>) offsets(%dma_start3A_45 : memref<128xi32, #tpu.memory_space<vmem>>) semaphore(%arg18 : memref<!tpu.dma_semaphore, #tpu.memory_space<semaphore_mem>>)
      %dma_wait3A = arith.constant 0 : i32
      %dma_wait3A_49 = tpu.memref_slice %arg12[%dma_wait3A] : memref<1024xi32, #tpu.memory_space<vmem>> -> memref<128xi32, #tpu.memory_space<vmem>>
      %dma_wait3A_50 = arith.constant 0 : i32
      %dma_wait3A_51 = arith.constant 0 : i32
      %dma_wait3A_52 = tpu.memref_slice %arg2[%dma_wait3A_50, %dma_wait3A_51] : memref<10000x256xbf16, #tpu.memory_space<hbm>> -> memref<10000x256xbf16, #tpu.memory_space<hbm>>
      tpu.wait_indirect_dma semaphore(%arg17 : memref<!tpu.dma_semaphore, #tpu.memory_space<semaphore_mem>>) src(%dma_wait3A_52 : memref<10000x256xbf16, #tpu.memory_space<hbm>>) dst(%arg14 : memref<128x256xbf16, #tpu.memory_space<vmem>>)
      %dma_start3A_53 = arith.constant 0 : i32
      %dma_start3A_54 = arith.constant 0 : i32
      %dma_start3A_55 = tpu.memref_slice %arg13[%dma_start3A_53, %dma_start3A_54] : memref<8x128xi32, #tpu.memory_space<vmem>> -> memref<1x128xi32, #tpu.memory_space<vmem>>
      %dma_start3A_56 = tpu.memref_squeeze %dma_start3A_55 : memref<1x128xi32, #tpu.memory_space<vmem>> -> memref<128xi32, #tpu.memory_space<vmem>>
      %dma_start3A_57 = arith.constant 0 : i32
      %dma_start3A_58 = arith.constant 0 : i32
      %dma_start3A_59 = tpu.memref_slice %arg10[%dma_start3A_57, %dma_start3A_58] : memref<10240x256xbf16, #tpu.memory_space<vmem_shared>> -> memref<10240x256xbf16, #tpu.memory_space<vmem_shared>>
      tpu.enqueue_indirect_dma source(%arg14 : memref<128x256xbf16, #tpu.memory_space<vmem>>) target(%dma_start3A_59 : memref<10240x256xbf16, #tpu.memory_space<vmem_shared>>) offsets(%dma_start3A_56 : memref<128xi32, #tpu.memory_space<vmem>>) semaphore(%arg19 : memref<!tpu.dma_semaphore, #tpu.memory_space<semaphore_mem>>) {add = true}
      %dma_wait3A_60 = arith.constant 0 : i32
      %dma_wait3A_61 = arith.constant 0 : i32
      %dma_wait3A_62 = tpu.memref_slice %arg13[%dma_wait3A_60, %dma_wait3A_61] : memref<8x128xi32, #tpu.memory_space<vmem>> -> memref<1x128xi32, #tpu.memory_space<vmem>>
      %dma_wait3A_63 = tpu.memref_squeeze %dma_wait3A_62 : memref<1x128xi32, #tpu.memory_space<vmem>> -> memref<128xi32, #tpu.memory_space<vmem>>
      %dma_wait3A_64 = arith.constant 0 : i32
      %dma_wait3A_65 = arith.constant 0 : i32
      %dma_wait3A_66 = tpu.memref_slice %arg10[%dma_wait3A_64, %dma_wait3A_65] : memref<10240x256xbf16, #tpu.memory_space<vmem_shared>> -> memref<10240x256xbf16, #tpu.memory_space<vmem_shared>>
      tpu.wait_indirect_dma semaphore(%arg19 : memref<!tpu.dma_semaphore, #tpu.memory_space<semaphore_mem>>) src(%arg14 : memref<128x256xbf16, #tpu.memory_space<vmem>>) dst(%dma_wait3A_66 : memref<10240x256xbf16, #tpu.memory_space<vmem_shared>>)
      %dma_start3A_67 = arith.constant 256 : i32
      %dma_start3A_68 = tpu.memref_slice %arg12[%dma_start3A_67] : memref<1024xi32, #tpu.memory_space<vmem>> -> memref<128xi32, #tpu.memory_space<vmem>>
      %dma_start3A_69 = arith.constant 0 : i32
      %dma_start3A_70 = arith.constant 0 : i32
      %dma_start3A_71 = tpu.memref_slice %arg2[%dma_start3A_69, %dma_start3A_70] : memref<10000x256xbf16, #tpu.memory_space<hbm>> -> memref<10000x256xbf16, #tpu.memory_space<hbm>>
      tpu.enqueue_indirect_dma source(%dma_start3A_71 : memref<10000x256xbf16, #tpu.memory_space<hbm>>) target(%arg14 : memref<128x256xbf16, #tpu.memory_space<vmem>>) offsets(%dma_start3A_68 : memref<128xi32, #tpu.memory_space<vmem>>) semaphore(%arg17 : memref<!tpu.dma_semaphore, #tpu.memory_space<semaphore_mem>>)
      %dma_wait3A_72 = arith.constant 128 : i32
      %dma_wait3A_73 = tpu.memref_slice %arg12[%dma_wait3A_72] : memref<1024xi32, #tpu.memory_space<vmem>> -> memref<128xi32, #tpu.memory_space<vmem>>
      %dma_wait3A_74 = arith.constant 0 : i32
      %dma_wait3A_75 = arith.constant 0 : i32
      %dma_wait3A_76 = tpu.memref_slice %arg2[%dma_wait3A_74, %dma_wait3A_75] : memref<10000x256xbf16, #tpu.memory_space<hbm>> -> memref<10000x256xbf16, #tpu.memory_space<hbm>>
      tpu.wait_indirect_dma semaphore(%arg18 : memref<!tpu.dma_semaphore, #tpu.memory_space<semaphore_mem>>) src(%dma_wait3A_76 : memref<10000x256xbf16, #tpu.memory_space<hbm>>) dst(%arg15 : memref<128x256xbf16, #tpu.memory_space<vmem>>)
      %dma_start3A_77 = arith.constant 1 : i32
      %dma_start3A_78 = arith.constant 0 : i32
      %dma_start3A_79 = tpu.memref_slice %arg13[%dma_start3A_77, %dma_start3A_78] : memref<8x128xi32, #tpu.memory_space<vmem>> -> memref<1x128xi32, #tpu.memory_space<vmem>>
      %dma_start3A_80 = tpu.memref_squeeze %dma_start3A_79 : memref<1x128xi32, #tpu.memory_space<vmem>> -> memref<128xi32, #tpu.memory_space<vmem>>
      %dma_start3A_81 = arith.constant 0 : i32
      %dma_start3A_82 = arith.constant 0 : i32
      %dma_start3A_83 = tpu.memref_slice %arg10[%dma_start3A_81, %dma_start3A_82] : memref<10240x256xbf16, #tpu.memory_space<vmem_shared>> -> memref<10240x256xbf16, #tpu.memory_space<vmem_shared>>
      tpu.enqueue_indirect_dma source(%arg15 : memref<128x256xbf16, #tpu.memory_space<vmem>>) target(%dma_start3A_83 : memref<10240x256xbf16, #tpu.memory_space<vmem_shared>>) offsets(%dma_start3A_80 : memref<128xi32, #tpu.memory_space<vmem>>) semaphore(%arg20 : memref<!tpu.dma_semaphore, #tpu.memory_space<semaphore_mem>>) {add = true}
      %dma_wait3A_84 = arith.constant 1 : i32
      %dma_wait3A_85 = arith.constant 0 : i32
      %dma_wait3A_86 = tpu.memref_slice %arg13[%dma_wait3A_84, %dma_wait3A_85] : memref<8x128xi32, #tpu.memory_space<vmem>> -> memref<1x128xi32, #tpu.memory_space<vmem>>
      %dma_wait3A_87 = tpu.memref_squeeze %dma_wait3A_86 : memref<1x128xi32, #tpu.memory_space<vmem>> -> memref<128xi32, #tpu.memory_space<vmem>>
      %dma_wait3A_88 = arith.constant 0 : i32
      %dma_wait3A_89 = arith.constant 0 : i32
      %dma_wait3A_90 = tpu.memref_slice %arg10[%dma_wait3A_88, %dma_wait3A_89] : memref<10240x256xbf16, #tpu.memory_space<vmem_shared>> -> memref<10240x256xbf16, #tpu.memory_space<vmem_shared>>
      tpu.wait_indirect_dma semaphore(%arg20 : memref<!tpu.dma_semaphore, #tpu.memory_space<semaphore_mem>>) src(%arg15 : memref<128x256xbf16, #tpu.memory_space<vmem>>) dst(%dma_wait3A_90 : memref<10240x256xbf16, #tpu.memory_space<vmem_shared>>)
      %dma_start3A_91 = arith.constant 384 : i32
      %dma_start3A_92 = tpu.memref_slice %arg12[%dma_start3A_91] : memref<1024xi32, #tpu.memory_space<vmem>> -> memref<128xi32, #tpu.memory_space<vmem>>
      %dma_start3A_93 = arith.constant 0 : i32
      %dma_start3A_94 = arith.constant 0 : i32
      %dma_start3A_95 = tpu.memref_slice %arg2[%dma_start3A_93, %dma_start3A_94] : memref<10000x256xbf16, #tpu.memory_space<hbm>> -> memref<10000x256xbf16, #tpu.memory_space<hbm>>
      tpu.enqueue_indirect_dma source(%dma_start3A_95 : memref<10000x256xbf16, #tpu.memory_space<hbm>>) target(%arg15 : memref<128x256xbf16, #tpu.memory_space<vmem>>) offsets(%dma_start3A_92 : memref<128xi32, #tpu.memory_space<vmem>>) semaphore(%arg18 : memref<!tpu.dma_semaphore, #tpu.memory_space<semaphore_mem>>)
      %dma_wait3A_96 = arith.constant 256 : i32
      %dma_wait3A_97 = tpu.memref_slice %arg12[%dma_wait3A_96] : memref<1024xi32, #tpu.memory_space<vmem>> -> memref<128xi32, #tpu.memory_space<vmem>>
      %dma_wait3A_98 = arith.constant 0 : i32
      %dma_wait3A_99 = arith.constant 0 : i32
      %dma_wait3A_100 = tpu.memref_slice %arg2[%dma_wait3A_98, %dma_wait3A_99] : memref<10000x256xbf16, #tpu.memory_space<hbm>> -> memref<10000x256xbf16, #tpu.memory_space<hbm>>
      tpu.wait_indirect_dma semaphore(%arg17 : memref<!tpu.dma_semaphore, #tpu.memory_space<semaphore_mem>>) src(%dma_wait3A_100 : memref<10000x256xbf16, #tpu.memory_space<hbm>>) dst(%arg14 : memref<128x256xbf16, #tpu.memory_space<vmem>>)
      %dma_start3A_101 = arith.constant 2 : i32
      %dma_start3A_102 = arith.constant 0 : i32
      %dma_start3A_103 = tpu.memref_slice %arg13[%dma_start3A_101, %dma_start3A_102] : memref<8x128xi32, #tpu.memory_space<vmem>> -> memref<1x128xi32, #tpu.memory_space<vmem>>
      %dma_start3A_104 = tpu.memref_squeeze %dma_start3A_103 : memref<1x128xi32, #tpu.memory_space<vmem>> -> memref<128xi32, #tpu.memory_space<vmem>>
      %dma_start3A_105 = arith.constant 0 : i32
      %dma_start3A_106 = arith.constant 0 : i32
      %dma_start3A_107 = tpu.memref_slice %arg10[%dma_start3A_105, %dma_start3A_106] : memref<10240x256xbf16, #tpu.memory_space<vmem_shared>> -> memref<10240x256xbf16, #tpu.memory_space<vmem_shared>>
      tpu.enqueue_indirect_dma source(%arg14 : memref<128x256xbf16, #tpu.memory_space<vmem>>) target(%dma_start3A_107 : memref<10240x256xbf16, #tpu.memory_space<vmem_shared>>) offsets(%dma_start3A_104 : memref<128xi32, #tpu.memory_space<vmem>>) semaphore(%arg19 : memref<!tpu.dma_semaphore, #tpu.memory_space<semaphore_mem>>) {add = true}
      %dma_wait3A_108 = arith.constant 2 : i32
      %dma_wait3A_109 = arith.constant 0 : i32
      %dma_wait3A_110 = tpu.memref_slice %arg13[%dma_wait3A_108, %dma_wait3A_109] : memref<8x128xi32, #tpu.memory_space<vmem>> -> memref<1x128xi32, #tpu.memory_space<vmem>>
      %dma_wait3A_111 = tpu.memref_squeeze %dma_wait3A_110 : memref<1x128xi32, #tpu.memory_space<vmem>> -> memref<128xi32, #tpu.memory_space<vmem>>
      %dma_wait3A_112 = arith.constant 0 : i32
      %dma_wait3A_113 = arith.constant 0 : i32
      %dma_wait3A_114 = tpu.memref_slice %arg10[%dma_wait3A_112, %dma_wait3A_113] : memref<10240x256xbf16, #tpu.memory_space<vmem_shared>> -> memref<10240x256xbf16, #tpu.memory_space<vmem_shared>>
      tpu.wait_indirect_dma semaphore(%arg19 : memref<!tpu.dma_semaphore, #tpu.memory_space<semaphore_mem>>) src(%arg14 : memref<128x256xbf16, #tpu.memory_space<vmem>>) dst(%dma_wait3A_114 : memref<10240x256xbf16, #tpu.memory_space<vmem_shared>>)
      %dma_start3A_115 = arith.constant 512 : i32
      %dma_start3A_116 = tpu.memref_slice %arg12[%dma_start3A_115] : memref<1024xi32, #tpu.memory_space<vmem>> -> memref<128xi32, #tpu.memory_space<vmem>>
      %dma_start3A_117 = arith.constant 0 : i32
      %dma_start3A_118 = arith.constant 0 : i32
      %dma_start3A_119 = tpu.memref_slice %arg2[%dma_start3A_117, %dma_start3A_118] : memref<10000x256xbf16, #tpu.memory_space<hbm>> -> memref<10000x256xbf16, #tpu.memory_space<hbm>>
      tpu.enqueue_indirect_dma source(%dma_start3A_119 : memref<10000x256xbf16, #tpu.memory_space<hbm>>) target(%arg14 : memref<128x256xbf16, #tpu.memory_space<vmem>>) offsets(%dma_start3A_116 : memref<128xi32, #tpu.memory_space<vmem>>) semaphore(%arg17 : memref<!tpu.dma_semaphore, #tpu.memory_space<semaphore_mem>>)
      %dma_wait3A_120 = arith.constant 384 : i32
      %dma_wait3A_121 = tpu.memref_slice %arg12[%dma_wait3A_120] : memref<1024xi32, #tpu.memory_space<vmem>> -> memref<128xi32, #tpu.memory_space<vmem>>
      %dma_wait3A_122 = arith.constant 0 : i32
      %dma_wait3A_123 = arith.constant 0 : i32
      %dma_wait3A_124 = tpu.memref_slice %arg2[%dma_wait3A_122, %dma_wait3A_123] : memref<10000x256xbf16, #tpu.memory_space<hbm>> -> memref<10000x256xbf16, #tpu.memory_space<hbm>>
      tpu.wait_indirect_dma semaphore(%arg18 : memref<!tpu.dma_semaphore, #tpu.memory_space<semaphore_mem>>) src(%dma_wait3A_124 : memref<10000x256xbf16, #tpu.memory_space<hbm>>) dst(%arg15 : memref<128x256xbf16, #tpu.memory_space<vmem>>)
      %dma_start3A_125 = arith.constant 3 : i32
      %dma_start3A_126 = arith.constant 0 : i32
      %dma_start3A_127 = tpu.memref_slice %arg13[%dma_start3A_125, %dma_start3A_126] : memref<8x128xi32, #tpu.memory_space<vmem>> -> memref<1x128xi32, #tpu.memory_space<vmem>>
      %dma_start3A_128 = tpu.memref_squeeze %dma_start3A_127 : memref<1x128xi32, #tpu.memory_space<vmem>> -> memref<128xi32, #tpu.memory_space<vmem>>
      %dma_start3A_129 = arith.constant 0 : i32
      %dma_start3A_130 = arith.constant 0 : i32
      %dma_start3A_131 = tpu.memref_slice %arg10[%dma_start3A_129, %dma_start3A_130] : memref<10240x256xbf16, #tpu.memory_space<vmem_shared>> -> memref<10240x256xbf16, #tpu.memory_space<vmem_shared>>
      tpu.enqueue_indirect_dma source(%arg15 : memref<128x256xbf16, #tpu.memory_space<vmem>>) target(%dma_start3A_131 : memref<10240x256xbf16, #tpu.memory_space<vmem_shared>>) offsets(%dma_start3A_128 : memref<128xi32, #tpu.memory_space<vmem>>) semaphore(%arg20 : memref<!tpu.dma_semaphore, #tpu.memory_space<semaphore_mem>>) {add = true}
      %dma_wait3A_132 = arith.constant 3 : i32
      %dma_wait3A_133 = arith.constant 0 : i32
      %dma_wait3A_134 = tpu.memref_slice %arg13[%dma_wait3A_132, %dma_wait3A_133] : memref<8x128xi32, #tpu.memory_space<vmem>> -> memref<1x128xi32, #tpu.memory_space<vmem>>
      %dma_wait3A_135 = tpu.memref_squeeze %dma_wait3A_134 : memref<1x128xi32, #tpu.memory_space<vmem>> -> memref<128xi32, #tpu.memory_space<vmem>>
      %dma_wait3A_136 = arith.constant 0 : i32
      %dma_wait3A_137 = arith.constant 0 : i32
      %dma_wait3A_138 = tpu.memref_slice %arg10[%dma_wait3A_136, %dma_wait3A_137] : memref<10240x256xbf16, #tpu.memory_space<vmem_shared>> -> memref<10240x256xbf16, #tpu.memory_space<vmem_shared>>
      tpu.wait_indirect_dma semaphore(%arg20 : memref<!tpu.dma_semaphore, #tpu.memory_space<semaphore_mem>>) src(%arg15 : memref<128x256xbf16, #tpu.memory_space<vmem>>) dst(%dma_wait3A_138 : memref<10240x256xbf16, #tpu.memory_space<vmem_shared>>)
      %dma_start3A_139 = arith.constant 640 : i32
      %dma_start3A_140 = tpu.memref_slice %arg12[%dma_start3A_139] : memref<1024xi32, #tpu.memory_space<vmem>> -> memref<128xi32, #tpu.memory_space<vmem>>
      %dma_start3A_141 = arith.constant 0 : i32
      %dma_start3A_142 = arith.constant 0 : i32
      %dma_start3A_143 = tpu.memref_slice %arg2[%dma_start3A_141, %dma_start3A_142] : memref<10000x256xbf16, #tpu.memory_space<hbm>> -> memref<10000x256xbf16, #tpu.memory_space<hbm>>
      tpu.enqueue_indirect_dma source(%dma_start3A_143 : memref<10000x256xbf16, #tpu.memory_space<hbm>>) target(%arg15 : memref<128x256xbf16, #tpu.memory_space<vmem>>) offsets(%dma_start3A_140 : memref<128xi32, #tpu.memory_space<vmem>>) semaphore(%arg18 : memref<!tpu.dma_semaphore, #tpu.memory_space<semaphore_mem>>)
      %dma_wait3A_144 = arith.constant 512 : i32
      %dma_wait3A_145 = tpu.memref_slice %arg12[%dma_wait3A_144] : memref<1024xi32, #tpu.memory_space<vmem>> -> memref<128xi32, #tpu.memory_space<vmem>>
      %dma_wait3A_146 = arith.constant 0 : i32
      %dma_wait3A_147 = arith.constant 0 : i32
      %dma_wait3A_148 = tpu.memref_slice %arg2[%dma_wait3A_146, %dma_wait3A_147] : memref<10000x256xbf16, #tpu.memory_space<hbm>> -> memref<10000x256xbf16, #tpu.memory_space<hbm>>
      tpu.wait_indirect_dma semaphore(%arg17 : memref<!tpu.dma_semaphore, #tpu.memory_space<semaphore_mem>>) src(%dma_wait3A_148 : memref<10000x256xbf16, #tpu.memory_space<hbm>>) dst(%arg14 : memref<128x256xbf16, #tpu.memory_space<vmem>>)
      %dma_start3A_149 = arith.constant 4 : i32
      %dma_start3A_150 = arith.constant 0 : i32
      %dma_start3A_151 = tpu.memref_slice %arg13[%dma_start3A_149, %dma_start3A_150] : memref<8x128xi32, #tpu.memory_space<vmem>> -> memref<1x128xi32, #tpu.memory_space<vmem>>
      %dma_start3A_152 = tpu.memref_squeeze %dma_start3A_151 : memref<1x128xi32, #tpu.memory_space<vmem>> -> memref<128xi32, #tpu.memory_space<vmem>>
      %dma_start3A_153 = arith.constant 0 : i32
      %dma_start3A_154 = arith.constant 0 : i32
      %dma_start3A_155 = tpu.memref_slice %arg10[%dma_start3A_153, %dma_start3A_154] : memref<10240x256xbf16, #tpu.memory_space<vmem_shared>> -> memref<10240x256xbf16, #tpu.memory_space<vmem_shared>>
      tpu.enqueue_indirect_dma source(%arg14 : memref<128x256xbf16, #tpu.memory_space<vmem>>) target(%dma_start3A_155 : memref<10240x256xbf16, #tpu.memory_space<vmem_shared>>) offsets(%dma_start3A_152 : memref<128xi32, #tpu.memory_space<vmem>>) semaphore(%arg19 : memref<!tpu.dma_semaphore, #tpu.memory_space<semaphore_mem>>) {add = true}
      %dma_wait3A_156 = arith.constant 4 : i32
      %dma_wait3A_157 = arith.constant 0 : i32
      %dma_wait3A_158 = tpu.memref_slice %arg13[%dma_wait3A_156, %dma_wait3A_157] : memref<8x128xi32, #tpu.memory_space<vmem>> -> memref<1x128xi32, #tpu.memory_space<vmem>>
      %dma_wait3A_159 = tpu.memref_squeeze %dma_wait3A_158 : memref<1x128xi32, #tpu.memory_space<vmem>> -> memref<128xi32, #tpu.memory_space<vmem>>
      %dma_wait3A_160 = arith.constant 0 : i32
      %dma_wait3A_161 = arith.constant 0 : i32
      %dma_wait3A_162 = tpu.memref_slice %arg10[%dma_wait3A_160, %dma_wait3A_161] : memref<10240x256xbf16, #tpu.memory_space<vmem_shared>> -> memref<10240x256xbf16, #tpu.memory_space<vmem_shared>>
      tpu.wait_indirect_dma semaphore(%arg19 : memref<!tpu.dma_semaphore, #tpu.memory_space<semaphore_mem>>) src(%arg14 : memref<128x256xbf16, #tpu.memory_space<vmem>>) dst(%dma_wait3A_162 : memref<10240x256xbf16, #tpu.memory_space<vmem_shared>>)
      %dma_start3A_163 = arith.constant 768 : i32
      %dma_start3A_164 = tpu.memref_slice %arg12[%dma_start3A_163] : memref<1024xi32, #tpu.memory_space<vmem>> -> memref<128xi32, #tpu.memory_space<vmem>>
      %dma_start3A_165 = arith.constant 0 : i32
      %dma_start3A_166 = arith.constant 0 : i32
      %dma_start3A_167 = tpu.memref_slice %arg2[%dma_start3A_165, %dma_start3A_166] : memref<10000x256xbf16, #tpu.memory_space<hbm>> -> memref<10000x256xbf16, #tpu.memory_space<hbm>>
      tpu.enqueue_indirect_dma source(%dma_start3A_167 : memref<10000x256xbf16, #tpu.memory_space<hbm>>) target(%arg14 : memref<128x256xbf16, #tpu.memory_space<vmem>>) offsets(%dma_start3A_164 : memref<128xi32, #tpu.memory_space<vmem>>) semaphore(%arg17 : memref<!tpu.dma_semaphore, #tpu.memory_space<semaphore_mem>>)
      %dma_wait3A_168 = arith.constant 640 : i32
      %dma_wait3A_169 = tpu.memref_slice %arg12[%dma_wait3A_168] : memref<1024xi32, #tpu.memory_space<vmem>> -> memref<128xi32, #tpu.memory_space<vmem>>
      %dma_wait3A_170 = arith.constant 0 : i32
      %dma_wait3A_171 = arith.constant 0 : i32
      %dma_wait3A_172 = tpu.memref_slice %arg2[%dma_wait3A_170, %dma_wait3A_171] : memref<10000x256xbf16, #tpu.memory_space<hbm>> -> memref<10000x256xbf16, #tpu.memory_space<hbm>>
      tpu.wait_indirect_dma semaphore(%arg18 : memref<!tpu.dma_semaphore, #tpu.memory_space<semaphore_mem>>) src(%dma_wait3A_172 : memref<10000x256xbf16, #tpu.memory_space<hbm>>) dst(%arg15 : memref<128x256xbf16, #tpu.memory_space<vmem>>)
      %dma_start3A_173 = arith.constant 5 : i32
      %dma_start3A_174 = arith.constant 0 : i32
      %dma_start3A_175 = tpu.memref_slice %arg13[%dma_start3A_173, %dma_start3A_174] : memref<8x128xi32, #tpu.memory_space<vmem>> -> memref<1x128xi32, #tpu.memory_space<vmem>>
      %dma_start3A_176 = tpu.memref_squeeze %dma_start3A_175 : memref<1x128xi32, #tpu.memory_space<vmem>> -> memref<128xi32, #tpu.memory_space<vmem>>
      %dma_start3A_177 = arith.constant 0 : i32
      %dma_start3A_178 = arith.constant 0 : i32
      %dma_start3A_179 = tpu.memref_slice %arg10[%dma_start3A_177, %dma_start3A_178] : memref<10240x256xbf16, #tpu.memory_space<vmem_shared>> -> memref<10240x256xbf16, #tpu.memory_space<vmem_shared>>
      tpu.enqueue_indirect_dma source(%arg15 : memref<128x256xbf16, #tpu.memory_space<vmem>>) target(%dma_start3A_179 : memref<10240x256xbf16, #tpu.memory_space<vmem_shared>>) offsets(%dma_start3A_176 : memref<128xi32, #tpu.memory_space<vmem>>) semaphore(%arg20 : memref<!tpu.dma_semaphore, #tpu.memory_space<semaphore_mem>>) {add = true}
      %dma_wait3A_180 = arith.constant 5 : i32
      %dma_wait3A_181 = arith.constant 0 : i32
      %dma_wait3A_182 = tpu.memref_slice %arg13[%dma_wait3A_180, %dma_wait3A_181] : memref<8x128xi32, #tpu.memory_space<vmem>> -> memref<1x128xi32, #tpu.memory_space<vmem>>
      %dma_wait3A_183 = tpu.memref_squeeze %dma_wait3A_182 : memref<1x128xi32, #tpu.memory_space<vmem>> -> memref<128xi32, #tpu.memory_space<vmem>>
      %dma_wait3A_184 = arith.constant 0 : i32
      %dma_wait3A_185 = arith.constant 0 : i32
      %dma_wait3A_186 = tpu.memref_slice %arg10[%dma_wait3A_184, %dma_wait3A_185] : memref<10240x256xbf16, #tpu.memory_space<vmem_shared>> -> memref<10240x256xbf16, #tpu.memory_space<vmem_shared>>
      tpu.wait_indirect_dma semaphore(%arg20 : memref<!tpu.dma_semaphore, #tpu.memory_space<semaphore_mem>>) src(%arg15 : memref<128x256xbf16, #tpu.memory_space<vmem>>) dst(%dma_wait3A_186 : memref<10240x256xbf16, #tpu.memory_space<vmem_shared>>)
      %dma_start3A_187 = arith.constant 896 : i32
      %dma_start3A_188 = tpu.memref_slice %arg12[%dma_start3A_187] : memref<1024xi32, #tpu.memory_space<vmem>> -> memref<128xi32, #tpu.memory_space<vmem>>
      %dma_start3A_189 = arith.constant 0 : i32
      %dma_start3A_190 = arith.constant 0 : i32
      %dma_start3A_191 = tpu.memref_slice %arg2[%dma_start3A_189, %dma_start3A_190] : memref<10000x256xbf16, #tpu.memory_space<hbm>> -> memref<10000x256xbf16, #tpu.memory_space<hbm>>
      tpu.enqueue_indirect_dma source(%dma_start3A_191 : memref<10000x256xbf16, #tpu.memory_space<hbm>>) target(%arg15 : memref<128x256xbf16, #tpu.memory_space<vmem>>) offsets(%dma_start3A_188 : memref<128xi32, #tpu.memory_space<vmem>>) semaphore(%arg18 : memref<!tpu.dma_semaphore, #tpu.memory_space<semaphore_mem>>)
      %dma_wait3A_192 = arith.constant 768 : i32
      %dma_wait3A_193 = tpu.memref_slice %arg12[%dma_wait3A_192] : memref<1024xi32, #tpu.memory_space<vmem>> -> memref<128xi32, #tpu.memory_space<vmem>>
      %dma_wait3A_194 = arith.constant 0 : i32
      %dma_wait3A_195 = arith.constant 0 : i32
      %dma_wait3A_196 = tpu.memref_slice %arg2[%dma_wait3A_194, %dma_wait3A_195] : memref<10000x256xbf16, #tpu.memory_space<hbm>> -> memref<10000x256xbf16, #tpu.memory_space<hbm>>
      tpu.wait_indirect_dma semaphore(%arg17 : memref<!tpu.dma_semaphore, #tpu.memory_space<semaphore_mem>>) src(%dma_wait3A_196 : memref<10000x256xbf16, #tpu.memory_space<hbm>>) dst(%arg14 : memref<128x256xbf16, #tpu.memory_space<vmem>>)
      %dma_start3A_197 = arith.constant 6 : i32
      %dma_start3A_198 = arith.constant 0 : i32
      %dma_start3A_199 = tpu.memref_slice %arg13[%dma_start3A_197, %dma_start3A_198] : memref<8x128xi32, #tpu.memory_space<vmem>> -> memref<1x128xi32, #tpu.memory_space<vmem>>
      %dma_start3A_200 = tpu.memref_squeeze %dma_start3A_199 : memref<1x128xi32, #tpu.memory_space<vmem>> -> memref<128xi32, #tpu.memory_space<vmem>>
      %dma_start3A_201 = arith.constant 0 : i32
      %dma_start3A_202 = arith.constant 0 : i32
      %dma_start3A_203 = tpu.memref_slice %arg10[%dma_start3A_201, %dma_start3A_202] : memref<10240x256xbf16, #tpu.memory_space<vmem_shared>> -> memref<10240x256xbf16, #tpu.memory_space<vmem_shared>>
      tpu.enqueue_indirect_dma source(%arg14 : memref<128x256xbf16, #tpu.memory_space<vmem>>) target(%dma_start3A_203 : memref<10240x256xbf16, #tpu.memory_space<vmem_shared>>) offsets(%dma_start3A_200 : memref<128xi32, #tpu.memory_space<vmem>>) semaphore(%arg19 : memref<!tpu.dma_semaphore, #tpu.memory_space<semaphore_mem>>) {add = true}
      %dma_wait3A_204 = arith.constant 896 : i32
      %dma_wait3A_205 = tpu.memref_slice %arg12[%dma_wait3A_204] : memref<1024xi32, #tpu.memory_space<vmem>> -> memref<128xi32, #tpu.memory_space<vmem>>
      %dma_wait3A_206 = arith.constant 0 : i32
      %dma_wait3A_207 = arith.constant 0 : i32
      %dma_wait3A_208 = tpu.memref_slice %arg2[%dma_wait3A_206, %dma_wait3A_207] : memref<10000x256xbf16, #tpu.memory_space<hbm>> -> memref<10000x256xbf16, #tpu.memory_space<hbm>>
      tpu.wait_indirect_dma semaphore(%arg18 : memref<!tpu.dma_semaphore, #tpu.memory_space<semaphore_mem>>) src(%dma_wait3A_208 : memref<10000x256xbf16, #tpu.memory_space<hbm>>) dst(%arg15 : memref<128x256xbf16, #tpu.memory_space<vmem>>)
      %dma_start3A_209 = arith.constant 7 : i32
      %dma_start3A_210 = arith.constant 0 : i32
      %dma_start3A_211 = tpu.memref_slice %arg13[%dma_start3A_209, %dma_start3A_210] : memref<8x128xi32, #tpu.memory_space<vmem>> -> memref<1x128xi32, #tpu.memory_space<vmem>>
      %dma_start3A_212 = tpu.memref_squeeze %dma_start3A_211 : memref<1x128xi32, #tpu.memory_space<vmem>> -> memref<128xi32, #tpu.memory_space<vmem>>
      %dma_start3A_213 = arith.constant 0 : i32
      %dma_start3A_214 = arith.constant 0 : i32
      %dma_start3A_215 = tpu.memref_slice %arg10[%dma_start3A_213, %dma_start3A_214] : memref<10240x256xbf16, #tpu.memory_space<vmem_shared>> -> memref<10240x256xbf16, #tpu.memory_space<vmem_shared>>
      tpu.enqueue_indirect_dma source(%arg15 : memref<128x256xbf16, #tpu.memory_space<vmem>>) target(%dma_start3A_215 : memref<10240x256xbf16, #tpu.memory_space<vmem_shared>>) offsets(%dma_start3A_212 : memref<128xi32, #tpu.memory_space<vmem>>) semaphore(%arg20 : memref<!tpu.dma_semaphore, #tpu.memory_space<semaphore_mem>>) {add = true}
      %dma_wait3A_216 = arith.constant 6 : i32
      %dma_wait3A_217 = arith.constant 0 : i32
      %dma_wait3A_218 = tpu.memref_slice %arg13[%dma_wait3A_216, %dma_wait3A_217] : memref<8x128xi32, #tpu.memory_space<vmem>> -> memref<1x128xi32, #tpu.memory_space<vmem>>
      %dma_wait3A_219 = tpu.memref_squeeze %dma_wait3A_218 : memref<1x128xi32, #tpu.memory_space<vmem>> -> memref<128xi32, #tpu.memory_space<vmem>>
      %dma_wait3A_220 = arith.constant 0 : i32
      %dma_wait3A_221 = arith.constant 0 : i32
      %dma_wait3A_222 = tpu.memref_slice %arg10[%dma_wait3A_220, %dma_wait3A_221] : memref<10240x256xbf16, #tpu.memory_space<vmem_shared>> -> memref<10240x256xbf16, #tpu.memory_space<vmem_shared>>
      tpu.wait_indirect_dma semaphore(%arg19 : memref<!tpu.dma_semaphore, #tpu.memory_space<semaphore_mem>>) src(%arg14 : memref<128x256xbf16, #tpu.memory_space<vmem>>) dst(%dma_wait3A_222 : memref<10240x256xbf16, #tpu.memory_space<vmem_shared>>)
      %dma_wait3A_223 = arith.constant 7 : i32
      %dma_wait3A_224 = arith.constant 0 : i32
      %dma_wait3A_225 = tpu.memref_slice %arg13[%dma_wait3A_223, %dma_wait3A_224] : memref<8x128xi32, #tpu.memory_space<vmem>> -> memref<1x128xi32, #tpu.memory_space<vmem>>
      %dma_wait3A_226 = tpu.memref_squeeze %dma_wait3A_225 : memref<1x128xi32, #tpu.memory_space<vmem>> -> memref<128xi32, #tpu.memory_space<vmem>>
      %dma_wait3A_227 = arith.constant 0 : i32
      %dma_wait3A_228 = arith.constant 0 : i32
      %dma_wait3A_229 = tpu.memref_slice %arg10[%dma_wait3A_227, %dma_wait3A_228] : memref<10240x256xbf16, #tpu.memory_space<vmem_shared>> -> memref<10240x256xbf16, #tpu.memory_space<vmem_shared>>
      tpu.wait_indirect_dma semaphore(%arg20 : memref<!tpu.dma_semaphore, #tpu.memory_space<semaphore_mem>>) src(%arg15 : memref<128x256xbf16, #tpu.memory_space<vmem>>) dst(%dma_wait3A_229 : memref<10240x256xbf16, #tpu.memory_space<vmem_shared>>)
    }
    %scan3A_23 = arith.constant 5 : i32
    %barrier3A_24 = arith.constant 0 : index
    tpu.barrier barrier_id(%barrier3A_24)
    %lt3A = arith.constant 15 : i32
    %lt3A_25 = arith.cmpi slt, %arg1, %lt3A : i32
    %convert_element_type3A = arith.extui %lt3A_25 : i1 to i32
    %cond3A = arith.constant 0 : i32
    %cond3A_26 = arith.cmpi ne, %convert_element_type3A, %cond3A : i32
    scf.if %cond3A_26 {
      %mul3A_31 = arith.constant 624 : i32
      %mul3A_32 = arith.muli %arg1, %mul3A_31 : i32
      %mul3A_33 = arith.constant 10000 : i32
      %mul3A_34 = arith.muli %arg0, %mul3A_33 : i32
      %mul3A_35 = arith.constant 624 : i32
      %mul3A_36 = arith.muli %arg1, %mul3A_35 : i32
      %add3A_37 = arith.addi %mul3A_34, %mul3A_36 : i32
      "tpu.region"() ({
        %run_scoped3A = tpu.sem_alloc : memref<!tpu.dma_semaphore, #tpu.memory_space<semaphore_mem>>
        %dma_start3A = arith.constant 0 : i32
        %dma_start3A_45 = tpu.memref_slice %arg8[%add3A_37, %dma_start3A] : memref<20000x256xbf16, #tpu.memory_space<hbm>> -> memref<624x256xbf16, #tpu.memory_space<hbm>>
        %dma_start3A_46 = arith.constant 0 : i32
        %dma_start3A_47 = tpu.memref_slice %arg10[%mul3A_32, %dma_start3A_46] : memref<10240x256xbf16, #tpu.memory_space<vmem_shared>> -> memref<624x256xbf16, #tpu.memory_space<vmem_shared>>
        tpu.enqueue_dma source(%dma_start3A_47 : memref<624x256xbf16, #tpu.memory_space<vmem_shared>>) target(%dma_start3A_45 : memref<624x256xbf16, #tpu.memory_space<hbm>>) target_semaphore(%run_scoped3A : memref<!tpu.dma_semaphore, #tpu.memory_space<semaphore_mem>>)
        %dma_wait3A = arith.constant 0 : i32
        %dma_wait3A_48 = tpu.memref_slice %arg8[%add3A_37, %dma_wait3A] : memref<20000x256xbf16, #tpu.memory_space<hbm>> -> memref<624x256xbf16, #tpu.memory_space<hbm>>
        %dma_wait3A_49 = arith.constant 0 : i32
        %dma_wait3A_50 = tpu.memref_slice %arg10[%mul3A_32, %dma_wait3A_49] : memref<10240x256xbf16, #tpu.memory_space<vmem_shared>> -> memref<624x256xbf16, #tpu.memory_space<vmem_shared>>
        tpu.wait_dma2 semaphore(%run_scoped3A : memref<!tpu.dma_semaphore, #tpu.memory_space<semaphore_mem>>) src(%dma_wait3A_50 : memref<624x256xbf16, #tpu.memory_space<vmem_shared>>) dst(%dma_wait3A_48 : memref<624x256xbf16, #tpu.memory_space<hbm>>)
        tpu.yield
      }) : () -> ()
      %mul3A_38 = arith.constant 624 : i32
      %mul3A_39 = arith.muli %arg1, %mul3A_38 : i32
      %mul3A_40 = arith.constant 10000 : i32
      %mul3A_41 = arith.muli %arg0, %mul3A_40 : i32
      %mul3A_42 = arith.constant 624 : i32
      %mul3A_43 = arith.muli %arg1, %mul3A_42 : i32
      %add3A_44 = arith.addi %mul3A_41, %mul3A_43 : i32
      "tpu.region"() ({
        %run_scoped3A = tpu.sem_alloc : memref<!tpu.dma_semaphore, #tpu.memory_space<semaphore_mem>>
        %dma_start3A = arith.constant 0 : i32
        %dma_start3A_45 = tpu.memref_slice %arg9[%add3A_44, %dma_start3A] : memref<20000x16xf32, #tpu.memory_space<hbm>> -> memref<624x16xf32, #tpu.memory_space<hbm>>
        %dma_start3A_46 = arith.constant 0 : i32
        %dma_start3A_47 = tpu.memref_slice %arg11[%mul3A_39, %dma_start3A_46] : memref<10240x16xf32, #tpu.memory_space<vmem_shared>> -> memref<624x16xf32, #tpu.memory_space<vmem_shared>>
        tpu.enqueue_dma source(%dma_start3A_47 : memref<624x16xf32, #tpu.memory_space<vmem_shared>>) target(%dma_start3A_45 : memref<624x16xf32, #tpu.memory_space<hbm>>) target_semaphore(%run_scoped3A : memref<!tpu.dma_semaphore, #tpu.memory_space<semaphore_mem>>)
        %dma_wait3A = arith.constant 0 : i32
        %dma_wait3A_48 = tpu.memref_slice %arg9[%add3A_44, %dma_wait3A] : memref<20000x16xf32, #tpu.memory_space<hbm>> -> memref<624x16xf32, #tpu.memory_space<hbm>>
        %dma_wait3A_49 = arith.constant 0 : i32
        %dma_wait3A_50 = tpu.memref_slice %arg11[%mul3A_39, %dma_wait3A_49] : memref<10240x16xf32, #tpu.memory_space<vmem_shared>> -> memref<624x16xf32, #tpu.memory_space<vmem_shared>>
        tpu.wait_dma2 semaphore(%run_scoped3A : memref<!tpu.dma_semaphore, #tpu.memory_space<semaphore_mem>>) src(%dma_wait3A_50 : memref<624x16xf32, #tpu.memory_space<vmem_shared>>) dst(%dma_wait3A_48 : memref<624x16xf32, #tpu.memory_space<hbm>>)
        tpu.yield
      }) : () -> ()
    } else {
    }
    %eq3A = arith.constant 15 : i32
    %eq3A_27 = arith.cmpi eq, %arg1, %eq3A : i32
    %convert_element_type3A_28 = arith.extui %eq3A_27 : i1 to i32
    %cond3A_29 = arith.constant 0 : i32
    %cond3A_30 = arith.cmpi ne, %convert_element_type3A_28, %cond3A_29 : i32
    scf.if %cond3A_30 {
      %mul3A_31 = arith.constant 10000 : i32
      %mul3A_32 = arith.muli %arg0, %mul3A_31 : i32
      %add3A_33 = arith.constant 9360 : i32
      %add3A_34 = arith.addi %mul3A_32, %add3A_33 : i32
      "tpu.region"() ({
        %run_scoped3A = tpu.sem_alloc : memref<!tpu.dma_semaphore, #tpu.memory_space<semaphore_mem>>
        %dma_start3A = arith.constant 0 : i32
        %dma_start3A_39 = tpu.memref_slice %arg8[%add3A_34, %dma_start3A] : memref<20000x256xbf16, #tpu.memory_space<hbm>> -> memref<640x256xbf16, #tpu.memory_space<hbm>>
        %dma_start3A_40 = arith.constant 9360 : i32
        %dma_start3A_41 = arith.constant 0 : i32
        %dma_start3A_42 = tpu.memref_slice %arg10[%dma_start3A_40, %dma_start3A_41] : memref<10240x256xbf16, #tpu.memory_space<vmem_shared>> -> memref<640x256xbf16, #tpu.memory_space<vmem_shared>>
        tpu.enqueue_dma source(%dma_start3A_42 : memref<640x256xbf16, #tpu.memory_space<vmem_shared>>) target(%dma_start3A_39 : memref<640x256xbf16, #tpu.memory_space<hbm>>) target_semaphore(%run_scoped3A : memref<!tpu.dma_semaphore, #tpu.memory_space<semaphore_mem>>)
        %dma_wait3A = arith.constant 0 : i32
        %dma_wait3A_43 = tpu.memref_slice %arg8[%add3A_34, %dma_wait3A] : memref<20000x256xbf16, #tpu.memory_space<hbm>> -> memref<640x256xbf16, #tpu.memory_space<hbm>>
        %dma_wait3A_44 = arith.constant 9360 : i32
        %dma_wait3A_45 = arith.constant 0 : i32
        %dma_wait3A_46 = tpu.memref_slice %arg10[%dma_wait3A_44, %dma_wait3A_45] : memref<10240x256xbf16, #tpu.memory_space<vmem_shared>> -> memref<640x256xbf16, #tpu.memory_space<vmem_shared>>
        tpu.wait_dma2 semaphore(%run_scoped3A : memref<!tpu.dma_semaphore, #tpu.memory_space<semaphore_mem>>) src(%dma_wait3A_46 : memref<640x256xbf16, #tpu.memory_space<vmem_shared>>) dst(%dma_wait3A_43 : memref<640x256xbf16, #tpu.memory_space<hbm>>)
        tpu.yield
      }) : () -> ()
      %mul3A_35 = arith.constant 10000 : i32
      %mul3A_36 = arith.muli %arg0, %mul3A_35 : i32
      %add3A_37 = arith.constant 9360 : i32
      %add3A_38 = arith.addi %mul3A_36, %add3A_37 : i32
      "tpu.region"() ({
        %run_scoped3A = tpu.sem_alloc : memref<!tpu.dma_semaphore, #tpu.memory_space<semaphore_mem>>
        %dma_start3A = arith.constant 0 : i32
        %dma_start3A_39 = tpu.memref_slice %arg9[%add3A_38, %dma_start3A] : memref<20000x16xf32, #tpu.memory_space<hbm>> -> memref<640x16xf32, #tpu.memory_space<hbm>>
        %dma_start3A_40 = arith.constant 9360 : i32
        %dma_start3A_41 = arith.constant 0 : i32
        %dma_start3A_42 = tpu.memref_slice %arg11[%dma_start3A_40, %dma_start3A_41] : memref<10240x16xf32, #tpu.memory_space<vmem_shared>> -> memref<640x16xf32, #tpu.memory_space<vmem_shared>>
        tpu.enqueue_dma source(%dma_start3A_42 : memref<640x16xf32, #tpu.memory_space<vmem_shared>>) target(%dma_start3A_39 : memref<640x16xf32, #tpu.memory_space<hbm>>) target_semaphore(%run_scoped3A : memref<!tpu.dma_semaphore, #tpu.memory_space<semaphore_mem>>)
        %dma_wait3A = arith.constant 0 : i32
        %dma_wait3A_43 = tpu.memref_slice %arg9[%add3A_38, %dma_wait3A] : memref<20000x16xf32, #tpu.memory_space<hbm>> -> memref<640x16xf32, #tpu.memory_space<hbm>>
        %dma_wait3A_44 = arith.constant 9360 : i32
        %dma_wait3A_45 = arith.constant 0 : i32
        %dma_wait3A_46 = tpu.memref_slice %arg11[%dma_wait3A_44, %dma_wait3A_45] : memref<10240x16xf32, #tpu.memory_space<vmem_shared>> -> memref<640x16xf32, #tpu.memory_space<vmem_shared>>
        tpu.wait_dma2 semaphore(%run_scoped3A : memref<!tpu.dma_semaphore, #tpu.memory_space<semaphore_mem>>) src(%dma_wait3A_46 : memref<640x16xf32, #tpu.memory_space<vmem_shared>>) dst(%dma_wait3A_43 : memref<640x16xf32, #tpu.memory_space<hbm>>)
        tpu.yield
      }) : () -> ()
    } else {
    }
    return
  }
}

#map = affine_map<(d0, d1) -> (0, 0)>
#map1 = affine_map<(d0, d1) -> (0)>
module attributes {stable_mosaic.version = 14 : i64} {
  func.func @_sc2_body(%arg0: i32, %arg1: i32, %arg2: memref<10000x48xf32, #tpu.memory_space<hbm>>, %arg3: memref<163840xi32, #tpu.memory_space<hbm>>, %arg4: memref<1280x128xi32, #tpu.memory_space<hbm>>, %arg5: memref<10240x48xf32, #tpu.memory_space<hbm>>, %arg6: memref<20000x48xf32, #tpu.memory_space<hbm>>, %arg7: memref<10240x48xf32, #tpu.memory_space<vmem_shared>>, %arg8: memref<640xi32, #tpu.memory_space<vmem>>, %arg9: memref<640xi32, #tpu.memory_space<vmem>>, %arg10: memref<5x128xi32, #tpu.memory_space<vmem>>, %arg11: memref<640x48xf32, #tpu.memory_space<vmem>>, %arg12: memref<640x48xf32, #tpu.memory_space<vmem>>, %arg13: memref<!tpu.dma_semaphore, #tpu.memory_space<semaphore_mem>>, %arg14: memref<!tpu.dma_semaphore, #tpu.memory_space<semaphore_mem>>, %arg15: memref<!tpu.dma_semaphore, #tpu.memory_space<semaphore_mem>>, %arg16: memref<!tpu.dma_semaphore, #tpu.memory_space<semaphore_mem>>) attributes {dimension_semantics = [#tpu.dimension_semantics<core_parallel>, #tpu.dimension_semantics<subcore_parallel>], iteration_bounds = array<i64: 2, 16>, scalar_prefetch = 0 : i64, scratch_operands = 10 : i64, tpu.core_type = #tpu.core_type<sc_vector_subcore>, window_params = [{transform_indices = #map}, {transform_indices = #map1}, {transform_indices = #map}, {transform_indices = #map}, {transform_indices = #map}]} {
    %mul3A = arith.constant 640 : i32
    %mul3A_0 = arith.muli %arg1, %mul3A : i32
    %mul3A_1 = arith.constant 640 : i32
    %mul3A_2 = arith.muli %arg1, %mul3A_1 : i32
    "tpu.region"() ({
      %run_scoped3A = tpu.sem_alloc : memref<!tpu.dma_semaphore, #tpu.memory_space<semaphore_mem>>
      %dma_start3A_894 = arith.constant 0 : i32
      %dma_start3A_895 = tpu.memref_slice %arg7[%mul3A_2, %dma_start3A_894] : memref<10240x48xf32, #tpu.memory_space<vmem_shared>> -> memref<640x48xf32, #tpu.memory_space<vmem_shared>>
      %dma_start3A_896 = arith.constant 0 : i32
      %dma_start3A_897 = tpu.memref_slice %arg5[%mul3A_0, %dma_start3A_896] : memref<10240x48xf32, #tpu.memory_space<hbm>> -> memref<640x48xf32, #tpu.memory_space<hbm>>
      tpu.enqueue_dma source(%dma_start3A_897 : memref<640x48xf32, #tpu.memory_space<hbm>>) target(%dma_start3A_895 : memref<640x48xf32, #tpu.memory_space<vmem_shared>>) target_semaphore(%run_scoped3A : memref<!tpu.dma_semaphore, #tpu.memory_space<semaphore_mem>>)
      %dma_wait3A_898 = arith.constant 0 : i32
      %dma_wait3A_899 = tpu.memref_slice %arg7[%mul3A_2, %dma_wait3A_898] : memref<10240x48xf32, #tpu.memory_space<vmem_shared>> -> memref<640x48xf32, #tpu.memory_space<vmem_shared>>
      %dma_wait3A_900 = arith.constant 0 : i32
      %dma_wait3A_901 = tpu.memref_slice %arg5[%mul3A_0, %dma_wait3A_900] : memref<10240x48xf32, #tpu.memory_space<hbm>> -> memref<640x48xf32, #tpu.memory_space<hbm>>
      tpu.wait_dma2 semaphore(%run_scoped3A : memref<!tpu.dma_semaphore, #tpu.memory_space<semaphore_mem>>) src(%dma_wait3A_901 : memref<640x48xf32, #tpu.memory_space<hbm>>) dst(%dma_wait3A_899 : memref<640x48xf32, #tpu.memory_space<vmem_shared>>)
      tpu.yield
    }) : () -> ()
    %barrier3A = arith.constant 0 : index
    tpu.barrier barrier_id(%barrier3A)
    %mul3A_3 = arith.constant 16 : i32
    %mul3A_4 = arith.muli %arg0, %mul3A_3 : i32
    %add3A = arith.addi %mul3A_4, %arg1 : i32
    %mul3A_5 = arith.constant 40 : i32
    %mul3A_6 = arith.muli %add3A, %mul3A_5 : i32
    %mul3A_7 = arith.constant 128 : i32
    %mul3A_8 = arith.muli %mul3A_6, %mul3A_7 : i32
    %add3A_9 = arith.constant 0 : i32
    %add3A_10 = arith.addi %mul3A_8, %add3A_9 : i32
    "tpu.region"() ({
      %run_scoped3A = tpu.sem_alloc : memref<!tpu.dma_semaphore, #tpu.memory_space<semaphore_mem>>
      %dma_start3A_894 = tpu.memref_slice %arg3[%add3A_10] : memref<163840xi32, #tpu.memory_space<hbm>> -> memref<640xi32, #tpu.memory_space<hbm>>
      %dma_start3A_895 = tpu.memref_slice %arg3[%add3A_10] : memref<163840xi32, #tpu.memory_space<hbm>> -> memref<640xi32, #tpu.memory_space<hbm>>
      tpu.enqueue_dma source(%dma_start3A_895 : memref<640xi32, #tpu.memory_space<hbm>>) target(%arg8 : memref<640xi32, #tpu.memory_space<vmem>>) target_semaphore(%run_scoped3A : memref<!tpu.dma_semaphore, #tpu.memory_space<semaphore_mem>>)
      %dma_wait3A_896 = tpu.memref_slice %arg3[%add3A_10] : memref<163840xi32, #tpu.memory_space<hbm>> -> memref<640xi32, #tpu.memory_space<hbm>>
      %dma_wait3A_897 = tpu.memref_slice %arg3[%add3A_10] : memref<163840xi32, #tpu.memory_space<hbm>> -> memref<640xi32, #tpu.memory_space<hbm>>
      tpu.wait_dma2 semaphore(%run_scoped3A : memref<!tpu.dma_semaphore, #tpu.memory_space<semaphore_mem>>) src(%dma_wait3A_897 : memref<640xi32, #tpu.memory_space<hbm>>) dst(%arg8 : memref<640xi32, #tpu.memory_space<vmem>>)
      tpu.yield
    }) : () -> ()
    %dma_start3A = arith.constant 0 : i32
    %dma_start3A_11 = arith.constant 0 : i32
    %dma_start3A_12 = tpu.memref_slice %arg2[%dma_start3A, %dma_start3A_11] : memref<10000x48xf32, #tpu.memory_space<hbm>> -> memref<10000x48xf32, #tpu.memory_space<hbm>>
    tpu.enqueue_indirect_dma source(%dma_start3A_12 : memref<10000x48xf32, #tpu.memory_space<hbm>>) target(%arg11 : memref<640x48xf32, #tpu.memory_space<vmem>>) offsets(%arg8 : memref<640xi32, #tpu.memory_space<vmem>>) semaphore(%arg13 : memref<!tpu.dma_semaphore, #tpu.memory_space<semaphore_mem>>)
    %add3A_13 = arith.constant 640 : i32
    %add3A_14 = arith.addi %mul3A_8, %add3A_13 : i32
    "tpu.region"() ({
      %run_scoped3A = tpu.sem_alloc : memref<!tpu.dma_semaphore, #tpu.memory_space<semaphore_mem>>
      %dma_start3A_894 = tpu.memref_slice %arg3[%add3A_14] : memref<163840xi32, #tpu.memory_space<hbm>> -> memref<640xi32, #tpu.memory_space<hbm>>
      %dma_start3A_895 = tpu.memref_slice %arg3[%add3A_14] : memref<163840xi32, #tpu.memory_space<hbm>> -> memref<640xi32, #tpu.memory_space<hbm>>
      tpu.enqueue_dma source(%dma_start3A_895 : memref<640xi32, #tpu.memory_space<hbm>>) target(%arg9 : memref<640xi32, #tpu.memory_space<vmem>>) target_semaphore(%run_scoped3A : memref<!tpu.dma_semaphore, #tpu.memory_space<semaphore_mem>>)
      %dma_wait3A_896 = tpu.memref_slice %arg3[%add3A_14] : memref<163840xi32, #tpu.memory_space<hbm>> -> memref<640xi32, #tpu.memory_space<hbm>>
      %dma_wait3A_897 = tpu.memref_slice %arg3[%add3A_14] : memref<163840xi32, #tpu.memory_space<hbm>> -> memref<640xi32, #tpu.memory_space<hbm>>
      tpu.wait_dma2 semaphore(%run_scoped3A : memref<!tpu.dma_semaphore, #tpu.memory_space<semaphore_mem>>) src(%dma_wait3A_897 : memref<640xi32, #tpu.memory_space<hbm>>) dst(%arg9 : memref<640xi32, #tpu.memory_space<vmem>>)
      tpu.yield
    }) : () -> ()
    %dma_start3A_15 = arith.constant 0 : i32
    %dma_start3A_16 = arith.constant 0 : i32
    %dma_start3A_17 = tpu.memref_slice %arg2[%dma_start3A_15, %dma_start3A_16] : memref<10000x48xf32, #tpu.memory_space<hbm>> -> memref<10000x48xf32, #tpu.memory_space<hbm>>
    tpu.enqueue_indirect_dma source(%dma_start3A_17 : memref<10000x48xf32, #tpu.memory_space<hbm>>) target(%arg12 : memref<640x48xf32, #tpu.memory_space<vmem>>) offsets(%arg9 : memref<640xi32, #tpu.memory_space<vmem>>) semaphore(%arg14 : memref<!tpu.dma_semaphore, #tpu.memory_space<semaphore_mem>>)
    %dma_wait3A = arith.constant 0 : i32
    %dma_wait3A_18 = arith.constant 0 : i32
    %dma_wait3A_19 = tpu.memref_slice %arg2[%dma_wait3A, %dma_wait3A_18] : memref<10000x48xf32, #tpu.memory_space<hbm>> -> memref<10000x48xf32, #tpu.memory_space<hbm>>
    tpu.wait_indirect_dma semaphore(%arg13 : memref<!tpu.dma_semaphore, #tpu.memory_space<semaphore_mem>>) src(%dma_wait3A_19 : memref<10000x48xf32, #tpu.memory_space<hbm>>) dst(%arg11 : memref<640x48xf32, #tpu.memory_space<vmem>>)
    %add3A_20 = arith.constant 0 : i32
    %add3A_21 = arith.addi %mul3A_6, %add3A_20 : i32
    "tpu.region"() ({
      %run_scoped3A = tpu.sem_alloc : memref<!tpu.dma_semaphore, #tpu.memory_space<semaphore_mem>>
      %dma_start3A_894 = arith.constant 0 : i32
      %dma_start3A_895 = tpu.memref_slice %arg4[%add3A_21, %dma_start3A_894] : memref<1280x128xi32, #tpu.memory_space<hbm>> -> memref<5x128xi32, #tpu.memory_space<hbm>>
      %dma_start3A_896 = arith.constant 0 : i32
      %dma_start3A_897 = tpu.memref_slice %arg4[%add3A_21, %dma_start3A_896] : memref<1280x128xi32, #tpu.memory_space<hbm>> -> memref<5x128xi32, #tpu.memory_space<hbm>>
      tpu.enqueue_dma source(%dma_start3A_897 : memref<5x128xi32, #tpu.memory_space<hbm>>) target(%arg10 : memref<5x128xi32, #tpu.memory_space<vmem>>) target_semaphore(%run_scoped3A : memref<!tpu.dma_semaphore, #tpu.memory_space<semaphore_mem>>)
      %dma_wait3A_898 = arith.constant 0 : i32
      %dma_wait3A_899 = tpu.memref_slice %arg4[%add3A_21, %dma_wait3A_898] : memref<1280x128xi32, #tpu.memory_space<hbm>> -> memref<5x128xi32, #tpu.memory_space<hbm>>
      %dma_wait3A_900 = arith.constant 0 : i32
      %dma_wait3A_901 = tpu.memref_slice %arg4[%add3A_21, %dma_wait3A_900] : memref<1280x128xi32, #tpu.memory_space<hbm>> -> memref<5x128xi32, #tpu.memory_space<hbm>>
      tpu.wait_dma2 semaphore(%run_scoped3A : memref<!tpu.dma_semaphore, #tpu.memory_space<semaphore_mem>>) src(%dma_wait3A_901 : memref<5x128xi32, #tpu.memory_space<hbm>>) dst(%arg10 : memref<5x128xi32, #tpu.memory_space<vmem>>)
      tpu.yield
    }) : () -> ()
    %dma_start3A_22 = arith.constant 0 : i32
    %dma_start3A_23 = arith.constant 0 : i32
    %dma_start3A_24 = arith.constant 0 : i32
    %dma_start3A_25 = tpu.memref_slice %arg11[%dma_start3A_23, %dma_start3A_24] : memref<640x48xf32, #tpu.memory_space<vmem>> -> memref<128x48xf32, #tpu.memory_space<vmem>>
    %dma_start3A_26 = arith.constant 0 : i32
    %dma_start3A_27 = tpu.memref_slice %arg10[%dma_start3A_22, %dma_start3A_26] : memref<5x128xi32, #tpu.memory_space<vmem>> -> memref<1x128xi32, #tpu.memory_space<vmem>>
    %dma_start3A_28 = tpu.memref_squeeze %dma_start3A_27 : memref<1x128xi32, #tpu.memory_space<vmem>> -> memref<128xi32, #tpu.memory_space<vmem>>
    %dma_start3A_29 = arith.constant 0 : i32
    %dma_start3A_30 = arith.constant 0 : i32
    %dma_start3A_31 = tpu.memref_slice %arg7[%dma_start3A_29, %dma_start3A_30] : memref<10240x48xf32, #tpu.memory_space<vmem_shared>> -> memref<10240x48xf32, #tpu.memory_space<vmem_shared>>
    tpu.enqueue_indirect_dma source(%dma_start3A_25 : memref<128x48xf32, #tpu.memory_space<vmem>>) target(%dma_start3A_31 : memref<10240x48xf32, #tpu.memory_space<vmem_shared>>) offsets(%dma_start3A_28 : memref<128xi32, #tpu.memory_space<vmem>>) semaphore(%arg15 : memref<!tpu.dma_semaphore, #tpu.memory_space<semaphore_mem>>) {add = true}
    %dma_start3A_32 = arith.constant 1 : i32
    %dma_start3A_33 = arith.constant 128 : i32
    %dma_start3A_34 = arith.constant 0 : i32
    %dma_start3A_35 = tpu.memref_slice %arg11[%dma_start3A_33, %dma_start3A_34] : memref<640x48xf32, #tpu.memory_space<vmem>> -> memref<128x48xf32, #tpu.memory_space<vmem>>
    %dma_start3A_36 = arith.constant 0 : i32
    %dma_start3A_37 = tpu.memref_slice %arg10[%dma_start3A_32, %dma_start3A_36] : memref<5x128xi32, #tpu.memory_space<vmem>> -> memref<1x128xi32, #tpu.memory_space<vmem>>
    %dma_start3A_38 = tpu.memref_squeeze %dma_start3A_37 : memref<1x128xi32, #tpu.memory_space<vmem>> -> memref<128xi32, #tpu.memory_space<vmem>>
    %dma_start3A_39 = arith.constant 0 : i32
    %dma_start3A_40 = arith.constant 0 : i32
    %dma_start3A_41 = tpu.memref_slice %arg7[%dma_start3A_39, %dma_start3A_40] : memref<10240x48xf32, #tpu.memory_space<vmem_shared>> -> memref<10240x48xf32, #tpu.memory_space<vmem_shared>>
    tpu.enqueue_indirect_dma source(%dma_start3A_35 : memref<128x48xf32, #tpu.memory_space<vmem>>) target(%dma_start3A_41 : memref<10240x48xf32, #tpu.memory_space<vmem_shared>>) offsets(%dma_start3A_38 : memref<128xi32, #tpu.memory_space<vmem>>) semaphore(%arg16 : memref<!tpu.dma_semaphore, #tpu.memory_space<semaphore_mem>>) {add = true}
    %dma_start3A_42 = arith.constant 2 : i32
    %dma_start3A_43 = arith.constant 256 : i32
    %dma_start3A_44 = arith.constant 0 : i32
    %dma_start3A_45 = tpu.memref_slice %arg11[%dma_start3A_43, %dma_start3A_44] : memref<640x48xf32, #tpu.memory_space<vmem>> -> memref<128x48xf32, #tpu.memory_space<vmem>>
    %dma_start3A_46 = arith.constant 0 : i32
    %dma_start3A_47 = tpu.memref_slice %arg10[%dma_start3A_42, %dma_start3A_46] : memref<5x128xi32, #tpu.memory_space<vmem>> -> memref<1x128xi32, #tpu.memory_space<vmem>>
    %dma_start3A_48 = tpu.memref_squeeze %dma_start3A_47 : memref<1x128xi32, #tpu.memory_space<vmem>> -> memref<128xi32, #tpu.memory_space<vmem>>
    %dma_start3A_49 = arith.constant 0 : i32
    %dma_start3A_50 = arith.constant 0 : i32
    %dma_start3A_51 = tpu.memref_slice %arg7[%dma_start3A_49, %dma_start3A_50] : memref<10240x48xf32, #tpu.memory_space<vmem_shared>> -> memref<10240x48xf32, #tpu.memory_space<vmem_shared>>
    tpu.enqueue_indirect_dma source(%dma_start3A_45 : memref<128x48xf32, #tpu.memory_space<vmem>>) target(%dma_start3A_51 : memref<10240x48xf32, #tpu.memory_space<vmem_shared>>) offsets(%dma_start3A_48 : memref<128xi32, #tpu.memory_space<vmem>>) semaphore(%arg15 : memref<!tpu.dma_semaphore, #tpu.memory_space<semaphore_mem>>) {add = true}
    %dma_start3A_52 = arith.constant 3 : i32
    %dma_start3A_53 = arith.constant 384 : i32
    %dma_start3A_54 = arith.constant 0 : i32
    %dma_start3A_55 = tpu.memref_slice %arg11[%dma_start3A_53, %dma_start3A_54] : memref<640x48xf32, #tpu.memory_space<vmem>> -> memref<128x48xf32, #tpu.memory_space<vmem>>
    %dma_start3A_56 = arith.constant 0 : i32
    %dma_start3A_57 = tpu.memref_slice %arg10[%dma_start3A_52, %dma_start3A_56] : memref<5x128xi32, #tpu.memory_space<vmem>> -> memref<1x128xi32, #tpu.memory_space<vmem>>
    %dma_start3A_58 = tpu.memref_squeeze %dma_start3A_57 : memref<1x128xi32, #tpu.memory_space<vmem>> -> memref<128xi32, #tpu.memory_space<vmem>>
    %dma_start3A_59 = arith.constant 0 : i32
    %dma_start3A_60 = arith.constant 0 : i32
    %dma_start3A_61 = tpu.memref_slice %arg7[%dma_start3A_59, %dma_start3A_60] : memref<10240x48xf32, #tpu.memory_space<vmem_shared>> -> memref<10240x48xf32, #tpu.memory_space<vmem_shared>>
    tpu.enqueue_indirect_dma source(%dma_start3A_55 : memref<128x48xf32, #tpu.memory_space<vmem>>) target(%dma_start3A_61 : memref<10240x48xf32, #tpu.memory_space<vmem_shared>>) offsets(%dma_start3A_58 : memref<128xi32, #tpu.memory_space<vmem>>) semaphore(%arg16 : memref<!tpu.dma_semaphore, #tpu.memory_space<semaphore_mem>>) {add = true}
    %dma_start3A_62 = arith.constant 4 : i32
    %dma_start3A_63 = arith.constant 512 : i32
    %dma_start3A_64 = arith.constant 0 : i32
    %dma_start3A_65 = tpu.memref_slice %arg11[%dma_start3A_63, %dma_start3A_64] : memref<640x48xf32, #tpu.memory_space<vmem>> -> memref<128x48xf32, #tpu.memory_space<vmem>>
    %dma_start3A_66 = arith.constant 0 : i32
    %dma_start3A_67 = tpu.memref_slice %arg10[%dma_start3A_62, %dma_start3A_66] : memref<5x128xi32, #tpu.memory_space<vmem>> -> memref<1x128xi32, #tpu.memory_space<vmem>>
    %dma_start3A_68 = tpu.memref_squeeze %dma_start3A_67 : memref<1x128xi32, #tpu.memory_space<vmem>> -> memref<128xi32, #tpu.memory_space<vmem>>
    %dma_start3A_69 = arith.constant 0 : i32
    %dma_start3A_70 = arith.constant 0 : i32
    %dma_start3A_71 = tpu.memref_slice %arg7[%dma_start3A_69, %dma_start3A_70] : memref<10240x48xf32, #tpu.memory_space<vmem_shared>> -> memref<10240x48xf32, #tpu.memory_space<vmem_shared>>
    tpu.enqueue_indirect_dma source(%dma_start3A_65 : memref<128x48xf32, #tpu.memory_space<vmem>>) target(%dma_start3A_71 : memref<10240x48xf32, #tpu.memory_space<vmem_shared>>) offsets(%dma_start3A_68 : memref<128xi32, #tpu.memory_space<vmem>>) semaphore(%arg15 : memref<!tpu.dma_semaphore, #tpu.memory_space<semaphore_mem>>) {add = true}
    %dma_wait3A_72 = arith.constant 0 : i32
    %dma_wait3A_73 = arith.constant 0 : i32
    %dma_wait3A_74 = arith.constant 0 : i32
    %dma_wait3A_75 = tpu.memref_slice %arg11[%dma_wait3A_73, %dma_wait3A_74] : memref<640x48xf32, #tpu.memory_space<vmem>> -> memref<128x48xf32, #tpu.memory_space<vmem>>
    %dma_wait3A_76 = arith.constant 0 : i32
    %dma_wait3A_77 = tpu.memref_slice %arg10[%dma_wait3A_72, %dma_wait3A_76] : memref<5x128xi32, #tpu.memory_space<vmem>> -> memref<1x128xi32, #tpu.memory_space<vmem>>
    %dma_wait3A_78 = tpu.memref_squeeze %dma_wait3A_77 : memref<1x128xi32, #tpu.memory_space<vmem>> -> memref<128xi32, #tpu.memory_space<vmem>>
    %dma_wait3A_79 = arith.constant 0 : i32
    %dma_wait3A_80 = arith.constant 0 : i32
    %dma_wait3A_81 = tpu.memref_slice %arg7[%dma_wait3A_79, %dma_wait3A_80] : memref<10240x48xf32, #tpu.memory_space<vmem_shared>> -> memref<10240x48xf32, #tpu.memory_space<vmem_shared>>
    tpu.wait_indirect_dma semaphore(%arg15 : memref<!tpu.dma_semaphore, #tpu.memory_space<semaphore_mem>>) src(%dma_wait3A_75 : memref<128x48xf32, #tpu.memory_space<vmem>>) dst(%dma_wait3A_81 : memref<10240x48xf32, #tpu.memory_space<vmem_shared>>)
    %dma_wait3A_82 = arith.constant 1 : i32
    %dma_wait3A_83 = arith.constant 128 : i32
    %dma_wait3A_84 = arith.constant 0 : i32
    %dma_wait3A_85 = tpu.memref_slice %arg11[%dma_wait3A_83, %dma_wait3A_84] : memref<640x48xf32, #tpu.memory_space<vmem>> -> memref<128x48xf32, #tpu.memory_space<vmem>>
    %dma_wait3A_86 = arith.constant 0 : i32
    %dma_wait3A_87 = tpu.memref_slice %arg10[%dma_wait3A_82, %dma_wait3A_86] : memref<5x128xi32, #tpu.memory_space<vmem>> -> memref<1x128xi32, #tpu.memory_space<vmem>>
    %dma_wait3A_88 = tpu.memref_squeeze %dma_wait3A_87 : memref<1x128xi32, #tpu.memory_space<vmem>> -> memref<128xi32, #tpu.memory_space<vmem>>
    %dma_wait3A_89 = arith.constant 0 : i32
    %dma_wait3A_90 = arith.constant 0 : i32
    %dma_wait3A_91 = tpu.memref_slice %arg7[%dma_wait3A_89, %dma_wait3A_90] : memref<10240x48xf32, #tpu.memory_space<vmem_shared>> -> memref<10240x48xf32, #tpu.memory_space<vmem_shared>>
    tpu.wait_indirect_dma semaphore(%arg16 : memref<!tpu.dma_semaphore, #tpu.memory_space<semaphore_mem>>) src(%dma_wait3A_85 : memref<128x48xf32, #tpu.memory_space<vmem>>) dst(%dma_wait3A_91 : memref<10240x48xf32, #tpu.memory_space<vmem_shared>>)
    %dma_wait3A_92 = arith.constant 2 : i32
    %dma_wait3A_93 = arith.constant 256 : i32
    %dma_wait3A_94 = arith.constant 0 : i32
    %dma_wait3A_95 = tpu.memref_slice %arg11[%dma_wait3A_93, %dma_wait3A_94] : memref<640x48xf32, #tpu.memory_space<vmem>> -> memref<128x48xf32, #tpu.memory_space<vmem>>
    %dma_wait3A_96 = arith.constant 0 : i32
    %dma_wait3A_97 = tpu.memref_slice %arg10[%dma_wait3A_92, %dma_wait3A_96] : memref<5x128xi32, #tpu.memory_space<vmem>> -> memref<1x128xi32, #tpu.memory_space<vmem>>
    %dma_wait3A_98 = tpu.memref_squeeze %dma_wait3A_97 : memref<1x128xi32, #tpu.memory_space<vmem>> -> memref<128xi32, #tpu.memory_space<vmem>>
    %dma_wait3A_99 = arith.constant 0 : i32
    %dma_wait3A_100 = arith.constant 0 : i32
    %dma_wait3A_101 = tpu.memref_slice %arg7[%dma_wait3A_99, %dma_wait3A_100] : memref<10240x48xf32, #tpu.memory_space<vmem_shared>> -> memref<10240x48xf32, #tpu.memory_space<vmem_shared>>
    tpu.wait_indirect_dma semaphore(%arg15 : memref<!tpu.dma_semaphore, #tpu.memory_space<semaphore_mem>>) src(%dma_wait3A_95 : memref<128x48xf32, #tpu.memory_space<vmem>>) dst(%dma_wait3A_101 : memref<10240x48xf32, #tpu.memory_space<vmem_shared>>)
    %dma_wait3A_102 = arith.constant 3 : i32
    %dma_wait3A_103 = arith.constant 384 : i32
    %dma_wait3A_104 = arith.constant 0 : i32
    %dma_wait3A_105 = tpu.memref_slice %arg11[%dma_wait3A_103, %dma_wait3A_104] : memref<640x48xf32, #tpu.memory_space<vmem>> -> memref<128x48xf32, #tpu.memory_space<vmem>>
    %dma_wait3A_106 = arith.constant 0 : i32
    %dma_wait3A_107 = tpu.memref_slice %arg10[%dma_wait3A_102, %dma_wait3A_106] : memref<5x128xi32, #tpu.memory_space<vmem>> -> memref<1x128xi32, #tpu.memory_space<vmem>>
    %dma_wait3A_108 = tpu.memref_squeeze %dma_wait3A_107 : memref<1x128xi32, #tpu.memory_space<vmem>> -> memref<128xi32, #tpu.memory_space<vmem>>
    %dma_wait3A_109 = arith.constant 0 : i32
    %dma_wait3A_110 = arith.constant 0 : i32
    %dma_wait3A_111 = tpu.memref_slice %arg7[%dma_wait3A_109, %dma_wait3A_110] : memref<10240x48xf32, #tpu.memory_space<vmem_shared>> -> memref<10240x48xf32, #tpu.memory_space<vmem_shared>>
    tpu.wait_indirect_dma semaphore(%arg16 : memref<!tpu.dma_semaphore, #tpu.memory_space<semaphore_mem>>) src(%dma_wait3A_105 : memref<128x48xf32, #tpu.memory_space<vmem>>) dst(%dma_wait3A_111 : memref<10240x48xf32, #tpu.memory_space<vmem_shared>>)
    %dma_wait3A_112 = arith.constant 4 : i32
    %dma_wait3A_113 = arith.constant 512 : i32
    %dma_wait3A_114 = arith.constant 0 : i32
    %dma_wait3A_115 = tpu.memref_slice %arg11[%dma_wait3A_113, %dma_wait3A_114] : memref<640x48xf32, #tpu.memory_space<vmem>> -> memref<128x48xf32, #tpu.memory_space<vmem>>
    %dma_wait3A_116 = arith.constant 0 : i32
    %dma_wait3A_117 = tpu.memref_slice %arg10[%dma_wait3A_112, %dma_wait3A_116] : memref<5x128xi32, #tpu.memory_space<vmem>> -> memref<1x128xi32, #tpu.memory_space<vmem>>
    %dma_wait3A_118 = tpu.memref_squeeze %dma_wait3A_117 : memref<1x128xi32, #tpu.memory_space<vmem>> -> memref<128xi32, #tpu.memory_space<vmem>>
    %dma_wait3A_119 = arith.constant 0 : i32
    %dma_wait3A_120 = arith.constant 0 : i32
    %dma_wait3A_121 = tpu.memref_slice %arg7[%dma_wait3A_119, %dma_wait3A_120] : memref<10240x48xf32, #tpu.memory_space<vmem_shared>> -> memref<10240x48xf32, #tpu.memory_space<vmem_shared>>
    tpu.wait_indirect_dma semaphore(%arg15 : memref<!tpu.dma_semaphore, #tpu.memory_space<semaphore_mem>>) src(%dma_wait3A_115 : memref<128x48xf32, #tpu.memory_space<vmem>>) dst(%dma_wait3A_121 : memref<10240x48xf32, #tpu.memory_space<vmem_shared>>)
    %add3A_122 = arith.constant 1280 : i32
    %add3A_123 = arith.addi %mul3A_8, %add3A_122 : i32
    "tpu.region"() ({
      %run_scoped3A = tpu.sem_alloc : memref<!tpu.dma_semaphore, #tpu.memory_space<semaphore_mem>>
      %dma_start3A_894 = tpu.memref_slice %arg3[%add3A_123] : memref<163840xi32, #tpu.memory_space<hbm>> -> memref<640xi32, #tpu.memory_space<hbm>>
      %dma_start3A_895 = tpu.memref_slice %arg3[%add3A_123] : memref<163840xi32, #tpu.memory_space<hbm>> -> memref<640xi32, #tpu.memory_space<hbm>>
      tpu.enqueue_dma source(%dma_start3A_895 : memref<640xi32, #tpu.memory_space<hbm>>) target(%arg8 : memref<640xi32, #tpu.memory_space<vmem>>) target_semaphore(%run_scoped3A : memref<!tpu.dma_semaphore, #tpu.memory_space<semaphore_mem>>)
      %dma_wait3A_896 = tpu.memref_slice %arg3[%add3A_123] : memref<163840xi32, #tpu.memory_space<hbm>> -> memref<640xi32, #tpu.memory_space<hbm>>
      %dma_wait3A_897 = tpu.memref_slice %arg3[%add3A_123] : memref<163840xi32, #tpu.memory_space<hbm>> -> memref<640xi32, #tpu.memory_space<hbm>>
      tpu.wait_dma2 semaphore(%run_scoped3A : memref<!tpu.dma_semaphore, #tpu.memory_space<semaphore_mem>>) src(%dma_wait3A_897 : memref<640xi32, #tpu.memory_space<hbm>>) dst(%arg8 : memref<640xi32, #tpu.memory_space<vmem>>)
      tpu.yield
    }) : () -> ()
    %dma_start3A_124 = arith.constant 0 : i32
    %dma_start3A_125 = arith.constant 0 : i32
    %dma_start3A_126 = tpu.memref_slice %arg2[%dma_start3A_124, %dma_start3A_125] : memref<10000x48xf32, #tpu.memory_space<hbm>> -> memref<10000x48xf32, #tpu.memory_space<hbm>>
    tpu.enqueue_indirect_dma source(%dma_start3A_126 : memref<10000x48xf32, #tpu.memory_space<hbm>>) target(%arg11 : memref<640x48xf32, #tpu.memory_space<vmem>>) offsets(%arg8 : memref<640xi32, #tpu.memory_space<vmem>>) semaphore(%arg13 : memref<!tpu.dma_semaphore, #tpu.memory_space<semaphore_mem>>)
    %dma_wait3A_127 = arith.constant 0 : i32
    %dma_wait3A_128 = arith.constant 0 : i32
    %dma_wait3A_129 = tpu.memref_slice %arg2[%dma_wait3A_127, %dma_wait3A_128] : memref<10000x48xf32, #tpu.memory_space<hbm>> -> memref<10000x48xf32, #tpu.memory_space<hbm>>
    tpu.wait_indirect_dma semaphore(%arg14 : memref<!tpu.dma_semaphore, #tpu.memory_space<semaphore_mem>>) src(%dma_wait3A_129 : memref<10000x48xf32, #tpu.memory_space<hbm>>) dst(%arg12 : memref<640x48xf32, #tpu.memory_space<vmem>>)
    %add3A_130 = arith.constant 5 : i32
    %add3A_131 = arith.addi %mul3A_6, %add3A_130 : i32
    "tpu.region"() ({
      %run_scoped3A = tpu.sem_alloc : memref<!tpu.dma_semaphore, #tpu.memory_space<semaphore_mem>>
      %dma_start3A_894 = arith.constant 0 : i32
      %dma_start3A_895 = tpu.memref_slice %arg4[%add3A_131, %dma_start3A_894] : memref<1280x128xi32, #tpu.memory_space<hbm>> -> memref<5x128xi32, #tpu.memory_space<hbm>>
      %dma_start3A_896 = arith.constant 0 : i32
      %dma_start3A_897 = tpu.memref_slice %arg4[%add3A_131, %dma_start3A_896] : memref<1280x128xi32, #tpu.memory_space<hbm>> -> memref<5x128xi32, #tpu.memory_space<hbm>>
      tpu.enqueue_dma source(%dma_start3A_897 : memref<5x128xi32, #tpu.memory_space<hbm>>) target(%arg10 : memref<5x128xi32, #tpu.memory_space<vmem>>) target_semaphore(%run_scoped3A : memref<!tpu.dma_semaphore, #tpu.memory_space<semaphore_mem>>)
      %dma_wait3A_898 = arith.constant 0 : i32
      %dma_wait3A_899 = tpu.memref_slice %arg4[%add3A_131, %dma_wait3A_898] : memref<1280x128xi32, #tpu.memory_space<hbm>> -> memref<5x128xi32, #tpu.memory_space<hbm>>
      %dma_wait3A_900 = arith.constant 0 : i32
      %dma_wait3A_901 = tpu.memref_slice %arg4[%add3A_131, %dma_wait3A_900] : memref<1280x128xi32, #tpu.memory_space<hbm>> -> memref<5x128xi32, #tpu.memory_space<hbm>>
      tpu.wait_dma2 semaphore(%run_scoped3A : memref<!tpu.dma_semaphore, #tpu.memory_space<semaphore_mem>>) src(%dma_wait3A_901 : memref<5x128xi32, #tpu.memory_space<hbm>>) dst(%arg10 : memref<5x128xi32, #tpu.memory_space<vmem>>)
      tpu.yield
    }) : () -> ()
    %dma_start3A_132 = arith.constant 0 : i32
    %dma_start3A_133 = arith.constant 0 : i32
    %dma_start3A_134 = arith.constant 0 : i32
    %dma_start3A_135 = tpu.memref_slice %arg12[%dma_start3A_133, %dma_start3A_134] : memref<640x48xf32, #tpu.memory_space<vmem>> -> memref<128x48xf32, #tpu.memory_space<vmem>>
    %dma_start3A_136 = arith.constant 0 : i32
    %dma_start3A_137 = tpu.memref_slice %arg10[%dma_start3A_132, %dma_start3A_136] : memref<5x128xi32, #tpu.memory_space<vmem>> -> memref<1x128xi32, #tpu.memory_space<vmem>>
    %dma_start3A_138 = tpu.memref_squeeze %dma_start3A_137 : memref<1x128xi32, #tpu.memory_space<vmem>> -> memref<128xi32, #tpu.memory_space<vmem>>
    %dma_start3A_139 = arith.constant 0 : i32
    %dma_start3A_140 = arith.constant 0 : i32
    %dma_start3A_141 = tpu.memref_slice %arg7[%dma_start3A_139, %dma_start3A_140] : memref<10240x48xf32, #tpu.memory_space<vmem_shared>> -> memref<10240x48xf32, #tpu.memory_space<vmem_shared>>
    tpu.enqueue_indirect_dma source(%dma_start3A_135 : memref<128x48xf32, #tpu.memory_space<vmem>>) target(%dma_start3A_141 : memref<10240x48xf32, #tpu.memory_space<vmem_shared>>) offsets(%dma_start3A_138 : memref<128xi32, #tpu.memory_space<vmem>>) semaphore(%arg15 : memref<!tpu.dma_semaphore, #tpu.memory_space<semaphore_mem>>) {add = true}
    %dma_start3A_142 = arith.constant 1 : i32
    %dma_start3A_143 = arith.constant 128 : i32
    %dma_start3A_144 = arith.constant 0 : i32
    %dma_start3A_145 = tpu.memref_slice %arg12[%dma_start3A_143, %dma_start3A_144] : memref<640x48xf32, #tpu.memory_space<vmem>> -> memref<128x48xf32, #tpu.memory_space<vmem>>
    %dma_start3A_146 = arith.constant 0 : i32
    %dma_start3A_147 = tpu.memref_slice %arg10[%dma_start3A_142, %dma_start3A_146] : memref<5x128xi32, #tpu.memory_space<vmem>> -> memref<1x128xi32, #tpu.memory_space<vmem>>
    %dma_start3A_148 = tpu.memref_squeeze %dma_start3A_147 : memref<1x128xi32, #tpu.memory_space<vmem>> -> memref<128xi32, #tpu.memory_space<vmem>>
    %dma_start3A_149 = arith.constant 0 : i32
    %dma_start3A_150 = arith.constant 0 : i32
    %dma_start3A_151 = tpu.memref_slice %arg7[%dma_start3A_149, %dma_start3A_150] : memref<10240x48xf32, #tpu.memory_space<vmem_shared>> -> memref<10240x48xf32, #tpu.memory_space<vmem_shared>>
    tpu.enqueue_indirect_dma source(%dma_start3A_145 : memref<128x48xf32, #tpu.memory_space<vmem>>) target(%dma_start3A_151 : memref<10240x48xf32, #tpu.memory_space<vmem_shared>>) offsets(%dma_start3A_148 : memref<128xi32, #tpu.memory_space<vmem>>) semaphore(%arg16 : memref<!tpu.dma_semaphore, #tpu.memory_space<semaphore_mem>>) {add = true}
    %dma_start3A_152 = arith.constant 2 : i32
    %dma_start3A_153 = arith.constant 256 : i32
    %dma_start3A_154 = arith.constant 0 : i32
    %dma_start3A_155 = tpu.memref_slice %arg12[%dma_start3A_153, %dma_start3A_154] : memref<640x48xf32, #tpu.memory_space<vmem>> -> memref<128x48xf32, #tpu.memory_space<vmem>>
    %dma_start3A_156 = arith.constant 0 : i32
    %dma_start3A_157 = tpu.memref_slice %arg10[%dma_start3A_152, %dma_start3A_156] : memref<5x128xi32, #tpu.memory_space<vmem>> -> memref<1x128xi32, #tpu.memory_space<vmem>>
    %dma_start3A_158 = tpu.memref_squeeze %dma_start3A_157 : memref<1x128xi32, #tpu.memory_space<vmem>> -> memref<128xi32, #tpu.memory_space<vmem>>
    %dma_start3A_159 = arith.constant 0 : i32
    %dma_start3A_160 = arith.constant 0 : i32
    %dma_start3A_161 = tpu.memref_slice %arg7[%dma_start3A_159, %dma_start3A_160] : memref<10240x48xf32, #tpu.memory_space<vmem_shared>> -> memref<10240x48xf32, #tpu.memory_space<vmem_shared>>
    tpu.enqueue_indirect_dma source(%dma_start3A_155 : memref<128x48xf32, #tpu.memory_space<vmem>>) target(%dma_start3A_161 : memref<10240x48xf32, #tpu.memory_space<vmem_shared>>) offsets(%dma_start3A_158 : memref<128xi32, #tpu.memory_space<vmem>>) semaphore(%arg15 : memref<!tpu.dma_semaphore, #tpu.memory_space<semaphore_mem>>) {add = true}
    %dma_start3A_162 = arith.constant 3 : i32
    %dma_start3A_163 = arith.constant 384 : i32
    %dma_start3A_164 = arith.constant 0 : i32
    %dma_start3A_165 = tpu.memref_slice %arg12[%dma_start3A_163, %dma_start3A_164] : memref<640x48xf32, #tpu.memory_space<vmem>> -> memref<128x48xf32, #tpu.memory_space<vmem>>
    %dma_start3A_166 = arith.constant 0 : i32
    %dma_start3A_167 = tpu.memref_slice %arg10[%dma_start3A_162, %dma_start3A_166] : memref<5x128xi32, #tpu.memory_space<vmem>> -> memref<1x128xi32, #tpu.memory_space<vmem>>
    %dma_start3A_168 = tpu.memref_squeeze %dma_start3A_167 : memref<1x128xi32, #tpu.memory_space<vmem>> -> memref<128xi32, #tpu.memory_space<vmem>>
    %dma_start3A_169 = arith.constant 0 : i32
    %dma_start3A_170 = arith.constant 0 : i32
    %dma_start3A_171 = tpu.memref_slice %arg7[%dma_start3A_169, %dma_start3A_170] : memref<10240x48xf32, #tpu.memory_space<vmem_shared>> -> memref<10240x48xf32, #tpu.memory_space<vmem_shared>>
    tpu.enqueue_indirect_dma source(%dma_start3A_165 : memref<128x48xf32, #tpu.memory_space<vmem>>) target(%dma_start3A_171 : memref<10240x48xf32, #tpu.memory_space<vmem_shared>>) offsets(%dma_start3A_168 : memref<128xi32, #tpu.memory_space<vmem>>) semaphore(%arg16 : memref<!tpu.dma_semaphore, #tpu.memory_space<semaphore_mem>>) {add = true}
    %dma_start3A_172 = arith.constant 4 : i32
    %dma_start3A_173 = arith.constant 512 : i32
    %dma_start3A_174 = arith.constant 0 : i32
    %dma_start3A_175 = tpu.memref_slice %arg12[%dma_start3A_173, %dma_start3A_174] : memref<640x48xf32, #tpu.memory_space<vmem>> -> memref<128x48xf32, #tpu.memory_space<vmem>>
    %dma_start3A_176 = arith.constant 0 : i32
    %dma_start3A_177 = tpu.memref_slice %arg10[%dma_start3A_172, %dma_start3A_176] : memref<5x128xi32, #tpu.memory_space<vmem>> -> memref<1x128xi32, #tpu.memory_space<vmem>>
    %dma_start3A_178 = tpu.memref_squeeze %dma_start3A_177 : memref<1x128xi32, #tpu.memory_space<vmem>> -> memref<128xi32, #tpu.memory_space<vmem>>
    %dma_start3A_179 = arith.constant 0 : i32
    %dma_start3A_180 = arith.constant 0 : i32
    %dma_start3A_181 = tpu.memref_slice %arg7[%dma_start3A_179, %dma_start3A_180] : memref<10240x48xf32, #tpu.memory_space<vmem_shared>> -> memref<10240x48xf32, #tpu.memory_space<vmem_shared>>
    tpu.enqueue_indirect_dma source(%dma_start3A_175 : memref<128x48xf32, #tpu.memory_space<vmem>>) target(%dma_start3A_181 : memref<10240x48xf32, #tpu.memory_space<vmem_shared>>) offsets(%dma_start3A_178 : memref<128xi32, #tpu.memory_space<vmem>>) semaphore(%arg15 : memref<!tpu.dma_semaphore, #tpu.memory_space<semaphore_mem>>) {add = true}
    %dma_wait3A_182 = arith.constant 0 : i32
    %dma_wait3A_183 = arith.constant 0 : i32
    %dma_wait3A_184 = arith.constant 0 : i32
    %dma_wait3A_185 = tpu.memref_slice %arg12[%dma_wait3A_183, %dma_wait3A_184] : memref<640x48xf32, #tpu.memory_space<vmem>> -> memref<128x48xf32, #tpu.memory_space<vmem>>
    %dma_wait3A_186 = arith.constant 0 : i32
    %dma_wait3A_187 = tpu.memref_slice %arg10[%dma_wait3A_182, %dma_wait3A_186] : memref<5x128xi32, #tpu.memory_space<vmem>> -> memref<1x128xi32, #tpu.memory_space<vmem>>
    %dma_wait3A_188 = tpu.memref_squeeze %dma_wait3A_187 : memref<1x128xi32, #tpu.memory_space<vmem>> -> memref<128xi32, #tpu.memory_space<vmem>>
    %dma_wait3A_189 = arith.constant 0 : i32
    %dma_wait3A_190 = arith.constant 0 : i32
    %dma_wait3A_191 = tpu.memref_slice %arg7[%dma_wait3A_189, %dma_wait3A_190] : memref<10240x48xf32, #tpu.memory_space<vmem_shared>> -> memref<10240x48xf32, #tpu.memory_space<vmem_shared>>
    tpu.wait_indirect_dma semaphore(%arg15 : memref<!tpu.dma_semaphore, #tpu.memory_space<semaphore_mem>>) src(%dma_wait3A_185 : memref<128x48xf32, #tpu.memory_space<vmem>>) dst(%dma_wait3A_191 : memref<10240x48xf32, #tpu.memory_space<vmem_shared>>)
    %dma_wait3A_192 = arith.constant 1 : i32
    %dma_wait3A_193 = arith.constant 128 : i32
    %dma_wait3A_194 = arith.constant 0 : i32
    %dma_wait3A_195 = tpu.memref_slice %arg12[%dma_wait3A_193, %dma_wait3A_194] : memref<640x48xf32, #tpu.memory_space<vmem>> -> memref<128x48xf32, #tpu.memory_space<vmem>>
    %dma_wait3A_196 = arith.constant 0 : i32
    %dma_wait3A_197 = tpu.memref_slice %arg10[%dma_wait3A_192, %dma_wait3A_196] : memref<5x128xi32, #tpu.memory_space<vmem>> -> memref<1x128xi32, #tpu.memory_space<vmem>>
    %dma_wait3A_198 = tpu.memref_squeeze %dma_wait3A_197 : memref<1x128xi32, #tpu.memory_space<vmem>> -> memref<128xi32, #tpu.memory_space<vmem>>
    %dma_wait3A_199 = arith.constant 0 : i32
    %dma_wait3A_200 = arith.constant 0 : i32
    %dma_wait3A_201 = tpu.memref_slice %arg7[%dma_wait3A_199, %dma_wait3A_200] : memref<10240x48xf32, #tpu.memory_space<vmem_shared>> -> memref<10240x48xf32, #tpu.memory_space<vmem_shared>>
    tpu.wait_indirect_dma semaphore(%arg16 : memref<!tpu.dma_semaphore, #tpu.memory_space<semaphore_mem>>) src(%dma_wait3A_195 : memref<128x48xf32, #tpu.memory_space<vmem>>) dst(%dma_wait3A_201 : memref<10240x48xf32, #tpu.memory_space<vmem_shared>>)
    %dma_wait3A_202 = arith.constant 2 : i32
    %dma_wait3A_203 = arith.constant 256 : i32
    %dma_wait3A_204 = arith.constant 0 : i32
    %dma_wait3A_205 = tpu.memref_slice %arg12[%dma_wait3A_203, %dma_wait3A_204] : memref<640x48xf32, #tpu.memory_space<vmem>> -> memref<128x48xf32, #tpu.memory_space<vmem>>
    %dma_wait3A_206 = arith.constant 0 : i32
    %dma_wait3A_207 = tpu.memref_slice %arg10[%dma_wait3A_202, %dma_wait3A_206] : memref<5x128xi32, #tpu.memory_space<vmem>> -> memref<1x128xi32, #tpu.memory_space<vmem>>
    %dma_wait3A_208 = tpu.memref_squeeze %dma_wait3A_207 : memref<1x128xi32, #tpu.memory_space<vmem>> -> memref<128xi32, #tpu.memory_space<vmem>>
    %dma_wait3A_209 = arith.constant 0 : i32
    %dma_wait3A_210 = arith.constant 0 : i32
    %dma_wait3A_211 = tpu.memref_slice %arg7[%dma_wait3A_209, %dma_wait3A_210] : memref<10240x48xf32, #tpu.memory_space<vmem_shared>> -> memref<10240x48xf32, #tpu.memory_space<vmem_shared>>
    tpu.wait_indirect_dma semaphore(%arg15 : memref<!tpu.dma_semaphore, #tpu.memory_space<semaphore_mem>>) src(%dma_wait3A_205 : memref<128x48xf32, #tpu.memory_space<vmem>>) dst(%dma_wait3A_211 : memref<10240x48xf32, #tpu.memory_space<vmem_shared>>)
    %dma_wait3A_212 = arith.constant 3 : i32
    %dma_wait3A_213 = arith.constant 384 : i32
    %dma_wait3A_214 = arith.constant 0 : i32
    %dma_wait3A_215 = tpu.memref_slice %arg12[%dma_wait3A_213, %dma_wait3A_214] : memref<640x48xf32, #tpu.memory_space<vmem>> -> memref<128x48xf32, #tpu.memory_space<vmem>>
    %dma_wait3A_216 = arith.constant 0 : i32
    %dma_wait3A_217 = tpu.memref_slice %arg10[%dma_wait3A_212, %dma_wait3A_216] : memref<5x128xi32, #tpu.memory_space<vmem>> -> memref<1x128xi32, #tpu.memory_space<vmem>>
    %dma_wait3A_218 = tpu.memref_squeeze %dma_wait3A_217 : memref<1x128xi32, #tpu.memory_space<vmem>> -> memref<128xi32, #tpu.memory_space<vmem>>
    %dma_wait3A_219 = arith.constant 0 : i32
    %dma_wait3A_220 = arith.constant 0 : i32
    %dma_wait3A_221 = tpu.memref_slice %arg7[%dma_wait3A_219, %dma_wait3A_220] : memref<10240x48xf32, #tpu.memory_space<vmem_shared>> -> memref<10240x48xf32, #tpu.memory_space<vmem_shared>>
    tpu.wait_indirect_dma semaphore(%arg16 : memref<!tpu.dma_semaphore, #tpu.memory_space<semaphore_mem>>) src(%dma_wait3A_215 : memref<128x48xf32, #tpu.memory_space<vmem>>) dst(%dma_wait3A_221 : memref<10240x48xf32, #tpu.memory_space<vmem_shared>>)
    %dma_wait3A_222 = arith.constant 4 : i32
    %dma_wait3A_223 = arith.constant 512 : i32
    %dma_wait3A_224 = arith.constant 0 : i32
    %dma_wait3A_225 = tpu.memref_slice %arg12[%dma_wait3A_223, %dma_wait3A_224] : memref<640x48xf32, #tpu.memory_space<vmem>> -> memref<128x48xf32, #tpu.memory_space<vmem>>
    %dma_wait3A_226 = arith.constant 0 : i32
    %dma_wait3A_227 = tpu.memref_slice %arg10[%dma_wait3A_222, %dma_wait3A_226] : memref<5x128xi32, #tpu.memory_space<vmem>> -> memref<1x128xi32, #tpu.memory_space<vmem>>
    %dma_wait3A_228 = tpu.memref_squeeze %dma_wait3A_227 : memref<1x128xi32, #tpu.memory_space<vmem>> -> memref<128xi32, #tpu.memory_space<vmem>>
    %dma_wait3A_229 = arith.constant 0 : i32
    %dma_wait3A_230 = arith.constant 0 : i32
    %dma_wait3A_231 = tpu.memref_slice %arg7[%dma_wait3A_229, %dma_wait3A_230] : memref<10240x48xf32, #tpu.memory_space<vmem_shared>> -> memref<10240x48xf32, #tpu.memory_space<vmem_shared>>
    tpu.wait_indirect_dma semaphore(%arg15 : memref<!tpu.dma_semaphore, #tpu.memory_space<semaphore_mem>>) src(%dma_wait3A_225 : memref<128x48xf32, #tpu.memory_space<vmem>>) dst(%dma_wait3A_231 : memref<10240x48xf32, #tpu.memory_space<vmem_shared>>)
    %add3A_232 = arith.constant 1920 : i32
    %add3A_233 = arith.addi %mul3A_8, %add3A_232 : i32
    "tpu.region"() ({
      %run_scoped3A = tpu.sem_alloc : memref<!tpu.dma_semaphore, #tpu.memory_space<semaphore_mem>>
      %dma_start3A_894 = tpu.memref_slice %arg3[%add3A_233] : memref<163840xi32, #tpu.memory_space<hbm>> -> memref<640xi32, #tpu.memory_space<hbm>>
      %dma_start3A_895 = tpu.memref_slice %arg3[%add3A_233] : memref<163840xi32, #tpu.memory_space<hbm>> -> memref<640xi32, #tpu.memory_space<hbm>>
      tpu.enqueue_dma source(%dma_start3A_895 : memref<640xi32, #tpu.memory_space<hbm>>) target(%arg9 : memref<640xi32, #tpu.memory_space<vmem>>) target_semaphore(%run_scoped3A : memref<!tpu.dma_semaphore, #tpu.memory_space<semaphore_mem>>)
      %dma_wait3A_896 = tpu.memref_slice %arg3[%add3A_233] : memref<163840xi32, #tpu.memory_space<hbm>> -> memref<640xi32, #tpu.memory_space<hbm>>
      %dma_wait3A_897 = tpu.memref_slice %arg3[%add3A_233] : memref<163840xi32, #tpu.memory_space<hbm>> -> memref<640xi32, #tpu.memory_space<hbm>>
      tpu.wait_dma2 semaphore(%run_scoped3A : memref<!tpu.dma_semaphore, #tpu.memory_space<semaphore_mem>>) src(%dma_wait3A_897 : memref<640xi32, #tpu.memory_space<hbm>>) dst(%arg9 : memref<640xi32, #tpu.memory_space<vmem>>)
      tpu.yield
    }) : () -> ()
    %dma_start3A_234 = arith.constant 0 : i32
    %dma_start3A_235 = arith.constant 0 : i32
    %dma_start3A_236 = tpu.memref_slice %arg2[%dma_start3A_234, %dma_start3A_235] : memref<10000x48xf32, #tpu.memory_space<hbm>> -> memref<10000x48xf32, #tpu.memory_space<hbm>>
    tpu.enqueue_indirect_dma source(%dma_start3A_236 : memref<10000x48xf32, #tpu.memory_space<hbm>>) target(%arg12 : memref<640x48xf32, #tpu.memory_space<vmem>>) offsets(%arg9 : memref<640xi32, #tpu.memory_space<vmem>>) semaphore(%arg14 : memref<!tpu.dma_semaphore, #tpu.memory_space<semaphore_mem>>)
    %dma_wait3A_237 = arith.constant 0 : i32
    %dma_wait3A_238 = arith.constant 0 : i32
    %dma_wait3A_239 = tpu.memref_slice %arg2[%dma_wait3A_237, %dma_wait3A_238] : memref<10000x48xf32, #tpu.memory_space<hbm>> -> memref<10000x48xf32, #tpu.memory_space<hbm>>
    tpu.wait_indirect_dma semaphore(%arg13 : memref<!tpu.dma_semaphore, #tpu.memory_space<semaphore_mem>>) src(%dma_wait3A_239 : memref<10000x48xf32, #tpu.memory_space<hbm>>) dst(%arg11 : memref<640x48xf32, #tpu.memory_space<vmem>>)
    %add3A_240 = arith.constant 10 : i32
    %add3A_241 = arith.addi %mul3A_6, %add3A_240 : i32
    "tpu.region"() ({
      %run_scoped3A = tpu.sem_alloc : memref<!tpu.dma_semaphore, #tpu.memory_space<semaphore_mem>>
      %dma_start3A_894 = arith.constant 0 : i32
      %dma_start3A_895 = tpu.memref_slice %arg4[%add3A_241, %dma_start3A_894] : memref<1280x128xi32, #tpu.memory_space<hbm>> -> memref<5x128xi32, #tpu.memory_space<hbm>>
      %dma_start3A_896 = arith.constant 0 : i32
      %dma_start3A_897 = tpu.memref_slice %arg4[%add3A_241, %dma_start3A_896] : memref<1280x128xi32, #tpu.memory_space<hbm>> -> memref<5x128xi32, #tpu.memory_space<hbm>>
      tpu.enqueue_dma source(%dma_start3A_897 : memref<5x128xi32, #tpu.memory_space<hbm>>) target(%arg10 : memref<5x128xi32, #tpu.memory_space<vmem>>) target_semaphore(%run_scoped3A : memref<!tpu.dma_semaphore, #tpu.memory_space<semaphore_mem>>)
      %dma_wait3A_898 = arith.constant 0 : i32
      %dma_wait3A_899 = tpu.memref_slice %arg4[%add3A_241, %dma_wait3A_898] : memref<1280x128xi32, #tpu.memory_space<hbm>> -> memref<5x128xi32, #tpu.memory_space<hbm>>
      %dma_wait3A_900 = arith.constant 0 : i32
      %dma_wait3A_901 = tpu.memref_slice %arg4[%add3A_241, %dma_wait3A_900] : memref<1280x128xi32, #tpu.memory_space<hbm>> -> memref<5x128xi32, #tpu.memory_space<hbm>>
      tpu.wait_dma2 semaphore(%run_scoped3A : memref<!tpu.dma_semaphore, #tpu.memory_space<semaphore_mem>>) src(%dma_wait3A_901 : memref<5x128xi32, #tpu.memory_space<hbm>>) dst(%arg10 : memref<5x128xi32, #tpu.memory_space<vmem>>)
      tpu.yield
    }) : () -> ()
    %dma_start3A_242 = arith.constant 0 : i32
    %dma_start3A_243 = arith.constant 0 : i32
    %dma_start3A_244 = arith.constant 0 : i32
    %dma_start3A_245 = tpu.memref_slice %arg11[%dma_start3A_243, %dma_start3A_244] : memref<640x48xf32, #tpu.memory_space<vmem>> -> memref<128x48xf32, #tpu.memory_space<vmem>>
    %dma_start3A_246 = arith.constant 0 : i32
    %dma_start3A_247 = tpu.memref_slice %arg10[%dma_start3A_242, %dma_start3A_246] : memref<5x128xi32, #tpu.memory_space<vmem>> -> memref<1x128xi32, #tpu.memory_space<vmem>>
    %dma_start3A_248 = tpu.memref_squeeze %dma_start3A_247 : memref<1x128xi32, #tpu.memory_space<vmem>> -> memref<128xi32, #tpu.memory_space<vmem>>
    %dma_start3A_249 = arith.constant 0 : i32
    %dma_start3A_250 = arith.constant 0 : i32
    %dma_start3A_251 = tpu.memref_slice %arg7[%dma_start3A_249, %dma_start3A_250] : memref<10240x48xf32, #tpu.memory_space<vmem_shared>> -> memref<10240x48xf32, #tpu.memory_space<vmem_shared>>
    tpu.enqueue_indirect_dma source(%dma_start3A_245 : memref<128x48xf32, #tpu.memory_space<vmem>>) target(%dma_start3A_251 : memref<10240x48xf32, #tpu.memory_space<vmem_shared>>) offsets(%dma_start3A_248 : memref<128xi32, #tpu.memory_space<vmem>>) semaphore(%arg15 : memref<!tpu.dma_semaphore, #tpu.memory_space<semaphore_mem>>) {add = true}
    %dma_start3A_252 = arith.constant 1 : i32
    %dma_start3A_253 = arith.constant 128 : i32
    %dma_start3A_254 = arith.constant 0 : i32
    %dma_start3A_255 = tpu.memref_slice %arg11[%dma_start3A_253, %dma_start3A_254] : memref<640x48xf32, #tpu.memory_space<vmem>> -> memref<128x48xf32, #tpu.memory_space<vmem>>
    %dma_start3A_256 = arith.constant 0 : i32
    %dma_start3A_257 = tpu.memref_slice %arg10[%dma_start3A_252, %dma_start3A_256] : memref<5x128xi32, #tpu.memory_space<vmem>> -> memref<1x128xi32, #tpu.memory_space<vmem>>
    %dma_start3A_258 = tpu.memref_squeeze %dma_start3A_257 : memref<1x128xi32, #tpu.memory_space<vmem>> -> memref<128xi32, #tpu.memory_space<vmem>>
    %dma_start3A_259 = arith.constant 0 : i32
    %dma_start3A_260 = arith.constant 0 : i32
    %dma_start3A_261 = tpu.memref_slice %arg7[%dma_start3A_259, %dma_start3A_260] : memref<10240x48xf32, #tpu.memory_space<vmem_shared>> -> memref<10240x48xf32, #tpu.memory_space<vmem_shared>>
    tpu.enqueue_indirect_dma source(%dma_start3A_255 : memref<128x48xf32, #tpu.memory_space<vmem>>) target(%dma_start3A_261 : memref<10240x48xf32, #tpu.memory_space<vmem_shared>>) offsets(%dma_start3A_258 : memref<128xi32, #tpu.memory_space<vmem>>) semaphore(%arg16 : memref<!tpu.dma_semaphore, #tpu.memory_space<semaphore_mem>>) {add = true}
    %dma_start3A_262 = arith.constant 2 : i32
    %dma_start3A_263 = arith.constant 256 : i32
    %dma_start3A_264 = arith.constant 0 : i32
    %dma_start3A_265 = tpu.memref_slice %arg11[%dma_start3A_263, %dma_start3A_264] : memref<640x48xf32, #tpu.memory_space<vmem>> -> memref<128x48xf32, #tpu.memory_space<vmem>>
    %dma_start3A_266 = arith.constant 0 : i32
    %dma_start3A_267 = tpu.memref_slice %arg10[%dma_start3A_262, %dma_start3A_266] : memref<5x128xi32, #tpu.memory_space<vmem>> -> memref<1x128xi32, #tpu.memory_space<vmem>>
    %dma_start3A_268 = tpu.memref_squeeze %dma_start3A_267 : memref<1x128xi32, #tpu.memory_space<vmem>> -> memref<128xi32, #tpu.memory_space<vmem>>
    %dma_start3A_269 = arith.constant 0 : i32
    %dma_start3A_270 = arith.constant 0 : i32
    %dma_start3A_271 = tpu.memref_slice %arg7[%dma_start3A_269, %dma_start3A_270] : memref<10240x48xf32, #tpu.memory_space<vmem_shared>> -> memref<10240x48xf32, #tpu.memory_space<vmem_shared>>
    tpu.enqueue_indirect_dma source(%dma_start3A_265 : memref<128x48xf32, #tpu.memory_space<vmem>>) target(%dma_start3A_271 : memref<10240x48xf32, #tpu.memory_space<vmem_shared>>) offsets(%dma_start3A_268 : memref<128xi32, #tpu.memory_space<vmem>>) semaphore(%arg15 : memref<!tpu.dma_semaphore, #tpu.memory_space<semaphore_mem>>) {add = true}
    %dma_start3A_272 = arith.constant 3 : i32
    %dma_start3A_273 = arith.constant 384 : i32
    %dma_start3A_274 = arith.constant 0 : i32
    %dma_start3A_275 = tpu.memref_slice %arg11[%dma_start3A_273, %dma_start3A_274] : memref<640x48xf32, #tpu.memory_space<vmem>> -> memref<128x48xf32, #tpu.memory_space<vmem>>
    %dma_start3A_276 = arith.constant 0 : i32
    %dma_start3A_277 = tpu.memref_slice %arg10[%dma_start3A_272, %dma_start3A_276] : memref<5x128xi32, #tpu.memory_space<vmem>> -> memref<1x128xi32, #tpu.memory_space<vmem>>
    %dma_start3A_278 = tpu.memref_squeeze %dma_start3A_277 : memref<1x128xi32, #tpu.memory_space<vmem>> -> memref<128xi32, #tpu.memory_space<vmem>>
    %dma_start3A_279 = arith.constant 0 : i32
    %dma_start3A_280 = arith.constant 0 : i32
    %dma_start3A_281 = tpu.memref_slice %arg7[%dma_start3A_279, %dma_start3A_280] : memref<10240x48xf32, #tpu.memory_space<vmem_shared>> -> memref<10240x48xf32, #tpu.memory_space<vmem_shared>>
    tpu.enqueue_indirect_dma source(%dma_start3A_275 : memref<128x48xf32, #tpu.memory_space<vmem>>) target(%dma_start3A_281 : memref<10240x48xf32, #tpu.memory_space<vmem_shared>>) offsets(%dma_start3A_278 : memref<128xi32, #tpu.memory_space<vmem>>) semaphore(%arg16 : memref<!tpu.dma_semaphore, #tpu.memory_space<semaphore_mem>>) {add = true}
    %dma_start3A_282 = arith.constant 4 : i32
    %dma_start3A_283 = arith.constant 512 : i32
    %dma_start3A_284 = arith.constant 0 : i32
    %dma_start3A_285 = tpu.memref_slice %arg11[%dma_start3A_283, %dma_start3A_284] : memref<640x48xf32, #tpu.memory_space<vmem>> -> memref<128x48xf32, #tpu.memory_space<vmem>>
    %dma_start3A_286 = arith.constant 0 : i32
    %dma_start3A_287 = tpu.memref_slice %arg10[%dma_start3A_282, %dma_start3A_286] : memref<5x128xi32, #tpu.memory_space<vmem>> -> memref<1x128xi32, #tpu.memory_space<vmem>>
    %dma_start3A_288 = tpu.memref_squeeze %dma_start3A_287 : memref<1x128xi32, #tpu.memory_space<vmem>> -> memref<128xi32, #tpu.memory_space<vmem>>
    %dma_start3A_289 = arith.constant 0 : i32
    %dma_start3A_290 = arith.constant 0 : i32
    %dma_start3A_291 = tpu.memref_slice %arg7[%dma_start3A_289, %dma_start3A_290] : memref<10240x48xf32, #tpu.memory_space<vmem_shared>> -> memref<10240x48xf32, #tpu.memory_space<vmem_shared>>
    tpu.enqueue_indirect_dma source(%dma_start3A_285 : memref<128x48xf32, #tpu.memory_space<vmem>>) target(%dma_start3A_291 : memref<10240x48xf32, #tpu.memory_space<vmem_shared>>) offsets(%dma_start3A_288 : memref<128xi32, #tpu.memory_space<vmem>>) semaphore(%arg15 : memref<!tpu.dma_semaphore, #tpu.memory_space<semaphore_mem>>) {add = true}
    %dma_wait3A_292 = arith.constant 0 : i32
    %dma_wait3A_293 = arith.constant 0 : i32
    %dma_wait3A_294 = arith.constant 0 : i32
    %dma_wait3A_295 = tpu.memref_slice %arg11[%dma_wait3A_293, %dma_wait3A_294] : memref<640x48xf32, #tpu.memory_space<vmem>> -> memref<128x48xf32, #tpu.memory_space<vmem>>
    %dma_wait3A_296 = arith.constant 0 : i32
    %dma_wait3A_297 = tpu.memref_slice %arg10[%dma_wait3A_292, %dma_wait3A_296] : memref<5x128xi32, #tpu.memory_space<vmem>> -> memref<1x128xi32, #tpu.memory_space<vmem>>
    %dma_wait3A_298 = tpu.memref_squeeze %dma_wait3A_297 : memref<1x128xi32, #tpu.memory_space<vmem>> -> memref<128xi32, #tpu.memory_space<vmem>>
    %dma_wait3A_299 = arith.constant 0 : i32
    %dma_wait3A_300 = arith.constant 0 : i32
    %dma_wait3A_301 = tpu.memref_slice %arg7[%dma_wait3A_299, %dma_wait3A_300] : memref<10240x48xf32, #tpu.memory_space<vmem_shared>> -> memref<10240x48xf32, #tpu.memory_space<vmem_shared>>
    tpu.wait_indirect_dma semaphore(%arg15 : memref<!tpu.dma_semaphore, #tpu.memory_space<semaphore_mem>>) src(%dma_wait3A_295 : memref<128x48xf32, #tpu.memory_space<vmem>>) dst(%dma_wait3A_301 : memref<10240x48xf32, #tpu.memory_space<vmem_shared>>)
    %dma_wait3A_302 = arith.constant 1 : i32
    %dma_wait3A_303 = arith.constant 128 : i32
    %dma_wait3A_304 = arith.constant 0 : i32
    %dma_wait3A_305 = tpu.memref_slice %arg11[%dma_wait3A_303, %dma_wait3A_304] : memref<640x48xf32, #tpu.memory_space<vmem>> -> memref<128x48xf32, #tpu.memory_space<vmem>>
    %dma_wait3A_306 = arith.constant 0 : i32
    %dma_wait3A_307 = tpu.memref_slice %arg10[%dma_wait3A_302, %dma_wait3A_306] : memref<5x128xi32, #tpu.memory_space<vmem>> -> memref<1x128xi32, #tpu.memory_space<vmem>>
    %dma_wait3A_308 = tpu.memref_squeeze %dma_wait3A_307 : memref<1x128xi32, #tpu.memory_space<vmem>> -> memref<128xi32, #tpu.memory_space<vmem>>
    %dma_wait3A_309 = arith.constant 0 : i32
    %dma_wait3A_310 = arith.constant 0 : i32
    %dma_wait3A_311 = tpu.memref_slice %arg7[%dma_wait3A_309, %dma_wait3A_310] : memref<10240x48xf32, #tpu.memory_space<vmem_shared>> -> memref<10240x48xf32, #tpu.memory_space<vmem_shared>>
    tpu.wait_indirect_dma semaphore(%arg16 : memref<!tpu.dma_semaphore, #tpu.memory_space<semaphore_mem>>) src(%dma_wait3A_305 : memref<128x48xf32, #tpu.memory_space<vmem>>) dst(%dma_wait3A_311 : memref<10240x48xf32, #tpu.memory_space<vmem_shared>>)
    %dma_wait3A_312 = arith.constant 2 : i32
    %dma_wait3A_313 = arith.constant 256 : i32
    %dma_wait3A_314 = arith.constant 0 : i32
    %dma_wait3A_315 = tpu.memref_slice %arg11[%dma_wait3A_313, %dma_wait3A_314] : memref<640x48xf32, #tpu.memory_space<vmem>> -> memref<128x48xf32, #tpu.memory_space<vmem>>
    %dma_wait3A_316 = arith.constant 0 : i32
    %dma_wait3A_317 = tpu.memref_slice %arg10[%dma_wait3A_312, %dma_wait3A_316] : memref<5x128xi32, #tpu.memory_space<vmem>> -> memref<1x128xi32, #tpu.memory_space<vmem>>
    %dma_wait3A_318 = tpu.memref_squeeze %dma_wait3A_317 : memref<1x128xi32, #tpu.memory_space<vmem>> -> memref<128xi32, #tpu.memory_space<vmem>>
    %dma_wait3A_319 = arith.constant 0 : i32
    %dma_wait3A_320 = arith.constant 0 : i32
    %dma_wait3A_321 = tpu.memref_slice %arg7[%dma_wait3A_319, %dma_wait3A_320] : memref<10240x48xf32, #tpu.memory_space<vmem_shared>> -> memref<10240x48xf32, #tpu.memory_space<vmem_shared>>
    tpu.wait_indirect_dma semaphore(%arg15 : memref<!tpu.dma_semaphore, #tpu.memory_space<semaphore_mem>>) src(%dma_wait3A_315 : memref<128x48xf32, #tpu.memory_space<vmem>>) dst(%dma_wait3A_321 : memref<10240x48xf32, #tpu.memory_space<vmem_shared>>)
    %dma_wait3A_322 = arith.constant 3 : i32
    %dma_wait3A_323 = arith.constant 384 : i32
    %dma_wait3A_324 = arith.constant 0 : i32
    %dma_wait3A_325 = tpu.memref_slice %arg11[%dma_wait3A_323, %dma_wait3A_324] : memref<640x48xf32, #tpu.memory_space<vmem>> -> memref<128x48xf32, #tpu.memory_space<vmem>>
    %dma_wait3A_326 = arith.constant 0 : i32
    %dma_wait3A_327 = tpu.memref_slice %arg10[%dma_wait3A_322, %dma_wait3A_326] : memref<5x128xi32, #tpu.memory_space<vmem>> -> memref<1x128xi32, #tpu.memory_space<vmem>>
    %dma_wait3A_328 = tpu.memref_squeeze %dma_wait3A_327 : memref<1x128xi32, #tpu.memory_space<vmem>> -> memref<128xi32, #tpu.memory_space<vmem>>
    %dma_wait3A_329 = arith.constant 0 : i32
    %dma_wait3A_330 = arith.constant 0 : i32
    %dma_wait3A_331 = tpu.memref_slice %arg7[%dma_wait3A_329, %dma_wait3A_330] : memref<10240x48xf32, #tpu.memory_space<vmem_shared>> -> memref<10240x48xf32, #tpu.memory_space<vmem_shared>>
    tpu.wait_indirect_dma semaphore(%arg16 : memref<!tpu.dma_semaphore, #tpu.memory_space<semaphore_mem>>) src(%dma_wait3A_325 : memref<128x48xf32, #tpu.memory_space<vmem>>) dst(%dma_wait3A_331 : memref<10240x48xf32, #tpu.memory_space<vmem_shared>>)
    %dma_wait3A_332 = arith.constant 4 : i32
    %dma_wait3A_333 = arith.constant 512 : i32
    %dma_wait3A_334 = arith.constant 0 : i32
    %dma_wait3A_335 = tpu.memref_slice %arg11[%dma_wait3A_333, %dma_wait3A_334] : memref<640x48xf32, #tpu.memory_space<vmem>> -> memref<128x48xf32, #tpu.memory_space<vmem>>
    %dma_wait3A_336 = arith.constant 0 : i32
    %dma_wait3A_337 = tpu.memref_slice %arg10[%dma_wait3A_332, %dma_wait3A_336] : memref<5x128xi32, #tpu.memory_space<vmem>> -> memref<1x128xi32, #tpu.memory_space<vmem>>
    %dma_wait3A_338 = tpu.memref_squeeze %dma_wait3A_337 : memref<1x128xi32, #tpu.memory_space<vmem>> -> memref<128xi32, #tpu.memory_space<vmem>>
    %dma_wait3A_339 = arith.constant 0 : i32
    %dma_wait3A_340 = arith.constant 0 : i32
    %dma_wait3A_341 = tpu.memref_slice %arg7[%dma_wait3A_339, %dma_wait3A_340] : memref<10240x48xf32, #tpu.memory_space<vmem_shared>> -> memref<10240x48xf32, #tpu.memory_space<vmem_shared>>
    tpu.wait_indirect_dma semaphore(%arg15 : memref<!tpu.dma_semaphore, #tpu.memory_space<semaphore_mem>>) src(%dma_wait3A_335 : memref<128x48xf32, #tpu.memory_space<vmem>>) dst(%dma_wait3A_341 : memref<10240x48xf32, #tpu.memory_space<vmem_shared>>)
    %add3A_342 = arith.constant 2560 : i32
    %add3A_343 = arith.addi %mul3A_8, %add3A_342 : i32
    "tpu.region"() ({
      %run_scoped3A = tpu.sem_alloc : memref<!tpu.dma_semaphore, #tpu.memory_space<semaphore_mem>>
      %dma_start3A_894 = tpu.memref_slice %arg3[%add3A_343] : memref<163840xi32, #tpu.memory_space<hbm>> -> memref<640xi32, #tpu.memory_space<hbm>>
      %dma_start3A_895 = tpu.memref_slice %arg3[%add3A_343] : memref<163840xi32, #tpu.memory_space<hbm>> -> memref<640xi32, #tpu.memory_space<hbm>>
      tpu.enqueue_dma source(%dma_start3A_895 : memref<640xi32, #tpu.memory_space<hbm>>) target(%arg8 : memref<640xi32, #tpu.memory_space<vmem>>) target_semaphore(%run_scoped3A : memref<!tpu.dma_semaphore, #tpu.memory_space<semaphore_mem>>)
      %dma_wait3A_896 = tpu.memref_slice %arg3[%add3A_343] : memref<163840xi32, #tpu.memory_space<hbm>> -> memref<640xi32, #tpu.memory_space<hbm>>
      %dma_wait3A_897 = tpu.memref_slice %arg3[%add3A_343] : memref<163840xi32, #tpu.memory_space<hbm>> -> memref<640xi32, #tpu.memory_space<hbm>>
      tpu.wait_dma2 semaphore(%run_scoped3A : memref<!tpu.dma_semaphore, #tpu.memory_space<semaphore_mem>>) src(%dma_wait3A_897 : memref<640xi32, #tpu.memory_space<hbm>>) dst(%arg8 : memref<640xi32, #tpu.memory_space<vmem>>)
      tpu.yield
    }) : () -> ()
    %dma_start3A_344 = arith.constant 0 : i32
    %dma_start3A_345 = arith.constant 0 : i32
    %dma_start3A_346 = tpu.memref_slice %arg2[%dma_start3A_344, %dma_start3A_345] : memref<10000x48xf32, #tpu.memory_space<hbm>> -> memref<10000x48xf32, #tpu.memory_space<hbm>>
    tpu.enqueue_indirect_dma source(%dma_start3A_346 : memref<10000x48xf32, #tpu.memory_space<hbm>>) target(%arg11 : memref<640x48xf32, #tpu.memory_space<vmem>>) offsets(%arg8 : memref<640xi32, #tpu.memory_space<vmem>>) semaphore(%arg13 : memref<!tpu.dma_semaphore, #tpu.memory_space<semaphore_mem>>)
    %dma_wait3A_347 = arith.constant 0 : i32
    %dma_wait3A_348 = arith.constant 0 : i32
    %dma_wait3A_349 = tpu.memref_slice %arg2[%dma_wait3A_347, %dma_wait3A_348] : memref<10000x48xf32, #tpu.memory_space<hbm>> -> memref<10000x48xf32, #tpu.memory_space<hbm>>
    tpu.wait_indirect_dma semaphore(%arg14 : memref<!tpu.dma_semaphore, #tpu.memory_space<semaphore_mem>>) src(%dma_wait3A_349 : memref<10000x48xf32, #tpu.memory_space<hbm>>) dst(%arg12 : memref<640x48xf32, #tpu.memory_space<vmem>>)
    %add3A_350 = arith.constant 15 : i32
    %add3A_351 = arith.addi %mul3A_6, %add3A_350 : i32
    "tpu.region"() ({
      %run_scoped3A = tpu.sem_alloc : memref<!tpu.dma_semaphore, #tpu.memory_space<semaphore_mem>>
      %dma_start3A_894 = arith.constant 0 : i32
      %dma_start3A_895 = tpu.memref_slice %arg4[%add3A_351, %dma_start3A_894] : memref<1280x128xi32, #tpu.memory_space<hbm>> -> memref<5x128xi32, #tpu.memory_space<hbm>>
      %dma_start3A_896 = arith.constant 0 : i32
      %dma_start3A_897 = tpu.memref_slice %arg4[%add3A_351, %dma_start3A_896] : memref<1280x128xi32, #tpu.memory_space<hbm>> -> memref<5x128xi32, #tpu.memory_space<hbm>>
      tpu.enqueue_dma source(%dma_start3A_897 : memref<5x128xi32, #tpu.memory_space<hbm>>) target(%arg10 : memref<5x128xi32, #tpu.memory_space<vmem>>) target_semaphore(%run_scoped3A : memref<!tpu.dma_semaphore, #tpu.memory_space<semaphore_mem>>)
      %dma_wait3A_898 = arith.constant 0 : i32
      %dma_wait3A_899 = tpu.memref_slice %arg4[%add3A_351, %dma_wait3A_898] : memref<1280x128xi32, #tpu.memory_space<hbm>> -> memref<5x128xi32, #tpu.memory_space<hbm>>
      %dma_wait3A_900 = arith.constant 0 : i32
      %dma_wait3A_901 = tpu.memref_slice %arg4[%add3A_351, %dma_wait3A_900] : memref<1280x128xi32, #tpu.memory_space<hbm>> -> memref<5x128xi32, #tpu.memory_space<hbm>>
      tpu.wait_dma2 semaphore(%run_scoped3A : memref<!tpu.dma_semaphore, #tpu.memory_space<semaphore_mem>>) src(%dma_wait3A_901 : memref<5x128xi32, #tpu.memory_space<hbm>>) dst(%arg10 : memref<5x128xi32, #tpu.memory_space<vmem>>)
      tpu.yield
    }) : () -> ()
    %dma_start3A_352 = arith.constant 0 : i32
    %dma_start3A_353 = arith.constant 0 : i32
    %dma_start3A_354 = arith.constant 0 : i32
    %dma_start3A_355 = tpu.memref_slice %arg12[%dma_start3A_353, %dma_start3A_354] : memref<640x48xf32, #tpu.memory_space<vmem>> -> memref<128x48xf32, #tpu.memory_space<vmem>>
    %dma_start3A_356 = arith.constant 0 : i32
    %dma_start3A_357 = tpu.memref_slice %arg10[%dma_start3A_352, %dma_start3A_356] : memref<5x128xi32, #tpu.memory_space<vmem>> -> memref<1x128xi32, #tpu.memory_space<vmem>>
    %dma_start3A_358 = tpu.memref_squeeze %dma_start3A_357 : memref<1x128xi32, #tpu.memory_space<vmem>> -> memref<128xi32, #tpu.memory_space<vmem>>
    %dma_start3A_359 = arith.constant 0 : i32
    %dma_start3A_360 = arith.constant 0 : i32
    %dma_start3A_361 = tpu.memref_slice %arg7[%dma_start3A_359, %dma_start3A_360] : memref<10240x48xf32, #tpu.memory_space<vmem_shared>> -> memref<10240x48xf32, #tpu.memory_space<vmem_shared>>
    tpu.enqueue_indirect_dma source(%dma_start3A_355 : memref<128x48xf32, #tpu.memory_space<vmem>>) target(%dma_start3A_361 : memref<10240x48xf32, #tpu.memory_space<vmem_shared>>) offsets(%dma_start3A_358 : memref<128xi32, #tpu.memory_space<vmem>>) semaphore(%arg15 : memref<!tpu.dma_semaphore, #tpu.memory_space<semaphore_mem>>) {add = true}
    %dma_start3A_362 = arith.constant 1 : i32
    %dma_start3A_363 = arith.constant 128 : i32
    %dma_start3A_364 = arith.constant 0 : i32
    %dma_start3A_365 = tpu.memref_slice %arg12[%dma_start3A_363, %dma_start3A_364] : memref<640x48xf32, #tpu.memory_space<vmem>> -> memref<128x48xf32, #tpu.memory_space<vmem>>
    %dma_start3A_366 = arith.constant 0 : i32
    %dma_start3A_367 = tpu.memref_slice %arg10[%dma_start3A_362, %dma_start3A_366] : memref<5x128xi32, #tpu.memory_space<vmem>> -> memref<1x128xi32, #tpu.memory_space<vmem>>
    %dma_start3A_368 = tpu.memref_squeeze %dma_start3A_367 : memref<1x128xi32, #tpu.memory_space<vmem>> -> memref<128xi32, #tpu.memory_space<vmem>>
    %dma_start3A_369 = arith.constant 0 : i32
    %dma_start3A_370 = arith.constant 0 : i32
    %dma_start3A_371 = tpu.memref_slice %arg7[%dma_start3A_369, %dma_start3A_370] : memref<10240x48xf32, #tpu.memory_space<vmem_shared>> -> memref<10240x48xf32, #tpu.memory_space<vmem_shared>>
    tpu.enqueue_indirect_dma source(%dma_start3A_365 : memref<128x48xf32, #tpu.memory_space<vmem>>) target(%dma_start3A_371 : memref<10240x48xf32, #tpu.memory_space<vmem_shared>>) offsets(%dma_start3A_368 : memref<128xi32, #tpu.memory_space<vmem>>) semaphore(%arg16 : memref<!tpu.dma_semaphore, #tpu.memory_space<semaphore_mem>>) {add = true}
    %dma_start3A_372 = arith.constant 2 : i32
    %dma_start3A_373 = arith.constant 256 : i32
    %dma_start3A_374 = arith.constant 0 : i32
    %dma_start3A_375 = tpu.memref_slice %arg12[%dma_start3A_373, %dma_start3A_374] : memref<640x48xf32, #tpu.memory_space<vmem>> -> memref<128x48xf32, #tpu.memory_space<vmem>>
    %dma_start3A_376 = arith.constant 0 : i32
    %dma_start3A_377 = tpu.memref_slice %arg10[%dma_start3A_372, %dma_start3A_376] : memref<5x128xi32, #tpu.memory_space<vmem>> -> memref<1x128xi32, #tpu.memory_space<vmem>>
    %dma_start3A_378 = tpu.memref_squeeze %dma_start3A_377 : memref<1x128xi32, #tpu.memory_space<vmem>> -> memref<128xi32, #tpu.memory_space<vmem>>
    %dma_start3A_379 = arith.constant 0 : i32
    %dma_start3A_380 = arith.constant 0 : i32
    %dma_start3A_381 = tpu.memref_slice %arg7[%dma_start3A_379, %dma_start3A_380] : memref<10240x48xf32, #tpu.memory_space<vmem_shared>> -> memref<10240x48xf32, #tpu.memory_space<vmem_shared>>
    tpu.enqueue_indirect_dma source(%dma_start3A_375 : memref<128x48xf32, #tpu.memory_space<vmem>>) target(%dma_start3A_381 : memref<10240x48xf32, #tpu.memory_space<vmem_shared>>) offsets(%dma_start3A_378 : memref<128xi32, #tpu.memory_space<vmem>>) semaphore(%arg15 : memref<!tpu.dma_semaphore, #tpu.memory_space<semaphore_mem>>) {add = true}
    %dma_start3A_382 = arith.constant 3 : i32
    %dma_start3A_383 = arith.constant 384 : i32
    %dma_start3A_384 = arith.constant 0 : i32
    %dma_start3A_385 = tpu.memref_slice %arg12[%dma_start3A_383, %dma_start3A_384] : memref<640x48xf32, #tpu.memory_space<vmem>> -> memref<128x48xf32, #tpu.memory_space<vmem>>
    %dma_start3A_386 = arith.constant 0 : i32
    %dma_start3A_387 = tpu.memref_slice %arg10[%dma_start3A_382, %dma_start3A_386] : memref<5x128xi32, #tpu.memory_space<vmem>> -> memref<1x128xi32, #tpu.memory_space<vmem>>
    %dma_start3A_388 = tpu.memref_squeeze %dma_start3A_387 : memref<1x128xi32, #tpu.memory_space<vmem>> -> memref<128xi32, #tpu.memory_space<vmem>>
    %dma_start3A_389 = arith.constant 0 : i32
    %dma_start3A_390 = arith.constant 0 : i32
    %dma_start3A_391 = tpu.memref_slice %arg7[%dma_start3A_389, %dma_start3A_390] : memref<10240x48xf32, #tpu.memory_space<vmem_shared>> -> memref<10240x48xf32, #tpu.memory_space<vmem_shared>>
    tpu.enqueue_indirect_dma source(%dma_start3A_385 : memref<128x48xf32, #tpu.memory_space<vmem>>) target(%dma_start3A_391 : memref<10240x48xf32, #tpu.memory_space<vmem_shared>>) offsets(%dma_start3A_388 : memref<128xi32, #tpu.memory_space<vmem>>) semaphore(%arg16 : memref<!tpu.dma_semaphore, #tpu.memory_space<semaphore_mem>>) {add = true}
    %dma_start3A_392 = arith.constant 4 : i32
    %dma_start3A_393 = arith.constant 512 : i32
    %dma_start3A_394 = arith.constant 0 : i32
    %dma_start3A_395 = tpu.memref_slice %arg12[%dma_start3A_393, %dma_start3A_394] : memref<640x48xf32, #tpu.memory_space<vmem>> -> memref<128x48xf32, #tpu.memory_space<vmem>>
    %dma_start3A_396 = arith.constant 0 : i32
    %dma_start3A_397 = tpu.memref_slice %arg10[%dma_start3A_392, %dma_start3A_396] : memref<5x128xi32, #tpu.memory_space<vmem>> -> memref<1x128xi32, #tpu.memory_space<vmem>>
    %dma_start3A_398 = tpu.memref_squeeze %dma_start3A_397 : memref<1x128xi32, #tpu.memory_space<vmem>> -> memref<128xi32, #tpu.memory_space<vmem>>
    %dma_start3A_399 = arith.constant 0 : i32
    %dma_start3A_400 = arith.constant 0 : i32
    %dma_start3A_401 = tpu.memref_slice %arg7[%dma_start3A_399, %dma_start3A_400] : memref<10240x48xf32, #tpu.memory_space<vmem_shared>> -> memref<10240x48xf32, #tpu.memory_space<vmem_shared>>
    tpu.enqueue_indirect_dma source(%dma_start3A_395 : memref<128x48xf32, #tpu.memory_space<vmem>>) target(%dma_start3A_401 : memref<10240x48xf32, #tpu.memory_space<vmem_shared>>) offsets(%dma_start3A_398 : memref<128xi32, #tpu.memory_space<vmem>>) semaphore(%arg15 : memref<!tpu.dma_semaphore, #tpu.memory_space<semaphore_mem>>) {add = true}
    %dma_wait3A_402 = arith.constant 0 : i32
    %dma_wait3A_403 = arith.constant 0 : i32
    %dma_wait3A_404 = arith.constant 0 : i32
    %dma_wait3A_405 = tpu.memref_slice %arg12[%dma_wait3A_403, %dma_wait3A_404] : memref<640x48xf32, #tpu.memory_space<vmem>> -> memref<128x48xf32, #tpu.memory_space<vmem>>
    %dma_wait3A_406 = arith.constant 0 : i32
    %dma_wait3A_407 = tpu.memref_slice %arg10[%dma_wait3A_402, %dma_wait3A_406] : memref<5x128xi32, #tpu.memory_space<vmem>> -> memref<1x128xi32, #tpu.memory_space<vmem>>
    %dma_wait3A_408 = tpu.memref_squeeze %dma_wait3A_407 : memref<1x128xi32, #tpu.memory_space<vmem>> -> memref<128xi32, #tpu.memory_space<vmem>>
    %dma_wait3A_409 = arith.constant 0 : i32
    %dma_wait3A_410 = arith.constant 0 : i32
    %dma_wait3A_411 = tpu.memref_slice %arg7[%dma_wait3A_409, %dma_wait3A_410] : memref<10240x48xf32, #tpu.memory_space<vmem_shared>> -> memref<10240x48xf32, #tpu.memory_space<vmem_shared>>
    tpu.wait_indirect_dma semaphore(%arg15 : memref<!tpu.dma_semaphore, #tpu.memory_space<semaphore_mem>>) src(%dma_wait3A_405 : memref<128x48xf32, #tpu.memory_space<vmem>>) dst(%dma_wait3A_411 : memref<10240x48xf32, #tpu.memory_space<vmem_shared>>)
    %dma_wait3A_412 = arith.constant 1 : i32
    %dma_wait3A_413 = arith.constant 128 : i32
    %dma_wait3A_414 = arith.constant 0 : i32
    %dma_wait3A_415 = tpu.memref_slice %arg12[%dma_wait3A_413, %dma_wait3A_414] : memref<640x48xf32, #tpu.memory_space<vmem>> -> memref<128x48xf32, #tpu.memory_space<vmem>>
    %dma_wait3A_416 = arith.constant 0 : i32
    %dma_wait3A_417 = tpu.memref_slice %arg10[%dma_wait3A_412, %dma_wait3A_416] : memref<5x128xi32, #tpu.memory_space<vmem>> -> memref<1x128xi32, #tpu.memory_space<vmem>>
    %dma_wait3A_418 = tpu.memref_squeeze %dma_wait3A_417 : memref<1x128xi32, #tpu.memory_space<vmem>> -> memref<128xi32, #tpu.memory_space<vmem>>
    %dma_wait3A_419 = arith.constant 0 : i32
    %dma_wait3A_420 = arith.constant 0 : i32
    %dma_wait3A_421 = tpu.memref_slice %arg7[%dma_wait3A_419, %dma_wait3A_420] : memref<10240x48xf32, #tpu.memory_space<vmem_shared>> -> memref<10240x48xf32, #tpu.memory_space<vmem_shared>>
    tpu.wait_indirect_dma semaphore(%arg16 : memref<!tpu.dma_semaphore, #tpu.memory_space<semaphore_mem>>) src(%dma_wait3A_415 : memref<128x48xf32, #tpu.memory_space<vmem>>) dst(%dma_wait3A_421 : memref<10240x48xf32, #tpu.memory_space<vmem_shared>>)
    %dma_wait3A_422 = arith.constant 2 : i32
    %dma_wait3A_423 = arith.constant 256 : i32
    %dma_wait3A_424 = arith.constant 0 : i32
    %dma_wait3A_425 = tpu.memref_slice %arg12[%dma_wait3A_423, %dma_wait3A_424] : memref<640x48xf32, #tpu.memory_space<vmem>> -> memref<128x48xf32, #tpu.memory_space<vmem>>
    %dma_wait3A_426 = arith.constant 0 : i32
    %dma_wait3A_427 = tpu.memref_slice %arg10[%dma_wait3A_422, %dma_wait3A_426] : memref<5x128xi32, #tpu.memory_space<vmem>> -> memref<1x128xi32, #tpu.memory_space<vmem>>
    %dma_wait3A_428 = tpu.memref_squeeze %dma_wait3A_427 : memref<1x128xi32, #tpu.memory_space<vmem>> -> memref<128xi32, #tpu.memory_space<vmem>>
    %dma_wait3A_429 = arith.constant 0 : i32
    %dma_wait3A_430 = arith.constant 0 : i32
    %dma_wait3A_431 = tpu.memref_slice %arg7[%dma_wait3A_429, %dma_wait3A_430] : memref<10240x48xf32, #tpu.memory_space<vmem_shared>> -> memref<10240x48xf32, #tpu.memory_space<vmem_shared>>
    tpu.wait_indirect_dma semaphore(%arg15 : memref<!tpu.dma_semaphore, #tpu.memory_space<semaphore_mem>>) src(%dma_wait3A_425 : memref<128x48xf32, #tpu.memory_space<vmem>>) dst(%dma_wait3A_431 : memref<10240x48xf32, #tpu.memory_space<vmem_shared>>)
    %dma_wait3A_432 = arith.constant 3 : i32
    %dma_wait3A_433 = arith.constant 384 : i32
    %dma_wait3A_434 = arith.constant 0 : i32
    %dma_wait3A_435 = tpu.memref_slice %arg12[%dma_wait3A_433, %dma_wait3A_434] : memref<640x48xf32, #tpu.memory_space<vmem>> -> memref<128x48xf32, #tpu.memory_space<vmem>>
    %dma_wait3A_436 = arith.constant 0 : i32
    %dma_wait3A_437 = tpu.memref_slice %arg10[%dma_wait3A_432, %dma_wait3A_436] : memref<5x128xi32, #tpu.memory_space<vmem>> -> memref<1x128xi32, #tpu.memory_space<vmem>>
    %dma_wait3A_438 = tpu.memref_squeeze %dma_wait3A_437 : memref<1x128xi32, #tpu.memory_space<vmem>> -> memref<128xi32, #tpu.memory_space<vmem>>
    %dma_wait3A_439 = arith.constant 0 : i32
    %dma_wait3A_440 = arith.constant 0 : i32
    %dma_wait3A_441 = tpu.memref_slice %arg7[%dma_wait3A_439, %dma_wait3A_440] : memref<10240x48xf32, #tpu.memory_space<vmem_shared>> -> memref<10240x48xf32, #tpu.memory_space<vmem_shared>>
    tpu.wait_indirect_dma semaphore(%arg16 : memref<!tpu.dma_semaphore, #tpu.memory_space<semaphore_mem>>) src(%dma_wait3A_435 : memref<128x48xf32, #tpu.memory_space<vmem>>) dst(%dma_wait3A_441 : memref<10240x48xf32, #tpu.memory_space<vmem_shared>>)
    %dma_wait3A_442 = arith.constant 4 : i32
    %dma_wait3A_443 = arith.constant 512 : i32
    %dma_wait3A_444 = arith.constant 0 : i32
    %dma_wait3A_445 = tpu.memref_slice %arg12[%dma_wait3A_443, %dma_wait3A_444] : memref<640x48xf32, #tpu.memory_space<vmem>> -> memref<128x48xf32, #tpu.memory_space<vmem>>
    %dma_wait3A_446 = arith.constant 0 : i32
    %dma_wait3A_447 = tpu.memref_slice %arg10[%dma_wait3A_442, %dma_wait3A_446] : memref<5x128xi32, #tpu.memory_space<vmem>> -> memref<1x128xi32, #tpu.memory_space<vmem>>
    %dma_wait3A_448 = tpu.memref_squeeze %dma_wait3A_447 : memref<1x128xi32, #tpu.memory_space<vmem>> -> memref<128xi32, #tpu.memory_space<vmem>>
    %dma_wait3A_449 = arith.constant 0 : i32
    %dma_wait3A_450 = arith.constant 0 : i32
    %dma_wait3A_451 = tpu.memref_slice %arg7[%dma_wait3A_449, %dma_wait3A_450] : memref<10240x48xf32, #tpu.memory_space<vmem_shared>> -> memref<10240x48xf32, #tpu.memory_space<vmem_shared>>
    tpu.wait_indirect_dma semaphore(%arg15 : memref<!tpu.dma_semaphore, #tpu.memory_space<semaphore_mem>>) src(%dma_wait3A_445 : memref<128x48xf32, #tpu.memory_space<vmem>>) dst(%dma_wait3A_451 : memref<10240x48xf32, #tpu.memory_space<vmem_shared>>)
    %add3A_452 = arith.constant 3200 : i32
    %add3A_453 = arith.addi %mul3A_8, %add3A_452 : i32
    "tpu.region"() ({
      %run_scoped3A = tpu.sem_alloc : memref<!tpu.dma_semaphore, #tpu.memory_space<semaphore_mem>>
      %dma_start3A_894 = tpu.memref_slice %arg3[%add3A_453] : memref<163840xi32, #tpu.memory_space<hbm>> -> memref<640xi32, #tpu.memory_space<hbm>>
      %dma_start3A_895 = tpu.memref_slice %arg3[%add3A_453] : memref<163840xi32, #tpu.memory_space<hbm>> -> memref<640xi32, #tpu.memory_space<hbm>>
      tpu.enqueue_dma source(%dma_start3A_895 : memref<640xi32, #tpu.memory_space<hbm>>) target(%arg9 : memref<640xi32, #tpu.memory_space<vmem>>) target_semaphore(%run_scoped3A : memref<!tpu.dma_semaphore, #tpu.memory_space<semaphore_mem>>)
      %dma_wait3A_896 = tpu.memref_slice %arg3[%add3A_453] : memref<163840xi32, #tpu.memory_space<hbm>> -> memref<640xi32, #tpu.memory_space<hbm>>
      %dma_wait3A_897 = tpu.memref_slice %arg3[%add3A_453] : memref<163840xi32, #tpu.memory_space<hbm>> -> memref<640xi32, #tpu.memory_space<hbm>>
      tpu.wait_dma2 semaphore(%run_scoped3A : memref<!tpu.dma_semaphore, #tpu.memory_space<semaphore_mem>>) src(%dma_wait3A_897 : memref<640xi32, #tpu.memory_space<hbm>>) dst(%arg9 : memref<640xi32, #tpu.memory_space<vmem>>)
      tpu.yield
    }) : () -> ()
    %dma_start3A_454 = arith.constant 0 : i32
    %dma_start3A_455 = arith.constant 0 : i32
    %dma_start3A_456 = tpu.memref_slice %arg2[%dma_start3A_454, %dma_start3A_455] : memref<10000x48xf32, #tpu.memory_space<hbm>> -> memref<10000x48xf32, #tpu.memory_space<hbm>>
    tpu.enqueue_indirect_dma source(%dma_start3A_456 : memref<10000x48xf32, #tpu.memory_space<hbm>>) target(%arg12 : memref<640x48xf32, #tpu.memory_space<vmem>>) offsets(%arg9 : memref<640xi32, #tpu.memory_space<vmem>>) semaphore(%arg14 : memref<!tpu.dma_semaphore, #tpu.memory_space<semaphore_mem>>)
    %dma_wait3A_457 = arith.constant 0 : i32
    %dma_wait3A_458 = arith.constant 0 : i32
    %dma_wait3A_459 = tpu.memref_slice %arg2[%dma_wait3A_457, %dma_wait3A_458] : memref<10000x48xf32, #tpu.memory_space<hbm>> -> memref<10000x48xf32, #tpu.memory_space<hbm>>
    tpu.wait_indirect_dma semaphore(%arg13 : memref<!tpu.dma_semaphore, #tpu.memory_space<semaphore_mem>>) src(%dma_wait3A_459 : memref<10000x48xf32, #tpu.memory_space<hbm>>) dst(%arg11 : memref<640x48xf32, #tpu.memory_space<vmem>>)
    %add3A_460 = arith.constant 20 : i32
    %add3A_461 = arith.addi %mul3A_6, %add3A_460 : i32
    "tpu.region"() ({
      %run_scoped3A = tpu.sem_alloc : memref<!tpu.dma_semaphore, #tpu.memory_space<semaphore_mem>>
      %dma_start3A_894 = arith.constant 0 : i32
      %dma_start3A_895 = tpu.memref_slice %arg4[%add3A_461, %dma_start3A_894] : memref<1280x128xi32, #tpu.memory_space<hbm>> -> memref<5x128xi32, #tpu.memory_space<hbm>>
      %dma_start3A_896 = arith.constant 0 : i32
      %dma_start3A_897 = tpu.memref_slice %arg4[%add3A_461, %dma_start3A_896] : memref<1280x128xi32, #tpu.memory_space<hbm>> -> memref<5x128xi32, #tpu.memory_space<hbm>>
      tpu.enqueue_dma source(%dma_start3A_897 : memref<5x128xi32, #tpu.memory_space<hbm>>) target(%arg10 : memref<5x128xi32, #tpu.memory_space<vmem>>) target_semaphore(%run_scoped3A : memref<!tpu.dma_semaphore, #tpu.memory_space<semaphore_mem>>)
      %dma_wait3A_898 = arith.constant 0 : i32
      %dma_wait3A_899 = tpu.memref_slice %arg4[%add3A_461, %dma_wait3A_898] : memref<1280x128xi32, #tpu.memory_space<hbm>> -> memref<5x128xi32, #tpu.memory_space<hbm>>
      %dma_wait3A_900 = arith.constant 0 : i32
      %dma_wait3A_901 = tpu.memref_slice %arg4[%add3A_461, %dma_wait3A_900] : memref<1280x128xi32, #tpu.memory_space<hbm>> -> memref<5x128xi32, #tpu.memory_space<hbm>>
      tpu.wait_dma2 semaphore(%run_scoped3A : memref<!tpu.dma_semaphore, #tpu.memory_space<semaphore_mem>>) src(%dma_wait3A_901 : memref<5x128xi32, #tpu.memory_space<hbm>>) dst(%arg10 : memref<5x128xi32, #tpu.memory_space<vmem>>)
      tpu.yield
    }) : () -> ()
    %dma_start3A_462 = arith.constant 0 : i32
    %dma_start3A_463 = arith.constant 0 : i32
    %dma_start3A_464 = arith.constant 0 : i32
    %dma_start3A_465 = tpu.memref_slice %arg11[%dma_start3A_463, %dma_start3A_464] : memref<640x48xf32, #tpu.memory_space<vmem>> -> memref<128x48xf32, #tpu.memory_space<vmem>>
    %dma_start3A_466 = arith.constant 0 : i32
    %dma_start3A_467 = tpu.memref_slice %arg10[%dma_start3A_462, %dma_start3A_466] : memref<5x128xi32, #tpu.memory_space<vmem>> -> memref<1x128xi32, #tpu.memory_space<vmem>>
    %dma_start3A_468 = tpu.memref_squeeze %dma_start3A_467 : memref<1x128xi32, #tpu.memory_space<vmem>> -> memref<128xi32, #tpu.memory_space<vmem>>
    %dma_start3A_469 = arith.constant 0 : i32
    %dma_start3A_470 = arith.constant 0 : i32
    %dma_start3A_471 = tpu.memref_slice %arg7[%dma_start3A_469, %dma_start3A_470] : memref<10240x48xf32, #tpu.memory_space<vmem_shared>> -> memref<10240x48xf32, #tpu.memory_space<vmem_shared>>
    tpu.enqueue_indirect_dma source(%dma_start3A_465 : memref<128x48xf32, #tpu.memory_space<vmem>>) target(%dma_start3A_471 : memref<10240x48xf32, #tpu.memory_space<vmem_shared>>) offsets(%dma_start3A_468 : memref<128xi32, #tpu.memory_space<vmem>>) semaphore(%arg15 : memref<!tpu.dma_semaphore, #tpu.memory_space<semaphore_mem>>) {add = true}
    %dma_start3A_472 = arith.constant 1 : i32
    %dma_start3A_473 = arith.constant 128 : i32
    %dma_start3A_474 = arith.constant 0 : i32
    %dma_start3A_475 = tpu.memref_slice %arg11[%dma_start3A_473, %dma_start3A_474] : memref<640x48xf32, #tpu.memory_space<vmem>> -> memref<128x48xf32, #tpu.memory_space<vmem>>
    %dma_start3A_476 = arith.constant 0 : i32
    %dma_start3A_477 = tpu.memref_slice %arg10[%dma_start3A_472, %dma_start3A_476] : memref<5x128xi32, #tpu.memory_space<vmem>> -> memref<1x128xi32, #tpu.memory_space<vmem>>
    %dma_start3A_478 = tpu.memref_squeeze %dma_start3A_477 : memref<1x128xi32, #tpu.memory_space<vmem>> -> memref<128xi32, #tpu.memory_space<vmem>>
    %dma_start3A_479 = arith.constant 0 : i32
    %dma_start3A_480 = arith.constant 0 : i32
    %dma_start3A_481 = tpu.memref_slice %arg7[%dma_start3A_479, %dma_start3A_480] : memref<10240x48xf32, #tpu.memory_space<vmem_shared>> -> memref<10240x48xf32, #tpu.memory_space<vmem_shared>>
    tpu.enqueue_indirect_dma source(%dma_start3A_475 : memref<128x48xf32, #tpu.memory_space<vmem>>) target(%dma_start3A_481 : memref<10240x48xf32, #tpu.memory_space<vmem_shared>>) offsets(%dma_start3A_478 : memref<128xi32, #tpu.memory_space<vmem>>) semaphore(%arg16 : memref<!tpu.dma_semaphore, #tpu.memory_space<semaphore_mem>>) {add = true}
    %dma_start3A_482 = arith.constant 2 : i32
    %dma_start3A_483 = arith.constant 256 : i32
    %dma_start3A_484 = arith.constant 0 : i32
    %dma_start3A_485 = tpu.memref_slice %arg11[%dma_start3A_483, %dma_start3A_484] : memref<640x48xf32, #tpu.memory_space<vmem>> -> memref<128x48xf32, #tpu.memory_space<vmem>>
    %dma_start3A_486 = arith.constant 0 : i32
    %dma_start3A_487 = tpu.memref_slice %arg10[%dma_start3A_482, %dma_start3A_486] : memref<5x128xi32, #tpu.memory_space<vmem>> -> memref<1x128xi32, #tpu.memory_space<vmem>>
    %dma_start3A_488 = tpu.memref_squeeze %dma_start3A_487 : memref<1x128xi32, #tpu.memory_space<vmem>> -> memref<128xi32, #tpu.memory_space<vmem>>
    %dma_start3A_489 = arith.constant 0 : i32
    %dma_start3A_490 = arith.constant 0 : i32
    %dma_start3A_491 = tpu.memref_slice %arg7[%dma_start3A_489, %dma_start3A_490] : memref<10240x48xf32, #tpu.memory_space<vmem_shared>> -> memref<10240x48xf32, #tpu.memory_space<vmem_shared>>
    tpu.enqueue_indirect_dma source(%dma_start3A_485 : memref<128x48xf32, #tpu.memory_space<vmem>>) target(%dma_start3A_491 : memref<10240x48xf32, #tpu.memory_space<vmem_shared>>) offsets(%dma_start3A_488 : memref<128xi32, #tpu.memory_space<vmem>>) semaphore(%arg15 : memref<!tpu.dma_semaphore, #tpu.memory_space<semaphore_mem>>) {add = true}
    %dma_start3A_492 = arith.constant 3 : i32
    %dma_start3A_493 = arith.constant 384 : i32
    %dma_start3A_494 = arith.constant 0 : i32
    %dma_start3A_495 = tpu.memref_slice %arg11[%dma_start3A_493, %dma_start3A_494] : memref<640x48xf32, #tpu.memory_space<vmem>> -> memref<128x48xf32, #tpu.memory_space<vmem>>
    %dma_start3A_496 = arith.constant 0 : i32
    %dma_start3A_497 = tpu.memref_slice %arg10[%dma_start3A_492, %dma_start3A_496] : memref<5x128xi32, #tpu.memory_space<vmem>> -> memref<1x128xi32, #tpu.memory_space<vmem>>
    %dma_start3A_498 = tpu.memref_squeeze %dma_start3A_497 : memref<1x128xi32, #tpu.memory_space<vmem>> -> memref<128xi32, #tpu.memory_space<vmem>>
    %dma_start3A_499 = arith.constant 0 : i32
    %dma_start3A_500 = arith.constant 0 : i32
    %dma_start3A_501 = tpu.memref_slice %arg7[%dma_start3A_499, %dma_start3A_500] : memref<10240x48xf32, #tpu.memory_space<vmem_shared>> -> memref<10240x48xf32, #tpu.memory_space<vmem_shared>>
    tpu.enqueue_indirect_dma source(%dma_start3A_495 : memref<128x48xf32, #tpu.memory_space<vmem>>) target(%dma_start3A_501 : memref<10240x48xf32, #tpu.memory_space<vmem_shared>>) offsets(%dma_start3A_498 : memref<128xi32, #tpu.memory_space<vmem>>) semaphore(%arg16 : memref<!tpu.dma_semaphore, #tpu.memory_space<semaphore_mem>>) {add = true}
    %dma_start3A_502 = arith.constant 4 : i32
    %dma_start3A_503 = arith.constant 512 : i32
    %dma_start3A_504 = arith.constant 0 : i32
    %dma_start3A_505 = tpu.memref_slice %arg11[%dma_start3A_503, %dma_start3A_504] : memref<640x48xf32, #tpu.memory_space<vmem>> -> memref<128x48xf32, #tpu.memory_space<vmem>>
    %dma_start3A_506 = arith.constant 0 : i32
    %dma_start3A_507 = tpu.memref_slice %arg10[%dma_start3A_502, %dma_start3A_506] : memref<5x128xi32, #tpu.memory_space<vmem>> -> memref<1x128xi32, #tpu.memory_space<vmem>>
    %dma_start3A_508 = tpu.memref_squeeze %dma_start3A_507 : memref<1x128xi32, #tpu.memory_space<vmem>> -> memref<128xi32, #tpu.memory_space<vmem>>
    %dma_start3A_509 = arith.constant 0 : i32
    %dma_start3A_510 = arith.constant 0 : i32
    %dma_start3A_511 = tpu.memref_slice %arg7[%dma_start3A_509, %dma_start3A_510] : memref<10240x48xf32, #tpu.memory_space<vmem_shared>> -> memref<10240x48xf32, #tpu.memory_space<vmem_shared>>
    tpu.enqueue_indirect_dma source(%dma_start3A_505 : memref<128x48xf32, #tpu.memory_space<vmem>>) target(%dma_start3A_511 : memref<10240x48xf32, #tpu.memory_space<vmem_shared>>) offsets(%dma_start3A_508 : memref<128xi32, #tpu.memory_space<vmem>>) semaphore(%arg15 : memref<!tpu.dma_semaphore, #tpu.memory_space<semaphore_mem>>) {add = true}
    %dma_wait3A_512 = arith.constant 0 : i32
    %dma_wait3A_513 = arith.constant 0 : i32
    %dma_wait3A_514 = arith.constant 0 : i32
    %dma_wait3A_515 = tpu.memref_slice %arg11[%dma_wait3A_513, %dma_wait3A_514] : memref<640x48xf32, #tpu.memory_space<vmem>> -> memref<128x48xf32, #tpu.memory_space<vmem>>
    %dma_wait3A_516 = arith.constant 0 : i32
    %dma_wait3A_517 = tpu.memref_slice %arg10[%dma_wait3A_512, %dma_wait3A_516] : memref<5x128xi32, #tpu.memory_space<vmem>> -> memref<1x128xi32, #tpu.memory_space<vmem>>
    %dma_wait3A_518 = tpu.memref_squeeze %dma_wait3A_517 : memref<1x128xi32, #tpu.memory_space<vmem>> -> memref<128xi32, #tpu.memory_space<vmem>>
    %dma_wait3A_519 = arith.constant 0 : i32
    %dma_wait3A_520 = arith.constant 0 : i32
    %dma_wait3A_521 = tpu.memref_slice %arg7[%dma_wait3A_519, %dma_wait3A_520] : memref<10240x48xf32, #tpu.memory_space<vmem_shared>> -> memref<10240x48xf32, #tpu.memory_space<vmem_shared>>
    tpu.wait_indirect_dma semaphore(%arg15 : memref<!tpu.dma_semaphore, #tpu.memory_space<semaphore_mem>>) src(%dma_wait3A_515 : memref<128x48xf32, #tpu.memory_space<vmem>>) dst(%dma_wait3A_521 : memref<10240x48xf32, #tpu.memory_space<vmem_shared>>)
    %dma_wait3A_522 = arith.constant 1 : i32
    %dma_wait3A_523 = arith.constant 128 : i32
    %dma_wait3A_524 = arith.constant 0 : i32
    %dma_wait3A_525 = tpu.memref_slice %arg11[%dma_wait3A_523, %dma_wait3A_524] : memref<640x48xf32, #tpu.memory_space<vmem>> -> memref<128x48xf32, #tpu.memory_space<vmem>>
    %dma_wait3A_526 = arith.constant 0 : i32
    %dma_wait3A_527 = tpu.memref_slice %arg10[%dma_wait3A_522, %dma_wait3A_526] : memref<5x128xi32, #tpu.memory_space<vmem>> -> memref<1x128xi32, #tpu.memory_space<vmem>>
    %dma_wait3A_528 = tpu.memref_squeeze %dma_wait3A_527 : memref<1x128xi32, #tpu.memory_space<vmem>> -> memref<128xi32, #tpu.memory_space<vmem>>
    %dma_wait3A_529 = arith.constant 0 : i32
    %dma_wait3A_530 = arith.constant 0 : i32
    %dma_wait3A_531 = tpu.memref_slice %arg7[%dma_wait3A_529, %dma_wait3A_530] : memref<10240x48xf32, #tpu.memory_space<vmem_shared>> -> memref<10240x48xf32, #tpu.memory_space<vmem_shared>>
    tpu.wait_indirect_dma semaphore(%arg16 : memref<!tpu.dma_semaphore, #tpu.memory_space<semaphore_mem>>) src(%dma_wait3A_525 : memref<128x48xf32, #tpu.memory_space<vmem>>) dst(%dma_wait3A_531 : memref<10240x48xf32, #tpu.memory_space<vmem_shared>>)
    %dma_wait3A_532 = arith.constant 2 : i32
    %dma_wait3A_533 = arith.constant 256 : i32
    %dma_wait3A_534 = arith.constant 0 : i32
    %dma_wait3A_535 = tpu.memref_slice %arg11[%dma_wait3A_533, %dma_wait3A_534] : memref<640x48xf32, #tpu.memory_space<vmem>> -> memref<128x48xf32, #tpu.memory_space<vmem>>
    %dma_wait3A_536 = arith.constant 0 : i32
    %dma_wait3A_537 = tpu.memref_slice %arg10[%dma_wait3A_532, %dma_wait3A_536] : memref<5x128xi32, #tpu.memory_space<vmem>> -> memref<1x128xi32, #tpu.memory_space<vmem>>
    %dma_wait3A_538 = tpu.memref_squeeze %dma_wait3A_537 : memref<1x128xi32, #tpu.memory_space<vmem>> -> memref<128xi32, #tpu.memory_space<vmem>>
    %dma_wait3A_539 = arith.constant 0 : i32
    %dma_wait3A_540 = arith.constant 0 : i32
    %dma_wait3A_541 = tpu.memref_slice %arg7[%dma_wait3A_539, %dma_wait3A_540] : memref<10240x48xf32, #tpu.memory_space<vmem_shared>> -> memref<10240x48xf32, #tpu.memory_space<vmem_shared>>
    tpu.wait_indirect_dma semaphore(%arg15 : memref<!tpu.dma_semaphore, #tpu.memory_space<semaphore_mem>>) src(%dma_wait3A_535 : memref<128x48xf32, #tpu.memory_space<vmem>>) dst(%dma_wait3A_541 : memref<10240x48xf32, #tpu.memory_space<vmem_shared>>)
    %dma_wait3A_542 = arith.constant 3 : i32
    %dma_wait3A_543 = arith.constant 384 : i32
    %dma_wait3A_544 = arith.constant 0 : i32
    %dma_wait3A_545 = tpu.memref_slice %arg11[%dma_wait3A_543, %dma_wait3A_544] : memref<640x48xf32, #tpu.memory_space<vmem>> -> memref<128x48xf32, #tpu.memory_space<vmem>>
    %dma_wait3A_546 = arith.constant 0 : i32
    %dma_wait3A_547 = tpu.memref_slice %arg10[%dma_wait3A_542, %dma_wait3A_546] : memref<5x128xi32, #tpu.memory_space<vmem>> -> memref<1x128xi32, #tpu.memory_space<vmem>>
    %dma_wait3A_548 = tpu.memref_squeeze %dma_wait3A_547 : memref<1x128xi32, #tpu.memory_space<vmem>> -> memref<128xi32, #tpu.memory_space<vmem>>
    %dma_wait3A_549 = arith.constant 0 : i32
    %dma_wait3A_550 = arith.constant 0 : i32
    %dma_wait3A_551 = tpu.memref_slice %arg7[%dma_wait3A_549, %dma_wait3A_550] : memref<10240x48xf32, #tpu.memory_space<vmem_shared>> -> memref<10240x48xf32, #tpu.memory_space<vmem_shared>>
    tpu.wait_indirect_dma semaphore(%arg16 : memref<!tpu.dma_semaphore, #tpu.memory_space<semaphore_mem>>) src(%dma_wait3A_545 : memref<128x48xf32, #tpu.memory_space<vmem>>) dst(%dma_wait3A_551 : memref<10240x48xf32, #tpu.memory_space<vmem_shared>>)
    %dma_wait3A_552 = arith.constant 4 : i32
    %dma_wait3A_553 = arith.constant 512 : i32
    %dma_wait3A_554 = arith.constant 0 : i32
    %dma_wait3A_555 = tpu.memref_slice %arg11[%dma_wait3A_553, %dma_wait3A_554] : memref<640x48xf32, #tpu.memory_space<vmem>> -> memref<128x48xf32, #tpu.memory_space<vmem>>
    %dma_wait3A_556 = arith.constant 0 : i32
    %dma_wait3A_557 = tpu.memref_slice %arg10[%dma_wait3A_552, %dma_wait3A_556] : memref<5x128xi32, #tpu.memory_space<vmem>> -> memref<1x128xi32, #tpu.memory_space<vmem>>
    %dma_wait3A_558 = tpu.memref_squeeze %dma_wait3A_557 : memref<1x128xi32, #tpu.memory_space<vmem>> -> memref<128xi32, #tpu.memory_space<vmem>>
    %dma_wait3A_559 = arith.constant 0 : i32
    %dma_wait3A_560 = arith.constant 0 : i32
    %dma_wait3A_561 = tpu.memref_slice %arg7[%dma_wait3A_559, %dma_wait3A_560] : memref<10240x48xf32, #tpu.memory_space<vmem_shared>> -> memref<10240x48xf32, #tpu.memory_space<vmem_shared>>
    tpu.wait_indirect_dma semaphore(%arg15 : memref<!tpu.dma_semaphore, #tpu.memory_space<semaphore_mem>>) src(%dma_wait3A_555 : memref<128x48xf32, #tpu.memory_space<vmem>>) dst(%dma_wait3A_561 : memref<10240x48xf32, #tpu.memory_space<vmem_shared>>)
    %add3A_562 = arith.constant 3840 : i32
    %add3A_563 = arith.addi %mul3A_8, %add3A_562 : i32
    "tpu.region"() ({
      %run_scoped3A = tpu.sem_alloc : memref<!tpu.dma_semaphore, #tpu.memory_space<semaphore_mem>>
      %dma_start3A_894 = tpu.memref_slice %arg3[%add3A_563] : memref<163840xi32, #tpu.memory_space<hbm>> -> memref<640xi32, #tpu.memory_space<hbm>>
      %dma_start3A_895 = tpu.memref_slice %arg3[%add3A_563] : memref<163840xi32, #tpu.memory_space<hbm>> -> memref<640xi32, #tpu.memory_space<hbm>>
      tpu.enqueue_dma source(%dma_start3A_895 : memref<640xi32, #tpu.memory_space<hbm>>) target(%arg8 : memref<640xi32, #tpu.memory_space<vmem>>) target_semaphore(%run_scoped3A : memref<!tpu.dma_semaphore, #tpu.memory_space<semaphore_mem>>)
      %dma_wait3A_896 = tpu.memref_slice %arg3[%add3A_563] : memref<163840xi32, #tpu.memory_space<hbm>> -> memref<640xi32, #tpu.memory_space<hbm>>
      %dma_wait3A_897 = tpu.memref_slice %arg3[%add3A_563] : memref<163840xi32, #tpu.memory_space<hbm>> -> memref<640xi32, #tpu.memory_space<hbm>>
      tpu.wait_dma2 semaphore(%run_scoped3A : memref<!tpu.dma_semaphore, #tpu.memory_space<semaphore_mem>>) src(%dma_wait3A_897 : memref<640xi32, #tpu.memory_space<hbm>>) dst(%arg8 : memref<640xi32, #tpu.memory_space<vmem>>)
      tpu.yield
    }) : () -> ()
    %dma_start3A_564 = arith.constant 0 : i32
    %dma_start3A_565 = arith.constant 0 : i32
    %dma_start3A_566 = tpu.memref_slice %arg2[%dma_start3A_564, %dma_start3A_565] : memref<10000x48xf32, #tpu.memory_space<hbm>> -> memref<10000x48xf32, #tpu.memory_space<hbm>>
    tpu.enqueue_indirect_dma source(%dma_start3A_566 : memref<10000x48xf32, #tpu.memory_space<hbm>>) target(%arg11 : memref<640x48xf32, #tpu.memory_space<vmem>>) offsets(%arg8 : memref<640xi32, #tpu.memory_space<vmem>>) semaphore(%arg13 : memref<!tpu.dma_semaphore, #tpu.memory_space<semaphore_mem>>)
    %dma_wait3A_567 = arith.constant 0 : i32
    %dma_wait3A_568 = arith.constant 0 : i32
    %dma_wait3A_569 = tpu.memref_slice %arg2[%dma_wait3A_567, %dma_wait3A_568] : memref<10000x48xf32, #tpu.memory_space<hbm>> -> memref<10000x48xf32, #tpu.memory_space<hbm>>
    tpu.wait_indirect_dma semaphore(%arg14 : memref<!tpu.dma_semaphore, #tpu.memory_space<semaphore_mem>>) src(%dma_wait3A_569 : memref<10000x48xf32, #tpu.memory_space<hbm>>) dst(%arg12 : memref<640x48xf32, #tpu.memory_space<vmem>>)
    %add3A_570 = arith.constant 25 : i32
    %add3A_571 = arith.addi %mul3A_6, %add3A_570 : i32
    "tpu.region"() ({
      %run_scoped3A = tpu.sem_alloc : memref<!tpu.dma_semaphore, #tpu.memory_space<semaphore_mem>>
      %dma_start3A_894 = arith.constant 0 : i32
      %dma_start3A_895 = tpu.memref_slice %arg4[%add3A_571, %dma_start3A_894] : memref<1280x128xi32, #tpu.memory_space<hbm>> -> memref<5x128xi32, #tpu.memory_space<hbm>>
      %dma_start3A_896 = arith.constant 0 : i32
      %dma_start3A_897 = tpu.memref_slice %arg4[%add3A_571, %dma_start3A_896] : memref<1280x128xi32, #tpu.memory_space<hbm>> -> memref<5x128xi32, #tpu.memory_space<hbm>>
      tpu.enqueue_dma source(%dma_start3A_897 : memref<5x128xi32, #tpu.memory_space<hbm>>) target(%arg10 : memref<5x128xi32, #tpu.memory_space<vmem>>) target_semaphore(%run_scoped3A : memref<!tpu.dma_semaphore, #tpu.memory_space<semaphore_mem>>)
      %dma_wait3A_898 = arith.constant 0 : i32
      %dma_wait3A_899 = tpu.memref_slice %arg4[%add3A_571, %dma_wait3A_898] : memref<1280x128xi32, #tpu.memory_space<hbm>> -> memref<5x128xi32, #tpu.memory_space<hbm>>
      %dma_wait3A_900 = arith.constant 0 : i32
      %dma_wait3A_901 = tpu.memref_slice %arg4[%add3A_571, %dma_wait3A_900] : memref<1280x128xi32, #tpu.memory_space<hbm>> -> memref<5x128xi32, #tpu.memory_space<hbm>>
      tpu.wait_dma2 semaphore(%run_scoped3A : memref<!tpu.dma_semaphore, #tpu.memory_space<semaphore_mem>>) src(%dma_wait3A_901 : memref<5x128xi32, #tpu.memory_space<hbm>>) dst(%arg10 : memref<5x128xi32, #tpu.memory_space<vmem>>)
      tpu.yield
    }) : () -> ()
    %dma_start3A_572 = arith.constant 0 : i32
    %dma_start3A_573 = arith.constant 0 : i32
    %dma_start3A_574 = arith.constant 0 : i32
    %dma_start3A_575 = tpu.memref_slice %arg12[%dma_start3A_573, %dma_start3A_574] : memref<640x48xf32, #tpu.memory_space<vmem>> -> memref<128x48xf32, #tpu.memory_space<vmem>>
    %dma_start3A_576 = arith.constant 0 : i32
    %dma_start3A_577 = tpu.memref_slice %arg10[%dma_start3A_572, %dma_start3A_576] : memref<5x128xi32, #tpu.memory_space<vmem>> -> memref<1x128xi32, #tpu.memory_space<vmem>>
    %dma_start3A_578 = tpu.memref_squeeze %dma_start3A_577 : memref<1x128xi32, #tpu.memory_space<vmem>> -> memref<128xi32, #tpu.memory_space<vmem>>
    %dma_start3A_579 = arith.constant 0 : i32
    %dma_start3A_580 = arith.constant 0 : i32
    %dma_start3A_581 = tpu.memref_slice %arg7[%dma_start3A_579, %dma_start3A_580] : memref<10240x48xf32, #tpu.memory_space<vmem_shared>> -> memref<10240x48xf32, #tpu.memory_space<vmem_shared>>
    tpu.enqueue_indirect_dma source(%dma_start3A_575 : memref<128x48xf32, #tpu.memory_space<vmem>>) target(%dma_start3A_581 : memref<10240x48xf32, #tpu.memory_space<vmem_shared>>) offsets(%dma_start3A_578 : memref<128xi32, #tpu.memory_space<vmem>>) semaphore(%arg15 : memref<!tpu.dma_semaphore, #tpu.memory_space<semaphore_mem>>) {add = true}
    %dma_start3A_582 = arith.constant 1 : i32
    %dma_start3A_583 = arith.constant 128 : i32
    %dma_start3A_584 = arith.constant 0 : i32
    %dma_start3A_585 = tpu.memref_slice %arg12[%dma_start3A_583, %dma_start3A_584] : memref<640x48xf32, #tpu.memory_space<vmem>> -> memref<128x48xf32, #tpu.memory_space<vmem>>
    %dma_start3A_586 = arith.constant 0 : i32
    %dma_start3A_587 = tpu.memref_slice %arg10[%dma_start3A_582, %dma_start3A_586] : memref<5x128xi32, #tpu.memory_space<vmem>> -> memref<1x128xi32, #tpu.memory_space<vmem>>
    %dma_start3A_588 = tpu.memref_squeeze %dma_start3A_587 : memref<1x128xi32, #tpu.memory_space<vmem>> -> memref<128xi32, #tpu.memory_space<vmem>>
    %dma_start3A_589 = arith.constant 0 : i32
    %dma_start3A_590 = arith.constant 0 : i32
    %dma_start3A_591 = tpu.memref_slice %arg7[%dma_start3A_589, %dma_start3A_590] : memref<10240x48xf32, #tpu.memory_space<vmem_shared>> -> memref<10240x48xf32, #tpu.memory_space<vmem_shared>>
    tpu.enqueue_indirect_dma source(%dma_start3A_585 : memref<128x48xf32, #tpu.memory_space<vmem>>) target(%dma_start3A_591 : memref<10240x48xf32, #tpu.memory_space<vmem_shared>>) offsets(%dma_start3A_588 : memref<128xi32, #tpu.memory_space<vmem>>) semaphore(%arg16 : memref<!tpu.dma_semaphore, #tpu.memory_space<semaphore_mem>>) {add = true}
    %dma_start3A_592 = arith.constant 2 : i32
    %dma_start3A_593 = arith.constant 256 : i32
    %dma_start3A_594 = arith.constant 0 : i32
    %dma_start3A_595 = tpu.memref_slice %arg12[%dma_start3A_593, %dma_start3A_594] : memref<640x48xf32, #tpu.memory_space<vmem>> -> memref<128x48xf32, #tpu.memory_space<vmem>>
    %dma_start3A_596 = arith.constant 0 : i32
    %dma_start3A_597 = tpu.memref_slice %arg10[%dma_start3A_592, %dma_start3A_596] : memref<5x128xi32, #tpu.memory_space<vmem>> -> memref<1x128xi32, #tpu.memory_space<vmem>>
    %dma_start3A_598 = tpu.memref_squeeze %dma_start3A_597 : memref<1x128xi32, #tpu.memory_space<vmem>> -> memref<128xi32, #tpu.memory_space<vmem>>
    %dma_start3A_599 = arith.constant 0 : i32
    %dma_start3A_600 = arith.constant 0 : i32
    %dma_start3A_601 = tpu.memref_slice %arg7[%dma_start3A_599, %dma_start3A_600] : memref<10240x48xf32, #tpu.memory_space<vmem_shared>> -> memref<10240x48xf32, #tpu.memory_space<vmem_shared>>
    tpu.enqueue_indirect_dma source(%dma_start3A_595 : memref<128x48xf32, #tpu.memory_space<vmem>>) target(%dma_start3A_601 : memref<10240x48xf32, #tpu.memory_space<vmem_shared>>) offsets(%dma_start3A_598 : memref<128xi32, #tpu.memory_space<vmem>>) semaphore(%arg15 : memref<!tpu.dma_semaphore, #tpu.memory_space<semaphore_mem>>) {add = true}
    %dma_start3A_602 = arith.constant 3 : i32
    %dma_start3A_603 = arith.constant 384 : i32
    %dma_start3A_604 = arith.constant 0 : i32
    %dma_start3A_605 = tpu.memref_slice %arg12[%dma_start3A_603, %dma_start3A_604] : memref<640x48xf32, #tpu.memory_space<vmem>> -> memref<128x48xf32, #tpu.memory_space<vmem>>
    %dma_start3A_606 = arith.constant 0 : i32
    %dma_start3A_607 = tpu.memref_slice %arg10[%dma_start3A_602, %dma_start3A_606] : memref<5x128xi32, #tpu.memory_space<vmem>> -> memref<1x128xi32, #tpu.memory_space<vmem>>
    %dma_start3A_608 = tpu.memref_squeeze %dma_start3A_607 : memref<1x128xi32, #tpu.memory_space<vmem>> -> memref<128xi32, #tpu.memory_space<vmem>>
    %dma_start3A_609 = arith.constant 0 : i32
    %dma_start3A_610 = arith.constant 0 : i32
    %dma_start3A_611 = tpu.memref_slice %arg7[%dma_start3A_609, %dma_start3A_610] : memref<10240x48xf32, #tpu.memory_space<vmem_shared>> -> memref<10240x48xf32, #tpu.memory_space<vmem_shared>>
    tpu.enqueue_indirect_dma source(%dma_start3A_605 : memref<128x48xf32, #tpu.memory_space<vmem>>) target(%dma_start3A_611 : memref<10240x48xf32, #tpu.memory_space<vmem_shared>>) offsets(%dma_start3A_608 : memref<128xi32, #tpu.memory_space<vmem>>) semaphore(%arg16 : memref<!tpu.dma_semaphore, #tpu.memory_space<semaphore_mem>>) {add = true}
    %dma_start3A_612 = arith.constant 4 : i32
    %dma_start3A_613 = arith.constant 512 : i32
    %dma_start3A_614 = arith.constant 0 : i32
    %dma_start3A_615 = tpu.memref_slice %arg12[%dma_start3A_613, %dma_start3A_614] : memref<640x48xf32, #tpu.memory_space<vmem>> -> memref<128x48xf32, #tpu.memory_space<vmem>>
    %dma_start3A_616 = arith.constant 0 : i32
    %dma_start3A_617 = tpu.memref_slice %arg10[%dma_start3A_612, %dma_start3A_616] : memref<5x128xi32, #tpu.memory_space<vmem>> -> memref<1x128xi32, #tpu.memory_space<vmem>>
    %dma_start3A_618 = tpu.memref_squeeze %dma_start3A_617 : memref<1x128xi32, #tpu.memory_space<vmem>> -> memref<128xi32, #tpu.memory_space<vmem>>
    %dma_start3A_619 = arith.constant 0 : i32
    %dma_start3A_620 = arith.constant 0 : i32
    %dma_start3A_621 = tpu.memref_slice %arg7[%dma_start3A_619, %dma_start3A_620] : memref<10240x48xf32, #tpu.memory_space<vmem_shared>> -> memref<10240x48xf32, #tpu.memory_space<vmem_shared>>
    tpu.enqueue_indirect_dma source(%dma_start3A_615 : memref<128x48xf32, #tpu.memory_space<vmem>>) target(%dma_start3A_621 : memref<10240x48xf32, #tpu.memory_space<vmem_shared>>) offsets(%dma_start3A_618 : memref<128xi32, #tpu.memory_space<vmem>>) semaphore(%arg15 : memref<!tpu.dma_semaphore, #tpu.memory_space<semaphore_mem>>) {add = true}
    %dma_wait3A_622 = arith.constant 0 : i32
    %dma_wait3A_623 = arith.constant 0 : i32
    %dma_wait3A_624 = arith.constant 0 : i32
    %dma_wait3A_625 = tpu.memref_slice %arg12[%dma_wait3A_623, %dma_wait3A_624] : memref<640x48xf32, #tpu.memory_space<vmem>> -> memref<128x48xf32, #tpu.memory_space<vmem>>
    %dma_wait3A_626 = arith.constant 0 : i32
    %dma_wait3A_627 = tpu.memref_slice %arg10[%dma_wait3A_622, %dma_wait3A_626] : memref<5x128xi32, #tpu.memory_space<vmem>> -> memref<1x128xi32, #tpu.memory_space<vmem>>
    %dma_wait3A_628 = tpu.memref_squeeze %dma_wait3A_627 : memref<1x128xi32, #tpu.memory_space<vmem>> -> memref<128xi32, #tpu.memory_space<vmem>>
    %dma_wait3A_629 = arith.constant 0 : i32
    %dma_wait3A_630 = arith.constant 0 : i32
    %dma_wait3A_631 = tpu.memref_slice %arg7[%dma_wait3A_629, %dma_wait3A_630] : memref<10240x48xf32, #tpu.memory_space<vmem_shared>> -> memref<10240x48xf32, #tpu.memory_space<vmem_shared>>
    tpu.wait_indirect_dma semaphore(%arg15 : memref<!tpu.dma_semaphore, #tpu.memory_space<semaphore_mem>>) src(%dma_wait3A_625 : memref<128x48xf32, #tpu.memory_space<vmem>>) dst(%dma_wait3A_631 : memref<10240x48xf32, #tpu.memory_space<vmem_shared>>)
    %dma_wait3A_632 = arith.constant 1 : i32
    %dma_wait3A_633 = arith.constant 128 : i32
    %dma_wait3A_634 = arith.constant 0 : i32
    %dma_wait3A_635 = tpu.memref_slice %arg12[%dma_wait3A_633, %dma_wait3A_634] : memref<640x48xf32, #tpu.memory_space<vmem>> -> memref<128x48xf32, #tpu.memory_space<vmem>>
    %dma_wait3A_636 = arith.constant 0 : i32
    %dma_wait3A_637 = tpu.memref_slice %arg10[%dma_wait3A_632, %dma_wait3A_636] : memref<5x128xi32, #tpu.memory_space<vmem>> -> memref<1x128xi32, #tpu.memory_space<vmem>>
    %dma_wait3A_638 = tpu.memref_squeeze %dma_wait3A_637 : memref<1x128xi32, #tpu.memory_space<vmem>> -> memref<128xi32, #tpu.memory_space<vmem>>
    %dma_wait3A_639 = arith.constant 0 : i32
    %dma_wait3A_640 = arith.constant 0 : i32
    %dma_wait3A_641 = tpu.memref_slice %arg7[%dma_wait3A_639, %dma_wait3A_640] : memref<10240x48xf32, #tpu.memory_space<vmem_shared>> -> memref<10240x48xf32, #tpu.memory_space<vmem_shared>>
    tpu.wait_indirect_dma semaphore(%arg16 : memref<!tpu.dma_semaphore, #tpu.memory_space<semaphore_mem>>) src(%dma_wait3A_635 : memref<128x48xf32, #tpu.memory_space<vmem>>) dst(%dma_wait3A_641 : memref<10240x48xf32, #tpu.memory_space<vmem_shared>>)
    %dma_wait3A_642 = arith.constant 2 : i32
    %dma_wait3A_643 = arith.constant 256 : i32
    %dma_wait3A_644 = arith.constant 0 : i32
    %dma_wait3A_645 = tpu.memref_slice %arg12[%dma_wait3A_643, %dma_wait3A_644] : memref<640x48xf32, #tpu.memory_space<vmem>> -> memref<128x48xf32, #tpu.memory_space<vmem>>
    %dma_wait3A_646 = arith.constant 0 : i32
    %dma_wait3A_647 = tpu.memref_slice %arg10[%dma_wait3A_642, %dma_wait3A_646] : memref<5x128xi32, #tpu.memory_space<vmem>> -> memref<1x128xi32, #tpu.memory_space<vmem>>
    %dma_wait3A_648 = tpu.memref_squeeze %dma_wait3A_647 : memref<1x128xi32, #tpu.memory_space<vmem>> -> memref<128xi32, #tpu.memory_space<vmem>>
    %dma_wait3A_649 = arith.constant 0 : i32
    %dma_wait3A_650 = arith.constant 0 : i32
    %dma_wait3A_651 = tpu.memref_slice %arg7[%dma_wait3A_649, %dma_wait3A_650] : memref<10240x48xf32, #tpu.memory_space<vmem_shared>> -> memref<10240x48xf32, #tpu.memory_space<vmem_shared>>
    tpu.wait_indirect_dma semaphore(%arg15 : memref<!tpu.dma_semaphore, #tpu.memory_space<semaphore_mem>>) src(%dma_wait3A_645 : memref<128x48xf32, #tpu.memory_space<vmem>>) dst(%dma_wait3A_651 : memref<10240x48xf32, #tpu.memory_space<vmem_shared>>)
    %dma_wait3A_652 = arith.constant 3 : i32
    %dma_wait3A_653 = arith.constant 384 : i32
    %dma_wait3A_654 = arith.constant 0 : i32
    %dma_wait3A_655 = tpu.memref_slice %arg12[%dma_wait3A_653, %dma_wait3A_654] : memref<640x48xf32, #tpu.memory_space<vmem>> -> memref<128x48xf32, #tpu.memory_space<vmem>>
    %dma_wait3A_656 = arith.constant 0 : i32
    %dma_wait3A_657 = tpu.memref_slice %arg10[%dma_wait3A_652, %dma_wait3A_656] : memref<5x128xi32, #tpu.memory_space<vmem>> -> memref<1x128xi32, #tpu.memory_space<vmem>>
    %dma_wait3A_658 = tpu.memref_squeeze %dma_wait3A_657 : memref<1x128xi32, #tpu.memory_space<vmem>> -> memref<128xi32, #tpu.memory_space<vmem>>
    %dma_wait3A_659 = arith.constant 0 : i32
    %dma_wait3A_660 = arith.constant 0 : i32
    %dma_wait3A_661 = tpu.memref_slice %arg7[%dma_wait3A_659, %dma_wait3A_660] : memref<10240x48xf32, #tpu.memory_space<vmem_shared>> -> memref<10240x48xf32, #tpu.memory_space<vmem_shared>>
    tpu.wait_indirect_dma semaphore(%arg16 : memref<!tpu.dma_semaphore, #tpu.memory_space<semaphore_mem>>) src(%dma_wait3A_655 : memref<128x48xf32, #tpu.memory_space<vmem>>) dst(%dma_wait3A_661 : memref<10240x48xf32, #tpu.memory_space<vmem_shared>>)
    %dma_wait3A_662 = arith.constant 4 : i32
    %dma_wait3A_663 = arith.constant 512 : i32
    %dma_wait3A_664 = arith.constant 0 : i32
    %dma_wait3A_665 = tpu.memref_slice %arg12[%dma_wait3A_663, %dma_wait3A_664] : memref<640x48xf32, #tpu.memory_space<vmem>> -> memref<128x48xf32, #tpu.memory_space<vmem>>
    %dma_wait3A_666 = arith.constant 0 : i32
    %dma_wait3A_667 = tpu.memref_slice %arg10[%dma_wait3A_662, %dma_wait3A_666] : memref<5x128xi32, #tpu.memory_space<vmem>> -> memref<1x128xi32, #tpu.memory_space<vmem>>
    %dma_wait3A_668 = tpu.memref_squeeze %dma_wait3A_667 : memref<1x128xi32, #tpu.memory_space<vmem>> -> memref<128xi32, #tpu.memory_space<vmem>>
    %dma_wait3A_669 = arith.constant 0 : i32
    %dma_wait3A_670 = arith.constant 0 : i32
    %dma_wait3A_671 = tpu.memref_slice %arg7[%dma_wait3A_669, %dma_wait3A_670] : memref<10240x48xf32, #tpu.memory_space<vmem_shared>> -> memref<10240x48xf32, #tpu.memory_space<vmem_shared>>
    tpu.wait_indirect_dma semaphore(%arg15 : memref<!tpu.dma_semaphore, #tpu.memory_space<semaphore_mem>>) src(%dma_wait3A_665 : memref<128x48xf32, #tpu.memory_space<vmem>>) dst(%dma_wait3A_671 : memref<10240x48xf32, #tpu.memory_space<vmem_shared>>)
    %add3A_672 = arith.constant 4480 : i32
    %add3A_673 = arith.addi %mul3A_8, %add3A_672 : i32
    "tpu.region"() ({
      %run_scoped3A = tpu.sem_alloc : memref<!tpu.dma_semaphore, #tpu.memory_space<semaphore_mem>>
      %dma_start3A_894 = tpu.memref_slice %arg3[%add3A_673] : memref<163840xi32, #tpu.memory_space<hbm>> -> memref<640xi32, #tpu.memory_space<hbm>>
      %dma_start3A_895 = tpu.memref_slice %arg3[%add3A_673] : memref<163840xi32, #tpu.memory_space<hbm>> -> memref<640xi32, #tpu.memory_space<hbm>>
      tpu.enqueue_dma source(%dma_start3A_895 : memref<640xi32, #tpu.memory_space<hbm>>) target(%arg9 : memref<640xi32, #tpu.memory_space<vmem>>) target_semaphore(%run_scoped3A : memref<!tpu.dma_semaphore, #tpu.memory_space<semaphore_mem>>)
      %dma_wait3A_896 = tpu.memref_slice %arg3[%add3A_673] : memref<163840xi32, #tpu.memory_space<hbm>> -> memref<640xi32, #tpu.memory_space<hbm>>
      %dma_wait3A_897 = tpu.memref_slice %arg3[%add3A_673] : memref<163840xi32, #tpu.memory_space<hbm>> -> memref<640xi32, #tpu.memory_space<hbm>>
      tpu.wait_dma2 semaphore(%run_scoped3A : memref<!tpu.dma_semaphore, #tpu.memory_space<semaphore_mem>>) src(%dma_wait3A_897 : memref<640xi32, #tpu.memory_space<hbm>>) dst(%arg9 : memref<640xi32, #tpu.memory_space<vmem>>)
      tpu.yield
    }) : () -> ()
    %dma_start3A_674 = arith.constant 0 : i32
    %dma_start3A_675 = arith.constant 0 : i32
    %dma_start3A_676 = tpu.memref_slice %arg2[%dma_start3A_674, %dma_start3A_675] : memref<10000x48xf32, #tpu.memory_space<hbm>> -> memref<10000x48xf32, #tpu.memory_space<hbm>>
    tpu.enqueue_indirect_dma source(%dma_start3A_676 : memref<10000x48xf32, #tpu.memory_space<hbm>>) target(%arg12 : memref<640x48xf32, #tpu.memory_space<vmem>>) offsets(%arg9 : memref<640xi32, #tpu.memory_space<vmem>>) semaphore(%arg14 : memref<!tpu.dma_semaphore, #tpu.memory_space<semaphore_mem>>)
    %dma_wait3A_677 = arith.constant 0 : i32
    %dma_wait3A_678 = arith.constant 0 : i32
    %dma_wait3A_679 = tpu.memref_slice %arg2[%dma_wait3A_677, %dma_wait3A_678] : memref<10000x48xf32, #tpu.memory_space<hbm>> -> memref<10000x48xf32, #tpu.memory_space<hbm>>
    tpu.wait_indirect_dma semaphore(%arg13 : memref<!tpu.dma_semaphore, #tpu.memory_space<semaphore_mem>>) src(%dma_wait3A_679 : memref<10000x48xf32, #tpu.memory_space<hbm>>) dst(%arg11 : memref<640x48xf32, #tpu.memory_space<vmem>>)
    %add3A_680 = arith.constant 30 : i32
    %add3A_681 = arith.addi %mul3A_6, %add3A_680 : i32
    "tpu.region"() ({
      %run_scoped3A = tpu.sem_alloc : memref<!tpu.dma_semaphore, #tpu.memory_space<semaphore_mem>>
      %dma_start3A_894 = arith.constant 0 : i32
      %dma_start3A_895 = tpu.memref_slice %arg4[%add3A_681, %dma_start3A_894] : memref<1280x128xi32, #tpu.memory_space<hbm>> -> memref<5x128xi32, #tpu.memory_space<hbm>>
      %dma_start3A_896 = arith.constant 0 : i32
      %dma_start3A_897 = tpu.memref_slice %arg4[%add3A_681, %dma_start3A_896] : memref<1280x128xi32, #tpu.memory_space<hbm>> -> memref<5x128xi32, #tpu.memory_space<hbm>>
      tpu.enqueue_dma source(%dma_start3A_897 : memref<5x128xi32, #tpu.memory_space<hbm>>) target(%arg10 : memref<5x128xi32, #tpu.memory_space<vmem>>) target_semaphore(%run_scoped3A : memref<!tpu.dma_semaphore, #tpu.memory_space<semaphore_mem>>)
      %dma_wait3A_898 = arith.constant 0 : i32
      %dma_wait3A_899 = tpu.memref_slice %arg4[%add3A_681, %dma_wait3A_898] : memref<1280x128xi32, #tpu.memory_space<hbm>> -> memref<5x128xi32, #tpu.memory_space<hbm>>
      %dma_wait3A_900 = arith.constant 0 : i32
      %dma_wait3A_901 = tpu.memref_slice %arg4[%add3A_681, %dma_wait3A_900] : memref<1280x128xi32, #tpu.memory_space<hbm>> -> memref<5x128xi32, #tpu.memory_space<hbm>>
      tpu.wait_dma2 semaphore(%run_scoped3A : memref<!tpu.dma_semaphore, #tpu.memory_space<semaphore_mem>>) src(%dma_wait3A_901 : memref<5x128xi32, #tpu.memory_space<hbm>>) dst(%arg10 : memref<5x128xi32, #tpu.memory_space<vmem>>)
      tpu.yield
    }) : () -> ()
    %dma_start3A_682 = arith.constant 0 : i32
    %dma_start3A_683 = arith.constant 0 : i32
    %dma_start3A_684 = arith.constant 0 : i32
    %dma_start3A_685 = tpu.memref_slice %arg11[%dma_start3A_683, %dma_start3A_684] : memref<640x48xf32, #tpu.memory_space<vmem>> -> memref<128x48xf32, #tpu.memory_space<vmem>>
    %dma_start3A_686 = arith.constant 0 : i32
    %dma_start3A_687 = tpu.memref_slice %arg10[%dma_start3A_682, %dma_start3A_686] : memref<5x128xi32, #tpu.memory_space<vmem>> -> memref<1x128xi32, #tpu.memory_space<vmem>>
    %dma_start3A_688 = tpu.memref_squeeze %dma_start3A_687 : memref<1x128xi32, #tpu.memory_space<vmem>> -> memref<128xi32, #tpu.memory_space<vmem>>
    %dma_start3A_689 = arith.constant 0 : i32
    %dma_start3A_690 = arith.constant 0 : i32
    %dma_start3A_691 = tpu.memref_slice %arg7[%dma_start3A_689, %dma_start3A_690] : memref<10240x48xf32, #tpu.memory_space<vmem_shared>> -> memref<10240x48xf32, #tpu.memory_space<vmem_shared>>
    tpu.enqueue_indirect_dma source(%dma_start3A_685 : memref<128x48xf32, #tpu.memory_space<vmem>>) target(%dma_start3A_691 : memref<10240x48xf32, #tpu.memory_space<vmem_shared>>) offsets(%dma_start3A_688 : memref<128xi32, #tpu.memory_space<vmem>>) semaphore(%arg15 : memref<!tpu.dma_semaphore, #tpu.memory_space<semaphore_mem>>) {add = true}
    %dma_start3A_692 = arith.constant 1 : i32
    %dma_start3A_693 = arith.constant 128 : i32
    %dma_start3A_694 = arith.constant 0 : i32
    %dma_start3A_695 = tpu.memref_slice %arg11[%dma_start3A_693, %dma_start3A_694] : memref<640x48xf32, #tpu.memory_space<vmem>> -> memref<128x48xf32, #tpu.memory_space<vmem>>
    %dma_start3A_696 = arith.constant 0 : i32
    %dma_start3A_697 = tpu.memref_slice %arg10[%dma_start3A_692, %dma_start3A_696] : memref<5x128xi32, #tpu.memory_space<vmem>> -> memref<1x128xi32, #tpu.memory_space<vmem>>
    %dma_start3A_698 = tpu.memref_squeeze %dma_start3A_697 : memref<1x128xi32, #tpu.memory_space<vmem>> -> memref<128xi32, #tpu.memory_space<vmem>>
    %dma_start3A_699 = arith.constant 0 : i32
    %dma_start3A_700 = arith.constant 0 : i32
    %dma_start3A_701 = tpu.memref_slice %arg7[%dma_start3A_699, %dma_start3A_700] : memref<10240x48xf32, #tpu.memory_space<vmem_shared>> -> memref<10240x48xf32, #tpu.memory_space<vmem_shared>>
    tpu.enqueue_indirect_dma source(%dma_start3A_695 : memref<128x48xf32, #tpu.memory_space<vmem>>) target(%dma_start3A_701 : memref<10240x48xf32, #tpu.memory_space<vmem_shared>>) offsets(%dma_start3A_698 : memref<128xi32, #tpu.memory_space<vmem>>) semaphore(%arg16 : memref<!tpu.dma_semaphore, #tpu.memory_space<semaphore_mem>>) {add = true}
    %dma_start3A_702 = arith.constant 2 : i32
    %dma_start3A_703 = arith.constant 256 : i32
    %dma_start3A_704 = arith.constant 0 : i32
    %dma_start3A_705 = tpu.memref_slice %arg11[%dma_start3A_703, %dma_start3A_704] : memref<640x48xf32, #tpu.memory_space<vmem>> -> memref<128x48xf32, #tpu.memory_space<vmem>>
    %dma_start3A_706 = arith.constant 0 : i32
    %dma_start3A_707 = tpu.memref_slice %arg10[%dma_start3A_702, %dma_start3A_706] : memref<5x128xi32, #tpu.memory_space<vmem>> -> memref<1x128xi32, #tpu.memory_space<vmem>>
    %dma_start3A_708 = tpu.memref_squeeze %dma_start3A_707 : memref<1x128xi32, #tpu.memory_space<vmem>> -> memref<128xi32, #tpu.memory_space<vmem>>
    %dma_start3A_709 = arith.constant 0 : i32
    %dma_start3A_710 = arith.constant 0 : i32
    %dma_start3A_711 = tpu.memref_slice %arg7[%dma_start3A_709, %dma_start3A_710] : memref<10240x48xf32, #tpu.memory_space<vmem_shared>> -> memref<10240x48xf32, #tpu.memory_space<vmem_shared>>
    tpu.enqueue_indirect_dma source(%dma_start3A_705 : memref<128x48xf32, #tpu.memory_space<vmem>>) target(%dma_start3A_711 : memref<10240x48xf32, #tpu.memory_space<vmem_shared>>) offsets(%dma_start3A_708 : memref<128xi32, #tpu.memory_space<vmem>>) semaphore(%arg15 : memref<!tpu.dma_semaphore, #tpu.memory_space<semaphore_mem>>) {add = true}
    %dma_start3A_712 = arith.constant 3 : i32
    %dma_start3A_713 = arith.constant 384 : i32
    %dma_start3A_714 = arith.constant 0 : i32
    %dma_start3A_715 = tpu.memref_slice %arg11[%dma_start3A_713, %dma_start3A_714] : memref<640x48xf32, #tpu.memory_space<vmem>> -> memref<128x48xf32, #tpu.memory_space<vmem>>
    %dma_start3A_716 = arith.constant 0 : i32
    %dma_start3A_717 = tpu.memref_slice %arg10[%dma_start3A_712, %dma_start3A_716] : memref<5x128xi32, #tpu.memory_space<vmem>> -> memref<1x128xi32, #tpu.memory_space<vmem>>
    %dma_start3A_718 = tpu.memref_squeeze %dma_start3A_717 : memref<1x128xi32, #tpu.memory_space<vmem>> -> memref<128xi32, #tpu.memory_space<vmem>>
    %dma_start3A_719 = arith.constant 0 : i32
    %dma_start3A_720 = arith.constant 0 : i32
    %dma_start3A_721 = tpu.memref_slice %arg7[%dma_start3A_719, %dma_start3A_720] : memref<10240x48xf32, #tpu.memory_space<vmem_shared>> -> memref<10240x48xf32, #tpu.memory_space<vmem_shared>>
    tpu.enqueue_indirect_dma source(%dma_start3A_715 : memref<128x48xf32, #tpu.memory_space<vmem>>) target(%dma_start3A_721 : memref<10240x48xf32, #tpu.memory_space<vmem_shared>>) offsets(%dma_start3A_718 : memref<128xi32, #tpu.memory_space<vmem>>) semaphore(%arg16 : memref<!tpu.dma_semaphore, #tpu.memory_space<semaphore_mem>>) {add = true}
    %dma_start3A_722 = arith.constant 4 : i32
    %dma_start3A_723 = arith.constant 512 : i32
    %dma_start3A_724 = arith.constant 0 : i32
    %dma_start3A_725 = tpu.memref_slice %arg11[%dma_start3A_723, %dma_start3A_724] : memref<640x48xf32, #tpu.memory_space<vmem>> -> memref<128x48xf32, #tpu.memory_space<vmem>>
    %dma_start3A_726 = arith.constant 0 : i32
    %dma_start3A_727 = tpu.memref_slice %arg10[%dma_start3A_722, %dma_start3A_726] : memref<5x128xi32, #tpu.memory_space<vmem>> -> memref<1x128xi32, #tpu.memory_space<vmem>>
    %dma_start3A_728 = tpu.memref_squeeze %dma_start3A_727 : memref<1x128xi32, #tpu.memory_space<vmem>> -> memref<128xi32, #tpu.memory_space<vmem>>
    %dma_start3A_729 = arith.constant 0 : i32
    %dma_start3A_730 = arith.constant 0 : i32
    %dma_start3A_731 = tpu.memref_slice %arg7[%dma_start3A_729, %dma_start3A_730] : memref<10240x48xf32, #tpu.memory_space<vmem_shared>> -> memref<10240x48xf32, #tpu.memory_space<vmem_shared>>
    tpu.enqueue_indirect_dma source(%dma_start3A_725 : memref<128x48xf32, #tpu.memory_space<vmem>>) target(%dma_start3A_731 : memref<10240x48xf32, #tpu.memory_space<vmem_shared>>) offsets(%dma_start3A_728 : memref<128xi32, #tpu.memory_space<vmem>>) semaphore(%arg15 : memref<!tpu.dma_semaphore, #tpu.memory_space<semaphore_mem>>) {add = true}
    %dma_wait3A_732 = arith.constant 0 : i32
    %dma_wait3A_733 = arith.constant 0 : i32
    %dma_wait3A_734 = arith.constant 0 : i32
    %dma_wait3A_735 = tpu.memref_slice %arg11[%dma_wait3A_733, %dma_wait3A_734] : memref<640x48xf32, #tpu.memory_space<vmem>> -> memref<128x48xf32, #tpu.memory_space<vmem>>
    %dma_wait3A_736 = arith.constant 0 : i32
    %dma_wait3A_737 = tpu.memref_slice %arg10[%dma_wait3A_732, %dma_wait3A_736] : memref<5x128xi32, #tpu.memory_space<vmem>> -> memref<1x128xi32, #tpu.memory_space<vmem>>
    %dma_wait3A_738 = tpu.memref_squeeze %dma_wait3A_737 : memref<1x128xi32, #tpu.memory_space<vmem>> -> memref<128xi32, #tpu.memory_space<vmem>>
    %dma_wait3A_739 = arith.constant 0 : i32
    %dma_wait3A_740 = arith.constant 0 : i32
    %dma_wait3A_741 = tpu.memref_slice %arg7[%dma_wait3A_739, %dma_wait3A_740] : memref<10240x48xf32, #tpu.memory_space<vmem_shared>> -> memref<10240x48xf32, #tpu.memory_space<vmem_shared>>
    tpu.wait_indirect_dma semaphore(%arg15 : memref<!tpu.dma_semaphore, #tpu.memory_space<semaphore_mem>>) src(%dma_wait3A_735 : memref<128x48xf32, #tpu.memory_space<vmem>>) dst(%dma_wait3A_741 : memref<10240x48xf32, #tpu.memory_space<vmem_shared>>)
    %dma_wait3A_742 = arith.constant 1 : i32
    %dma_wait3A_743 = arith.constant 128 : i32
    %dma_wait3A_744 = arith.constant 0 : i32
    %dma_wait3A_745 = tpu.memref_slice %arg11[%dma_wait3A_743, %dma_wait3A_744] : memref<640x48xf32, #tpu.memory_space<vmem>> -> memref<128x48xf32, #tpu.memory_space<vmem>>
    %dma_wait3A_746 = arith.constant 0 : i32
    %dma_wait3A_747 = tpu.memref_slice %arg10[%dma_wait3A_742, %dma_wait3A_746] : memref<5x128xi32, #tpu.memory_space<vmem>> -> memref<1x128xi32, #tpu.memory_space<vmem>>
    %dma_wait3A_748 = tpu.memref_squeeze %dma_wait3A_747 : memref<1x128xi32, #tpu.memory_space<vmem>> -> memref<128xi32, #tpu.memory_space<vmem>>
    %dma_wait3A_749 = arith.constant 0 : i32
    %dma_wait3A_750 = arith.constant 0 : i32
    %dma_wait3A_751 = tpu.memref_slice %arg7[%dma_wait3A_749, %dma_wait3A_750] : memref<10240x48xf32, #tpu.memory_space<vmem_shared>> -> memref<10240x48xf32, #tpu.memory_space<vmem_shared>>
    tpu.wait_indirect_dma semaphore(%arg16 : memref<!tpu.dma_semaphore, #tpu.memory_space<semaphore_mem>>) src(%dma_wait3A_745 : memref<128x48xf32, #tpu.memory_space<vmem>>) dst(%dma_wait3A_751 : memref<10240x48xf32, #tpu.memory_space<vmem_shared>>)
    %dma_wait3A_752 = arith.constant 2 : i32
    %dma_wait3A_753 = arith.constant 256 : i32
    %dma_wait3A_754 = arith.constant 0 : i32
    %dma_wait3A_755 = tpu.memref_slice %arg11[%dma_wait3A_753, %dma_wait3A_754] : memref<640x48xf32, #tpu.memory_space<vmem>> -> memref<128x48xf32, #tpu.memory_space<vmem>>
    %dma_wait3A_756 = arith.constant 0 : i32
    %dma_wait3A_757 = tpu.memref_slice %arg10[%dma_wait3A_752, %dma_wait3A_756] : memref<5x128xi32, #tpu.memory_space<vmem>> -> memref<1x128xi32, #tpu.memory_space<vmem>>
    %dma_wait3A_758 = tpu.memref_squeeze %dma_wait3A_757 : memref<1x128xi32, #tpu.memory_space<vmem>> -> memref<128xi32, #tpu.memory_space<vmem>>
    %dma_wait3A_759 = arith.constant 0 : i32
    %dma_wait3A_760 = arith.constant 0 : i32
    %dma_wait3A_761 = tpu.memref_slice %arg7[%dma_wait3A_759, %dma_wait3A_760] : memref<10240x48xf32, #tpu.memory_space<vmem_shared>> -> memref<10240x48xf32, #tpu.memory_space<vmem_shared>>
    tpu.wait_indirect_dma semaphore(%arg15 : memref<!tpu.dma_semaphore, #tpu.memory_space<semaphore_mem>>) src(%dma_wait3A_755 : memref<128x48xf32, #tpu.memory_space<vmem>>) dst(%dma_wait3A_761 : memref<10240x48xf32, #tpu.memory_space<vmem_shared>>)
    %dma_wait3A_762 = arith.constant 3 : i32
    %dma_wait3A_763 = arith.constant 384 : i32
    %dma_wait3A_764 = arith.constant 0 : i32
    %dma_wait3A_765 = tpu.memref_slice %arg11[%dma_wait3A_763, %dma_wait3A_764] : memref<640x48xf32, #tpu.memory_space<vmem>> -> memref<128x48xf32, #tpu.memory_space<vmem>>
    %dma_wait3A_766 = arith.constant 0 : i32
    %dma_wait3A_767 = tpu.memref_slice %arg10[%dma_wait3A_762, %dma_wait3A_766] : memref<5x128xi32, #tpu.memory_space<vmem>> -> memref<1x128xi32, #tpu.memory_space<vmem>>
    %dma_wait3A_768 = tpu.memref_squeeze %dma_wait3A_767 : memref<1x128xi32, #tpu.memory_space<vmem>> -> memref<128xi32, #tpu.memory_space<vmem>>
    %dma_wait3A_769 = arith.constant 0 : i32
    %dma_wait3A_770 = arith.constant 0 : i32
    %dma_wait3A_771 = tpu.memref_slice %arg7[%dma_wait3A_769, %dma_wait3A_770] : memref<10240x48xf32, #tpu.memory_space<vmem_shared>> -> memref<10240x48xf32, #tpu.memory_space<vmem_shared>>
    tpu.wait_indirect_dma semaphore(%arg16 : memref<!tpu.dma_semaphore, #tpu.memory_space<semaphore_mem>>) src(%dma_wait3A_765 : memref<128x48xf32, #tpu.memory_space<vmem>>) dst(%dma_wait3A_771 : memref<10240x48xf32, #tpu.memory_space<vmem_shared>>)
    %dma_wait3A_772 = arith.constant 4 : i32
    %dma_wait3A_773 = arith.constant 512 : i32
    %dma_wait3A_774 = arith.constant 0 : i32
    %dma_wait3A_775 = tpu.memref_slice %arg11[%dma_wait3A_773, %dma_wait3A_774] : memref<640x48xf32, #tpu.memory_space<vmem>> -> memref<128x48xf32, #tpu.memory_space<vmem>>
    %dma_wait3A_776 = arith.constant 0 : i32
    %dma_wait3A_777 = tpu.memref_slice %arg10[%dma_wait3A_772, %dma_wait3A_776] : memref<5x128xi32, #tpu.memory_space<vmem>> -> memref<1x128xi32, #tpu.memory_space<vmem>>
    %dma_wait3A_778 = tpu.memref_squeeze %dma_wait3A_777 : memref<1x128xi32, #tpu.memory_space<vmem>> -> memref<128xi32, #tpu.memory_space<vmem>>
    %dma_wait3A_779 = arith.constant 0 : i32
    %dma_wait3A_780 = arith.constant 0 : i32
    %dma_wait3A_781 = tpu.memref_slice %arg7[%dma_wait3A_779, %dma_wait3A_780] : memref<10240x48xf32, #tpu.memory_space<vmem_shared>> -> memref<10240x48xf32, #tpu.memory_space<vmem_shared>>
    tpu.wait_indirect_dma semaphore(%arg15 : memref<!tpu.dma_semaphore, #tpu.memory_space<semaphore_mem>>) src(%dma_wait3A_775 : memref<128x48xf32, #tpu.memory_space<vmem>>) dst(%dma_wait3A_781 : memref<10240x48xf32, #tpu.memory_space<vmem_shared>>)
    %dma_wait3A_782 = arith.constant 0 : i32
    %dma_wait3A_783 = arith.constant 0 : i32
    %dma_wait3A_784 = tpu.memref_slice %arg2[%dma_wait3A_782, %dma_wait3A_783] : memref<10000x48xf32, #tpu.memory_space<hbm>> -> memref<10000x48xf32, #tpu.memory_space<hbm>>
    tpu.wait_indirect_dma semaphore(%arg14 : memref<!tpu.dma_semaphore, #tpu.memory_space<semaphore_mem>>) src(%dma_wait3A_784 : memref<10000x48xf32, #tpu.memory_space<hbm>>) dst(%arg12 : memref<640x48xf32, #tpu.memory_space<vmem>>)
    %add3A_785 = arith.constant 35 : i32
    %add3A_786 = arith.addi %mul3A_6, %add3A_785 : i32
    "tpu.region"() ({
      %run_scoped3A = tpu.sem_alloc : memref<!tpu.dma_semaphore, #tpu.memory_space<semaphore_mem>>
      %dma_start3A_894 = arith.constant 0 : i32
      %dma_start3A_895 = tpu.memref_slice %arg4[%add3A_786, %dma_start3A_894] : memref<1280x128xi32, #tpu.memory_space<hbm>> -> memref<5x128xi32, #tpu.memory_space<hbm>>
      %dma_start3A_896 = arith.constant 0 : i32
      %dma_start3A_897 = tpu.memref_slice %arg4[%add3A_786, %dma_start3A_896] : memref<1280x128xi32, #tpu.memory_space<hbm>> -> memref<5x128xi32, #tpu.memory_space<hbm>>
      tpu.enqueue_dma source(%dma_start3A_897 : memref<5x128xi32, #tpu.memory_space<hbm>>) target(%arg10 : memref<5x128xi32, #tpu.memory_space<vmem>>) target_semaphore(%run_scoped3A : memref<!tpu.dma_semaphore, #tpu.memory_space<semaphore_mem>>)
      %dma_wait3A_898 = arith.constant 0 : i32
      %dma_wait3A_899 = tpu.memref_slice %arg4[%add3A_786, %dma_wait3A_898] : memref<1280x128xi32, #tpu.memory_space<hbm>> -> memref<5x128xi32, #tpu.memory_space<hbm>>
      %dma_wait3A_900 = arith.constant 0 : i32
      %dma_wait3A_901 = tpu.memref_slice %arg4[%add3A_786, %dma_wait3A_900] : memref<1280x128xi32, #tpu.memory_space<hbm>> -> memref<5x128xi32, #tpu.memory_space<hbm>>
      tpu.wait_dma2 semaphore(%run_scoped3A : memref<!tpu.dma_semaphore, #tpu.memory_space<semaphore_mem>>) src(%dma_wait3A_901 : memref<5x128xi32, #tpu.memory_space<hbm>>) dst(%arg10 : memref<5x128xi32, #tpu.memory_space<vmem>>)
      tpu.yield
    }) : () -> ()
    %dma_start3A_787 = arith.constant 0 : i32
    %dma_start3A_788 = arith.constant 0 : i32
    %dma_start3A_789 = arith.constant 0 : i32
    %dma_start3A_790 = tpu.memref_slice %arg12[%dma_start3A_788, %dma_start3A_789] : memref<640x48xf32, #tpu.memory_space<vmem>> -> memref<128x48xf32, #tpu.memory_space<vmem>>
    %dma_start3A_791 = arith.constant 0 : i32
    %dma_start3A_792 = tpu.memref_slice %arg10[%dma_start3A_787, %dma_start3A_791] : memref<5x128xi32, #tpu.memory_space<vmem>> -> memref<1x128xi32, #tpu.memory_space<vmem>>
    %dma_start3A_793 = tpu.memref_squeeze %dma_start3A_792 : memref<1x128xi32, #tpu.memory_space<vmem>> -> memref<128xi32, #tpu.memory_space<vmem>>
    %dma_start3A_794 = arith.constant 0 : i32
    %dma_start3A_795 = arith.constant 0 : i32
    %dma_start3A_796 = tpu.memref_slice %arg7[%dma_start3A_794, %dma_start3A_795] : memref<10240x48xf32, #tpu.memory_space<vmem_shared>> -> memref<10240x48xf32, #tpu.memory_space<vmem_shared>>
    tpu.enqueue_indirect_dma source(%dma_start3A_790 : memref<128x48xf32, #tpu.memory_space<vmem>>) target(%dma_start3A_796 : memref<10240x48xf32, #tpu.memory_space<vmem_shared>>) offsets(%dma_start3A_793 : memref<128xi32, #tpu.memory_space<vmem>>) semaphore(%arg15 : memref<!tpu.dma_semaphore, #tpu.memory_space<semaphore_mem>>) {add = true}
    %dma_start3A_797 = arith.constant 1 : i32
    %dma_start3A_798 = arith.constant 128 : i32
    %dma_start3A_799 = arith.constant 0 : i32
    %dma_start3A_800 = tpu.memref_slice %arg12[%dma_start3A_798, %dma_start3A_799] : memref<640x48xf32, #tpu.memory_space<vmem>> -> memref<128x48xf32, #tpu.memory_space<vmem>>
    %dma_start3A_801 = arith.constant 0 : i32
    %dma_start3A_802 = tpu.memref_slice %arg10[%dma_start3A_797, %dma_start3A_801] : memref<5x128xi32, #tpu.memory_space<vmem>> -> memref<1x128xi32, #tpu.memory_space<vmem>>
    %dma_start3A_803 = tpu.memref_squeeze %dma_start3A_802 : memref<1x128xi32, #tpu.memory_space<vmem>> -> memref<128xi32, #tpu.memory_space<vmem>>
    %dma_start3A_804 = arith.constant 0 : i32
    %dma_start3A_805 = arith.constant 0 : i32
    %dma_start3A_806 = tpu.memref_slice %arg7[%dma_start3A_804, %dma_start3A_805] : memref<10240x48xf32, #tpu.memory_space<vmem_shared>> -> memref<10240x48xf32, #tpu.memory_space<vmem_shared>>
    tpu.enqueue_indirect_dma source(%dma_start3A_800 : memref<128x48xf32, #tpu.memory_space<vmem>>) target(%dma_start3A_806 : memref<10240x48xf32, #tpu.memory_space<vmem_shared>>) offsets(%dma_start3A_803 : memref<128xi32, #tpu.memory_space<vmem>>) semaphore(%arg16 : memref<!tpu.dma_semaphore, #tpu.memory_space<semaphore_mem>>) {add = true}
    %dma_start3A_807 = arith.constant 2 : i32
    %dma_start3A_808 = arith.constant 256 : i32
    %dma_start3A_809 = arith.constant 0 : i32
    %dma_start3A_810 = tpu.memref_slice %arg12[%dma_start3A_808, %dma_start3A_809] : memref<640x48xf32, #tpu.memory_space<vmem>> -> memref<128x48xf32, #tpu.memory_space<vmem>>
    %dma_start3A_811 = arith.constant 0 : i32
    %dma_start3A_812 = tpu.memref_slice %arg10[%dma_start3A_807, %dma_start3A_811] : memref<5x128xi32, #tpu.memory_space<vmem>> -> memref<1x128xi32, #tpu.memory_space<vmem>>
    %dma_start3A_813 = tpu.memref_squeeze %dma_start3A_812 : memref<1x128xi32, #tpu.memory_space<vmem>> -> memref<128xi32, #tpu.memory_space<vmem>>
    %dma_start3A_814 = arith.constant 0 : i32
    %dma_start3A_815 = arith.constant 0 : i32
    %dma_start3A_816 = tpu.memref_slice %arg7[%dma_start3A_814, %dma_start3A_815] : memref<10240x48xf32, #tpu.memory_space<vmem_shared>> -> memref<10240x48xf32, #tpu.memory_space<vmem_shared>>
    tpu.enqueue_indirect_dma source(%dma_start3A_810 : memref<128x48xf32, #tpu.memory_space<vmem>>) target(%dma_start3A_816 : memref<10240x48xf32, #tpu.memory_space<vmem_shared>>) offsets(%dma_start3A_813 : memref<128xi32, #tpu.memory_space<vmem>>) semaphore(%arg15 : memref<!tpu.dma_semaphore, #tpu.memory_space<semaphore_mem>>) {add = true}
    %dma_start3A_817 = arith.constant 3 : i32
    %dma_start3A_818 = arith.constant 384 : i32
    %dma_start3A_819 = arith.constant 0 : i32
    %dma_start3A_820 = tpu.memref_slice %arg12[%dma_start3A_818, %dma_start3A_819] : memref<640x48xf32, #tpu.memory_space<vmem>> -> memref<128x48xf32, #tpu.memory_space<vmem>>
    %dma_start3A_821 = arith.constant 0 : i32
    %dma_start3A_822 = tpu.memref_slice %arg10[%dma_start3A_817, %dma_start3A_821] : memref<5x128xi32, #tpu.memory_space<vmem>> -> memref<1x128xi32, #tpu.memory_space<vmem>>
    %dma_start3A_823 = tpu.memref_squeeze %dma_start3A_822 : memref<1x128xi32, #tpu.memory_space<vmem>> -> memref<128xi32, #tpu.memory_space<vmem>>
    %dma_start3A_824 = arith.constant 0 : i32
    %dma_start3A_825 = arith.constant 0 : i32
    %dma_start3A_826 = tpu.memref_slice %arg7[%dma_start3A_824, %dma_start3A_825] : memref<10240x48xf32, #tpu.memory_space<vmem_shared>> -> memref<10240x48xf32, #tpu.memory_space<vmem_shared>>
    tpu.enqueue_indirect_dma source(%dma_start3A_820 : memref<128x48xf32, #tpu.memory_space<vmem>>) target(%dma_start3A_826 : memref<10240x48xf32, #tpu.memory_space<vmem_shared>>) offsets(%dma_start3A_823 : memref<128xi32, #tpu.memory_space<vmem>>) semaphore(%arg16 : memref<!tpu.dma_semaphore, #tpu.memory_space<semaphore_mem>>) {add = true}
    %dma_start3A_827 = arith.constant 4 : i32
    %dma_start3A_828 = arith.constant 512 : i32
    %dma_start3A_829 = arith.constant 0 : i32
    %dma_start3A_830 = tpu.memref_slice %arg12[%dma_start3A_828, %dma_start3A_829] : memref<640x48xf32, #tpu.memory_space<vmem>> -> memref<128x48xf32, #tpu.memory_space<vmem>>
    %dma_start3A_831 = arith.constant 0 : i32
    %dma_start3A_832 = tpu.memref_slice %arg10[%dma_start3A_827, %dma_start3A_831] : memref<5x128xi32, #tpu.memory_space<vmem>> -> memref<1x128xi32, #tpu.memory_space<vmem>>
    %dma_start3A_833 = tpu.memref_squeeze %dma_start3A_832 : memref<1x128xi32, #tpu.memory_space<vmem>> -> memref<128xi32, #tpu.memory_space<vmem>>
    %dma_start3A_834 = arith.constant 0 : i32
    %dma_start3A_835 = arith.constant 0 : i32
    %dma_start3A_836 = tpu.memref_slice %arg7[%dma_start3A_834, %dma_start3A_835] : memref<10240x48xf32, #tpu.memory_space<vmem_shared>> -> memref<10240x48xf32, #tpu.memory_space<vmem_shared>>
    tpu.enqueue_indirect_dma source(%dma_start3A_830 : memref<128x48xf32, #tpu.memory_space<vmem>>) target(%dma_start3A_836 : memref<10240x48xf32, #tpu.memory_space<vmem_shared>>) offsets(%dma_start3A_833 : memref<128xi32, #tpu.memory_space<vmem>>) semaphore(%arg15 : memref<!tpu.dma_semaphore, #tpu.memory_space<semaphore_mem>>) {add = true}
    %dma_wait3A_837 = arith.constant 0 : i32
    %dma_wait3A_838 = arith.constant 0 : i32
    %dma_wait3A_839 = arith.constant 0 : i32
    %dma_wait3A_840 = tpu.memref_slice %arg12[%dma_wait3A_838, %dma_wait3A_839] : memref<640x48xf32, #tpu.memory_space<vmem>> -> memref<128x48xf32, #tpu.memory_space<vmem>>
    %dma_wait3A_841 = arith.constant 0 : i32
    %dma_wait3A_842 = tpu.memref_slice %arg10[%dma_wait3A_837, %dma_wait3A_841] : memref<5x128xi32, #tpu.memory_space<vmem>> -> memref<1x128xi32, #tpu.memory_space<vmem>>
    %dma_wait3A_843 = tpu.memref_squeeze %dma_wait3A_842 : memref<1x128xi32, #tpu.memory_space<vmem>> -> memref<128xi32, #tpu.memory_space<vmem>>
    %dma_wait3A_844 = arith.constant 0 : i32
    %dma_wait3A_845 = arith.constant 0 : i32
    %dma_wait3A_846 = tpu.memref_slice %arg7[%dma_wait3A_844, %dma_wait3A_845] : memref<10240x48xf32, #tpu.memory_space<vmem_shared>> -> memref<10240x48xf32, #tpu.memory_space<vmem_shared>>
    tpu.wait_indirect_dma semaphore(%arg15 : memref<!tpu.dma_semaphore, #tpu.memory_space<semaphore_mem>>) src(%dma_wait3A_840 : memref<128x48xf32, #tpu.memory_space<vmem>>) dst(%dma_wait3A_846 : memref<10240x48xf32, #tpu.memory_space<vmem_shared>>)
    %dma_wait3A_847 = arith.constant 1 : i32
    %dma_wait3A_848 = arith.constant 128 : i32
    %dma_wait3A_849 = arith.constant 0 : i32
    %dma_wait3A_850 = tpu.memref_slice %arg12[%dma_wait3A_848, %dma_wait3A_849] : memref<640x48xf32, #tpu.memory_space<vmem>> -> memref<128x48xf32, #tpu.memory_space<vmem>>
    %dma_wait3A_851 = arith.constant 0 : i32
    %dma_wait3A_852 = tpu.memref_slice %arg10[%dma_wait3A_847, %dma_wait3A_851] : memref<5x128xi32, #tpu.memory_space<vmem>> -> memref<1x128xi32, #tpu.memory_space<vmem>>
    %dma_wait3A_853 = tpu.memref_squeeze %dma_wait3A_852 : memref<1x128xi32, #tpu.memory_space<vmem>> -> memref<128xi32, #tpu.memory_space<vmem>>
    %dma_wait3A_854 = arith.constant 0 : i32
    %dma_wait3A_855 = arith.constant 0 : i32
    %dma_wait3A_856 = tpu.memref_slice %arg7[%dma_wait3A_854, %dma_wait3A_855] : memref<10240x48xf32, #tpu.memory_space<vmem_shared>> -> memref<10240x48xf32, #tpu.memory_space<vmem_shared>>
    tpu.wait_indirect_dma semaphore(%arg16 : memref<!tpu.dma_semaphore, #tpu.memory_space<semaphore_mem>>) src(%dma_wait3A_850 : memref<128x48xf32, #tpu.memory_space<vmem>>) dst(%dma_wait3A_856 : memref<10240x48xf32, #tpu.memory_space<vmem_shared>>)
    %dma_wait3A_857 = arith.constant 2 : i32
    %dma_wait3A_858 = arith.constant 256 : i32
    %dma_wait3A_859 = arith.constant 0 : i32
    %dma_wait3A_860 = tpu.memref_slice %arg12[%dma_wait3A_858, %dma_wait3A_859] : memref<640x48xf32, #tpu.memory_space<vmem>> -> memref<128x48xf32, #tpu.memory_space<vmem>>
    %dma_wait3A_861 = arith.constant 0 : i32
    %dma_wait3A_862 = tpu.memref_slice %arg10[%dma_wait3A_857, %dma_wait3A_861] : memref<5x128xi32, #tpu.memory_space<vmem>> -> memref<1x128xi32, #tpu.memory_space<vmem>>
    %dma_wait3A_863 = tpu.memref_squeeze %dma_wait3A_862 : memref<1x128xi32, #tpu.memory_space<vmem>> -> memref<128xi32, #tpu.memory_space<vmem>>
    %dma_wait3A_864 = arith.constant 0 : i32
    %dma_wait3A_865 = arith.constant 0 : i32
    %dma_wait3A_866 = tpu.memref_slice %arg7[%dma_wait3A_864, %dma_wait3A_865] : memref<10240x48xf32, #tpu.memory_space<vmem_shared>> -> memref<10240x48xf32, #tpu.memory_space<vmem_shared>>
    tpu.wait_indirect_dma semaphore(%arg15 : memref<!tpu.dma_semaphore, #tpu.memory_space<semaphore_mem>>) src(%dma_wait3A_860 : memref<128x48xf32, #tpu.memory_space<vmem>>) dst(%dma_wait3A_866 : memref<10240x48xf32, #tpu.memory_space<vmem_shared>>)
    %dma_wait3A_867 = arith.constant 3 : i32
    %dma_wait3A_868 = arith.constant 384 : i32
    %dma_wait3A_869 = arith.constant 0 : i32
    %dma_wait3A_870 = tpu.memref_slice %arg12[%dma_wait3A_868, %dma_wait3A_869] : memref<640x48xf32, #tpu.memory_space<vmem>> -> memref<128x48xf32, #tpu.memory_space<vmem>>
    %dma_wait3A_871 = arith.constant 0 : i32
    %dma_wait3A_872 = tpu.memref_slice %arg10[%dma_wait3A_867, %dma_wait3A_871] : memref<5x128xi32, #tpu.memory_space<vmem>> -> memref<1x128xi32, #tpu.memory_space<vmem>>
    %dma_wait3A_873 = tpu.memref_squeeze %dma_wait3A_872 : memref<1x128xi32, #tpu.memory_space<vmem>> -> memref<128xi32, #tpu.memory_space<vmem>>
    %dma_wait3A_874 = arith.constant 0 : i32
    %dma_wait3A_875 = arith.constant 0 : i32
    %dma_wait3A_876 = tpu.memref_slice %arg7[%dma_wait3A_874, %dma_wait3A_875] : memref<10240x48xf32, #tpu.memory_space<vmem_shared>> -> memref<10240x48xf32, #tpu.memory_space<vmem_shared>>
    tpu.wait_indirect_dma semaphore(%arg16 : memref<!tpu.dma_semaphore, #tpu.memory_space<semaphore_mem>>) src(%dma_wait3A_870 : memref<128x48xf32, #tpu.memory_space<vmem>>) dst(%dma_wait3A_876 : memref<10240x48xf32, #tpu.memory_space<vmem_shared>>)
    %dma_wait3A_877 = arith.constant 4 : i32
    %dma_wait3A_878 = arith.constant 512 : i32
    %dma_wait3A_879 = arith.constant 0 : i32
    %dma_wait3A_880 = tpu.memref_slice %arg12[%dma_wait3A_878, %dma_wait3A_879] : memref<640x48xf32, #tpu.memory_space<vmem>> -> memref<128x48xf32, #tpu.memory_space<vmem>>
    %dma_wait3A_881 = arith.constant 0 : i32
    %dma_wait3A_882 = tpu.memref_slice %arg10[%dma_wait3A_877, %dma_wait3A_881] : memref<5x128xi32, #tpu.memory_space<vmem>> -> memref<1x128xi32, #tpu.memory_space<vmem>>
    %dma_wait3A_883 = tpu.memref_squeeze %dma_wait3A_882 : memref<1x128xi32, #tpu.memory_space<vmem>> -> memref<128xi32, #tpu.memory_space<vmem>>
    %dma_wait3A_884 = arith.constant 0 : i32
    %dma_wait3A_885 = arith.constant 0 : i32
    %dma_wait3A_886 = tpu.memref_slice %arg7[%dma_wait3A_884, %dma_wait3A_885] : memref<10240x48xf32, #tpu.memory_space<vmem_shared>> -> memref<10240x48xf32, #tpu.memory_space<vmem_shared>>
    tpu.wait_indirect_dma semaphore(%arg15 : memref<!tpu.dma_semaphore, #tpu.memory_space<semaphore_mem>>) src(%dma_wait3A_880 : memref<128x48xf32, #tpu.memory_space<vmem>>) dst(%dma_wait3A_886 : memref<10240x48xf32, #tpu.memory_space<vmem_shared>>)
    %barrier3A_887 = arith.constant 0 : index
    tpu.barrier barrier_id(%barrier3A_887)
    %lt3A = arith.constant 15 : i32
    %lt3A_888 = arith.cmpi slt, %arg1, %lt3A : i32
    %convert_element_type3A = arith.extui %lt3A_888 : i1 to i32
    %cond3A = arith.constant 0 : i32
    %cond3A_889 = arith.cmpi ne, %convert_element_type3A, %cond3A : i32
    scf.if %cond3A_889 {
      %mul3A_894 = arith.constant 624 : i32
      %mul3A_895 = arith.muli %arg1, %mul3A_894 : i32
      %mul3A_896 = arith.constant 10000 : i32
      %mul3A_897 = arith.muli %arg0, %mul3A_896 : i32
      %mul3A_898 = arith.constant 624 : i32
      %mul3A_899 = arith.muli %arg1, %mul3A_898 : i32
      %add3A_900 = arith.addi %mul3A_897, %mul3A_899 : i32
      "tpu.region"() ({
        %run_scoped3A = tpu.sem_alloc : memref<!tpu.dma_semaphore, #tpu.memory_space<semaphore_mem>>
        %dma_start3A_901 = arith.constant 0 : i32
        %dma_start3A_902 = tpu.memref_slice %arg6[%add3A_900, %dma_start3A_901] : memref<20000x48xf32, #tpu.memory_space<hbm>> -> memref<624x48xf32, #tpu.memory_space<hbm>>
        %dma_start3A_903 = arith.constant 0 : i32
        %dma_start3A_904 = tpu.memref_slice %arg7[%mul3A_895, %dma_start3A_903] : memref<10240x48xf32, #tpu.memory_space<vmem_shared>> -> memref<624x48xf32, #tpu.memory_space<vmem_shared>>
        tpu.enqueue_dma source(%dma_start3A_904 : memref<624x48xf32, #tpu.memory_space<vmem_shared>>) target(%dma_start3A_902 : memref<624x48xf32, #tpu.memory_space<hbm>>) target_semaphore(%run_scoped3A : memref<!tpu.dma_semaphore, #tpu.memory_space<semaphore_mem>>)
        %dma_wait3A_905 = arith.constant 0 : i32
        %dma_wait3A_906 = tpu.memref_slice %arg6[%add3A_900, %dma_wait3A_905] : memref<20000x48xf32, #tpu.memory_space<hbm>> -> memref<624x48xf32, #tpu.memory_space<hbm>>
        %dma_wait3A_907 = arith.constant 0 : i32
        %dma_wait3A_908 = tpu.memref_slice %arg7[%mul3A_895, %dma_wait3A_907] : memref<10240x48xf32, #tpu.memory_space<vmem_shared>> -> memref<624x48xf32, #tpu.memory_space<vmem_shared>>
        tpu.wait_dma2 semaphore(%run_scoped3A : memref<!tpu.dma_semaphore, #tpu.memory_space<semaphore_mem>>) src(%dma_wait3A_908 : memref<624x48xf32, #tpu.memory_space<vmem_shared>>) dst(%dma_wait3A_906 : memref<624x48xf32, #tpu.memory_space<hbm>>)
        tpu.yield
      }) : () -> ()
    } else {
    }
    %eq3A = arith.constant 15 : i32
    %eq3A_890 = arith.cmpi eq, %arg1, %eq3A : i32
    %convert_element_type3A_891 = arith.extui %eq3A_890 : i1 to i32
    %cond3A_892 = arith.constant 0 : i32
    %cond3A_893 = arith.cmpi ne, %convert_element_type3A_891, %cond3A_892 : i32
    scf.if %cond3A_893 {
      %mul3A_894 = arith.constant 10000 : i32
      %mul3A_895 = arith.muli %arg0, %mul3A_894 : i32
      %add3A_896 = arith.constant 9360 : i32
      %add3A_897 = arith.addi %mul3A_895, %add3A_896 : i32
      "tpu.region"() ({
        %run_scoped3A = tpu.sem_alloc : memref<!tpu.dma_semaphore, #tpu.memory_space<semaphore_mem>>
        %dma_start3A_898 = arith.constant 0 : i32
        %dma_start3A_899 = tpu.memref_slice %arg6[%add3A_897, %dma_start3A_898] : memref<20000x48xf32, #tpu.memory_space<hbm>> -> memref<640x48xf32, #tpu.memory_space<hbm>>
        %dma_start3A_900 = arith.constant 9360 : i32
        %dma_start3A_901 = arith.constant 0 : i32
        %dma_start3A_902 = tpu.memref_slice %arg7[%dma_start3A_900, %dma_start3A_901] : memref<10240x48xf32, #tpu.memory_space<vmem_shared>> -> memref<640x48xf32, #tpu.memory_space<vmem_shared>>
        tpu.enqueue_dma source(%dma_start3A_902 : memref<640x48xf32, #tpu.memory_space<vmem_shared>>) target(%dma_start3A_899 : memref<640x48xf32, #tpu.memory_space<hbm>>) target_semaphore(%run_scoped3A : memref<!tpu.dma_semaphore, #tpu.memory_space<semaphore_mem>>)
        %dma_wait3A_903 = arith.constant 0 : i32
        %dma_wait3A_904 = tpu.memref_slice %arg6[%add3A_897, %dma_wait3A_903] : memref<20000x48xf32, #tpu.memory_space<hbm>> -> memref<640x48xf32, #tpu.memory_space<hbm>>
        %dma_wait3A_905 = arith.constant 9360 : i32
        %dma_wait3A_906 = arith.constant 0 : i32
        %dma_wait3A_907 = tpu.memref_slice %arg7[%dma_wait3A_905, %dma_wait3A_906] : memref<10240x48xf32, #tpu.memory_space<vmem_shared>> -> memref<640x48xf32, #tpu.memory_space<vmem_shared>>
        tpu.wait_dma2 semaphore(%run_scoped3A : memref<!tpu.dma_semaphore, #tpu.memory_space<semaphore_mem>>) src(%dma_wait3A_907 : memref<640x48xf32, #tpu.memory_space<vmem_shared>>) dst(%dma_wait3A_904 : memref<640x48xf32, #tpu.memory_space<hbm>>)
        tpu.yield
      }) : () -> ()
    } else {
    }
    return
  }
}

module attributes {stable_mosaic.version = 14 : i64} {
  func.func @_tc2_body(%arg0: i32, %arg1: memref<1000x256xf32, #tpu.memory_space<vmem>>, %arg2: memref<2x1000x256xbf16, #tpu.memory_space<vmem>>, %arg3: memref<2x1000x16xf32, #tpu.memory_space<vmem>>, %arg4: memref<256x256xf32, #tpu.memory_space<vmem>>, %arg5: memref<256x256xf32, #tpu.memory_space<vmem>>, %arg6: memref<1x256xf32, #tpu.memory_space<vmem>>, %arg7: memref<256x96xf32, #tpu.memory_space<vmem>>, %arg8: memref<1x96xf32, #tpu.memory_space<vmem>>, %arg9: memref<1000x48xf32, #tpu.memory_space<vmem>>, %arg10: memref<1000x48xf32, #tpu.memory_space<vmem>>) attributes {dimension_semantics = [#tpu.dimension_semantics<arbitrary>], iteration_bounds = array<i64: 10>, scalar_prefetch = 0 : i64, scratch_operands = 0 : i64, tpu.core_type = #tpu.core_type<tc>, window_params = [{transform_indices = @transform_0, window_bounds = array<i64: 1000, 256>}, {transform_indices = @transform_1, window_bounds = array<i64: 2, 1000, 256>}, {transform_indices = @transform_2, window_bounds = array<i64: 2, 1000, 16>}, {pipeline_mode = #tpu.pipeline_mode<synchronous>, transform_indices = @transform_3, window_bounds = array<i64: 256, 256>}, {pipeline_mode = #tpu.pipeline_mode<synchronous>, transform_indices = @transform_4, window_bounds = array<i64: 256, 256>}, {pipeline_mode = #tpu.pipeline_mode<synchronous>, transform_indices = @transform_5, window_bounds = array<i64: 1, 256>}, {pipeline_mode = #tpu.pipeline_mode<synchronous>, transform_indices = @transform_6, window_bounds = array<i64: 256, 96>}, {pipeline_mode = #tpu.pipeline_mode<synchronous>, transform_indices = @transform_7, window_bounds = array<i64: 1, 96>}, {transform_indices = @transform_8, window_bounds = array<i64: 1000, 48>}, {transform_indices = @transform_9, window_bounds = array<i64: 1000, 48>}]} {
    %get3A = arith.constant 0 : index
    %get3A_0 = arith.constant 0 : index
    %get3A_1 = arith.constant 0 : index
    %get3A_2 = vector.load %arg3[%get3A, %get3A_0, %get3A_1] : memref<2x1000x16xf32, #tpu.memory_space<vmem>>, vector<2x1000x16xf32>
    %slice3A = vector.extract_strided_slice %get3A_2 {offsets = [0, 0, 0], sizes = [1, 1000, 16], strides = [1, 1, 1]} : vector<2x1000x16xf32> to vector<1x1000x16xf32>
    %squeeze3A = vector.shape_cast %slice3A : vector<1x1000x16xf32> to vector<1000x16xf32>
    %slice3A_3 = vector.extract_strided_slice %get3A_2 {offsets = [1, 0, 0], sizes = [1, 1000, 16], strides = [1, 1, 1]} : vector<2x1000x16xf32> to vector<1x1000x16xf32>
    %squeeze3A_4 = vector.shape_cast %slice3A_3 : vector<1x1000x16xf32> to vector<1000x16xf32>
    %add3A = arith.addf %squeeze3A, %squeeze3A_4 : vector<1000x16xf32>
    %slice3A_5 = vector.extract_strided_slice %add3A {offsets = [0, 0], sizes = [1000, 1], strides = [1, 1]} : vector<1000x16xf32> to vector<1000x1xf32>
    %max3A = arith.constant 1.000000e+00 : f32
    %max3A_6 = vector.broadcast %max3A : f32 to vector<1000x1xf32>
    %max3A_7 = arith.maximumf %slice3A_5, %max3A_6 : vector<1000x1xf32>
    %div3A = arith.constant 1.000000e+00 : f32
    %div3A_8 = vector.broadcast %div3A : f32 to vector<1000x1xf32>
    %div3A_9 = arith.divf %div3A_8, %max3A_7 : vector<1000x1xf32>
    %get3A_10 = arith.constant 0 : index
    %get3A_11 = arith.constant 0 : index
    %get3A_12 = arith.constant 0 : index
    %get3A_13 = vector.load %arg2[%get3A_10, %get3A_11, %get3A_12] : memref<2x1000x256xbf16, #tpu.memory_space<vmem>>, vector<2x1000x256xbf16>
    %convert_element_type3A = arith.extf %get3A_13 : vector<2x1000x256xbf16> to vector<2x1000x256xf32>
    %slice3A_14 = vector.extract_strided_slice %convert_element_type3A {offsets = [0, 0, 0], sizes = [1, 1000, 256], strides = [1, 1, 1]} : vector<2x1000x256xf32> to vector<1x1000x256xf32>
    %squeeze3A_15 = vector.shape_cast %slice3A_14 : vector<1x1000x256xf32> to vector<1000x256xf32>
    %slice3A_16 = vector.extract_strided_slice %convert_element_type3A {offsets = [1, 0, 0], sizes = [1, 1000, 256], strides = [1, 1, 1]} : vector<2x1000x256xf32> to vector<1x1000x256xf32>
    %squeeze3A_17 = vector.shape_cast %slice3A_16 : vector<1x1000x256xf32> to vector<1000x256xf32>
    %add3A_18 = arith.addf %squeeze3A_15, %squeeze3A_17 : vector<1000x256xf32>
    %mul3A = vector.broadcast %div3A_9 : vector<1000x1xf32> to vector<1000x256xf32>
    %mul3A_19 = arith.mulf %add3A_18, %mul3A : vector<1000x256xf32>
    %get3A_20 = arith.constant 0 : index
    %get3A_21 = arith.constant 0 : index
    %get3A_22 = vector.load %arg1[%get3A_20, %get3A_21] : memref<1000x256xf32, #tpu.memory_space<vmem>>, vector<1000x256xf32>
    %get3A_23 = arith.constant 0 : index
    %get3A_24 = arith.constant 0 : index
    %get3A_25 = vector.load %arg4[%get3A_23, %get3A_24] : memref<256x256xf32, #tpu.memory_space<vmem>>, vector<256x256xf32>
    %dot_general3A = arith.constant dense<0.000000e+00> : vector<1000x256xf32>
    %dot_general3A_26 = tpu.matmul %get3A_22, %get3A_25, %dot_general3A {dimension_numbers = #tpu.dot_dimension_numbers<[1], [0], [0], [1], [0, 0, 1, 1], [], []>, transpose_lhs_hint = false} : vector<1000x256xf32>, vector<256x256xf32>, vector<1000x256xf32> -> vector<1000x256xf32>
    %get3A_27 = arith.constant 0 : index
    %get3A_28 = arith.constant 0 : index
    %get3A_29 = vector.load %arg5[%get3A_27, %get3A_28] : memref<256x256xf32, #tpu.memory_space<vmem>>, vector<256x256xf32>
    %dot_general3A_30 = arith.constant dense<0.000000e+00> : vector<1000x256xf32>
    %dot_general3A_31 = tpu.matmul %mul3A_19, %get3A_29, %dot_general3A_30 {dimension_numbers = #tpu.dot_dimension_numbers<[1], [0], [0], [1], [0, 0, 1, 1], [], []>, transpose_lhs_hint = false} : vector<1000x256xf32>, vector<256x256xf32>, vector<1000x256xf32> -> vector<1000x256xf32>
    %add3A_32 = arith.addf %dot_general3A_26, %dot_general3A_31 : vector<1000x256xf32>
    %get3A_33 = arith.constant 0 : index
    %get3A_34 = arith.constant 0 : index
    %get3A_35 = vector.load %arg6[%get3A_33, %get3A_34] : memref<1x256xf32, #tpu.memory_space<vmem>>, vector<1x256xf32>
    %add3A_36 = vector.broadcast %get3A_35 : vector<1x256xf32> to vector<1000x256xf32>
    %add3A_37 = arith.addf %add3A_32, %add3A_36 : vector<1000x256xf32>
    %max3A_38 = arith.constant 0.000000e+00 : f32
    %max3A_39 = vector.broadcast %max3A_38 : f32 to vector<1000x256xf32>
    %max3A_40 = arith.maximumf %add3A_37, %max3A_39 : vector<1000x256xf32>
    %get3A_41 = arith.constant 0 : index
    %get3A_42 = arith.constant 0 : index
    %get3A_43 = vector.load %arg7[%get3A_41, %get3A_42] : memref<256x96xf32, #tpu.memory_space<vmem>>, vector<256x96xf32>
    %dot_general3A_44 = arith.constant dense<0.000000e+00> : vector<1000x96xf32>
    %dot_general3A_45 = tpu.matmul %max3A_40, %get3A_43, %dot_general3A_44 {dimension_numbers = #tpu.dot_dimension_numbers<[1], [0], [0], [1], [0, 0, 1, 1], [], []>, transpose_lhs_hint = false} : vector<1000x256xf32>, vector<256x96xf32>, vector<1000x96xf32> -> vector<1000x96xf32>
    %get3A_46 = arith.constant 0 : index
    %get3A_47 = arith.constant 0 : index
    %get3A_48 = vector.load %arg8[%get3A_46, %get3A_47] : memref<1x96xf32, #tpu.memory_space<vmem>>, vector<1x96xf32>
    %add3A_49 = vector.broadcast %get3A_48 : vector<1x96xf32> to vector<1000x96xf32>
    %add3A_50 = arith.addf %dot_general3A_45, %add3A_49 : vector<1000x96xf32>
    %slice3A_51 = vector.extract_strided_slice %add3A_50 {offsets = [0, 0], sizes = [1000, 48], strides = [1, 1]} : vector<1000x96xf32> to vector<1000x48xf32>
    %swap3A = arith.constant 0 : index
    %swap3A_52 = arith.constant 0 : index
    %swap3A_53 = vector.load %arg9[%swap3A, %swap3A_52] : memref<1000x48xf32, #tpu.memory_space<vmem>>, vector<1000x48xf32>
    tpu.vector_store %arg9[%swap3A, %swap3A_52], %slice3A_51 {strides = array<i32>} : memref<1000x48xf32, #tpu.memory_space<vmem>>, vector<1000x48xf32>,
    %slice3A_54 = vector.extract_strided_slice %add3A_50 {offsets = [0, 48], sizes = [1000, 48], strides = [1, 1]} : vector<1000x96xf32> to vector<1000x48xf32>
    %swap3A_55 = arith.constant 0 : index
    %swap3A_56 = arith.constant 0 : index
    %swap3A_57 = vector.load %arg10[%swap3A_55, %swap3A_56] : memref<1000x48xf32, #tpu.memory_space<vmem>>, vector<1000x48xf32>
    tpu.vector_store %arg10[%swap3A_55, %swap3A_56], %slice3A_54 {strides = array<i32>} : memref<1000x48xf32, #tpu.memory_space<vmem>>, vector<1000x48xf32>,
    return
  }
  func.func @transform_0(%arg0: i32) -> (i32, i32) {
    %c0_i32 = arith.constant 0 : i32
    %c0_i32_0 = arith.constant 0 : i32
    return %arg0, %c0_i32 : i32, i32
  }
  func.func @transform_1(%arg0: i32) -> (i32, i32, i32) {
    %c0_i32 = arith.constant 0 : i32
    %c0_i32_0 = arith.constant 0 : i32
    %c0_i32_1 = arith.constant 0 : i32
    return %c0_i32, %arg0, %c0_i32_0 : i32, i32, i32
  }
  func.func @transform_2(%arg0: i32) -> (i32, i32, i32) {
    %c0_i32 = arith.constant 0 : i32
    %c0_i32_0 = arith.constant 0 : i32
    %c0_i32_1 = arith.constant 0 : i32
    return %c0_i32, %arg0, %c0_i32_0 : i32, i32, i32
  }
  func.func @transform_3(%arg0: i32) -> (i32, i32) {
    %c0_i32 = arith.constant 0 : i32
    %c0_i32_0 = arith.constant 0 : i32
    %c0_i32_1 = arith.constant 0 : i32
    return %c0_i32, %c0_i32_0 : i32, i32
  }
  func.func @transform_4(%arg0: i32) -> (i32, i32) {
    %c0_i32 = arith.constant 0 : i32
    %c0_i32_0 = arith.constant 0 : i32
    %c0_i32_1 = arith.constant 0 : i32
    return %c0_i32, %c0_i32_0 : i32, i32
  }
  func.func @transform_5(%arg0: i32) -> (i32, i32) {
    %c0_i32 = arith.constant 0 : i32
    %c0_i32_0 = arith.constant 0 : i32
    %c0_i32_1 = arith.constant 0 : i32
    return %c0_i32, %c0_i32_0 : i32, i32
  }
  func.func @transform_6(%arg0: i32) -> (i32, i32) {
    %c0_i32 = arith.constant 0 : i32
    %c0_i32_0 = arith.constant 0 : i32
    %c0_i32_1 = arith.constant 0 : i32
    return %c0_i32, %c0_i32_0 : i32, i32
  }
  func.func @transform_7(%arg0: i32) -> (i32, i32) {
    %c0_i32 = arith.constant 0 : i32
    %c0_i32_0 = arith.constant 0 : i32
    %c0_i32_1 = arith.constant 0 : i32
    return %c0_i32, %c0_i32_0 : i32, i32
  }
  func.func @transform_8(%arg0: i32) -> (i32, i32) {
    %c0_i32 = arith.constant 0 : i32
    %c0_i32_0 = arith.constant 0 : i32
    return %arg0, %c0_i32 : i32, i32
  }
  func.func @transform_9(%arg0: i32) -> (i32, i32) {
    %c0_i32 = arith.constant 0 : i32
    %c0_i32_0 = arith.constant 0 : i32
    return %arg0, %c0_i32 : i32, i32
  }
}

module attributes {stable_mosaic.version = 14 : i64} {
  func.func @_tc3_body(%arg0: i32, %arg1: memref<1000x48xf32, #tpu.memory_space<vmem>>, %arg2: memref<2x1000x48xf32, #tpu.memory_space<vmem>>, %arg3: memref<2x1000x16xf32, #tpu.memory_space<vmem>>, %arg4: memref<1000x48xf32, #tpu.memory_space<vmem>>) attributes {dimension_semantics = [#tpu.dimension_semantics<arbitrary>], iteration_bounds = array<i64: 10>, scalar_prefetch = 0 : i64, scratch_operands = 0 : i64, tpu.core_type = #tpu.core_type<tc>, window_params = [{transform_indices = @transform_0, window_bounds = array<i64: 1000, 48>}, {transform_indices = @transform_1, window_bounds = array<i64: 2, 1000, 48>}, {transform_indices = @transform_2, window_bounds = array<i64: 2, 1000, 16>}, {transform_indices = @transform_3, window_bounds = array<i64: 1000, 48>}]} {
    %get3A = arith.constant 0 : index
    %get3A_0 = arith.constant 0 : index
    %get3A_1 = arith.constant 0 : index
    %get3A_2 = vector.load %arg3[%get3A, %get3A_0, %get3A_1] : memref<2x1000x16xf32, #tpu.memory_space<vmem>>, vector<2x1000x16xf32>
    %slice3A = vector.extract_strided_slice %get3A_2 {offsets = [0, 0, 0], sizes = [1, 1000, 16], strides = [1, 1, 1]} : vector<2x1000x16xf32> to vector<1x1000x16xf32>
    %squeeze3A = vector.shape_cast %slice3A : vector<1x1000x16xf32> to vector<1000x16xf32>
    %slice3A_3 = vector.extract_strided_slice %get3A_2 {offsets = [1, 0, 0], sizes = [1, 1000, 16], strides = [1, 1, 1]} : vector<2x1000x16xf32> to vector<1x1000x16xf32>
    %squeeze3A_4 = vector.shape_cast %slice3A_3 : vector<1x1000x16xf32> to vector<1000x16xf32>
    %add3A = arith.addf %squeeze3A, %squeeze3A_4 : vector<1000x16xf32>
    %slice3A_5 = vector.extract_strided_slice %add3A {offsets = [0, 0], sizes = [1000, 1], strides = [1, 1]} : vector<1000x16xf32> to vector<1000x1xf32>
    %max3A = arith.constant 1.000000e+00 : f32
    %max3A_6 = vector.broadcast %max3A : f32 to vector<1000x1xf32>
    %max3A_7 = arith.maximumf %slice3A_5, %max3A_6 : vector<1000x1xf32>
    %div3A = arith.constant 1.000000e+00 : f32
    %div3A_8 = vector.broadcast %div3A : f32 to vector<1000x1xf32>
    %div3A_9 = arith.divf %div3A_8, %max3A_7 : vector<1000x1xf32>
    %get3A_10 = arith.constant 0 : index
    %get3A_11 = arith.constant 0 : index
    %get3A_12 = arith.constant 0 : index
    %get3A_13 = vector.load %arg2[%get3A_10, %get3A_11, %get3A_12] : memref<2x1000x48xf32, #tpu.memory_space<vmem>>, vector<2x1000x48xf32>
    %get3A_14 = arith.constant 0 : index
    %get3A_15 = arith.constant 0 : index
    %get3A_16 = vector.load %arg1[%get3A_14, %get3A_15] : memref<1000x48xf32, #tpu.memory_space<vmem>>, vector<1000x48xf32>
    %slice3A_17 = vector.extract_strided_slice %get3A_13 {offsets = [0, 0, 0], sizes = [1, 1000, 48], strides = [1, 1, 1]} : vector<2x1000x48xf32> to vector<1x1000x48xf32>
    %squeeze3A_18 = vector.shape_cast %slice3A_17 : vector<1x1000x48xf32> to vector<1000x48xf32>
    %slice3A_19 = vector.extract_strided_slice %get3A_13 {offsets = [1, 0, 0], sizes = [1, 1000, 48], strides = [1, 1, 1]} : vector<2x1000x48xf32> to vector<1x1000x48xf32>
    %squeeze3A_20 = vector.shape_cast %slice3A_19 : vector<1x1000x48xf32> to vector<1000x48xf32>
    %add3A_21 = arith.addf %squeeze3A_18, %squeeze3A_20 : vector<1000x48xf32>
    %mul3A = vector.broadcast %div3A_9 : vector<1000x1xf32> to vector<1000x48xf32>
    %mul3A_22 = arith.mulf %add3A_21, %mul3A : vector<1000x48xf32>
    %add3A_23 = arith.addf %get3A_16, %mul3A_22 : vector<1000x48xf32>
    %swap3A = arith.constant 0 : index
    %swap3A_24 = arith.constant 0 : index
    %swap3A_25 = vector.load %arg4[%swap3A, %swap3A_24] : memref<1000x48xf32, #tpu.memory_space<vmem>>, vector<1000x48xf32>
    tpu.vector_store %arg4[%swap3A, %swap3A_24], %add3A_23 {strides = array<i32>} : memref<1000x48xf32, #tpu.memory_space<vmem>>, vector<1000x48xf32>,
    return
  }
  func.func @transform_0(%arg0: i32) -> (i32, i32) {
    %c0_i32 = arith.constant 0 : i32
    %c0_i32_0 = arith.constant 0 : i32
    return %arg0, %c0_i32 : i32, i32
  }
  func.func @transform_1(%arg0: i32) -> (i32, i32, i32) {
    %c0_i32 = arith.constant 0 : i32
    %c0_i32_0 = arith.constant 0 : i32
    %c0_i32_1 = arith.constant 0 : i32
    return %c0_i32, %arg0, %c0_i32_0 : i32, i32, i32
  }
  func.func @transform_2(%arg0: i32) -> (i32, i32, i32) {
    %c0_i32 = arith.constant 0 : i32
    %c0_i32_0 = arith.constant 0 : i32
    %c0_i32_1 = arith.constant 0 : i32
    return %c0_i32, %arg0, %c0_i32_0 : i32, i32, i32
  }
  func.func @transform_3(%arg0: i32) -> (i32, i32) {
    %c0_i32 = arith.constant 0 : i32
    %c0_i32_0 = arith.constant 0 : i32
    return %arg0, %c0_i32 : i32, i32
  }
}

</mosaic_0001>

<sc_bundles>
// kernel: kernel.6.cloned.1.call-start
scs
__scs_entry_jumppad:
0x0: {  	(pc) =	sbr.rel $0x88, $3  }
0x1: {  	(tag) =	ssettag $0x0;
	lr =	simm.s32 $0x1  }
0x2: {  	[smem:$0x3F99] =	sst lr;
	_ =	strace $0xD0000000  }
0x3: {  	_ = 	snop  }
0x4: {  	_ = 	snop  }
0x5: {  	_ = 	snop  }
0x6: {  	_ = 	snop  }
0x7: {  	_ = 	snop  }
__scs_overlays_trampoline_lowered:
0x8: {  	[smem:$0x3FA8] =	sst s0  }
0x9: {  	[smem:$0x3FA9] =	sst s1  }
0xa: {  	[smem:$0x3FAA] =	sst s2  }
0xb: {  	[smem:$0x3FAB] =	sst s3  }
0xc: {  	[smem:$0x3FAC] =	sst s4  }
0xd: {  	[smem:$0x3FAD] =	sst s5  }
0xe: {  	[smem:$0x3FAE] =	sst s6  }
0xf: {  	[smem:$0x3FAF] =	sst s7  }
0x10: {  	[smem:$0x3FB0] =	sst s8  }
0x11: {  	[smem:$0x3FB1] =	sst s9;
	s0 =	simm.s32 @!p0 $0x0  }
0x12: {  	s1 =	sld [smem:$0x3F97];
	s0 =	simm.s32 @p0 $0x1  }
0x13: {  	[smem:$0x3FB2] =	sst s0;
	s0 =	simm.s32 @!p1 $0x0  }
0x14: {  	s2 =	sld [smem:$0x3F96];
	s0 =	simm.s32 @p1 $0x1  }
0x15: {  	[smem:$0x3FB3] =	sst s0;
	s0 =	simm.s32 @!p2 $0x0  }
0x16: {  	s3 =	sld [smem:$0x3FDB];
	s0 =	simm.s32 @p2 $0x1  }
0x17: {  	s4 =	simm.s32 $0x1BF5;
	[smem:$0x3FB5] =	sst s0  }
0x18: {  	s0 =	sld [smem:$0x3F98];
	_ =	swait.ge [sflag:s4], $0x0  }
0x19: {  	s7 =	sld [smem:$0x3F99]  }
0x1a: {  	s8 =	sadd.s32 $0xFFFFE003, lr  }
0x1b: {  	s9 =	sadd.s32 $0xFFFFFEF7, lr;
	s5 =	simm.s32 $0xFFFFFFFF;
	p2 =	slt.u32 s8, $0xFFFFF086  }
0x1c: {  	p1 =	slt.u32 s9, $0xF7A;
	s5 =	simm.s32 @!p2 $0x0  }
0x1d: {  	s5 =	simm.s32 @p1 $0x1;
	p0 =	seq.s32 s7, s2  }
0x1e: {  	s7 =	smul.u32 @!p0 $0xF7A, s2;
	p2 =	seq.s32 @!p0 s5, $0x0  }
0x1f: {  	s9 =	smul.u32 $0xF7A, s1;
	s8 =	simm.s32 @!p0 $0x1BF5;
	p2 =	por !p2, p0  }
0x20: {  	[sflag:s8] =	ssyncset.s32 @!p0 $0xFFFFF086;
	s6 =	sadd.s32 @!p0 s3, s7;
	s7 =	simm.s32 @!p0 $0x108  }
0x21: {  	s3 =	sadd.s32 s3, s9;
	s6 =	sadd.s32 @!p0 $0x88, s6;
	s7 =	simm.s32 @p2 $0x1082  }
0x22: {  	[simem:s7], [sflag:s8] =	dma.local @!p0 [hbm:s6], $0xF7A  }
0x23: {  	s9 =	sor.u32 $0xD0000000, s2;
	s6 =	simm.s32 $0x108;
	_ =	swait.ge @!p0 [sflag:s8], $0x0  }
0x24: {  	s3 =	sadd.s32 $0x88, s3;
	s6 =	simm.s32 @!p1 $0x1082;
	[sflag:s4] =	ssyncset.s32 $0xFFFFF086  }
0x25: {  	[simem:s6], [sflag:s4] =	dma.local [hbm:s3], $0xF7A  }
0x26: {  	[smem:$0x3F99] =	sst s1;
	(tag) =	ssettag s2;
	_ =	strace s9  }
0x27: {  	s1 =	sld [smem:$0x3FA9]  }
0x28: {  	s2 =	sld [smem:$0x3FAA]  }
0x29: {  	s4 =	sld [smem:$0x3FAC]  }
0x2a: {  	p0 =	seq.s32 s5, $0x0;
	s5 =	sld [smem:$0x3FAD]  }
0x2b: {  	s6 =	sld [smem:$0x3FAE]  }
0x2c: {  	s7 =	sld [smem:$0x3FAF]  }
0x2d: {  	s3 =	simm.s32 $0x108;
	s8 =	sld [smem:$0x3FB0]  }
0x2e: {  	s3 =	simm.s32 @!p0 $0x1082;
	s9 =	sld [smem:$0x3FB1]  }
0x2f: {  	lr =	sadd.s32 s0, s3;
	s0 =	sld [smem:$0x3FA8]  }
0x30: {  	s3 =	sld [smem:$0x3FAB]  }
0x31: {  	[smem:$0x3FB4] =	sst s10  }
0x32: {  	s10 =	sld [smem:$0x3FB2];
	_ =	sdelay $0x3  }
0x33: {  	p0 =	seq.s32 s10, $0x1;
	s10 =	sld [smem:$0x3FB4];
	_ =	sdelay $0x3  }
0x34: {  	[smem:$0x3FB4] =	sst s10  }
0x35: {  	s10 =	sld [smem:$0x3FB3];
	_ =	sdelay $0x3  }
0x36: {  	p1 =	seq.s32 s10, $0x1;
	s10 =	sld [smem:$0x3FB4];
	_ =	sdelay $0x3  }
0x37: {  	[smem:$0x3FB4] =	sst s10  }
0x38: {  	s10 =	sld [smem:$0x3FB5]  }
0x39: {  	_ = 	snop;
	(pc) =	sbr.ind lr, $3  }
0x3a: {  	_ = 	snop  }
0x3b: {  	_ = 	snop  }
0x3c: {  	p2 =	seq.s32 s10, $0x1;
	s10 =	sld [smem:$0x3FB4]  }
0x3d: {  	_ =	shalt  }
0x3e: {  	_ =	shalt  }
0x3f: {  	_ =	shalt  }
0x40: {  	_ =	shalt  }
0x41: {  	_ =	shalt  }
0x42: {  	_ =	shalt  }
0x43: {  	_ =	shalt  }
0x44: {  	_ =	shalt  }
0x45: {  	_ =	shalt  }
0x46: {  	_ =	shalt  }
0x47: {  	_ =	shalt  }
0x48: {  	_ =	shalt  }
0x49: {  	_ =	shalt  }
0x4a: {  	_ =	shalt  }
0x4b: {  	_ =	shalt  }
0x4c: {  	_ =	shalt  }
0x4d: {  	_ =	shalt  }
0x4e: {  	_ =	shalt  }
0x4f: {  	_ =	shalt  }
0x50: {  	_ =	shalt  }
0x51: {  	_ =	shalt  }
0x52: {  	_ =	shalt  }
0x53: {  	_ =	shalt  }
0x54: {  	_ =	shalt  }
0x55: {  	_ =	shalt  }
0x56: {  	_ =	shalt  }
0x57: {  	_ =	shalt  }
0x58: {  	_ =	shalt  }
0x59: {  	_ =	shalt  }
0x5a: {  	_ =	shalt  }
0x5b: {  	_ =	shalt  }
0x5c: {  	_ =	shalt  }
0x5d: {  	_ =	shalt  }
0x5e: {  	_ =	shalt  }
0x5f: {  	_ =	shalt  }
0x60: {  	_ =	shalt  }
0x61: {  	_ =	shalt  }
0x62: {  	_ =	shalt  }
0x63: {  	_ =	shalt  }
0x64: {  	_ =	shalt  }
0x65: {  	_ =	shalt  }
0x66: {  	_ =	shalt  }
0x67: {  	_ =	shalt  }
0x68: {  	_ =	shalt  }
0x69: {  	_ =	shalt  }
0x6a: {  	_ =	shalt  }
0x6b: {  	_ =	shalt  }
0x6c: {  	_ =	shalt  }
0x6d: {  	_ =	shalt  }
0x6e: {  	_ =	shalt  }
0x6f: {  	_ =	shalt  }
0x70: {  	_ =	shalt  }
0x71: {  	_ =	shalt  }
0x72: {  	_ =	shalt  }
0x73: {  	_ =	shalt  }
0x74: {  	_ =	shalt  }
0x75: {  	_ =	shalt  }
0x76: {  	_ =	shalt  }
0x77: {  	_ =	shalt  }
0x78: {  	_ =	shalt  }
0x79: {  	_ =	shalt  }
0x7a: {  	_ =	shalt  }
0x7b: {  	_ =	shalt  }
0x7c: {  	_ =	shalt  }
0x7d: {  	_ =	shalt  }
0x7e: {  	_ =	shalt  }
0x7f: {  	_ =	shalt  }
0x80: {  	_ =	shalt  }
0x81: {  	_ =	shalt  }
0x82: {  	_ =	shalt  }
0x83: {  	_ =	shalt  }
0x84: {  	_ =	shalt  }
0x85: {  	_ =	shalt  }
0x86: {  	_ =	shalt  }
0x87: {  	_ =	shalt  }
.Lfunc_end0:
.L_simem_size_0:
called_computation_lowered:
.L_overlay_start_0:
0x88: {  	s2 =	sld [smem:$0x3FD9]  }
0x89: {  	s3 =	sld [smem:$0x3FFE];
	_ =	sdelay $0x1  }
0x8a: {  	s1 =	srdreg.scid  }
0x8b: {  	s0 =	sand.u32 $0x1, s1  }
0x8c: {  	s17 =	sshll.u32 s0, $0xA;
	s2 =	sadd.s32 s3, s2  }
0x8d: {  	s2 =	sadd.s32 s2, s17  }
0x8e: {  	[smem:$0x3FC0] =	sst s2  }
0x8f: {  	_ = 	snop  }
0x90: {  	s2 =	sld [smem:$0x3FD0];
	(tm) =	ssettm $0x1  }
0x91: {  	s18 =	sld [smem:$0x3FFB];
	_ =	sdelay $0x3  }
0x92: {  	_ =	strace s18  }
0x93: {  	s3 =	sld [smem:$0x3FFC];
	_ =	sdelay $0x3  }
0x94: {  	_ =	strace s3  }
0x95: {  	s3 =	sld [smem:$0x3FFD];
	_ =	sdelay $0x3  }
0x96: {  	_ =	strace s3  }
0x97: {  	_ =	strace $0x8FFFFFFF  }
0x98: {  	s19 =	sld [smem:$0x3FDB];
	_ =	sdelay $0x1  }
0x99: {  	s4 =	simm.s32 $_scs_section_size  }
0x9a: {  	s5 =	simm.s32 $_size__tile_overlayer_lowered;
	s6 =	simm.s32 $_tile_overlayer_lowered  }
0x9b: {  	s22 =	simm.s32 $0x1BFF;
	s21 =	sshll.u32 s6, $0x1;
	s3 =	sadd.s32 s4, s19  }
0x9c: {  	s7 =	simm.s32 $0x0;
	s20 =	sshll.u32 s5, $0x1;
	s5 =	sadd.s32 s21, s3  }
0x9d: {  	[timem:s7], [sflag:s22] =	dma.local [hbm:s5], s20  }
0x9e: {  	_ =	swait.ge [sflag:s22], s20  }
0x9f: {  	s4 =	ssub.s32 $0x0, s20;
	[sflag:s22] =	ssyncset.done $0x0  }
0xa0: {  	[sflag:s22] =	ssyncadd.s32 s4;
	_ =	sdelay $0x1  }
0xa1: {  	s23 =	simm.s32 $0x1B8B  }
0xa2: {  	_ =	swait.ge [sflag:s23], $0x1  }
0xa3: {  	[sflag:s23] =	ssyncset.done $0x0  }
0xa4: {  	s25 =	simm.s32 $0x1B8E;
	s24 =	sld [smem:$0x3FFE];
	[sflag:s23] =	ssyncadd.s32 $0xFFFFFFFF  }
0xa5: {  	s26 =	simm.s32 $execute0_lowered;
	[smem:$0x3FD2] =	sst s25  }
0xa6: {  	s5 =	sshll.u32 s26, $0x1;
	_ =	strace $0x80000046;
	[dreg:$0x1] =	wrdreg $0xFFFFFFFF  }
0xa7: {  	s28 =	simm.s32 $_size_execute0_lowered;
	s3 =	sadd.s32 s3, s5;
	[dreg:$0x0] =	wrdreg $0x0  }
0xa8: {  	s5 =	sshll.u32 s28, $0x1;
	[dreg:$0x2] =	wrdreg s3  }
0xa9: {  	[dreg:$0x3] =	wrdreg s5  }
0xaa: {  	[dreg:$0x4] =	wrdreg $0xC0  }
0xab: {  	_ =	task [dreg:s7], $0x5FFFF  }
0xac: {  	[dreg:$0x1] =	wrdreg $0xFFFFFFFF  }
0xad: {  	[dreg:$0x0] =	wrdreg $0x60  }
0xae: {  	[dreg:$0x2] =	wrdreg s24  }
0xaf: {  	[dreg:$0x3] =	wrdreg s2  }
0xb0: {  	[dreg:$0x4] =	wrdreg $0x0  }
0xb1: {  	[dreg:$0x5] =	wrdreg $0x140000  }
0xb2: {  	[dreg:$0x6] =	wrdreg $0x9  }
0xb3: {  	_ =	task.clear_ibuf [dreg:s7], $0x7FFFF;
	_ =	strace $0x90000046  }
0xb4: {  	s29 =	simm.s32 $0x9;
	_ =	strace $0x80000048  }
0xb5: {  	_ =	swait.ge [sflag:s29], $0x1  }
0xb6: {  	[sflag:s29] =	ssyncadd.s32 $0xFFFFFFFF  }
0xb7: {  	_ =	strace $0x90000048  }
0xb8: {  	_ =	sfence  }
0xb9: {  	s30 =	sld [smem:$0x0];
	_ =	sdelay $0x2  }
0xba: {  	s31 =	sshll.u32 s1, $0xD;
	s1 =	sshrl.u32 s1, $0x2  }
0xbb: {  	s3 =	sand.u32 $0x4000, s31;
	s1 =	sadd.s32 s1, s30  }
0xbc: {  	s0 =	sor.u32 s3, s0;
	s1 =	sshll.u32 s1, $0x11  }
0xbd: {  	s0 =	sor.u32 s1, s0  }
0xbe: {  	s0 =	sadd.s32 $0x8F2B, s0  }
0xbf: {  	[sflag:s0] =	ssyncadd.remote.s32 $0x1  }
0xc0: {  	_ =	sfence.sel $0xFFFF  }
0xc1: {  	[dreg:$0x0] =	wrdreg $0xFFFFFFFF;
	(pc) =	sbr.abs _section_cstart, $3  }
0xc2: {  	[dreg:$0x1] =	wrdreg $0xFFFFFFFF  }
0xc3: {  	_ =	task.clear_ibuf [dreg:s7], $0x2FFFF;
	_ =	strace $0x9FFFFFFF  }
0xc4: {  	(tm) =	ssettm $0x7FFFFFFF  }
0xc5: {  	_ =	shalt  }
tec
execute0_lowered:
.L_overlay_start_1:
0x0: {  	(tag) =	ssettag $0x1  }
0x1: {  	s0 =	rddreg [dreg:$0x0]  }
0x2: {  	s1 =	rddreg [dreg:$0x1]  }
0x3: {  	s2 =	rddreg [dreg:$0x2]  }
0x4: {  	s4 =	srdreg.scid;
	s16 =	stileid.u32  }
0x5: {  	s3 =	rddreg [dreg:$0x3];
	s7 =	smul.u32 $0x1400, s16  }
0x6: {  	s28 =	simm.s32 $0x16D00;
	s29 =	simm.s32 $0x16D80;
	s8 =	smul.u32 $0x28000, s16  }
0x7: {  	s30 =	simm.s32 $0x16E00;
	s31 =	simm.s32 $0x16E80;
	s9 =	smul.u32 $0x2800, s16  }
0x8: {  	s6 =	sand.u32 $0x1, s4;
	s4 =	simm.s32 $0x0;
	s14 =	smul.u32 $0x270, s16  }
0x9: {  	s12 =	sadd.s32 $0x60200, s0;
	s24 =	sshll.u32 s16, $0x6;
	s26 =	smul.u32 $0x4E000, s16  }
0xa: {  	s17 =	smul.u32 $0x9C00, s16;
	p0 =	seq.s32 s16, $0xF;
	s16 =	simm.s32 $0x4  }
0xb: {  	s5 =	smul.u32 $0x14000, s6;
	[smem:$0x7FF] =	sst s4;
	s23 =	ssub.s32 $0x2, s6  }
0xc: {  	s6 =	smul.u32 $0x2710, s6;
	_ =	strace $0x80000047;
	s10 =	sshrl.u32 s8, $0x4  }
0xd: {  	s11 =	sshrl.u32 s9, $0x3;
	[dreg:$0x7] =	wrdreg s12;
	s13 =	sshrl.u32 s23, $0x1  }
0xe: {  	s8 =	sshrl.u32 s8, $0x1;
	s9 =	sadd.s32 s9, s3;
	s15 =	sshrl.u32 s26, $0x2  }
0xf: {  	s18 =	sshrl.u32 s17, $0x2;
	s17 =	simm.s32 $0x6;
	s26 =	simm.s32 $0x16880  }
0x10: {  	s7 =	sadd.s32 s7, s5;
	s5 =	sadd.s32 $0x2A000, s0;
	s10 =	sadd.s32 s10, s0  }
0x11: {  	s11 =	sadd.s32 s11, s0;
	s12 =	ssub.s32 s23, s13;
	s8 =	sadd.s32 s8, s2  }
0x12: {  	s23 =	sor.u32 $0x1C06, s24;
	s25 =	sadd.s32 s14, s6;
	s6 =	sadd.s32 $0x2490, s6  }
0x13: {  	[dreg:$0x6] =	wrdreg s26;
	s26 =	simm.s32 $0x16C80;
	s7 =	sshrl.u32 s7, $0x3  }
0x14: {  	s10 =	sadd.s32 $0x2000, s10;
	s11 =	sadd.s32 $0x5B200, s11;
	s14 =	sshll.u32 s25, $0x4  }
0x15: {  	s19 =	sshll.u32 s6, $0x4;
	s20 =	sshll.u32 s6, $0x1;
	[dreg:$0x9] =	wrdreg s23  }
0x16: {  	s6 =	sadd.s32 $0x124800, s2;
	s21 =	smax.u32 s12, $0x1;
	[dreg:$0x8] =	wrdreg s10  }
0x17: {  	s24 =	sshrl.u32 s8, $0x3;
	s12 =	simm.s32 $0x3;
	[dreg:$0xa] =	wrdreg s11  }
0x18: {  	s7 =	sadd.s32 s7, s0;
	s0 =	sadd.s32 $0x60400, s0;
	[dreg:$0xf] =	wrdreg s21  }
0x19: {  	s10 =	sshll.u32 s25, $0x1;
	[dreg:$0x10] =	wrdreg s24;
	s25 =	sshrl.u32 s9, $0x3  }
0x1a: {  	s21 =	simm.s32 $0x80;
	s9 =	simm.s32 $0x17000;
	s24 =	simm.s32 $0x0  }
0x1b: {  	s11 =	sadd.s32 s0, s14;
	s10 =	sadd.s32 s1, s10;
	s0 =	sadd.s32 s0, s19  }
0x1c: {  	s22 =	sadd.s32 $0x56200, s7;
	[dreg:$0x11] =	wrdreg s25;
	s19 =	simm.s32 $0x1F000  }
0x1d: {  	s14 =	simm.s32 $0x2;
	s25 =	simm.s32 $0x16A80;
	[dreg:$0xb] =	wrdreg s11  }
0x1e: {  	s11 =	sadd.s32 s15, s2;
	[dreg:$0xc] =	wrdreg s10;
	s10 =	sadd.s32 s18, s3  }
0x1f: {  	[dreg:$0xd] =	wrdreg s0;
	s0 =	sadd.s32 s1, s20;
	s15 =	sadd.s32 $0x51200, s7  }
0x20: {  	[dreg:$0x5] =	wrdreg s22;
	s20 =	simm.s32 $0x16C00;
	s1 =	sshrl.u32 @p0 s6, $0x3  }
0x21: {  	s6 =	simm.s32 $0x5;
	[dreg:$0xe] =	wrdreg s0;
	s0 =	sadd.s32 $0x24900, s3  }
0x22: {  	s7 =	simm.s32 $0x16800;
	[dreg:$0x12] =	wrdreg s1;
	s0 =	sshrl.u32 @p0 s0, $0x3  }
0x23: {  	s1 =	simm.s32 $0x16F80;
	[dreg:$0x13] =	wrdreg s0;
	s0 =	sshrl.u32 @!p0 s11, $0x3  }
0x24: {  	s11 =	simm.s32 $0x1;
	[dreg:$0x14] =	wrdreg s0;
	s0 =	sshrl.u32 @!p0 s10, $0x3  }
0x25: {  	s10 =	simm.s32 $0x1B000;
	[dreg:$0x15] =	wrdreg s0;
	s0 =	simm.s32 $0x16F00  }
.LBB2_1:
0x26: {  	[dreg:$0x16] =	wrdreg s24  }
0x27: {  	s8 =	rddreg [dreg:$0x8]  }
0x28: {  	s13 =	rddreg [dreg:$0x10]  }
0x29: {  	[spmem:s13], [sflag:s23] =	dma.local [hbm:s8], $0x2800  }
0x2a: {  	_ =	swait.ge [sflag:s17], $0x2800  }
0x2b: {  	[sflag:s17] =	ssyncset.done $0x0;
	s13 =	rddreg [dreg:$0xa]  }
0x2c: {  	s18 =	rddreg [dreg:$0x11];
	[sflag:s17] =	ssyncadd.s32 $0xFFFFD800  }
0x2d: {  	[spmem:s18], [sflag:s23] =	dma.local [hbm:s13], $0x500  }
0x2e: {  	_ =	swait.ge [sflag:s17], $0x500  }
0x2f: {  	[sflag:s17] =	ssyncset.done $0x0  }
0x30: {  	s22 =	rddreg [dreg:$0x7];
	[sflag:s17] =	ssyncadd.s32 $0xFFFFFB00  }
0x31: {  	[tilespmem:s19], [sflag:$0x6] =	stream.linear.gather [hbm4b:s22+s4], $0x800, $0x38;
	[tilespmem:$0x1F800] =	vst v63  }
0x32: {  	_ =	swait.ge [sflag:s17], $0x800  }
0x33: {  	[sflag:s17] =	ssyncset.done $0x0  }
0x34: {  	[sflag:s17] =	ssyncadd.s32 $0xFFFFF800  }
0x35: {  	s24 =	sadd.s32 $0x0, s15;
	[bflag:$0x0] =	sbarrier.arrive $0xFFFF  }
0x36: {  	[tilespmem:s20], [sflag:$0x6] =	stream.linear.gather [hbm4b:s24+s4], $0x400, $0x38;
	[tilespmem:$0x1F800] =	vst v63  }
0x37: {  	_ =	swait.ge [sflag:s17], $0x400  }
0x38: {  	[sflag:s17] =	ssyncset.done $0x0  }
0x39: {  	[sflag:s17] =	ssyncadd.s32 $0xFFFFFC00  }
0x3a: {  	[spmem:s3] =	stream.indirect.scatter.add.f32 [tilespmem:s19], [sflag:$0x5], $0x10, s20, s21, $0xb8;
	[tilespmem:$0x1F800] =	vst v63  }
0x3b: {  	_ = 	snop  }
0x3c: {  	[spmem:s3] =	stream.indirect.scatter.add.f32 [tilespmem:s19], [sflag:$0x5], $0x10, s26, s21, $0xb8;
	[tilespmem:$0x1F800] =	vst v63  }
0x3d: {  	_ = 	snop  }
0x3e: {  	[spmem:s3] =	stream.indirect.scatter.add.f32 [tilespmem:s19], [sflag:$0x5], $0x10, s28, s21, $0xb8;
	[tilespmem:$0x1F800] =	vst v63  }
0x3f: {  	_ = 	snop  }
0x40: {  	[spmem:s3] =	stream.indirect.scatter.add.f32 [tilespmem:s19], [sflag:$0x5], $0x10, s29, s21, $0xb8;
	[tilespmem:$0x1F800] =	vst v63  }
0x41: {  	_ = 	snop  }
0x42: {  	[spmem:s3] =	stream.indirect.scatter.add.f32 [tilespmem:s19], [sflag:$0x5], $0x10, s30, s21, $0xb8;
	[tilespmem:$0x1F800] =	vst v63  }
0x43: {  	_ = 	snop  }
0x44: {  	[spmem:s3] =	stream.indirect.scatter.add.f32 [tilespmem:s19], [sflag:$0x5], $0x10, s31, s21, $0xb8;
	[tilespmem:$0x1F800] =	vst v63  }
0x45: {  	_ = 	snop  }
0x46: {  	[spmem:s3] =	stream.indirect.scatter.add.f32 [tilespmem:s19], [sflag:$0x5], $0x10, s0, s21, $0xb8;
	[tilespmem:$0x1F800] =	vst v63  }
0x47: {  	_ = 	snop  }
0x48: {  	[spmem:s3] =	stream.indirect.scatter.add.f32 [tilespmem:s19], [sflag:$0x5], $0x10, s1, s21, $0xb8;
	[tilespmem:$0x1F800] =	vst v63  }
0x49: {  	_ =	swait.ge [sflag:s6], $0x800  }
0x4a: {  	[sflag:s6] =	ssyncset.done $0x0  }
0x4b: {  	[sflag:s6] =	ssyncadd.s32 $0xFFFFF800  }
0x4c: {  	_ =	swait.ge [sflag:s6], $0x800  }
0x4d: {  	[sflag:s6] =	ssyncset.done $0x0  }
0x4e: {  	[sflag:s6] =	ssyncadd.s32 $0xFFFFF800  }
0x4f: {  	_ =	swait.ge [sflag:s6], $0x800  }
0x50: {  	[sflag:s6] =	ssyncset.done $0x0  }
0x51: {  	[sflag:s6] =	ssyncadd.s32 $0xFFFFF800  }
0x52: {  	_ =	swait.ge [sflag:s6], $0x800  }
0x53: {  	[sflag:s6] =	ssyncset.done $0x0  }
0x54: {  	[sflag:s6] =	ssyncadd.s32 $0xFFFFF800  }
0x55: {  	_ =	swait.ge [sflag:s6], $0x800  }
0x56: {  	[sflag:s6] =	ssyncset.done $0x0  }
0x57: {  	[sflag:s6] =	ssyncadd.s32 $0xFFFFF800  }
0x58: {  	_ =	swait.ge [sflag:s6], $0x800  }
0x59: {  	[sflag:s6] =	ssyncset.done $0x0  }
0x5a: {  	[sflag:s6] =	ssyncadd.s32 $0xFFFFF800  }
0x5b: {  	_ =	swait.ge [sflag:s6], $0x800  }
0x5c: {  	[sflag:s6] =	ssyncset.done $0x0  }
0x5d: {  	[sflag:s6] =	ssyncadd.s32 $0xFFFFF800  }
0x5e: {  	_ =	swait.ge [sflag:s6], $0x800  }
0x5f: {  	s8 =	simm.s32 $0x100;
	s18 =	sadd.s32 $0x80, s15;
	[sflag:s6] =	ssyncset.done $0x0  }
.LBB2_2:
0x60: {  	s22 =	sadd.s32 s8, s15;
	s13 =	simm.s32 $0x0;
	[sflag:s6] =	ssyncadd.s32 $0xFFFFF800  }
0x61: {  	[tilespmem:s20], [sflag:$0x6] =	stream.linear.gather [hbm4b:s18+s13], $0x400, $0x38;
	[tilespmem:$0x1F800] =	vst v63  }
0x62: {  	p1 =	sne.s32 s8, $0x200;
	s8 =	sadd.s32 $0x80, s8;
	_ =	swait.ge [sflag:s17], $0x400  }
0x63: {  	s18 =	smov.u32 s22;
	[sflag:s17] =	ssyncset.done $0x0  }
0x64: {  	[sflag:s17] =	ssyncadd.s32 $0xFFFFFC00  }
0x65: {  	[spmem:s3] =	stream.indirect.scatter.add.f32 [tilespmem:s19], [sflag:$0x5], $0x10, s20, s21, $0xb8;
	[tilespmem:$0x1F800] =	vst v63  }
0x66: {  	_ = 	snop  }
0x67: {  	[spmem:s3] =	stream.indirect.scatter.add.f32 [tilespmem:s19], [sflag:$0x5], $0x10, s26, s21, $0xb8;
	[tilespmem:$0x1F800] =	vst v63  }
0x68: {  	_ = 	snop  }
0x69: {  	[spmem:s3] =	stream.indirect.scatter.add.f32 [tilespmem:s19], [sflag:$0x5], $0x10, s28, s21, $0xb8;
	[tilespmem:$0x1F800] =	vst v63  }
0x6a: {  	_ = 	snop  }
0x6b: {  	[spmem:s3] =	stream.indirect.scatter.add.f32 [tilespmem:s19], [sflag:$0x5], $0x10, s29, s21, $0xb8;
	[tilespmem:$0x1F800] =	vst v63  }
0x6c: {  	_ = 	snop  }
0x6d: {  	[spmem:s3] =	stream.indirect.scatter.add.f32 [tilespmem:s19], [sflag:$0x5], $0x10, s30, s21, $0xb8;
	[tilespmem:$0x1F800] =	vst v63  }
0x6e: {  	_ = 	snop  }
0x6f: {  	[spmem:s3] =	stream.indirect.scatter.add.f32 [tilespmem:s19], [sflag:$0x5], $0x10, s31, s21, $0xb8;
	[tilespmem:$0x1F800] =	vst v63  }
0x70: {  	_ = 	snop  }
0x71: {  	[spmem:s3] =	stream.indirect.scatter.add.f32 [tilespmem:s19], [sflag:$0x5], $0x10, s0, s21, $0xb8;
	[tilespmem:$0x1F800] =	vst v63  }
0x72: {  	_ = 	snop  }
0x73: {  	[spmem:s3] =	stream.indirect.scatter.add.f32 [tilespmem:s19], [sflag:$0x5], $0x10, s1, s21, $0xb8;
	[tilespmem:$0x1F800] =	vst v63  }
0x74: {  	_ =	swait.ge [sflag:s6], $0x800  }
0x75: {  	[sflag:s6] =	ssyncset.done $0x0  }
0x76: {  	[sflag:s6] =	ssyncadd.s32 $0xFFFFF800  }
0x77: {  	_ =	swait.ge [sflag:s6], $0x800  }
0x78: {  	[sflag:s6] =	ssyncset.done $0x0  }
0x79: {  	[sflag:s6] =	ssyncadd.s32 $0xFFFFF800  }
0x7a: {  	_ =	swait.ge [sflag:s6], $0x800  }
0x7b: {  	[sflag:s6] =	ssyncset.done $0x0  }
0x7c: {  	[sflag:s6] =	ssyncadd.s32 $0xFFFFF800  }
0x7d: {  	_ =	swait.ge [sflag:s6], $0x800  }
0x7e: {  	[sflag:s6] =	ssyncset.done $0x0  }
0x7f: {  	[sflag:s6] =	ssyncadd.s32 $0xFFFFF800  }
0x80: {  	_ =	swait.ge [sflag:s6], $0x800  }
0x81: {  	[sflag:s6] =	ssyncset.done $0x0  }
0x82: {  	[sflag:s6] =	ssyncadd.s32 $0xFFFFF800  }
0x83: {  	_ =	swait.ge [sflag:s6], $0x800  }
0x84: {  	[sflag:s6] =	ssyncset.done $0x0  }
0x85: {  	[sflag:s6] =	ssyncadd.s32 $0xFFFFF800  }
.Ltmp0:
0x86: {  	_ =	swait.ge [sflag:s6], $0x800;
	(pc) =	sbr.rel @p1 .LBB2_2-.Ltmp0, $4  }
0x87: {  	[sflag:s6] =	ssyncset.done $0x0  }
0x88: {  	[sflag:s6] =	ssyncadd.s32 $0xFFFFF800  }
0x89: {  	_ =	swait.ge [sflag:s6], $0x800  }
0x8a: {  	[sflag:s6] =	ssyncset.done $0x0  }
0x8b: {  	[sflag:s6] =	ssyncadd.s32 $0xFFFFF800  }
0x8c: {  	[tilespmem:s20], [sflag:$0x6] =	stream.linear.gather [hbm4b:s18+s13], $0x400, $0x38;
	[tilespmem:$0x1F800] =	vst v63  }
0x8d: {  	_ =	swait.ge [sflag:s17], $0x400  }
0x8e: {  	[sflag:s17] =	ssyncset.done $0x0  }
0x8f: {  	[sflag:s17] =	ssyncadd.s32 $0xFFFFFC00  }
0x90: {  	[spmem:s3] =	stream.indirect.scatter.add.f32 [tilespmem:s19], [sflag:$0x5], $0x10, s20, s21, $0xb8;
	[tilespmem:$0x1F800] =	vst v63  }
0x91: {  	_ = 	snop  }
0x92: {  	[spmem:s3] =	stream.indirect.scatter.add.f32 [tilespmem:s19], [sflag:$0x5], $0x10, s26, s21, $0xb8;
	[tilespmem:$0x1F800] =	vst v63  }
0x93: {  	_ = 	snop  }
0x94: {  	[spmem:s3] =	stream.indirect.scatter.add.f32 [tilespmem:s19], [sflag:$0x5], $0x10, s28, s21, $0xb8;
	[tilespmem:$0x1F800] =	vst v63  }
0x95: {  	_ = 	snop  }
0x96: {  	[spmem:s3] =	stream.indirect.scatter.add.f32 [tilespmem:s19], [sflag:$0x5], $0x10, s29, s21, $0xb8;
	[tilespmem:$0x1F800] =	vst v63  }
0x97: {  	_ = 	snop  }
0x98: {  	[spmem:s3] =	stream.indirect.scatter.add.f32 [tilespmem:s19], [sflag:$0x5], $0x10, s30, s21, $0xb8;
	[tilespmem:$0x1F800] =	vst v63  }
0x99: {  	_ = 	snop  }
0x9a: {  	[spmem:s3] =	stream.indirect.scatter.add.f32 [tilespmem:s19], [sflag:$0x5], $0x10, s31, s21, $0xb8;
	[tilespmem:$0x1F800] =	vst v63  }
0x9b: {  	_ = 	snop  }
0x9c: {  	[spmem:s3] =	stream.indirect.scatter.add.f32 [tilespmem:s19], [sflag:$0x5], $0x10, s0, s21, $0xb8;
	[tilespmem:$0x1F800] =	vst v63  }
0x9d: {  	_ = 	snop  }
0x9e: {  	[spmem:s3] =	stream.indirect.scatter.add.f32 [tilespmem:s19], [sflag:$0x5], $0x10, s1, s21, $0xb8;
	[tilespmem:$0x1F800] =	vst v63  }
0x9f: {  	_ =	swait.ge [sflag:s6], $0x800  }
0xa0: {  	[sflag:s6] =	ssyncset.done $0x0  }
0xa1: {  	[sflag:s6] =	ssyncadd.s32 $0xFFFFF800  }
0xa2: {  	_ =	swait.ge [sflag:s6], $0x800  }
0xa3: {  	[sflag:s6] =	ssyncset.done $0x0  }
0xa4: {  	[sflag:s6] =	ssyncadd.s32 $0xFFFFF800  }
0xa5: {  	_ =	swait.ge [sflag:s6], $0x800  }
0xa6: {  	[sflag:s6] =	ssyncset.done $0x0  }
0xa7: {  	[sflag:s6] =	ssyncadd.s32 $0xFFFFF800  }
0xa8: {  	_ =	swait.ge [sflag:s6], $0x800  }
0xa9: {  	[sflag:s6] =	ssyncset.done $0x0  }
0xaa: {  	[sflag:s6] =	ssyncadd.s32 $0xFFFFF800  }
0xab: {  	_ =	swait.ge [sflag:s6], $0x800  }
0xac: {  	[sflag:s6] =	ssyncset.done $0x0  }
0xad: {  	[sflag:s6] =	ssyncadd.s32 $0xFFFFF800  }
0xae: {  	_ =	swait.ge [sflag:s6], $0x800  }
0xaf: {  	[sflag:s6] =	ssyncset.done $0x0  }
0xb0: {  	[sflag:s6] =	ssyncadd.s32 $0xFFFFF800  }
0xb1: {  	p2 =	por $0x1, $0x1;
	_ =	swait.ge [sflag:s6], $0x800  }
.Ltmp1:
0xb2: {  	[sflag:s6] =	ssyncset.done $0x0;
	(pc) =	sbr.rel @!p2 .LBB2_8-.Ltmp1, $4  }
0xb3: {  	[sflag:s6] =	ssyncadd.s32 $0xFFFFF800  }
0xb4: {  	_ =	swait.ge [sflag:s6], $0x800  }
0xb5: {  	s8 =	simm.s32 $0x80;
	p1 =	por $0x0, $0x0;
	[sflag:s6] =	ssyncset.done $0x0  }
0xb6: {  	s22 =	simm.s32 $0x16900;
	s24 =	rddreg [dreg:$0x16];
	[sflag:s6] =	ssyncadd.s32 $0xFFFFF800  }
0xb7: {  	s13 =	sadd.s32 $0x0, s15  }
0xb8: {  	[tilespmem:s20], [sflag:$0x6] =	stream.linear.gather [hbm4b:s13+s4], $0x400, $0x38;
	[tilespmem:$0x1F800] =	vst v63  }
0xb9: {  	_ =	swait.ge [sflag:s17], $0x400  }
0xba: {  	s1 =	rddreg [dreg:$0x5];
	[sflag:s17] =	ssyncset.done $0x0  }
0xbb: {  	[sflag:s17] =	ssyncadd.s32 $0xFFFFFC00;
	s13 =	sadd.s32 $0x0, s1  }
0xbc: {  	[tilespmem:s7], [sflag:$0x6] =	stream.linear.gather [hbm4b:s13+s4], $0x400, $0x38;
	[tilespmem:$0x1F800] =	vst v63  }
0xbd: {  	_ =	swait.ge [sflag:s17], $0x400  }
0xbe: {  	[sflag:s17] =	ssyncset.done $0x0  }
0xbf: {  	[sflag:s17] =	ssyncadd.s32 $0xFFFFFC00  }
0xc0: {  	[tilespmem:s9], [sflag:$0x1] =	stream.indirect.gather [hbm4b:s5+s21], $0x80, s7, s21, $0xb8;
	[tilespmem:$0x1F800] =	vst v63  }
0xc1: {  	s4 =	rddreg [dreg:$0x6]  }
0xc2: {  	[tilespmem:s10], [sflag:$0x2] =	stream.indirect.gather [hbm4b:s5+s21], $0x80, s4, s21, $0xb8;
	[tilespmem:$0x1F800] =	vst v63  }
0xc3: {  	_ =	swait.ge [sflag:s11], $0x4000  }
0xc4: {  	[sflag:s11] =	ssyncset.done $0x0  }
0xc5: {  	[sflag:s11] =	ssyncadd.s32 $0xFFFFC000  }
0xc6: {  	[spmem:s2] =	stream.indirect.scatter.add.bf16 [tilespmem:s9], [sflag:$0x3], $0x80, s20, s21, $0xb8;
	[tilespmem:$0x1F800] =	vst v63  }
0xc7: {  	_ =	swait.ge [sflag:s12], $0x4000  }
0xc8: {  	[sflag:s12] =	ssyncset.done $0x0  }
0xc9: {  	[sflag:s12] =	ssyncadd.s32 $0xFFFFC000  }
0xca: {  	[tilespmem:s9], [sflag:$0x1] =	stream.indirect.gather [hbm4b:s5+s21], $0x80, s22, s21, $0xb8;
	[tilespmem:$0x1F800] =	vst v63  }
0xcb: {  	_ =	swait.ge [sflag:s14], $0x4000  }
0xcc: {  	[sflag:s14] =	ssyncset.done $0x0  }
0xcd: {  	[sflag:s14] =	ssyncadd.s32 $0xFFFFC000  }
0xce: {  	[spmem:s2] =	stream.indirect.scatter.add.bf16 [tilespmem:s10], [sflag:$0x4], $0x80, s26, s21, $0xb8;
	[tilespmem:$0x1F800] =	vst v63  }
0xcf: {  	_ =	swait.ge [sflag:s16], $0x4000  }
0xd0: {  	[sflag:s16] =	ssyncset.done $0x0  }
0xd1: {  	s1 =	simm.s32 $0x16980;
	[sflag:s16] =	ssyncadd.s32 $0xFFFFC000  }
0xd2: {  	[tilespmem:s10], [sflag:$0x2] =	stream.indirect.gather [hbm4b:s5+s21], $0x80, s1, s21, $0xb8;
	[tilespmem:$0x1F800] =	vst v63  }
0xd3: {  	_ =	swait.ge [sflag:s11], $0x4000  }
0xd4: {  	[sflag:s11] =	ssyncset.done $0x0  }
0xd5: {  	s18 =	simm.s32 $0x16D00;
	[sflag:s11] =	ssyncadd.s32 $0xFFFFC000  }
0xd6: {  	[spmem:s2] =	stream.indirect.scatter.add.bf16 [tilespmem:s9], [sflag:$0x3], $0x80, s18, s21, $0xb8;
	[tilespmem:$0x1F800] =	vst v63  }
0xd7: {  	_ =	swait.ge [sflag:s12], $0x4000  }
0xd8: {  	[sflag:s12] =	ssyncset.done $0x0  }
0xd9: {  	s7 =	simm.s32 $0x16A00;
	[sflag:s12] =	ssyncadd.s32 $0xFFFFC000  }
0xda: {  	[tilespmem:s9], [sflag:$0x1] =	stream.indirect.gather [hbm4b:s5+s21], $0x80, s7, s21, $0xb8;
	[tilespmem:$0x1F800] =	vst v63  }
0xdb: {  	_ =	swait.ge [sflag:s14], $0x4000  }
0xdc: {  	[sflag:s14] =	ssyncset.done $0x0  }
0xdd: {  	s24 =	simm.s32 $0x16D80;
	[sflag:s14] =	ssyncadd.s32 $0xFFFFC000  }
0xde: {  	[spmem:s2] =	stream.indirect.scatter.add.bf16 [tilespmem:s10], [sflag:$0x4], $0x80, s24, s21, $0xb8;
	[tilespmem:$0x1F800] =	vst v63  }
0xdf: {  	_ =	swait.ge [sflag:s16], $0x4000  }
0xe0: {  	[sflag:s16] =	ssyncset.done $0x0  }
0xe1: {  	s4 =	simm.s32 $0x16A80;
	[sflag:s16] =	ssyncadd.s32 $0xFFFFC000  }
0xe2: {  	[tilespmem:s10], [sflag:$0x2] =	stream.indirect.gather [hbm4b:s5+s21], $0x80, s4, s21, $0xb8;
	[tilespmem:$0x1F800] =	vst v63  }
0xe3: {  	_ =	swait.ge [sflag:s11], $0x4000  }
0xe4: {  	[sflag:s11] =	ssyncset.done $0x0  }
0xe5: {  	s23 =	simm.s32 $0x16E00;
	[sflag:s11] =	ssyncadd.s32 $0xFFFFC000  }
0xe6: {  	[spmem:s2] =	stream.indirect.scatter.add.bf16 [tilespmem:s9], [sflag:$0x3], $0x80, s23, s21, $0xb8;
	[tilespmem:$0x1F800] =	vst v63  }
0xe7: {  	_ =	swait.ge [sflag:s12], $0x4000  }
0xe8: {  	[sflag:s12] =	ssyncset.done $0x0  }
0xe9: {  	s4 =	simm.s32 $0x16B00;
	[sflag:s12] =	ssyncadd.s32 $0xFFFFC000  }
0xea: {  	[tilespmem:s9], [sflag:$0x1] =	stream.indirect.gather [hbm4b:s5+s21], $0x80, s4, s21, $0xb8;
	[tilespmem:$0x1F800] =	vst v63  }
0xeb: {  	_ =	swait.ge [sflag:s14], $0x4000  }
0xec: {  	[sflag:s14] =	ssyncset.done $0x0  }
0xed: {  	s0 =	simm.s32 $0x16E80;
	[sflag:s14] =	ssyncadd.s32 $0xFFFFC000  }
0xee: {  	[spmem:s2] =	stream.indirect.scatter.add.bf16 [tilespmem:s10], [sflag:$0x4], $0x80, s0, s21, $0xb8;
	[tilespmem:$0x1F800] =	vst v63  }
0xef: {  	_ =	swait.ge [sflag:s16], $0x4000  }
0xf0: {  	[sflag:s16] =	ssyncset.done $0x0  }
0xf1: {  	s24 =	simm.s32 $0x16B80;
	[sflag:s16] =	ssyncadd.s32 $0xFFFFC000  }
0xf2: {  	[tilespmem:s10], [sflag:$0x2] =	stream.indirect.gather [hbm4b:s5+s21], $0x80, s24, s21, $0xb8;
	[tilespmem:$0x1F800] =	vst v63  }
0xf3: {  	_ =	swait.ge [sflag:s11], $0x4000  }
0xf4: {  	[sflag:s11] =	ssyncset.done $0x0  }
0xf5: {  	s31 =	simm.s32 $0x16F00;
	[sflag:s11] =	ssyncadd.s32 $0xFFFFC000  }
0xf6: {  	[spmem:s2] =	stream.indirect.scatter.add.bf16 [tilespmem:s9], [sflag:$0x3], $0x80, s31, s21, $0xb8;
	[tilespmem:$0x1F800] =	vst v63  }
0xf7: {  	_ =	swait.ge [sflag:s14], $0x4000  }
0xf8: {  	s25 =	simm.s32 $0x16800;
	s28 =	simm.s32 $0x16A00;
	[sflag:s14] =	ssyncset.done $0x0  }
0xf9: {  	p2 =	por $0x1, $0x1;
	s23 =	simm.s32 $0x16F80;
	[sflag:s14] =	ssyncadd.s32 $0xFFFFC000  }
0xfa: {  	[spmem:s2] =	stream.indirect.scatter.add.bf16 [tilespmem:s10], [sflag:$0x4], $0x80, s23, s21, $0xb8;
	[tilespmem:$0x1F800] =	vst v63  }
.Ltmp2:
0xfb: {  	s29 =	simm.s32 $0x16A80;
	_ =	swait.ge [sflag:s12], $0x4000;
	(pc) =	sbr.rel @!p2 .LBB2_5-.Ltmp2, $4  }
0xfc: {  	s30 =	simm.s32 $0x16E00;
	p1 =	por $0x1, $0x1;
	[sflag:s12] =	ssyncset.done $0x0  }
0xfd: {  	s26 =	simm.s32 $0x0;
	s1 =	simm.s32 $0x16D80;
	[sflag:s12] =	ssyncadd.s32 $0xFFFFC000  }
0xfe: {  	s18 =	simm.s32 $0x100;
	s7 =	simm.s32 $0x16E80;
	_ =	swait.ge [sflag:s16], $0x4000  }
0xff: {  	s0 =	simm.s32 $0x16F00;
	s31 =	simm.s32 $0x16F80;
	[sflag:s16] =	ssyncset.done $0x0  }
.LBB2_6:
0x100: {  	s22 =	sadd.s32 s8, s15;
	[sflag:s16] =	ssyncadd.s32 $0xFFFFC000  }
0x101: {  	[tilespmem:s20], [sflag:$0x6] =	stream.linear.gather [hbm4b:s22+s26], $0x400, $0x38;
	[tilespmem:$0x1F800] =	vst v63  }
0x102: {  	s23 =	smov.u32 s18;
	s13 =	sadd.s32 $0x80, s18;
	_ =	swait.ge [sflag:s17], $0x400  }
0x103: {  	p2 =	sne.s32 s18, $0x200;
	s18 =	rddreg [dreg:$0x5];
	[sflag:s17] =	ssyncset.done $0x0  }
0x104: {  	[sflag:s17] =	ssyncadd.s32 $0xFFFFFC00;
	s18 =	sadd.s32 s8, s18  }
0x105: {  	[tilespmem:s25], [sflag:$0x6] =	stream.linear.gather [hbm4b:s18+s26], $0x400, $0x38;
	[tilespmem:$0x1F800] =	vst v63  }
0x106: {  	_ =	swait.ge [sflag:s17], $0x400  }
0x107: {  	[sflag:s17] =	ssyncset.done $0x0  }
0x108: {  	[sflag:s17] =	ssyncadd.s32 $0xFFFFFC00  }
0x109: {  	[tilespmem:s9], [sflag:$0x1] =	stream.indirect.gather [hbm4b:s5+s21], $0x80, s25, s21, $0xb8;
	[tilespmem:$0x1F800] =	vst v63  }
0x10a: {  	s8 =	smov.u32 s23;
	s23 =	rddreg [dreg:$0x6]  }
0x10b: {  	[tilespmem:s10], [sflag:$0x2] =	stream.indirect.gather [hbm4b:s5+s21], $0x80, s23, s21, $0xb8;
	[tilespmem:$0x1F800] =	vst v63  }
0x10c: {  	_ =	swait.ge [sflag:s11], $0x4000  }
0x10d: {  	[sflag:s11] =	ssyncset.done $0x0  }
0x10e: {  	[sflag:s11] =	ssyncadd.s32 $0xFFFFC000  }
0x10f: {  	[spmem:s2] =	stream.indirect.scatter.add.bf16 [tilespmem:s9], [sflag:$0x3], $0x80, s20, s21, $0xb8;
	[tilespmem:$0x1F800] =	vst v63  }
0x110: {  	_ =	swait.ge [sflag:s12], $0x4000  }
0x111: {  	[sflag:s12] =	ssyncset.done $0x0  }
0x112: {  	s22 =	simm.s32 $0x16900;
	[sflag:s12] =	ssyncadd.s32 $0xFFFFC000  }
0x113: {  	[tilespmem:s9], [sflag:$0x1] =	stream.indirect.gather [hbm4b:s5+s21], $0x80, s22, s21, $0xb8;
	[tilespmem:$0x1F800] =	vst v63  }
0x114: {  	_ =	swait.ge [sflag:s14], $0x4000  }
0x115: {  	[sflag:s14] =	ssyncset.done $0x0  }
0x116: {  	s23 =	simm.s32 $0x16C80;
	[sflag:s14] =	ssyncadd.s32 $0xFFFFC000  }
0x117: {  	[spmem:s2] =	stream.indirect.scatter.add.bf16 [tilespmem:s10], [sflag:$0x4], $0x80, s23, s21, $0xb8;
	[tilespmem:$0x1F800] =	vst v63  }
0x118: {  	_ =	swait.ge [sflag:s16], $0x4000  }
0x119: {  	[sflag:s16] =	ssyncset.done $0x0  }
0x11a: {  	s23 =	simm.s32 $0x16980;
	[sflag:s16] =	ssyncadd.s32 $0xFFFFC000  }
0x11b: {  	[tilespmem:s10], [sflag:$0x2] =	stream.indirect.gather [hbm4b:s5+s21], $0x80, s23, s21, $0xb8;
	[tilespmem:$0x1F800] =	vst v63  }
0x11c: {  	_ =	swait.ge [sflag:s11], $0x4000  }
0x11d: {  	[sflag:s11] =	ssyncset.done $0x0  }
0x11e: {  	s23 =	simm.s32 $0x16D00;
	[sflag:s11] =	ssyncadd.s32 $0xFFFFC000  }
0x11f: {  	[spmem:s2] =	stream.indirect.scatter.add.bf16 [tilespmem:s9], [sflag:$0x3], $0x80, s23, s21, $0xb8;
	[tilespmem:$0x1F800] =	vst v63  }
0x120: {  	_ =	swait.ge [sflag:s12], $0x4000  }
0x121: {  	[sflag:s12] =	ssyncset.done $0x0  }
0x122: {  	[sflag:s12] =	ssyncadd.s32 $0xFFFFC000  }
0x123: {  	[tilespmem:s9], [sflag:$0x1] =	stream.indirect.gather [hbm4b:s5+s21], $0x80, s28, s21, $0xb8;
	[tilespmem:$0x1F800] =	vst v63  }
0x124: {  	_ =	swait.ge [sflag:s14], $0x4000  }
0x125: {  	[sflag:s14] =	ssyncset.done $0x0  }
0x126: {  	[sflag:s14] =	ssyncadd.s32 $0xFFFFC000  }
0x127: {  	[spmem:s2] =	stream.indirect.scatter.add.bf16 [tilespmem:s10], [sflag:$0x4], $0x80, s1, s21, $0xb8;
	[tilespmem:$0x1F800] =	vst v63  }
0x128: {  	_ =	swait.ge [sflag:s16], $0x4000  }
0x129: {  	[sflag:s16] =	ssyncset.done $0x0  }
0x12a: {  	[sflag:s16] =	ssyncadd.s32 $0xFFFFC000  }
0x12b: {  	[tilespmem:s10], [sflag:$0x2] =	stream.indirect.gather [hbm4b:s5+s21], $0x80, s29, s21, $0xb8;
	[tilespmem:$0x1F800] =	vst v63  }
0x12c: {  	_ =	swait.ge [sflag:s11], $0x4000  }
0x12d: {  	[sflag:s11] =	ssyncset.done $0x0  }
0x12e: {  	[sflag:s11] =	ssyncadd.s32 $0xFFFFC000  }
0x12f: {  	[spmem:s2] =	stream.indirect.scatter.add.bf16 [tilespmem:s9], [sflag:$0x3], $0x80, s30, s21, $0xb8;
	[tilespmem:$0x1F800] =	vst v63  }
0x130: {  	_ =	swait.ge [sflag:s12], $0x4000  }
0x131: {  	[sflag:s12] =	ssyncset.done $0x0  }
0x132: {  	[sflag:s12] =	ssyncadd.s32 $0xFFFFC000  }
0x133: {  	[tilespmem:s9], [sflag:$0x1] =	stream.indirect.gather [hbm4b:s5+s21], $0x80, s4, s21, $0xb8;
	[tilespmem:$0x1F800] =	vst v63  }
0x134: {  	_ =	swait.ge [sflag:s14], $0x4000  }
0x135: {  	[sflag:s14] =	ssyncset.done $0x0  }
0x136: {  	[sflag:s14] =	ssyncadd.s32 $0xFFFFC000  }
0x137: {  	[spmem:s2] =	stream.indirect.scatter.add.bf16 [tilespmem:s10], [sflag:$0x4], $0x80, s7, s21, $0xb8;
	[tilespmem:$0x1F800] =	vst v63  }
0x138: {  	_ =	swait.ge [sflag:s16], $0x4000  }
0x139: {  	[sflag:s16] =	ssyncset.done $0x0  }
0x13a: {  	[sflag:s16] =	ssyncadd.s32 $0xFFFFC000  }
0x13b: {  	[tilespmem:s10], [sflag:$0x2] =	stream.indirect.gather [hbm4b:s5+s21], $0x80, s24, s21, $0xb8;
	[tilespmem:$0x1F800] =	vst v63  }
0x13c: {  	_ =	swait.ge [sflag:s11], $0x4000  }
0x13d: {  	[sflag:s11] =	ssyncset.done $0x0  }
0x13e: {  	[sflag:s11] =	ssyncadd.s32 $0xFFFFC000  }
0x13f: {  	[spmem:s2] =	stream.indirect.scatter.add.bf16 [tilespmem:s9], [sflag:$0x3], $0x80, s0, s21, $0xb8;
	[tilespmem:$0x1F800] =	vst v63  }
0x140: {  	_ =	swait.ge [sflag:s14], $0x4000  }
0x141: {  	[sflag:s14] =	ssyncset.done $0x0  }
0x142: {  	[sflag:s14] =	ssyncadd.s32 $0xFFFFC000  }
0x143: {  	[spmem:s2] =	stream.indirect.scatter.add.bf16 [tilespmem:s10], [sflag:$0x4], $0x80, s31, s21, $0xb8;
	[tilespmem:$0x1F800] =	vst v63  }
.Ltmp3:
0x144: {  	_ =	swait.ge [sflag:s12], $0x4000;
	(pc) =	sbr.rel @p2 .LBB2_6-.Ltmp3, $4  }
0x145: {  	[sflag:s12] =	ssyncset.done $0x0  }
0x146: {  	[sflag:s12] =	ssyncadd.s32 $0xFFFFC000  }
0x147: {  	_ =	swait.ge [sflag:s16], $0x4000  }
0x148: {  	s18 =	smov.u32 s13;
	[sflag:s16] =	ssyncset.done $0x0  }
0x149: {  	s13 =	smov.u32 s8  }
0x14a: {  	s23 =	rddreg [dreg:$0x9];
	s25 =	simm.s32 $0x16A80;
	s4 =	simm.s32 $0x0  }
0x14b: {  	s26 =	simm.s32 $0x16C80;
	s28 =	simm.s32 $0x16D00;
	s29 =	simm.s32 $0x16D80  }
0x14c: {  	s30 =	simm.s32 $0x16E00;
	s31 =	simm.s32 $0x16E80;
	s0 =	simm.s32 $0x16F00  }
0x14d: {  	s1 =	simm.s32 $0x16F80;
	s7 =	simm.s32 $0x16800;
	s24 =	rddreg [dreg:$0x16]  }
.LBB2_8:
0x14e: {  	s8 =	sadd.s32 s13, s15;
	[sflag:s16] =	ssyncadd.s32 @p1 $0xFFFFC000  }
0x14f: {  	[tilespmem:s20], [sflag:$0x6] =	stream.linear.gather [hbm4b:s8+s4], $0x400, $0x38;
	[tilespmem:$0x1F800] =	vst v63  }
0x150: {  	_ =	swait.ge [sflag:s17], $0x400  }
0x151: {  	s18 =	rddreg [dreg:$0x5];
	[sflag:s17] =	ssyncset.done $0x0  }
0x152: {  	s8 =	sadd.s32 s13, s18;
	[sflag:s17] =	ssyncadd.s32 $0xFFFFFC00  }
0x153: {  	[tilespmem:s7], [sflag:$0x6] =	stream.linear.gather [hbm4b:s8+s4], $0x400, $0x38;
	[tilespmem:$0x1F800] =	vst v63  }
0x154: {  	_ =	swait.ge [sflag:s17], $0x400  }
0x155: {  	[sflag:s17] =	ssyncset.done $0x0  }
0x156: {  	[sflag:s17] =	ssyncadd.s32 $0xFFFFFC00  }
0x157: {  	[tilespmem:s9], [sflag:$0x1] =	stream.indirect.gather [hbm4b:s5+s21], $0x80, s7, s21, $0xb8;
	[tilespmem:$0x1F800] =	vst v63  }
0x158: {  	s13 =	rddreg [dreg:$0x6]  }
0x159: {  	[tilespmem:s10], [sflag:$0x2] =	stream.indirect.gather [hbm4b:s5+s21], $0x80, s13, s21, $0xb8;
	[tilespmem:$0x1F800] =	vst v63  }
0x15a: {  	_ =	swait.ge [sflag:s11], $0x4000  }
0x15b: {  	[sflag:s11] =	ssyncset.done $0x0  }
0x15c: {  	[sflag:s11] =	ssyncadd.s32 $0xFFFFC000  }
0x15d: {  	[spmem:s2] =	stream.indirect.scatter.add.bf16 [tilespmem:s9], [sflag:$0x3], $0x80, s20, s21, $0xb8;
	[tilespmem:$0x1F800] =	vst v63  }
0x15e: {  	_ =	swait.ge [sflag:s12], $0x4000  }
0x15f: {  	[sflag:s12] =	ssyncset.done $0x0  }
0x160: {  	[sflag:s12] =	ssyncadd.s32 $0xFFFFC000  }
0x161: {  	[tilespmem:s9], [sflag:$0x1] =	stream.indirect.gather [hbm4b:s5+s21], $0x80, s22, s21, $0xb8;
	[tilespmem:$0x1F800] =	vst v63  }
0x162: {  	_ =	swait.ge [sflag:s14], $0x4000  }
0x163: {  	[sflag:s14] =	ssyncset.done $0x0  }
0x164: {  	[sflag:s14] =	ssyncadd.s32 $0xFFFFC000  }
0x165: {  	[spmem:s2] =	stream.indirect.scatter.add.bf16 [tilespmem:s10], [sflag:$0x4], $0x80, s26, s21, $0xb8;
	[tilespmem:$0x1F800] =	vst v63  }
0x166: {  	_ =	swait.ge [sflag:s16], $0x4000  }
0x167: {  	[sflag:s16] =	ssyncset.done $0x0  }
0x168: {  	s18 =	simm.s32 $0x16980;
	[sflag:s16] =	ssyncadd.s32 $0xFFFFC000  }
0x169: {  	[tilespmem:s10], [sflag:$0x2] =	stream.indirect.gather [hbm4b:s5+s21], $0x80, s18, s21, $0xb8;
	[tilespmem:$0x1F800] =	vst v63  }
0x16a: {  	_ =	swait.ge [sflag:s11], $0x4000  }
0x16b: {  	[sflag:s11] =	ssyncset.done $0x0  }
0x16c: {  	[sflag:s11] =	ssyncadd.s32 $0xFFFFC000  }
0x16d: {  	[spmem:s2] =	stream.indirect.scatter.add.bf16 [tilespmem:s9], [sflag:$0x3], $0x80, s28, s21, $0xb8;
	[tilespmem:$0x1F800] =	vst v63  }
0x16e: {  	_ =	swait.ge [sflag:s12], $0x4000  }
0x16f: {  	[sflag:s12] =	ssyncset.done $0x0  }
0x170: {  	s22 =	simm.s32 $0x16A00;
	[sflag:s12] =	ssyncadd.s32 $0xFFFFC000  }
0x171: {  	[tilespmem:s9], [sflag:$0x1] =	stream.indirect.gather [hbm4b:s5+s21], $0x80, s22, s21, $0xb8;
	[tilespmem:$0x1F800] =	vst v63  }
0x172: {  	_ =	swait.ge [sflag:s14], $0x4000  }
0x173: {  	[sflag:s14] =	ssyncset.done $0x0  }
0x174: {  	[sflag:s14] =	ssyncadd.s32 $0xFFFFC000  }
0x175: {  	[spmem:s2] =	stream.indirect.scatter.add.bf16 [tilespmem:s10], [sflag:$0x4], $0x80, s29, s21, $0xb8;
	[tilespmem:$0x1F800] =	vst v63  }
0x176: {  	_ =	swait.ge [sflag:s16], $0x4000  }
0x177: {  	[sflag:s16] =	ssyncset.done $0x0  }
0x178: {  	[sflag:s16] =	ssyncadd.s32 $0xFFFFC000  }
0x179: {  	[tilespmem:s10], [sflag:$0x2] =	stream.indirect.gather [hbm4b:s5+s21], $0x80, s25, s21, $0xb8;
	[tilespmem:$0x1F800] =	vst v63  }
0x17a: {  	_ =	swait.ge [sflag:s11], $0x4000  }
0x17b: {  	[sflag:s11] =	ssyncset.done $0x0  }
0x17c: {  	[sflag:s11] =	ssyncadd.s32 $0xFFFFC000  }
0x17d: {  	[spmem:s2] =	stream.indirect.scatter.add.bf16 [tilespmem:s9], [sflag:$0x3], $0x80, s30, s21, $0xb8;
	[tilespmem:$0x1F800] =	vst v63  }
0x17e: {  	_ =	swait.ge [sflag:s12], $0x4000  }
0x17f: {  	[sflag:s12] =	ssyncset.done $0x0  }
0x180: {  	s13 =	simm.s32 $0x16B00;
	[sflag:s12] =	ssyncadd.s32 $0xFFFFC000  }
0x181: {  	[tilespmem:s9], [sflag:$0x1] =	stream.indirect.gather [hbm4b:s5+s21], $0x80, s13, s21, $0xb8;
	[tilespmem:$0x1F800] =	vst v63  }
0x182: {  	_ =	swait.ge [sflag:s14], $0x4000  }
0x183: {  	[sflag:s14] =	ssyncset.done $0x0  }
0x184: {  	[sflag:s14] =	ssyncadd.s32 $0xFFFFC000  }
0x185: {  	[spmem:s2] =	stream.indirect.scatter.add.bf16 [tilespmem:s10], [sflag:$0x4], $0x80, s31, s21, $0xb8;
	[tilespmem:$0x1F800] =	vst v63  }
0x186: {  	_ =	swait.ge [sflag:s16], $0x4000  }
0x187: {  	[sflag:s16] =	ssyncset.done $0x0  }
0x188: {  	s18 =	simm.s32 $0x16B80;
	[sflag:s16] =	ssyncadd.s32 $0xFFFFC000  }
0x189: {  	[tilespmem:s10], [sflag:$0x2] =	stream.indirect.gather [hbm4b:s5+s21], $0x80, s18, s21, $0xb8;
	[tilespmem:$0x1F800] =	vst v63  }
0x18a: {  	_ =	swait.ge [sflag:s11], $0x4000  }
0x18b: {  	[sflag:s11] =	ssyncset.done $0x0  }
0x18c: {  	[sflag:s11] =	ssyncadd.s32 $0xFFFFC000  }
0x18d: {  	[spmem:s2] =	stream.indirect.scatter.add.bf16 [tilespmem:s9], [sflag:$0x3], $0x80, s0, s21, $0xb8;
	[tilespmem:$0x1F800] =	vst v63  }
0x18e: {  	_ =	swait.ge [sflag:s14], $0x4000  }
0x18f: {  	[sflag:s14] =	ssyncset.done $0x0  }
0x190: {  	[sflag:s14] =	ssyncadd.s32 $0xFFFFC000  }
0x191: {  	[spmem:s2] =	stream.indirect.scatter.add.bf16 [tilespmem:s10], [sflag:$0x4], $0x80, s1, s21, $0xb8;
	[tilespmem:$0x1F800] =	vst v63  }
0x192: {  	_ =	swait.ge [sflag:s12], $0x4000  }
0x193: {  	[sflag:s12] =	ssyncset.done $0x0  }
0x194: {  	[sflag:s12] =	ssyncadd.s32 $0xFFFFC000  }
0x195: {  	_ =	swait.ge [sflag:s16], $0x4000  }
0x196: {  	[sflag:s16] =	ssyncset.done $0x0  }
0x197: {  	[sflag:s16] =	ssyncadd.s32 $0xFFFFC000  }
0x198: {  	[bflag:$0x0] =	sbarrier.arrive $0xFFFF  }
0x199: {  	s8 =	rddreg [dreg:$0xd]  }
0x19a: {  	s13 =	rddreg [dreg:$0x12]  }
0x19b: {  	[hbm:s8], [sflag:s23] =	dma.local @p0 [spmem:s13], $0x2800  }
0x19c: {  	s8 =	simm.s32 @p0 $0x6  }
0x19d: {  	_ =	swait.ge @p0 [sflag:s8], $0x2800  }
0x19e: {  	[sflag:s8] =	ssyncset.done @p0 $0x0;
	s13 =	rddreg [dreg:$0xe]  }
0x19f: {  	s18 =	rddreg [dreg:$0x13];
	[sflag:s8] =	ssyncadd.s32 @p0 $0xFFFFD800  }
0x1a0: {  	[hbm:s13], [sflag:s23] =	dma.local @p0 [spmem:s18], $0x500  }
0x1a1: {  	_ =	swait.ge @p0 [sflag:s8], $0x500  }
0x1a2: {  	[sflag:s8] =	ssyncset.done @p0 $0x0;
	s13 =	rddreg [dreg:$0x14]  }
0x1a3: {  	[sflag:s8] =	ssyncadd.s32 @p0 $0xFFFFFB00;
	s8 =	rddreg [dreg:$0xb]  }
0x1a4: {  	[hbm:s8], [sflag:s23] =	dma.local @!p0 [spmem:s13], $0x2700  }
0x1a5: {  	s8 =	simm.s32 @!p0 $0x6  }
0x1a6: {  	_ =	swait.ge @!p0 [sflag:s8], $0x2700  }
0x1a7: {  	[sflag:s8] =	ssyncset.done @!p0 $0x0;
	s13 =	rddreg [dreg:$0xc]  }
0x1a8: {  	s18 =	rddreg [dreg:$0x15];
	[sflag:s8] =	ssyncadd.s32 @!p0 $0xFFFFD900  }
0x1a9: {  	[hbm:s13], [sflag:s23] =	dma.local @!p0 [spmem:s18], $0x4E0  }
0x1aa: {  	_ =	swait.ge @!p0 [sflag:s8], $0x4E0  }
0x1ab: {  	s24 =	sadd.s32 $0x1, s24;
	s22 =	rddreg [dreg:$0xf]  }
0x1ac: {  	p1 =	sne.s32 s24, s22  }
.Ltmp4:
0x1ad: {  	_ = 	snop;
	(pc) =	sbr.rel @p1 .LBB2_1-.Ltmp4, $4  }
.Ltmp5:
0x1ae: {  	_ = 	snop;
	(pc) =	sbr.rel @!p1 .LBB2_9-.Ltmp5, $4  }
0x1af: {  	_ = 	snop  }
0x1b0: {  	[sflag:s8] =	ssyncset.done @!p0 $0x0  }
0x1b1: {  	[sflag:s8] =	ssyncadd.s32 @!p0 $0xFFFFFB20  }
0x1b2: {  	_ = 	snop  }
.LBB2_5:
.Ltmp6:
0x1b3: {  	s13 =	simm.s32 $0x80;
	(pc) =	sbr.rel .LBB2_8-.Ltmp6, $4  }
0x1b4: {  	s23 =	rddreg [dreg:$0x9];
	s25 =	simm.s32 $0x16A80;
	s4 =	simm.s32 $0x0  }
0x1b5: {  	s26 =	simm.s32 $0x16C80;
	s28 =	simm.s32 $0x16D00;
	s29 =	simm.s32 $0x16D80  }
0x1b6: {  	s30 =	simm.s32 $0x16E00;
	s31 =	simm.s32 $0x16E80;
	s0 =	simm.s32 $0x16F00  }
0x1b7: {  	s1 =	simm.s32 $0x16F80;
	s7 =	simm.s32 $0x16800;
	s24 =	rddreg [dreg:$0x16]  }
.LBB2_9:
0x1b8: {  	_ =	sfence.sel $0x180000  }
0x1b9: {  	[bflag:$0x0] =	sbarrier.arrive $0xFFFF  }
0x1ba: {  	_ =	strace $0x90000047  }
0x1bb: {  	s0 =	stileid.u32;
	[bflag:$0x2] =	sbarrier.arrive $0xFFFF  }
0x1bc: {  	p0 =	sne.s32 s0, $0x0;
	s0 =	rddreg [dreg:$0x4]  }
0x1bd: {  	s0 =	sadd.s32 @!p0 $0x100000, s0  }
0x1be: {  	[sflag:s0] =	ssyncadd.tile.s32 @!p0 $0x1;
	_ =	shalt  }
.Lfunc_end2:
_tile_overlayer_lowered:
.L_overlay_start_2:
0x1bf: {  	(tag) =	ssettag $0x2  }
0x1c0: {  	s0 =	rddreg [dreg:$0x0];
	s2 =	stileid.u32  }
0x1c1: {  	s1 =	rddreg [dreg:$0x1];
	p0 =	sne.s32 s2, $0x0  }
0x1c2: {  	s3 =	rddreg [dreg:$0x2];
	[bflag:$0x3] =	sbarrier.arrive $0xFFFF;
	s2 =	simm.s32 @!p0 $0x1C06  }
0x1c3: {  	[timem:s3], [sflag:s2] =	dma.local @!p0 [hbm:s0], s1  }
0x1c4: {  	s0 =	simm.s32 @!p0 $0x6  }
0x1c5: {  	_ =	swait.ge @!p0 [sflag:s0], s1  }
0x1c6: {  	s1 =	ssub.s32 @!p0 $0x0, s1;
	[sflag:s0] =	ssyncset.done @!p0 $0x0  }
0x1c7: {  	[sflag:s0] =	ssyncadd.s32 @!p0 s1  }
0x1c8: {  	[bflag:$0x3] =	sbarrier.arrive $0xFFFF  }
0x1c9: {  	_ =	shalt  }

// kernel: kernel.9.cloned.1.call-start
scs
__scs_entry_jumppad:
0x0: {  	(pc) =	sbr.rel $0x88, $3  }
0x1: {  	(tag) =	ssettag $0x0;
	lr =	simm.s32 $0x1  }
0x2: {  	[smem:$0x3F99] =	sst lr;
	_ =	strace $0xD0000000  }
0x3: {  	_ = 	snop  }
0x4: {  	_ = 	snop  }
0x5: {  	_ = 	snop  }
0x6: {  	_ = 	snop  }
0x7: {  	_ = 	snop  }
__scs_overlays_trampoline_lowered:
0x8: {  	[smem:$0x3FA8] =	sst s0  }
0x9: {  	[smem:$0x3FA9] =	sst s1  }
0xa: {  	[smem:$0x3FAA] =	sst s2  }
0xb: {  	[smem:$0x3FAB] =	sst s3  }
0xc: {  	[smem:$0x3FAC] =	sst s4  }
0xd: {  	[smem:$0x3FAD] =	sst s5  }
0xe: {  	[smem:$0x3FAE] =	sst s6  }
0xf: {  	[smem:$0x3FAF] =	sst s7  }
0x10: {  	[smem:$0x3FB0] =	sst s8  }
0x11: {  	[smem:$0x3FB1] =	sst s9;
	s0 =	simm.s32 @!p0 $0x0  }
0x12: {  	s1 =	sld [smem:$0x3F97];
	s0 =	simm.s32 @p0 $0x1  }
0x13: {  	[smem:$0x3FB2] =	sst s0;
	s0 =	simm.s32 @!p1 $0x0  }
0x14: {  	s2 =	sld [smem:$0x3F96];
	s0 =	simm.s32 @p1 $0x1  }
0x15: {  	[smem:$0x3FB3] =	sst s0;
	s0 =	simm.s32 @!p2 $0x0  }
0x16: {  	s3 =	sld [smem:$0x3FDB];
	s0 =	simm.s32 @p2 $0x1  }
0x17: {  	s4 =	simm.s32 $0x1BF5;
	[smem:$0x3FB5] =	sst s0  }
0x18: {  	s0 =	sld [smem:$0x3F98];
	_ =	swait.ge [sflag:s4], $0x0  }
0x19: {  	s7 =	sld [smem:$0x3F99]  }
0x1a: {  	s8 =	sadd.s32 $0xFFFFE003, lr  }
0x1b: {  	s9 =	sadd.s32 $0xFFFFFEF7, lr;
	s5 =	simm.s32 $0xFFFFFFFF;
	p2 =	slt.u32 s8, $0xFFFFF086  }
0x1c: {  	p1 =	slt.u32 s9, $0xF7A;
	s5 =	simm.s32 @!p2 $0x0  }
0x1d: {  	s5 =	simm.s32 @p1 $0x1;
	p0 =	seq.s32 s7, s2  }
0x1e: {  	s7 =	smul.u32 @!p0 $0xF7A, s2;
	p2 =	seq.s32 @!p0 s5, $0x0  }
0x1f: {  	s9 =	smul.u32 $0xF7A, s1;
	s8 =	simm.s32 @!p0 $0x1BF5;
	p2 =	por !p2, p0  }
0x20: {  	[sflag:s8] =	ssyncset.s32 @!p0 $0xFFFFF086;
	s6 =	sadd.s32 @!p0 s3, s7;
	s7 =	simm.s32 @!p0 $0x108  }
0x21: {  	s3 =	sadd.s32 s3, s9;
	s6 =	sadd.s32 @!p0 $0x88, s6;
	s7 =	simm.s32 @p2 $0x1082  }
0x22: {  	[simem:s7], [sflag:s8] =	dma.local @!p0 [hbm:s6], $0xF7A  }
0x23: {  	s9 =	sor.u32 $0xD0000000, s2;
	s6 =	simm.s32 $0x108;
	_ =	swait.ge @!p0 [sflag:s8], $0x0  }
0x24: {  	s3 =	sadd.s32 $0x88, s3;
	s6 =	simm.s32 @!p1 $0x1082;
	[sflag:s4] =	ssyncset.s32 $0xFFFFF086  }
0x25: {  	[simem:s6], [sflag:s4] =	dma.local [hbm:s3], $0xF7A  }
0x26: {  	[smem:$0x3F99] =	sst s1;
	(tag) =	ssettag s2;
	_ =	strace s9  }
0x27: {  	s1 =	sld [smem:$0x3FA9]  }
0x28: {  	s2 =	sld [smem:$0x3FAA]  }
0x29: {  	s4 =	sld [smem:$0x3FAC]  }
0x2a: {  	p0 =	seq.s32 s5, $0x0;
	s5 =	sld [smem:$0x3FAD]  }
0x2b: {  	s6 =	sld [smem:$0x3FAE]  }
0x2c: {  	s7 =	sld [smem:$0x3FAF]  }
0x2d: {  	s3 =	simm.s32 $0x108;
	s8 =	sld [smem:$0x3FB0]  }
0x2e: {  	s3 =	simm.s32 @!p0 $0x1082;
	s9 =	sld [smem:$0x3FB1]  }
0x2f: {  	lr =	sadd.s32 s0, s3;
	s0 =	sld [smem:$0x3FA8]  }
0x30: {  	s3 =	sld [smem:$0x3FAB]  }
0x31: {  	[smem:$0x3FB4] =	sst s10  }
0x32: {  	s10 =	sld [smem:$0x3FB2];
	_ =	sdelay $0x3  }
0x33: {  	p0 =	seq.s32 s10, $0x1;
	s10 =	sld [smem:$0x3FB4];
	_ =	sdelay $0x3  }
0x34: {  	[smem:$0x3FB4] =	sst s10  }
0x35: {  	s10 =	sld [smem:$0x3FB3];
	_ =	sdelay $0x3  }
0x36: {  	p1 =	seq.s32 s10, $0x1;
	s10 =	sld [smem:$0x3FB4];
	_ =	sdelay $0x3  }
0x37: {  	[smem:$0x3FB4] =	sst s10  }
0x38: {  	s10 =	sld [smem:$0x3FB5]  }
0x39: {  	_ = 	snop;
	(pc) =	sbr.ind lr, $3  }
0x3a: {  	_ = 	snop  }
0x3b: {  	_ = 	snop  }
0x3c: {  	p2 =	seq.s32 s10, $0x1;
	s10 =	sld [smem:$0x3FB4]  }
0x3d: {  	_ =	shalt  }
0x3e: {  	_ =	shalt  }
0x3f: {  	_ =	shalt  }
0x40: {  	_ =	shalt  }
0x41: {  	_ =	shalt  }
0x42: {  	_ =	shalt  }
0x43: {  	_ =	shalt  }
0x44: {  	_ =	shalt  }
0x45: {  	_ =	shalt  }
0x46: {  	_ =	shalt  }
0x47: {  	_ =	shalt  }
0x48: {  	_ =	shalt  }
0x49: {  	_ =	shalt  }
0x4a: {  	_ =	shalt  }
0x4b: {  	_ =	shalt  }
0x4c: {  	_ =	shalt  }
0x4d: {  	_ =	shalt  }
0x4e: {  	_ =	shalt  }
0x4f: {  	_ =	shalt  }
0x50: {  	_ =	shalt  }
0x51: {  	_ =	shalt  }
0x52: {  	_ =	shalt  }
0x53: {  	_ =	shalt  }
0x54: {  	_ =	shalt  }
0x55: {  	_ =	shalt  }
0x56: {  	_ =	shalt  }
0x57: {  	_ =	shalt  }
0x58: {  	_ =	shalt  }
0x59: {  	_ =	shalt  }
0x5a: {  	_ =	shalt  }
0x5b: {  	_ =	shalt  }
0x5c: {  	_ =	shalt  }
0x5d: {  	_ =	shalt  }
0x5e: {  	_ =	shalt  }
0x5f: {  	_ =	shalt  }
0x60: {  	_ =	shalt  }
0x61: {  	_ =	shalt  }
0x62: {  	_ =	shalt  }
0x63: {  	_ =	shalt  }
0x64: {  	_ =	shalt  }
0x65: {  	_ =	shalt  }
0x66: {  	_ =	shalt  }
0x67: {  	_ =	shalt  }
0x68: {  	_ =	shalt  }
0x69: {  	_ =	shalt  }
0x6a: {  	_ =	shalt  }
0x6b: {  	_ =	shalt  }
0x6c: {  	_ =	shalt  }
0x6d: {  	_ =	shalt  }
0x6e: {  	_ =	shalt  }
0x6f: {  	_ =	shalt  }
0x70: {  	_ =	shalt  }
0x71: {  	_ =	shalt  }
0x72: {  	_ =	shalt  }
0x73: {  	_ =	shalt  }
0x74: {  	_ =	shalt  }
0x75: {  	_ =	shalt  }
0x76: {  	_ =	shalt  }
0x77: {  	_ =	shalt  }
0x78: {  	_ =	shalt  }
0x79: {  	_ =	shalt  }
0x7a: {  	_ =	shalt  }
0x7b: {  	_ =	shalt  }
0x7c: {  	_ =	shalt  }
0x7d: {  	_ =	shalt  }
0x7e: {  	_ =	shalt  }
0x7f: {  	_ =	shalt  }
0x80: {  	_ =	shalt  }
0x81: {  	_ =	shalt  }
0x82: {  	_ =	shalt  }
0x83: {  	_ =	shalt  }
0x84: {  	_ =	shalt  }
0x85: {  	_ =	shalt  }
0x86: {  	_ =	shalt  }
0x87: {  	_ =	shalt  }
.Lfunc_end0:
.L_simem_size_0:
called_computation.1_lowered:
.L_overlay_start_0:
0x88: {  	s2 =	sld [smem:$0x3FD9]  }
0x89: {  	s3 =	sld [smem:$0x3FFE];
	_ =	sdelay $0x1  }
0x8a: {  	s1 =	srdreg.scid  }
0x8b: {  	s0 =	sand.u32 $0x1, s1  }
0x8c: {  	s16 =	sshll.u32 s0, $0xA;
	s2 =	sadd.s32 s3, s2  }
0x8d: {  	s2 =	sadd.s32 s2, s16  }
0x8e: {  	[smem:$0x3FC0] =	sst s2  }
0x8f: {  	_ = 	snop  }
0x90: {  	(tm) =	ssettm $0x1  }
0x91: {  	s17 =	sld [smem:$0x3FFB];
	_ =	sdelay $0x3  }
0x92: {  	_ =	strace s17  }
0x93: {  	s2 =	sld [smem:$0x3FFC];
	_ =	sdelay $0x3  }
0x94: {  	_ =	strace s2  }
0x95: {  	s2 =	sld [smem:$0x3FFD];
	_ =	sdelay $0x3  }
0x96: {  	_ =	strace s2  }
0x97: {  	_ =	strace $0x8FFFFFFF  }
0x98: {  	s18 =	sld [smem:$0x3FDB];
	_ =	sdelay $0x1  }
0x99: {  	s19 =	simm.s32 $_scs_section_size  }
0x9a: {  	s4 =	simm.s32 $_size__tile_overlayer_lowered;
	s5 =	simm.s32 $_tile_overlayer_lowered  }
0x9b: {  	s22 =	simm.s32 $0x1BFF;
	s21 =	sshll.u32 s5, $0x1;
	s2 =	sadd.s32 s19, s18  }
0x9c: {  	s6 =	simm.s32 $0x0;
	s20 =	sshll.u32 s4, $0x1;
	s4 =	sadd.s32 s21, s2  }
0x9d: {  	[timem:s6], [sflag:s22] =	dma.local [hbm:s4], s20  }
0x9e: {  	_ =	swait.ge [sflag:s22], s20  }
0x9f: {  	s3 =	ssub.s32 $0x0, s20;
	[sflag:s22] =	ssyncset.done $0x0  }
0xa0: {  	[sflag:s22] =	ssyncadd.s32 s3;
	_ =	sdelay $0x1  }
0xa1: {  	s23 =	simm.s32 $0x1B8B  }
0xa2: {  	_ =	swait.ge [sflag:s23], $0x1  }
0xa3: {  	[sflag:s23] =	ssyncset.done $0x0  }
0xa4: {  	s25 =	simm.s32 $0x1B8E;
	s24 =	sld [smem:$0x3FFE];
	[sflag:s23] =	ssyncadd.s32 $0xFFFFFFFF  }
0xa5: {  	s26 =	simm.s32 $execute0_lowered;
	[smem:$0x3FD2] =	sst s25  }
0xa6: {  	s4 =	sshll.u32 s26, $0x1;
	_ =	strace $0x80000049;
	[dreg:$0x1] =	wrdreg $0xFFFFFFFF  }
0xa7: {  	s28 =	simm.s32 $_size_execute0_lowered;
	s2 =	sadd.s32 s2, s4;
	[dreg:$0x0] =	wrdreg $0x0  }
0xa8: {  	s4 =	sshll.u32 s28, $0x1;
	[dreg:$0x2] =	wrdreg s2  }
0xa9: {  	[dreg:$0x3] =	wrdreg s4  }
0xaa: {  	[dreg:$0x4] =	wrdreg $0xC0  }
0xab: {  	_ =	task [dreg:s6], $0x5FFFF  }
0xac: {  	[dreg:$0x1] =	wrdreg $0xFFFFFFFF  }
0xad: {  	[dreg:$0x0] =	wrdreg $0x60  }
0xae: {  	[dreg:$0x2] =	wrdreg s24  }
0xaf: {  	[dreg:$0x3] =	wrdreg $0x0  }
0xb0: {  	[dreg:$0x4] =	wrdreg $0x9  }
0xb1: {  	_ =	task.clear_ibuf [dreg:s6], $0x5FFFF;
	_ =	strace $0x90000049  }
0xb2: {  	s29 =	simm.s32 $0x9;
	_ =	strace $0x8000004B  }
0xb3: {  	_ =	swait.ge [sflag:s29], $0x1  }
0xb4: {  	[sflag:s29] =	ssyncadd.s32 $0xFFFFFFFF  }
0xb5: {  	_ =	strace $0x9000004B  }
0xb6: {  	_ =	sfence  }
0xb7: {  	s30 =	sld [smem:$0x0];
	_ =	sdelay $0x2  }
0xb8: {  	s31 =	sshll.u32 s1, $0xD;
	s1 =	sshrl.u32 s1, $0x2  }
0xb9: {  	s3 =	sand.u32 $0x4000, s31;
	s1 =	sadd.s32 s1, s30  }
0xba: {  	s0 =	sor.u32 s3, s0;
	s1 =	sshll.u32 s1, $0x11  }
0xbb: {  	s0 =	sor.u32 s1, s0  }
0xbc: {  	s0 =	sadd.s32 $0x8F2B, s0  }
0xbd: {  	[sflag:s0] =	ssyncadd.remote.s32 $0x1  }
0xbe: {  	_ =	sfence.sel $0xFFFF  }
0xbf: {  	[dreg:$0x0] =	wrdreg $0xFFFFFFFF;
	(pc) =	sbr.abs _section_cstart, $3  }
0xc0: {  	[dreg:$0x1] =	wrdreg $0xFFFFFFFF  }
0xc1: {  	_ =	task.clear_ibuf [dreg:s6], $0x2FFFF;
	_ =	strace $0x9FFFFFFF  }
0xc2: {  	(tm) =	ssettm $0x7FFFFFFF  }
0xc3: {  	_ =	shalt  }
tec
execute0_lowered:
.L_overlay_start_1:
0x0: {  	(tag) =	ssettag $0x1  }
0x1: {  	s0 =	rddreg [dreg:$0x0];
	s1 =	srdreg.scid  }
0x2: {  	s2 =	rddreg [dreg:$0x1];
	s4 =	stileid.u32  }
0x3: {  	s3 =	simm.s32 $0x0;
	s30 =	sand.u32 $0x1, s1;
	s5 =	smul.u32 $0x7800, s4  }
0x4: {  	[smem:$0x7FF] =	sst s3;
	s7 =	sadd.s32 $0x56200, s0;
	s9 =	sadd.s32 $0x51200, s0  }
0x5: {  	p0 =	seq.s32 s4, $0xF;
	s1 =	sshll.u32 s30, $0x4;
	_ =	strace $0x8000004A  }
0x6: {  	s1 =	sor.u32 s4, s1;
	s8 =	sshrl.u32 s5, $0x3;
	s5 =	sadd.s32 s5, s2  }
0x7: {  	s6 =	smul.u32 $0x1400, s1;
	s8 =	sadd.s32 s8, s0;
	s5 =	sshrl.u32 s5, $0x3  }
0x8: {  	s1 =	smul.u32 $0x280, s1;
	s8 =	sadd.s32 $0x69E00, s8;
	[dreg:$0x14] =	wrdreg s5  }
0x9: {  	s5 =	sadd.s32 $0x6DB00, s2;
	s6 =	sshrl.u32 s6, $0x3;
	[dreg:$0x3] =	wrdreg s8  }
0xa: {  	s16 =	sadd.s32 s9, s1;
	s5 =	sshrl.u32 @p0 s5, $0x3;
	s12 =	sadd.s32 s7, s6  }
0xb: {  	s10 =	sadd.s32 $0xA0, s6;
	s29 =	sadd.s32 $0x50, s16;
	[dreg:$0x16] =	wrdreg s5  }
0xc: {  	s21 =	sadd.s32 $0x1E0, s6;
	s25 =	sadd.s32 $0x50, s12;
	[dreg:$0x6] =	wrdreg s29  }
0xd: {  	s22 =	sadd.s32 s7, s21;
	s29 =	sadd.s32 s9, s21;
	s21 =	rddreg [dreg:$0x14]  }
0xe: {  	s31 =	sadd.s32 $0xF0, s6;
	s26 =	sadd.s32 s7, s10;
	[dreg:$0x4] =	wrdreg s25  }
0xf: {  	s11 =	sadd.s32 s7, s31;
	[dreg:$0x5] =	wrdreg s26  }
0x10: {  	s14 =	sadd.s32 $0x140, s6;
	s13 =	sadd.s32 s9, s10;
	[dreg:$0x7] =	wrdreg s11  }
0x11: {  	s15 =	sadd.s32 s7, s14;
	[dreg:$0x8] =	wrdreg s13  }
0x12: {  	s18 =	sadd.s32 $0x190, s6;
	s17 =	sadd.s32 s9, s31;
	[dreg:$0x9] =	wrdreg s15  }
0x13: {  	s19 =	sadd.s32 s7, s18;
	[dreg:$0xa] =	wrdreg s17  }
0x14: {  	s20 =	sadd.s32 s9, s14;
	[dreg:$0xb] =	wrdreg s19  }
0x15: {  	[dreg:$0xc] =	wrdreg s20  }
0x16: {  	s23 =	sadd.s32 s9, s18;
	[dreg:$0xd] =	wrdreg s22  }
0x17: {  	s24 =	smul.u32 $0xEA60, s30;
	s6 =	sadd.s32 $0x230, s6;
	[dreg:$0xe] =	wrdreg s23  }
0x18: {  	s31 =	smul.u32 $0x75300, s30;
	s25 =	sadd.s32 s7, s6;
	[dreg:$0x10] =	wrdreg s29  }
0x19: {  	s26 =	smul.u32 $0xEA0, s4;
	s11 =	sadd.s32 $0x78E00, s0;
	s20 =	rddreg [dreg:$0x3]  }
0x1a: {  	s13 =	sadd.s32 s9, s6;
	s19 =	smul.u32 $0x1D400, s4;
	[dreg:$0xf] =	wrdreg s25  }
0x1b: {  	s15 =	sshrl.u32 s31, $0x3;
	[dreg:$0x11] =	wrdreg s13;
	s14 =	sadd.s32 s26, s24  }
0x1c: {  	s18 =	sadd.s32 s11, s15;
	s1 =	sshrl.u32 s19, $0x2;
	s17 =	sadd.s32 s11, s14  }
0x1d: {  	s6 =	sadd.s32 $0xDB60, s18;
	s1 =	sadd.s32 s1, s2;
	[dreg:$0x12] =	wrdreg s17  }
0x1e: {  	s22 =	sshll.u32 s4, $0x6;
	[dreg:$0x13] =	wrdreg s6;
	s1 =	sshrl.u32 @!p0 s1, $0x3  }
0x1f: {  	s7 =	simm.s32 $0x5;
	s6 =	sor.u32 $0x1C05, s22;
	[dreg:$0x15] =	wrdreg s1  }
0x20: {  	[spmem:s21], [sflag:s6] =	dma.local [hbm:s20], $0xF00  }
0x21: {  	_ =	swait.ge [sflag:s7], $0xF00  }
0x22: {  	[sflag:s7] =	ssyncset.done $0x0  }
0x23: {  	[sflag:s7] =	ssyncadd.s32 $0xFFFFF100  }
0x24: {  	[bflag:$0x0] =	sbarrier.arrive $0xFFFF  }
0x25: {  	s8 =	simm.s32 $0x7800;
	[dreg:$0x17] =	wrdreg s12  }
0x26: {  	[tilespmem:s8], [sflag:$0x5] =	stream.linear.gather [hbm4b:s12+s3], $0x280, $0x38;
	[tilespmem:$0x16F80] =	vst v63  }
0x27: {  	_ =	swait.ge [sflag:s7], $0x280  }
0x28: {  	s10 =	simm.s32 $0x280;
	[sflag:s7] =	ssyncset.done $0x0  }
0x29: {  	s9 =	sadd.s32 $0x5B200, s0;
	s11 =	simm.s32 $0x7F80;
	[sflag:s7] =	ssyncadd.s32 $0xFFFFFD80  }
0x2a: {  	[tilespmem:s11], [sflag:$0x1] =	stream.indirect.gather [hbm4b:s9+s10], $0x30, s8, s10, $0xb8;
	[tilespmem:$0x16F80] =	vst v63  }
0x2b: {  	s12 =	simm.s32 $0x7A80;
	s23 =	rddreg [dreg:$0x4]  }
0x2c: {  	[tilespmem:s12], [sflag:$0x5] =	stream.linear.gather [hbm4b:s23+s3], $0x280, $0x38;
	[tilespmem:$0x16F80] =	vst v63  }
0x2d: {  	_ =	swait.ge [sflag:s7], $0x280  }
0x2e: {  	[sflag:s7] =	ssyncset.done $0x0  }
0x2f: {  	s13 =	simm.s32 $0xF780;
	s14 =	simm.s32 $0x1;
	[sflag:s7] =	ssyncadd.s32 $0xFFFFFD80  }
0x30: {  	[tilespmem:s13], [sflag:$0x2] =	stream.indirect.gather [hbm4b:s9+s10], $0x30, s12, s10, $0xb8;
	[tilespmem:$0x16F80] =	vst v63  }
0x31: {  	_ =	swait.ge [sflag:s14], $0x7800  }
0x32: {  	[sflag:s14] =	ssyncset.done $0x0  }
0x33: {  	s15 =	simm.s32 $0x7D00;
	[dreg:$0x18] =	wrdreg s16;
	[sflag:s14] =	ssyncadd.s32 $0xFFFF8800  }
0x34: {  	[tilespmem:s15], [sflag:$0x5] =	stream.linear.gather [hbm4b:s16+s3], $0x280, $0x38;
	[tilespmem:$0x16F80] =	vst v63  }
0x35: {  	_ =	swait.ge [sflag:s7], $0x280  }
0x36: {  	[sflag:s7] =	ssyncset.done $0x0  }
0x37: {  	s16 =	simm.s32 $0x80;
	[sflag:s7] =	ssyncadd.s32 $0xFFFFFD80  }
0x38: {  	[spmem:s2] =	stream.indirect.scatter.add.f32 [tilespmem:s11], [sflag:$0x3], $0x30, s15, s16, $0xb8;
	[tilespmem:$0x16F80] =	vst v63  }
0x39: {  	s4 =	simm.s32 $0x9780;
	s17 =	simm.s32 $0x7D80  }
0x3a: {  	[spmem:s2] =	stream.indirect.scatter.add.f32 [tilespmem:s4], [sflag:$0x4], $0x30, s17, s16, $0xb8;
	[tilespmem:$0x16F80] =	vst v63  }
0x3b: {  	s5 =	simm.s32 $0xAF80;
	s19 =	simm.s32 $0x7E00  }
0x3c: {  	[spmem:s2] =	stream.indirect.scatter.add.f32 [tilespmem:s5], [sflag:$0x3], $0x30, s19, s16, $0xb8;
	[tilespmem:$0x16F80] =	vst v63  }
0x3d: {  	s18 =	simm.s32 $0xC780;
	s21 =	simm.s32 $0x7E80  }
0x3e: {  	[spmem:s2] =	stream.indirect.scatter.add.f32 [tilespmem:s18], [sflag:$0x4], $0x30, s21, s16, $0xb8;
	[tilespmem:$0x16F80] =	vst v63  }
0x3f: {  	s25 =	simm.s32 $0x3;
	s20 =	simm.s32 $0xDF80;
	s23 =	simm.s32 $0x7F00  }
0x40: {  	[spmem:s2] =	stream.indirect.scatter.add.f32 [tilespmem:s20], [sflag:$0x3], $0x30, s23, s16, $0xb8;
	[tilespmem:$0x16F80] =	vst v63  }
0x41: {  	_ =	swait.ge [sflag:s25], $0x1800  }
0x42: {  	[sflag:s25] =	ssyncset.done $0x0  }
0x43: {  	s26 =	simm.s32 $0x4;
	[sflag:s25] =	ssyncadd.s32 $0xFFFFE800  }
0x44: {  	_ =	swait.ge [sflag:s26], $0x1800  }
0x45: {  	[sflag:s26] =	ssyncset.done $0x0  }
0x46: {  	[sflag:s26] =	ssyncadd.s32 $0xFFFFE800  }
0x47: {  	_ =	swait.ge [sflag:s25], $0x1800  }
0x48: {  	[sflag:s25] =	ssyncset.done $0x0  }
0x49: {  	[sflag:s25] =	ssyncadd.s32 $0xFFFFE800  }
0x4a: {  	_ =	swait.ge [sflag:s26], $0x1800  }
0x4b: {  	[sflag:s26] =	ssyncset.done $0x0  }
0x4c: {  	[sflag:s26] =	ssyncadd.s32 $0xFFFFE800  }
0x4d: {  	_ =	swait.ge [sflag:s25], $0x1800  }
0x4e: {  	[sflag:s25] =	ssyncset.done $0x0  }
0x4f: {  	s24 =	rddreg [dreg:$0x5];
	[sflag:s25] =	ssyncadd.s32 $0xFFFFE800  }
0x50: {  	[tilespmem:s8], [sflag:$0x5] =	stream.linear.gather [hbm4b:s24+s3], $0x280, $0x38;
	[tilespmem:$0x16F80] =	vst v63  }
0x51: {  	_ =	swait.ge [sflag:s7], $0x280  }
0x52: {  	[sflag:s7] =	ssyncset.done $0x0  }
0x53: {  	s28 =	simm.s32 $0x2;
	[sflag:s7] =	ssyncadd.s32 $0xFFFFFD80  }
0x54: {  	[tilespmem:s11], [sflag:$0x1] =	stream.indirect.gather [hbm4b:s9+s10], $0x30, s8, s10, $0xb8;
	[tilespmem:$0x16F80] =	vst v63  }
0x55: {  	_ =	swait.ge [sflag:s28], $0x7800  }
0x56: {  	[sflag:s28] =	ssyncset.done $0x0  }
0x57: {  	s29 =	rddreg [dreg:$0x6];
	[sflag:s28] =	ssyncadd.s32 $0xFFFF8800  }
0x58: {  	[tilespmem:s15], [sflag:$0x5] =	stream.linear.gather [hbm4b:s29+s3], $0x280, $0x38;
	[tilespmem:$0x16F80] =	vst v63  }
0x59: {  	_ =	swait.ge [sflag:s7], $0x280  }
0x5a: {  	[sflag:s7] =	ssyncset.done $0x0  }
0x5b: {  	[sflag:s7] =	ssyncadd.s32 $0xFFFFFD80  }
0x5c: {  	[spmem:s2] =	stream.indirect.scatter.add.f32 [tilespmem:s13], [sflag:$0x3], $0x30, s15, s16, $0xb8;
	[tilespmem:$0x16F80] =	vst v63  }
0x5d: {  	s22 =	simm.s32 $0x10F80  }
0x5e: {  	[spmem:s2] =	stream.indirect.scatter.add.f32 [tilespmem:s22], [sflag:$0x4], $0x30, s17, s16, $0xb8;
	[tilespmem:$0x16F80] =	vst v63  }
0x5f: {  	s24 =	simm.s32 $0x12780  }
0x60: {  	[spmem:s2] =	stream.indirect.scatter.add.f32 [tilespmem:s24], [sflag:$0x3], $0x30, s19, s16, $0xb8;
	[tilespmem:$0x16F80] =	vst v63  }
0x61: {  	s29 =	simm.s32 $0x13F80  }
0x62: {  	[spmem:s2] =	stream.indirect.scatter.add.f32 [tilespmem:s29], [sflag:$0x4], $0x30, s21, s16, $0xb8;
	[tilespmem:$0x16F80] =	vst v63  }
0x63: {  	s0 =	simm.s32 $0x15780  }
0x64: {  	[spmem:s2] =	stream.indirect.scatter.add.f32 [tilespmem:s0], [sflag:$0x3], $0x30, s23, s16, $0xb8;
	[tilespmem:$0x16F80] =	vst v63  }
0x65: {  	_ =	swait.ge [sflag:s25], $0x1800  }
0x66: {  	[sflag:s25] =	ssyncset.done $0x0  }
0x67: {  	[sflag:s25] =	ssyncadd.s32 $0xFFFFE800  }
0x68: {  	_ =	swait.ge [sflag:s26], $0x1800  }
0x69: {  	[sflag:s26] =	ssyncset.done $0x0  }
0x6a: {  	[sflag:s26] =	ssyncadd.s32 $0xFFFFE800  }
0x6b: {  	_ =	swait.ge [sflag:s25], $0x1800  }
0x6c: {  	[sflag:s25] =	ssyncset.done $0x0  }
0x6d: {  	[sflag:s25] =	ssyncadd.s32 $0xFFFFE800  }
0x6e: {  	_ =	swait.ge [sflag:s26], $0x1800  }
0x6f: {  	[sflag:s26] =	ssyncset.done $0x0  }
0x70: {  	[sflag:s26] =	ssyncadd.s32 $0xFFFFE800  }
0x71: {  	_ =	swait.ge [sflag:s25], $0x1800  }
0x72: {  	[sflag:s25] =	ssyncset.done $0x0  }
0x73: {  	s31 =	rddreg [dreg:$0x7];
	[sflag:s25] =	ssyncadd.s32 $0xFFFFE800  }
0x74: {  	[tilespmem:s12], [sflag:$0x5] =	stream.linear.gather [hbm4b:s31+s3], $0x280, $0x38;
	[tilespmem:$0x16F80] =	vst v63  }
0x75: {  	_ =	swait.ge [sflag:s7], $0x280  }
0x76: {  	[sflag:s7] =	ssyncset.done $0x0  }
0x77: {  	[sflag:s7] =	ssyncadd.s32 $0xFFFFFD80  }
0x78: {  	[tilespmem:s13], [sflag:$0x2] =	stream.indirect.gather [hbm4b:s9+s10], $0x30, s12, s10, $0xb8;
	[tilespmem:$0x16F80] =	vst v63  }
0x79: {  	_ =	swait.ge [sflag:s14], $0x7800  }
0x7a: {  	[sflag:s14] =	ssyncset.done $0x0  }
0x7b: {  	s31 =	rddreg [dreg:$0x8];
	[sflag:s14] =	ssyncadd.s32 $0xFFFF8800  }
0x7c: {  	[tilespmem:s15], [sflag:$0x5] =	stream.linear.gather [hbm4b:s31+s3], $0x280, $0x38;
	[tilespmem:$0x16F80] =	vst v63  }
0x7d: {  	_ =	swait.ge [sflag:s7], $0x280  }
0x7e: {  	[sflag:s7] =	ssyncset.done $0x0  }
0x7f: {  	[sflag:s7] =	ssyncadd.s32 $0xFFFFFD80  }
0x80: {  	[spmem:s2] =	stream.indirect.scatter.add.f32 [tilespmem:s11], [sflag:$0x3], $0x30, s15, s16, $0xb8;
	[tilespmem:$0x16F80] =	vst v63  }
0x81: {  	_ = 	snop  }
0x82: {  	[spmem:s2] =	stream.indirect.scatter.add.f32 [tilespmem:s4], [sflag:$0x4], $0x30, s17, s16, $0xb8;
	[tilespmem:$0x16F80] =	vst v63  }
0x83: {  	_ = 	snop  }
0x84: {  	[spmem:s2] =	stream.indirect.scatter.add.f32 [tilespmem:s5], [sflag:$0x3], $0x30, s19, s16, $0xb8;
	[tilespmem:$0x16F80] =	vst v63  }
0x85: {  	_ = 	snop  }
0x86: {  	[spmem:s2] =	stream.indirect.scatter.add.f32 [tilespmem:s18], [sflag:$0x4], $0x30, s21, s16, $0xb8;
	[tilespmem:$0x16F80] =	vst v63  }
0x87: {  	_ = 	snop  }
0x88: {  	[spmem:s2] =	stream.indirect.scatter.add.f32 [tilespmem:s20], [sflag:$0x3], $0x30, s23, s16, $0xb8;
	[tilespmem:$0x16F80] =	vst v63  }
0x89: {  	_ =	swait.ge [sflag:s25], $0x1800  }
0x8a: {  	[sflag:s25] =	ssyncset.done $0x0  }
0x8b: {  	[sflag:s25] =	ssyncadd.s32 $0xFFFFE800  }
0x8c: {  	_ =	swait.ge [sflag:s26], $0x1800  }
0x8d: {  	[sflag:s26] =	ssyncset.done $0x0  }
0x8e: {  	[sflag:s26] =	ssyncadd.s32 $0xFFFFE800  }
0x8f: {  	_ =	swait.ge [sflag:s25], $0x1800  }
0x90: {  	[sflag:s25] =	ssyncset.done $0x0  }
0x91: {  	[sflag:s25] =	ssyncadd.s32 $0xFFFFE800  }
0x92: {  	_ =	swait.ge [sflag:s26], $0x1800  }
0x93: {  	[sflag:s26] =	ssyncset.done $0x0  }
0x94: {  	[sflag:s26] =	ssyncadd.s32 $0xFFFFE800  }
0x95: {  	_ =	swait.ge [sflag:s25], $0x1800  }
0x96: {  	[sflag:s25] =	ssyncset.done $0x0  }
0x97: {  	s31 =	rddreg [dreg:$0x9];
	[sflag:s25] =	ssyncadd.s32 $0xFFFFE800  }
0x98: {  	[tilespmem:s8], [sflag:$0x5] =	stream.linear.gather [hbm4b:s31+s3], $0x280, $0x38;
	[tilespmem:$0x16F80] =	vst v63  }
0x99: {  	_ =	swait.ge [sflag:s7], $0x280  }
0x9a: {  	[sflag:s7] =	ssyncset.done $0x0  }
0x9b: {  	[sflag:s7] =	ssyncadd.s32 $0xFFFFFD80  }
0x9c: {  	[tilespmem:s11], [sflag:$0x1] =	stream.indirect.gather [hbm4b:s9+s10], $0x30, s8, s10, $0xb8;
	[tilespmem:$0x16F80] =	vst v63  }
0x9d: {  	_ =	swait.ge [sflag:s28], $0x7800  }
0x9e: {  	[sflag:s28] =	ssyncset.done $0x0  }
0x9f: {  	s31 =	rddreg [dreg:$0xa];
	[sflag:s28] =	ssyncadd.s32 $0xFFFF8800  }
0xa0: {  	[tilespmem:s15], [sflag:$0x5] =	stream.linear.gather [hbm4b:s31+s3], $0x280, $0x38;
	[tilespmem:$0x16F80] =	vst v63  }
0xa1: {  	_ =	swait.ge [sflag:s7], $0x280  }
0xa2: {  	[sflag:s7] =	ssyncset.done $0x0  }
0xa3: {  	[sflag:s7] =	ssyncadd.s32 $0xFFFFFD80  }
0xa4: {  	[spmem:s2] =	stream.indirect.scatter.add.f32 [tilespmem:s13], [sflag:$0x3], $0x30, s15, s16, $0xb8;
	[tilespmem:$0x16F80] =	vst v63  }
0xa5: {  	_ = 	snop  }
0xa6: {  	[spmem:s2] =	stream.indirect.scatter.add.f32 [tilespmem:s22], [sflag:$0x4], $0x30, s17, s16, $0xb8;
	[tilespmem:$0x16F80] =	vst v63  }
0xa7: {  	_ = 	snop  }
0xa8: {  	[spmem:s2] =	stream.indirect.scatter.add.f32 [tilespmem:s24], [sflag:$0x3], $0x30, s19, s16, $0xb8;
	[tilespmem:$0x16F80] =	vst v63  }
0xa9: {  	_ = 	snop  }
0xaa: {  	[spmem:s2] =	stream.indirect.scatter.add.f32 [tilespmem:s29], [sflag:$0x4], $0x30, s21, s16, $0xb8;
	[tilespmem:$0x16F80] =	vst v63  }
0xab: {  	_ = 	snop  }
0xac: {  	[spmem:s2] =	stream.indirect.scatter.add.f32 [tilespmem:s0], [sflag:$0x3], $0x30, s23, s16, $0xb8;
	[tilespmem:$0x16F80] =	vst v63  }
0xad: {  	_ =	swait.ge [sflag:s25], $0x1800  }
0xae: {  	[sflag:s25] =	ssyncset.done $0x0  }
0xaf: {  	[sflag:s25] =	ssyncadd.s32 $0xFFFFE800  }
0xb0: {  	_ =	swait.ge [sflag:s26], $0x1800  }
0xb1: {  	[sflag:s26] =	ssyncset.done $0x0  }
0xb2: {  	[sflag:s26] =	ssyncadd.s32 $0xFFFFE800  }
0xb3: {  	_ =	swait.ge [sflag:s25], $0x1800  }
0xb4: {  	[sflag:s25] =	ssyncset.done $0x0  }
0xb5: {  	[sflag:s25] =	ssyncadd.s32 $0xFFFFE800  }
0xb6: {  	_ =	swait.ge [sflag:s26], $0x1800  }
0xb7: {  	[sflag:s26] =	ssyncset.done $0x0  }
0xb8: {  	[sflag:s26] =	ssyncadd.s32 $0xFFFFE800  }
0xb9: {  	_ =	swait.ge [sflag:s25], $0x1800  }
0xba: {  	[sflag:s25] =	ssyncset.done $0x0  }
0xbb: {  	s31 =	rddreg [dreg:$0xb];
	[sflag:s25] =	ssyncadd.s32 $0xFFFFE800  }
0xbc: {  	[tilespmem:s12], [sflag:$0x5] =	stream.linear.gather [hbm4b:s31+s3], $0x280, $0x38;
	[tilespmem:$0x16F80] =	vst v63  }
0xbd: {  	_ =	swait.ge [sflag:s7], $0x280  }
0xbe: {  	[sflag:s7] =	ssyncset.done $0x0  }
0xbf: {  	[sflag:s7] =	ssyncadd.s32 $0xFFFFFD80  }
0xc0: {  	[tilespmem:s13], [sflag:$0x2] =	stream.indirect.gather [hbm4b:s9+s10], $0x30, s12, s10, $0xb8;
	[tilespmem:$0x16F80] =	vst v63  }
0xc1: {  	_ =	swait.ge [sflag:s14], $0x7800  }
0xc2: {  	[sflag:s14] =	ssyncset.done $0x0  }
0xc3: {  	s31 =	rddreg [dreg:$0xc];
	[sflag:s14] =	ssyncadd.s32 $0xFFFF8800  }
0xc4: {  	[tilespmem:s15], [sflag:$0x5] =	stream.linear.gather [hbm4b:s31+s3], $0x280, $0x38;
	[tilespmem:$0x16F80] =	vst v63  }
0xc5: {  	_ =	swait.ge [sflag:s7], $0x280  }
0xc6: {  	[sflag:s7] =	ssyncset.done $0x0  }
0xc7: {  	[sflag:s7] =	ssyncadd.s32 $0xFFFFFD80  }
0xc8: {  	[spmem:s2] =	stream.indirect.scatter.add.f32 [tilespmem:s11], [sflag:$0x3], $0x30, s15, s16, $0xb8;
	[tilespmem:$0x16F80] =	vst v63  }
0xc9: {  	_ = 	snop  }
0xca: {  	[spmem:s2] =	stream.indirect.scatter.add.f32 [tilespmem:s4], [sflag:$0x4], $0x30, s17, s16, $0xb8;
	[tilespmem:$0x16F80] =	vst v63  }
0xcb: {  	_ = 	snop  }
0xcc: {  	[spmem:s2] =	stream.indirect.scatter.add.f32 [tilespmem:s5], [sflag:$0x3], $0x30, s19, s16, $0xb8;
	[tilespmem:$0x16F80] =	vst v63  }
0xcd: {  	_ = 	snop  }
0xce: {  	[spmem:s2] =	stream.indirect.scatter.add.f32 [tilespmem:s18], [sflag:$0x4], $0x30, s21, s16, $0xb8;
	[tilespmem:$0x16F80] =	vst v63  }
0xcf: {  	_ = 	snop  }
0xd0: {  	[spmem:s2] =	stream.indirect.scatter.add.f32 [tilespmem:s20], [sflag:$0x3], $0x30, s23, s16, $0xb8;
	[tilespmem:$0x16F80] =	vst v63  }
0xd1: {  	_ =	swait.ge [sflag:s25], $0x1800  }
0xd2: {  	[sflag:s25] =	ssyncset.done $0x0  }
0xd3: {  	[sflag:s25] =	ssyncadd.s32 $0xFFFFE800  }
0xd4: {  	_ =	swait.ge [sflag:s26], $0x1800  }
0xd5: {  	[sflag:s26] =	ssyncset.done $0x0  }
0xd6: {  	[sflag:s26] =	ssyncadd.s32 $0xFFFFE800  }
0xd7: {  	_ =	swait.ge [sflag:s25], $0x1800  }
0xd8: {  	[sflag:s25] =	ssyncset.done $0x0  }
0xd9: {  	[sflag:s25] =	ssyncadd.s32 $0xFFFFE800  }
0xda: {  	_ =	swait.ge [sflag:s26], $0x1800  }
0xdb: {  	[sflag:s26] =	ssyncset.done $0x0  }
0xdc: {  	[sflag:s26] =	ssyncadd.s32 $0xFFFFE800  }
0xdd: {  	_ =	swait.ge [sflag:s25], $0x1800  }
0xde: {  	[sflag:s25] =	ssyncset.done $0x0  }
0xdf: {  	s31 =	rddreg [dreg:$0xd];
	[sflag:s25] =	ssyncadd.s32 $0xFFFFE800  }
0xe0: {  	[tilespmem:s8], [sflag:$0x5] =	stream.linear.gather [hbm4b:s31+s3], $0x280, $0x38;
	[tilespmem:$0x16F80] =	vst v63  }
0xe1: {  	_ =	swait.ge [sflag:s7], $0x280  }
0xe2: {  	[sflag:s7] =	ssyncset.done $0x0  }
0xe3: {  	[sflag:s7] =	ssyncadd.s32 $0xFFFFFD80  }
0xe4: {  	[tilespmem:s11], [sflag:$0x1] =	stream.indirect.gather [hbm4b:s9+s10], $0x30, s8, s10, $0xb8;
	[tilespmem:$0x16F80] =	vst v63  }
0xe5: {  	_ =	swait.ge [sflag:s28], $0x7800  }
0xe6: {  	[sflag:s28] =	ssyncset.done $0x0  }
0xe7: {  	s31 =	rddreg [dreg:$0xe];
	[sflag:s28] =	ssyncadd.s32 $0xFFFF8800  }
0xe8: {  	[tilespmem:s15], [sflag:$0x5] =	stream.linear.gather [hbm4b:s31+s3], $0x280, $0x38;
	[tilespmem:$0x16F80] =	vst v63  }
0xe9: {  	_ =	swait.ge [sflag:s7], $0x280  }
0xea: {  	[sflag:s7] =	ssyncset.done $0x0  }
0xeb: {  	[sflag:s7] =	ssyncadd.s32 $0xFFFFFD80  }
0xec: {  	[spmem:s2] =	stream.indirect.scatter.add.f32 [tilespmem:s13], [sflag:$0x3], $0x30, s15, s16, $0xb8;
	[tilespmem:$0x16F80] =	vst v63  }
0xed: {  	_ = 	snop  }
0xee: {  	[spmem:s2] =	stream.indirect.scatter.add.f32 [tilespmem:s22], [sflag:$0x4], $0x30, s17, s16, $0xb8;
	[tilespmem:$0x16F80] =	vst v63  }
0xef: {  	_ = 	snop  }
0xf0: {  	[spmem:s2] =	stream.indirect.scatter.add.f32 [tilespmem:s24], [sflag:$0x3], $0x30, s19, s16, $0xb8;
	[tilespmem:$0x16F80] =	vst v63  }
0xf1: {  	_ = 	snop  }
0xf2: {  	[spmem:s2] =	stream.indirect.scatter.add.f32 [tilespmem:s29], [sflag:$0x4], $0x30, s21, s16, $0xb8;
	[tilespmem:$0x16F80] =	vst v63  }
0xf3: {  	_ = 	snop  }
0xf4: {  	[spmem:s2] =	stream.indirect.scatter.add.f32 [tilespmem:s0], [sflag:$0x3], $0x30, s23, s16, $0xb8;
	[tilespmem:$0x16F80] =	vst v63  }
0xf5: {  	_ =	swait.ge [sflag:s25], $0x1800  }
0xf6: {  	[sflag:s25] =	ssyncset.done $0x0  }
0xf7: {  	[sflag:s25] =	ssyncadd.s32 $0xFFFFE800  }
0xf8: {  	_ =	swait.ge [sflag:s26], $0x1800  }
0xf9: {  	[sflag:s26] =	ssyncset.done $0x0  }
0xfa: {  	[sflag:s26] =	ssyncadd.s32 $0xFFFFE800  }
0xfb: {  	_ =	swait.ge [sflag:s25], $0x1800  }
0xfc: {  	[sflag:s25] =	ssyncset.done $0x0  }
0xfd: {  	[sflag:s25] =	ssyncadd.s32 $0xFFFFE800  }
0xfe: {  	_ =	swait.ge [sflag:s26], $0x1800  }
0xff: {  	[sflag:s26] =	ssyncset.done $0x0  }
0x100: {  	[sflag:s26] =	ssyncadd.s32 $0xFFFFE800  }
0x101: {  	_ =	swait.ge [sflag:s25], $0x1800  }
0x102: {  	[sflag:s25] =	ssyncset.done $0x0  }
0x103: {  	s31 =	rddreg [dreg:$0xf];
	[sflag:s25] =	ssyncadd.s32 $0xFFFFE800  }
0x104: {  	[tilespmem:s12], [sflag:$0x5] =	stream.linear.gather [hbm4b:s31+s3], $0x280, $0x38;
	[tilespmem:$0x16F80] =	vst v63  }
0x105: {  	_ =	swait.ge [sflag:s7], $0x280  }
0x106: {  	[sflag:s7] =	ssyncset.done $0x0  }
0x107: {  	[sflag:s7] =	ssyncadd.s32 $0xFFFFFD80  }
0x108: {  	[tilespmem:s13], [sflag:$0x2] =	stream.indirect.gather [hbm4b:s9+s10], $0x30, s12, s10, $0xb8;
	[tilespmem:$0x16F80] =	vst v63  }
0x109: {  	_ =	swait.ge [sflag:s14], $0x7800  }
0x10a: {  	[sflag:s14] =	ssyncset.done $0x0  }
0x10b: {  	s31 =	rddreg [dreg:$0x10];
	[sflag:s14] =	ssyncadd.s32 $0xFFFF8800  }
0x10c: {  	[tilespmem:s15], [sflag:$0x5] =	stream.linear.gather [hbm4b:s31+s3], $0x280, $0x38;
	[tilespmem:$0x16F80] =	vst v63  }
0x10d: {  	_ =	swait.ge [sflag:s7], $0x280  }
0x10e: {  	[sflag:s7] =	ssyncset.done $0x0  }
0x10f: {  	[sflag:s7] =	ssyncadd.s32 $0xFFFFFD80  }
0x110: {  	[spmem:s2] =	stream.indirect.scatter.add.f32 [tilespmem:s11], [sflag:$0x3], $0x30, s15, s16, $0xb8;
	[tilespmem:$0x16F80] =	vst v63  }
0x111: {  	_ = 	snop  }
0x112: {  	[spmem:s2] =	stream.indirect.scatter.add.f32 [tilespmem:s4], [sflag:$0x4], $0x30, s17, s16, $0xb8;
	[tilespmem:$0x16F80] =	vst v63  }
0x113: {  	_ = 	snop  }
0x114: {  	[spmem:s2] =	stream.indirect.scatter.add.f32 [tilespmem:s5], [sflag:$0x3], $0x30, s19, s16, $0xb8;
	[tilespmem:$0x16F80] =	vst v63  }
0x115: {  	_ = 	snop  }
0x116: {  	[spmem:s2] =	stream.indirect.scatter.add.f32 [tilespmem:s18], [sflag:$0x4], $0x30, s21, s16, $0xb8;
	[tilespmem:$0x16F80] =	vst v63  }
0x117: {  	_ = 	snop  }
0x118: {  	[spmem:s2] =	stream.indirect.scatter.add.f32 [tilespmem:s20], [sflag:$0x3], $0x30, s23, s16, $0xb8;
	[tilespmem:$0x16F80] =	vst v63  }
0x119: {  	_ =	swait.ge [sflag:s25], $0x1800  }
0x11a: {  	[sflag:s25] =	ssyncset.done $0x0  }
0x11b: {  	[sflag:s25] =	ssyncadd.s32 $0xFFFFE800  }
0x11c: {  	_ =	swait.ge [sflag:s26], $0x1800  }
0x11d: {  	[sflag:s26] =	ssyncset.done $0x0  }
0x11e: {  	[sflag:s26] =	ssyncadd.s32 $0xFFFFE800  }
0x11f: {  	_ =	swait.ge [sflag:s25], $0x1800  }
0x120: {  	[sflag:s25] =	ssyncset.done $0x0  }
0x121: {  	[sflag:s25] =	ssyncadd.s32 $0xFFFFE800  }
0x122: {  	_ =	swait.ge [sflag:s26], $0x1800  }
0x123: {  	[sflag:s26] =	ssyncset.done $0x0  }
0x124: {  	[sflag:s26] =	ssyncadd.s32 $0xFFFFE800  }
0x125: {  	_ =	swait.ge [sflag:s25], $0x1800  }
0x126: {  	[sflag:s25] =	ssyncset.done $0x0  }
0x127: {  	[sflag:s25] =	ssyncadd.s32 $0xFFFFE800  }
0x128: {  	_ =	swait.ge [sflag:s28], $0x7800  }
0x129: {  	[sflag:s28] =	ssyncset.done $0x0  }
0x12a: {  	s20 =	rddreg [dreg:$0x11];
	[sflag:s28] =	ssyncadd.s32 $0xFFFF8800  }
0x12b: {  	[tilespmem:s15], [sflag:$0x5] =	stream.linear.gather [hbm4b:s20+s3], $0x280, $0x38;
	[tilespmem:$0x16F80] =	vst v63  }
0x12c: {  	_ =	swait.ge [sflag:s7], $0x280  }
0x12d: {  	[sflag:s7] =	ssyncset.done $0x0  }
0x12e: {  	[sflag:s7] =	ssyncadd.s32 $0xFFFFFD80  }
0x12f: {  	[spmem:s2] =	stream.indirect.scatter.add.f32 [tilespmem:s13], [sflag:$0x3], $0x30, s15, s16, $0xb8;
	[tilespmem:$0x16F80] =	vst v63  }
0x130: {  	_ = 	snop  }
0x131: {  	[spmem:s2] =	stream.indirect.scatter.add.f32 [tilespmem:s22], [sflag:$0x4], $0x30, s17, s16, $0xb8;
	[tilespmem:$0x16F80] =	vst v63  }
0x132: {  	_ = 	snop  }
0x133: {  	[spmem:s2] =	stream.indirect.scatter.add.f32 [tilespmem:s24], [sflag:$0x3], $0x30, s19, s16, $0xb8;
	[tilespmem:$0x16F80] =	vst v63  }
0x134: {  	_ = 	snop  }
0x135: {  	[spmem:s2] =	stream.indirect.scatter.add.f32 [tilespmem:s29], [sflag:$0x4], $0x30, s21, s16, $0xb8;
	[tilespmem:$0x16F80] =	vst v63  }
0x136: {  	_ = 	snop  }
0x137: {  	[spmem:s2] =	stream.indirect.scatter.add.f32 [tilespmem:s0], [sflag:$0x3], $0x30, s23, s16, $0xb8;
	[tilespmem:$0x16F80] =	vst v63  }
0x138: {  	_ =	swait.ge [sflag:s25], $0x1800  }
0x139: {  	[sflag:s25] =	ssyncset.done $0x0  }
0x13a: {  	[sflag:s25] =	ssyncadd.s32 $0xFFFFE800  }
0x13b: {  	_ =	swait.ge [sflag:s26], $0x1800  }
0x13c: {  	[sflag:s26] =	ssyncset.done $0x0  }
0x13d: {  	[sflag:s26] =	ssyncadd.s32 $0xFFFFE800  }
0x13e: {  	_ =	swait.ge [sflag:s25], $0x1800  }
0x13f: {  	[sflag:s25] =	ssyncset.done $0x0  }
0x140: {  	[sflag:s25] =	ssyncadd.s32 $0xFFFFE800  }
0x141: {  	_ =	swait.ge [sflag:s26], $0x1800  }
0x142: {  	[sflag:s26] =	ssyncset.done $0x0  }
0x143: {  	[sflag:s26] =	ssyncadd.s32 $0xFFFFE800  }
0x144: {  	_ =	swait.ge [sflag:s25], $0x1800  }
0x145: {  	[sflag:s25] =	ssyncset.done $0x0  }
0x146: {  	[sflag:s25] =	ssyncadd.s32 $0xFFFFE800  }
0x147: {  	[bflag:$0x0] =	sbarrier.arrive $0xFFFF  }
0x148: {  	s1 =	rddreg [dreg:$0x13]  }
0x149: {  	s5 =	rddreg [dreg:$0x16]  }
0x14a: {  	[hbm:s1], [sflag:s6] =	dma.local @p0 [spmem:s5], $0xF00  }
0x14b: {  	s1 =	simm.s32 @p0 $0x5  }
0x14c: {  	_ =	swait.ge @p0 [sflag:s1], $0xF00  }
0x14d: {  	s30 =	ssub.s32 $0x2, s30;
	s5 =	rddreg [dreg:$0x12];
	[sflag:s1] =	ssyncset.done @p0 $0x0  }
0x14e: {  	s31 =	sshrl.u32 s30, $0x1;
	s4 =	rddreg [dreg:$0x15];
	[sflag:s1] =	ssyncadd.s32 @p0 $0xFFFFF100  }
0x14f: {  	[hbm:s5], [sflag:s6] =	dma.local @!p0 [spmem:s4], $0xEA0  }
0x150: {  	s4 =	ssub.s32 s30, s31  }
0x151: {  	s4 =	smax.u32 s4, $0x1  }
0x152: {  	s5 =	sadd.s32 $0xFFFFFFFF, s4  }
0x153: {  	p1 =	sne.s32 s5, $0x0  }
.Ltmp0:
0x154: {  	_ = 	snop;
	(pc) =	sbr.rel @!p1 .LBB2_3-.Ltmp0, $2  }
0x155: {  	_ =	sdelay $0x2  }
0x156: {  	s4 =	simm.s32 @!p0 $0x5  }
0x157: {  	s22 =	simm.s32 $0xAF80;
	s24 =	simm.s32 $0xC780  }
0x158: {  	s29 =	simm.s32 $0xDF80;
	s30 =	simm.s32 $0x10F80;
	s31 =	simm.s32 $0x12780  }
.LBB2_2:
0x159: {  	_ =	swait.ge @!p0 [sflag:s4], $0xEA0  }
0x15a: {  	s18 =	rddreg [dreg:$0x3];
	[sflag:s4] =	ssyncset.done @!p0 $0x0  }
0x15b: {  	s20 =	rddreg [dreg:$0x14];
	[sflag:s4] =	ssyncadd.s32 @!p0 $0xFFFFF160  }
0x15c: {  	[spmem:s20], [sflag:s6] =	dma.local [hbm:s18], $0xF00  }
0x15d: {  	_ =	swait.ge [sflag:s7], $0xF00  }
0x15e: {  	[sflag:s7] =	ssyncset.done $0x0  }
0x15f: {  	[sflag:s7] =	ssyncadd.s32 $0xFFFFF100  }
0x160: {  	[bflag:$0x0] =	sbarrier.arrive $0xFFFF  }
0x161: {  	s20 =	rddreg [dreg:$0x17]  }
0x162: {  	[tilespmem:s8], [sflag:$0x5] =	stream.linear.gather [hbm4b:s20+s3], $0x280, $0x38;
	[tilespmem:$0x16F80] =	vst v63  }
0x163: {  	_ =	swait.ge [sflag:s7], $0x280  }
0x164: {  	[sflag:s7] =	ssyncset.done $0x0  }
0x165: {  	[sflag:s7] =	ssyncadd.s32 $0xFFFFFD80  }
0x166: {  	[tilespmem:s11], [sflag:$0x1] =	stream.indirect.gather [hbm4b:s9+s10], $0x30, s8, s10, $0xb8;
	[tilespmem:$0x16F80] =	vst v63  }
0x167: {  	s1 =	rddreg [dreg:$0x4]  }
0x168: {  	[tilespmem:s12], [sflag:$0x5] =	stream.linear.gather [hbm4b:s1+s3], $0x280, $0x38;
	[tilespmem:$0x16F80] =	vst v63  }
0x169: {  	_ =	swait.ge [sflag:s7], $0x280  }
0x16a: {  	[sflag:s7] =	ssyncset.done $0x0  }
0x16b: {  	[sflag:s7] =	ssyncadd.s32 $0xFFFFFD80  }
0x16c: {  	[tilespmem:s13], [sflag:$0x2] =	stream.indirect.gather [hbm4b:s9+s10], $0x30, s12, s10, $0xb8;
	[tilespmem:$0x16F80] =	vst v63  }
0x16d: {  	_ =	swait.ge [sflag:s14], $0x7800  }
0x16e: {  	[sflag:s14] =	ssyncset.done $0x0  }
0x16f: {  	s20 =	rddreg [dreg:$0x18];
	[sflag:s14] =	ssyncadd.s32 $0xFFFF8800  }
0x170: {  	[tilespmem:s15], [sflag:$0x5] =	stream.linear.gather [hbm4b:s20+s3], $0x280, $0x38;
	[tilespmem:$0x16F80] =	vst v63  }
0x171: {  	_ =	swait.ge [sflag:s7], $0x280  }
0x172: {  	[sflag:s7] =	ssyncset.done $0x0  }
0x173: {  	[sflag:s7] =	ssyncadd.s32 $0xFFFFFD80  }
0x174: {  	[spmem:s2] =	stream.indirect.scatter.add.f32 [tilespmem:s11], [sflag:$0x3], $0x30, s15, s16, $0xb8;
	[tilespmem:$0x16F80] =	vst v63  }
0x175: {  	s20 =	simm.s32 $0x9780  }
0x176: {  	[spmem:s2] =	stream.indirect.scatter.add.f32 [tilespmem:s20], [sflag:$0x4], $0x30, s17, s16, $0xb8;
	[tilespmem:$0x16F80] =	vst v63  }
0x177: {  	_ = 	snop  }
0x178: {  	[spmem:s2] =	stream.indirect.scatter.add.f32 [tilespmem:s22], [sflag:$0x3], $0x30, s19, s16, $0xb8;
	[tilespmem:$0x16F80] =	vst v63  }
0x179: {  	_ = 	snop  }
0x17a: {  	[spmem:s2] =	stream.indirect.scatter.add.f32 [tilespmem:s24], [sflag:$0x4], $0x30, s21, s16, $0xb8;
	[tilespmem:$0x16F80] =	vst v63  }
0x17b: {  	_ = 	snop  }
0x17c: {  	[spmem:s2] =	stream.indirect.scatter.add.f32 [tilespmem:s29], [sflag:$0x3], $0x30, s23, s16, $0xb8;
	[tilespmem:$0x16F80] =	vst v63  }
0x17d: {  	_ =	swait.ge [sflag:s25], $0x1800  }
0x17e: {  	[sflag:s25] =	ssyncset.done $0x0  }
0x17f: {  	[sflag:s25] =	ssyncadd.s32 $0xFFFFE800  }
0x180: {  	_ =	swait.ge [sflag:s26], $0x1800  }
0x181: {  	[sflag:s26] =	ssyncset.done $0x0  }
0x182: {  	[sflag:s26] =	ssyncadd.s32 $0xFFFFE800  }
0x183: {  	_ =	swait.ge [sflag:s25], $0x1800  }
0x184: {  	[sflag:s25] =	ssyncset.done $0x0  }
0x185: {  	[sflag:s25] =	ssyncadd.s32 $0xFFFFE800  }
0x186: {  	_ =	swait.ge [sflag:s26], $0x1800  }
0x187: {  	[sflag:s26] =	ssyncset.done $0x0  }
0x188: {  	[sflag:s26] =	ssyncadd.s32 $0xFFFFE800  }
0x189: {  	_ =	swait.ge [sflag:s25], $0x1800  }
0x18a: {  	[sflag:s25] =	ssyncset.done $0x0  }
0x18b: {  	s1 =	rddreg [dreg:$0x5];
	[sflag:s25] =	ssyncadd.s32 $0xFFFFE800  }
0x18c: {  	[tilespmem:s8], [sflag:$0x5] =	stream.linear.gather [hbm4b:s1+s3], $0x280, $0x38;
	[tilespmem:$0x16F80] =	vst v63  }
0x18d: {  	_ =	swait.ge [sflag:s7], $0x280  }
0x18e: {  	[sflag:s7] =	ssyncset.done $0x0  }
0x18f: {  	[sflag:s7] =	ssyncadd.s32 $0xFFFFFD80  }
0x190: {  	[tilespmem:s11], [sflag:$0x1] =	stream.indirect.gather [hbm4b:s9+s10], $0x30, s8, s10, $0xb8;
	[tilespmem:$0x16F80] =	vst v63  }
0x191: {  	_ =	swait.ge [sflag:s28], $0x7800  }
0x192: {  	[sflag:s28] =	ssyncset.done $0x0  }
0x193: {  	s1 =	rddreg [dreg:$0x6];
	[sflag:s28] =	ssyncadd.s32 $0xFFFF8800  }
0x194: {  	[tilespmem:s15], [sflag:$0x5] =	stream.linear.gather [hbm4b:s1+s3], $0x280, $0x38;
	[tilespmem:$0x16F80] =	vst v63  }
0x195: {  	_ =	swait.ge [sflag:s7], $0x280  }
0x196: {  	[sflag:s7] =	ssyncset.done $0x0  }
0x197: {  	[sflag:s7] =	ssyncadd.s32 $0xFFFFFD80  }
0x198: {  	[spmem:s2] =	stream.indirect.scatter.add.f32 [tilespmem:s13], [sflag:$0x3], $0x30, s15, s16, $0xb8;
	[tilespmem:$0x16F80] =	vst v63  }
0x199: {  	_ = 	snop  }
0x19a: {  	[spmem:s2] =	stream.indirect.scatter.add.f32 [tilespmem:s30], [sflag:$0x4], $0x30, s17, s16, $0xb8;
	[tilespmem:$0x16F80] =	vst v63  }
0x19b: {  	_ = 	snop  }
0x19c: {  	[spmem:s2] =	stream.indirect.scatter.add.f32 [tilespmem:s31], [sflag:$0x3], $0x30, s19, s16, $0xb8;
	[tilespmem:$0x16F80] =	vst v63  }
0x19d: {  	s1 =	simm.s32 $0x13F80  }
0x19e: {  	[spmem:s2] =	stream.indirect.scatter.add.f32 [tilespmem:s1], [sflag:$0x4], $0x30, s21, s16, $0xb8;
	[tilespmem:$0x16F80] =	vst v63  }
0x19f: {  	_ = 	snop  }
0x1a0: {  	[spmem:s2] =	stream.indirect.scatter.add.f32 [tilespmem:s0], [sflag:$0x3], $0x30, s23, s16, $0xb8;
	[tilespmem:$0x16F80] =	vst v63  }
0x1a1: {  	_ =	swait.ge [sflag:s25], $0x1800  }
0x1a2: {  	[sflag:s25] =	ssyncset.done $0x0  }
0x1a3: {  	[sflag:s25] =	ssyncadd.s32 $0xFFFFE800  }
0x1a4: {  	_ =	swait.ge [sflag:s26], $0x1800  }
0x1a5: {  	[sflag:s26] =	ssyncset.done $0x0  }
0x1a6: {  	[sflag:s26] =	ssyncadd.s32 $0xFFFFE800  }
0x1a7: {  	_ =	swait.ge [sflag:s25], $0x1800  }
0x1a8: {  	[sflag:s25] =	ssyncset.done $0x0  }
0x1a9: {  	[sflag:s25] =	ssyncadd.s32 $0xFFFFE800  }
0x1aa: {  	_ =	swait.ge [sflag:s26], $0x1800  }
0x1ab: {  	[sflag:s26] =	ssyncset.done $0x0  }
0x1ac: {  	[sflag:s26] =	ssyncadd.s32 $0xFFFFE800  }
0x1ad: {  	_ =	swait.ge [sflag:s25], $0x1800  }
0x1ae: {  	[sflag:s25] =	ssyncset.done $0x0  }
0x1af: {  	s18 =	rddreg [dreg:$0x7];
	[sflag:s25] =	ssyncadd.s32 $0xFFFFE800  }
0x1b0: {  	[tilespmem:s12], [sflag:$0x5] =	stream.linear.gather [hbm4b:s18+s3], $0x280, $0x38;
	[tilespmem:$0x16F80] =	vst v63  }
0x1b1: {  	_ =	swait.ge [sflag:s7], $0x280  }
0x1b2: {  	[sflag:s7] =	ssyncset.done $0x0  }
0x1b3: {  	[sflag:s7] =	ssyncadd.s32 $0xFFFFFD80  }
0x1b4: {  	[tilespmem:s13], [sflag:$0x2] =	stream.indirect.gather [hbm4b:s9+s10], $0x30, s12, s10, $0xb8;
	[tilespmem:$0x16F80] =	vst v63  }
0x1b5: {  	_ =	swait.ge [sflag:s14], $0x7800  }
0x1b6: {  	[sflag:s14] =	ssyncset.done $0x0  }
0x1b7: {  	s18 =	rddreg [dreg:$0x8];
	[sflag:s14] =	ssyncadd.s32 $0xFFFF8800  }
0x1b8: {  	[tilespmem:s15], [sflag:$0x5] =	stream.linear.gather [hbm4b:s18+s3], $0x280, $0x38;
	[tilespmem:$0x16F80] =	vst v63  }
0x1b9: {  	_ =	swait.ge [sflag:s7], $0x280  }
0x1ba: {  	[sflag:s7] =	ssyncset.done $0x0  }
0x1bb: {  	[sflag:s7] =	ssyncadd.s32 $0xFFFFFD80  }
0x1bc: {  	[spmem:s2] =	stream.indirect.scatter.add.f32 [tilespmem:s11], [sflag:$0x3], $0x30, s15, s16, $0xb8;
	[tilespmem:$0x16F80] =	vst v63  }
0x1bd: {  	_ = 	snop  }
0x1be: {  	[spmem:s2] =	stream.indirect.scatter.add.f32 [tilespmem:s20], [sflag:$0x4], $0x30, s17, s16, $0xb8;
	[tilespmem:$0x16F80] =	vst v63  }
0x1bf: {  	_ = 	snop  }
0x1c0: {  	[spmem:s2] =	stream.indirect.scatter.add.f32 [tilespmem:s22], [sflag:$0x3], $0x30, s19, s16, $0xb8;
	[tilespmem:$0x16F80] =	vst v63  }
0x1c1: {  	_ = 	snop  }
0x1c2: {  	[spmem:s2] =	stream.indirect.scatter.add.f32 [tilespmem:s24], [sflag:$0x4], $0x30, s21, s16, $0xb8;
	[tilespmem:$0x16F80] =	vst v63  }
0x1c3: {  	_ = 	snop  }
0x1c4: {  	[spmem:s2] =	stream.indirect.scatter.add.f32 [tilespmem:s29], [sflag:$0x3], $0x30, s23, s16, $0xb8;
	[tilespmem:$0x16F80] =	vst v63  }
0x1c5: {  	_ =	swait.ge [sflag:s25], $0x1800  }
0x1c6: {  	[sflag:s25] =	ssyncset.done $0x0  }
0x1c7: {  	[sflag:s25] =	ssyncadd.s32 $0xFFFFE800  }
0x1c8: {  	_ =	swait.ge [sflag:s26], $0x1800  }
0x1c9: {  	[sflag:s26] =	ssyncset.done $0x0  }
0x1ca: {  	[sflag:s26] =	ssyncadd.s32 $0xFFFFE800  }
0x1cb: {  	_ =	swait.ge [sflag:s25], $0x1800  }
0x1cc: {  	[sflag:s25] =	ssyncset.done $0x0  }
0x1cd: {  	[sflag:s25] =	ssyncadd.s32 $0xFFFFE800  }
0x1ce: {  	_ =	swait.ge [sflag:s26], $0x1800  }
0x1cf: {  	[sflag:s26] =	ssyncset.done $0x0  }
0x1d0: {  	[sflag:s26] =	ssyncadd.s32 $0xFFFFE800  }
0x1d1: {  	_ =	swait.ge [sflag:s25], $0x1800  }
0x1d2: {  	[sflag:s25] =	ssyncset.done $0x0  }
0x1d3: {  	s18 =	rddreg [dreg:$0x9];
	[sflag:s25] =	ssyncadd.s32 $0xFFFFE800  }
0x1d4: {  	[tilespmem:s8], [sflag:$0x5] =	stream.linear.gather [hbm4b:s18+s3], $0x280, $0x38;
	[tilespmem:$0x16F80] =	vst v63  }
0x1d5: {  	_ =	swait.ge [sflag:s7], $0x280  }
0x1d6: {  	[sflag:s7] =	ssyncset.done $0x0  }
0x1d7: {  	[sflag:s7] =	ssyncadd.s32 $0xFFFFFD80  }
0x1d8: {  	[tilespmem:s11], [sflag:$0x1] =	stream.indirect.gather [hbm4b:s9+s10], $0x30, s8, s10, $0xb8;
	[tilespmem:$0x16F80] =	vst v63  }
0x1d9: {  	_ =	swait.ge [sflag:s28], $0x7800  }
0x1da: {  	[sflag:s28] =	ssyncset.done $0x0  }
0x1db: {  	s18 =	rddreg [dreg:$0xa];
	[sflag:s28] =	ssyncadd.s32 $0xFFFF8800  }
0x1dc: {  	[tilespmem:s15], [sflag:$0x5] =	stream.linear.gather [hbm4b:s18+s3], $0x280, $0x38;
	[tilespmem:$0x16F80] =	vst v63  }
0x1dd: {  	_ =	swait.ge [sflag:s7], $0x280  }
0x1de: {  	[sflag:s7] =	ssyncset.done $0x0  }
0x1df: {  	[sflag:s7] =	ssyncadd.s32 $0xFFFFFD80  }
0x1e0: {  	[spmem:s2] =	stream.indirect.scatter.add.f32 [tilespmem:s13], [sflag:$0x3], $0x30, s15, s16, $0xb8;
	[tilespmem:$0x16F80] =	vst v63  }
0x1e1: {  	_ = 	snop  }
0x1e2: {  	[spmem:s2] =	stream.indirect.scatter.add.f32 [tilespmem:s30], [sflag:$0x4], $0x30, s17, s16, $0xb8;
	[tilespmem:$0x16F80] =	vst v63  }
0x1e3: {  	_ = 	snop  }
0x1e4: {  	[spmem:s2] =	stream.indirect.scatter.add.f32 [tilespmem:s31], [sflag:$0x3], $0x30, s19, s16, $0xb8;
	[tilespmem:$0x16F80] =	vst v63  }
0x1e5: {  	_ = 	snop  }
0x1e6: {  	[spmem:s2] =	stream.indirect.scatter.add.f32 [tilespmem:s1], [sflag:$0x4], $0x30, s21, s16, $0xb8;
	[tilespmem:$0x16F80] =	vst v63  }
0x1e7: {  	_ = 	snop  }
0x1e8: {  	[spmem:s2] =	stream.indirect.scatter.add.f32 [tilespmem:s0], [sflag:$0x3], $0x30, s23, s16, $0xb8;
	[tilespmem:$0x16F80] =	vst v63  }
0x1e9: {  	_ =	swait.ge [sflag:s25], $0x1800  }
0x1ea: {  	[sflag:s25] =	ssyncset.done $0x0  }
0x1eb: {  	[sflag:s25] =	ssyncadd.s32 $0xFFFFE800  }
0x1ec: {  	_ =	swait.ge [sflag:s26], $0x1800  }
0x1ed: {  	[sflag:s26] =	ssyncset.done $0x0  }
0x1ee: {  	[sflag:s26] =	ssyncadd.s32 $0xFFFFE800  }
0x1ef: {  	_ =	swait.ge [sflag:s25], $0x1800  }
0x1f0: {  	[sflag:s25] =	ssyncset.done $0x0  }
0x1f1: {  	[sflag:s25] =	ssyncadd.s32 $0xFFFFE800  }
0x1f2: {  	_ =	swait.ge [sflag:s26], $0x1800  }
0x1f3: {  	[sflag:s26] =	ssyncset.done $0x0  }
0x1f4: {  	[sflag:s26] =	ssyncadd.s32 $0xFFFFE800  }
0x1f5: {  	_ =	swait.ge [sflag:s25], $0x1800  }
0x1f6: {  	[sflag:s25] =	ssyncset.done $0x0  }
0x1f7: {  	s18 =	rddreg [dreg:$0xb];
	[sflag:s25] =	ssyncadd.s32 $0xFFFFE800  }
0x1f8: {  	[tilespmem:s12], [sflag:$0x5] =	stream.linear.gather [hbm4b:s18+s3], $0x280, $0x38;
	[tilespmem:$0x16F80] =	vst v63  }
0x1f9: {  	_ =	swait.ge [sflag:s7], $0x280  }
0x1fa: {  	[sflag:s7] =	ssyncset.done $0x0  }
0x1fb: {  	[sflag:s7] =	ssyncadd.s32 $0xFFFFFD80  }
0x1fc: {  	[tilespmem:s13], [sflag:$0x2] =	stream.indirect.gather [hbm4b:s9+s10], $0x30, s12, s10, $0xb8;
	[tilespmem:$0x16F80] =	vst v63  }
0x1fd: {  	_ =	swait.ge [sflag:s14], $0x7800  }
0x1fe: {  	[sflag:s14] =	ssyncset.done $0x0  }
0x1ff: {  	s18 =	rddreg [dreg:$0xc];
	[sflag:s14] =	ssyncadd.s32 $0xFFFF8800  }
0x200: {  	[tilespmem:s15], [sflag:$0x5] =	stream.linear.gather [hbm4b:s18+s3], $0x280, $0x38;
	[tilespmem:$0x16F80] =	vst v63  }
0x201: {  	_ =	swait.ge [sflag:s7], $0x280  }
0x202: {  	[sflag:s7] =	ssyncset.done $0x0  }
0x203: {  	[sflag:s7] =	ssyncadd.s32 $0xFFFFFD80  }
0x204: {  	[spmem:s2] =	stream.indirect.scatter.add.f32 [tilespmem:s11], [sflag:$0x3], $0x30, s15, s16, $0xb8;
	[tilespmem:$0x16F80] =	vst v63  }
0x205: {  	_ = 	snop  }
0x206: {  	[spmem:s2] =	stream.indirect.scatter.add.f32 [tilespmem:s20], [sflag:$0x4], $0x30, s17, s16, $0xb8;
	[tilespmem:$0x16F80] =	vst v63  }
0x207: {  	_ = 	snop  }
0x208: {  	[spmem:s2] =	stream.indirect.scatter.add.f32 [tilespmem:s22], [sflag:$0x3], $0x30, s19, s16, $0xb8;
	[tilespmem:$0x16F80] =	vst v63  }
0x209: {  	_ = 	snop  }
0x20a: {  	[spmem:s2] =	stream.indirect.scatter.add.f32 [tilespmem:s24], [sflag:$0x4], $0x30, s21, s16, $0xb8;
	[tilespmem:$0x16F80] =	vst v63  }
0x20b: {  	_ = 	snop  }
0x20c: {  	[spmem:s2] =	stream.indirect.scatter.add.f32 [tilespmem:s29], [sflag:$0x3], $0x30, s23, s16, $0xb8;
	[tilespmem:$0x16F80] =	vst v63  }
0x20d: {  	_ =	swait.ge [sflag:s25], $0x1800  }
0x20e: {  	[sflag:s25] =	ssyncset.done $0x0  }
0x20f: {  	[sflag:s25] =	ssyncadd.s32 $0xFFFFE800  }
0x210: {  	_ =	swait.ge [sflag:s26], $0x1800  }
0x211: {  	[sflag:s26] =	ssyncset.done $0x0  }
0x212: {  	[sflag:s26] =	ssyncadd.s32 $0xFFFFE800  }
0x213: {  	_ =	swait.ge [sflag:s25], $0x1800  }
0x214: {  	[sflag:s25] =	ssyncset.done $0x0  }
0x215: {  	[sflag:s25] =	ssyncadd.s32 $0xFFFFE800  }
0x216: {  	_ =	swait.ge [sflag:s26], $0x1800  }
0x217: {  	[sflag:s26] =	ssyncset.done $0x0  }
0x218: {  	[sflag:s26] =	ssyncadd.s32 $0xFFFFE800  }
0x219: {  	_ =	swait.ge [sflag:s25], $0x1800  }
0x21a: {  	[sflag:s25] =	ssyncset.done $0x0  }
0x21b: {  	s18 =	rddreg [dreg:$0xd];
	[sflag:s25] =	ssyncadd.s32 $0xFFFFE800  }
0x21c: {  	[tilespmem:s8], [sflag:$0x5] =	stream.linear.gather [hbm4b:s18+s3], $0x280, $0x38;
	[tilespmem:$0x16F80] =	vst v63  }
0x21d: {  	_ =	swait.ge [sflag:s7], $0x280  }
0x21e: {  	[sflag:s7] =	ssyncset.done $0x0  }
0x21f: {  	[sflag:s7] =	ssyncadd.s32 $0xFFFFFD80  }
0x220: {  	[tilespmem:s11], [sflag:$0x1] =	stream.indirect.gather [hbm4b:s9+s10], $0x30, s8, s10, $0xb8;
	[tilespmem:$0x16F80] =	vst v63  }
0x221: {  	_ =	swait.ge [sflag:s28], $0x7800  }
0x222: {  	[sflag:s28] =	ssyncset.done $0x0  }
0x223: {  	s18 =	rddreg [dreg:$0xe];
	[sflag:s28] =	ssyncadd.s32 $0xFFFF8800  }
0x224: {  	[tilespmem:s15], [sflag:$0x5] =	stream.linear.gather [hbm4b:s18+s3], $0x280, $0x38;
	[tilespmem:$0x16F80] =	vst v63  }
0x225: {  	_ =	swait.ge [sflag:s7], $0x280  }
0x226: {  	[sflag:s7] =	ssyncset.done $0x0  }
0x227: {  	[sflag:s7] =	ssyncadd.s32 $0xFFFFFD80  }
0x228: {  	[spmem:s2] =	stream.indirect.scatter.add.f32 [tilespmem:s13], [sflag:$0x3], $0x30, s15, s16, $0xb8;
	[tilespmem:$0x16F80] =	vst v63  }
0x229: {  	_ = 	snop  }
0x22a: {  	[spmem:s2] =	stream.indirect.scatter.add.f32 [tilespmem:s30], [sflag:$0x4], $0x30, s17, s16, $0xb8;
	[tilespmem:$0x16F80] =	vst v63  }
0x22b: {  	_ = 	snop  }
0x22c: {  	[spmem:s2] =	stream.indirect.scatter.add.f32 [tilespmem:s31], [sflag:$0x3], $0x30, s19, s16, $0xb8;
	[tilespmem:$0x16F80] =	vst v63  }
0x22d: {  	_ = 	snop  }
0x22e: {  	[spmem:s2] =	stream.indirect.scatter.add.f32 [tilespmem:s1], [sflag:$0x4], $0x30, s21, s16, $0xb8;
	[tilespmem:$0x16F80] =	vst v63  }
0x22f: {  	_ = 	snop  }
0x230: {  	[spmem:s2] =	stream.indirect.scatter.add.f32 [tilespmem:s0], [sflag:$0x3], $0x30, s23, s16, $0xb8;
	[tilespmem:$0x16F80] =	vst v63  }
0x231: {  	_ =	swait.ge [sflag:s25], $0x1800  }
0x232: {  	[sflag:s25] =	ssyncset.done $0x0  }
0x233: {  	[sflag:s25] =	ssyncadd.s32 $0xFFFFE800  }
0x234: {  	_ =	swait.ge [sflag:s26], $0x1800  }
0x235: {  	[sflag:s26] =	ssyncset.done $0x0  }
0x236: {  	[sflag:s26] =	ssyncadd.s32 $0xFFFFE800  }
0x237: {  	_ =	swait.ge [sflag:s25], $0x1800  }
0x238: {  	[sflag:s25] =	ssyncset.done $0x0  }
0x239: {  	[sflag:s25] =	ssyncadd.s32 $0xFFFFE800  }
0x23a: {  	_ =	swait.ge [sflag:s26], $0x1800  }
0x23b: {  	[sflag:s26] =	ssyncset.done $0x0  }
0x23c: {  	[sflag:s26] =	ssyncadd.s32 $0xFFFFE800  }
0x23d: {  	_ =	swait.ge [sflag:s25], $0x1800  }
0x23e: {  	[sflag:s25] =	ssyncset.done $0x0  }
0x23f: {  	s18 =	rddreg [dreg:$0xf];
	[sflag:s25] =	ssyncadd.s32 $0xFFFFE800  }
0x240: {  	[tilespmem:s12], [sflag:$0x5] =	stream.linear.gather [hbm4b:s18+s3], $0x280, $0x38;
	[tilespmem:$0x16F80] =	vst v63  }
0x241: {  	_ =	swait.ge [sflag:s7], $0x280  }
0x242: {  	[sflag:s7] =	ssyncset.done $0x0  }
0x243: {  	[sflag:s7] =	ssyncadd.s32 $0xFFFFFD80  }
0x244: {  	[tilespmem:s13], [sflag:$0x2] =	stream.indirect.gather [hbm4b:s9+s10], $0x30, s12, s10, $0xb8;
	[tilespmem:$0x16F80] =	vst v63  }
0x245: {  	_ =	swait.ge [sflag:s14], $0x7800  }
0x246: {  	[sflag:s14] =	ssyncset.done $0x0  }
0x247: {  	s18 =	rddreg [dreg:$0x10];
	[sflag:s14] =	ssyncadd.s32 $0xFFFF8800  }
0x248: {  	[tilespmem:s15], [sflag:$0x5] =	stream.linear.gather [hbm4b:s18+s3], $0x280, $0x38;
	[tilespmem:$0x16F80] =	vst v63  }
0x249: {  	_ =	swait.ge [sflag:s7], $0x280  }
0x24a: {  	[sflag:s7] =	ssyncset.done $0x0  }
0x24b: {  	[sflag:s7] =	ssyncadd.s32 $0xFFFFFD80  }
0x24c: {  	[spmem:s2] =	stream.indirect.scatter.add.f32 [tilespmem:s11], [sflag:$0x3], $0x30, s15, s16, $0xb8;
	[tilespmem:$0x16F80] =	vst v63  }
0x24d: {  	_ = 	snop  }
0x24e: {  	[spmem:s2] =	stream.indirect.scatter.add.f32 [tilespmem:s20], [sflag:$0x4], $0x30, s17, s16, $0xb8;
	[tilespmem:$0x16F80] =	vst v63  }
0x24f: {  	_ = 	snop  }
0x250: {  	[spmem:s2] =	stream.indirect.scatter.add.f32 [tilespmem:s22], [sflag:$0x3], $0x30, s19, s16, $0xb8;
	[tilespmem:$0x16F80] =	vst v63  }
0x251: {  	_ = 	snop  }
0x252: {  	[spmem:s2] =	stream.indirect.scatter.add.f32 [tilespmem:s24], [sflag:$0x4], $0x30, s21, s16, $0xb8;
	[tilespmem:$0x16F80] =	vst v63  }
0x253: {  	_ = 	snop  }
0x254: {  	[spmem:s2] =	stream.indirect.scatter.add.f32 [tilespmem:s29], [sflag:$0x3], $0x30, s23, s16, $0xb8;
	[tilespmem:$0x16F80] =	vst v63  }
0x255: {  	_ =	swait.ge [sflag:s25], $0x1800  }
0x256: {  	[sflag:s25] =	ssyncset.done $0x0  }
0x257: {  	[sflag:s25] =	ssyncadd.s32 $0xFFFFE800  }
0x258: {  	_ =	swait.ge [sflag:s26], $0x1800  }
0x259: {  	[sflag:s26] =	ssyncset.done $0x0  }
0x25a: {  	[sflag:s26] =	ssyncadd.s32 $0xFFFFE800  }
0x25b: {  	_ =	swait.ge [sflag:s25], $0x1800  }
0x25c: {  	[sflag:s25] =	ssyncset.done $0x0  }
0x25d: {  	[sflag:s25] =	ssyncadd.s32 $0xFFFFE800  }
0x25e: {  	_ =	swait.ge [sflag:s26], $0x1800  }
0x25f: {  	[sflag:s26] =	ssyncset.done $0x0  }
0x260: {  	[sflag:s26] =	ssyncadd.s32 $0xFFFFE800  }
0x261: {  	_ =	swait.ge [sflag:s25], $0x1800  }
0x262: {  	[sflag:s25] =	ssyncset.done $0x0  }
0x263: {  	[sflag:s25] =	ssyncadd.s32 $0xFFFFE800  }
0x264: {  	_ =	swait.ge [sflag:s28], $0x7800  }
0x265: {  	[sflag:s28] =	ssyncset.done $0x0  }
0x266: {  	s20 =	rddreg [dreg:$0x11];
	[sflag:s28] =	ssyncadd.s32 $0xFFFF8800  }
0x267: {  	[tilespmem:s15], [sflag:$0x5] =	stream.linear.gather [hbm4b:s20+s3], $0x280, $0x38;
	[tilespmem:$0x16F80] =	vst v63  }
0x268: {  	_ =	swait.ge [sflag:s7], $0x280  }
0x269: {  	[sflag:s7] =	ssyncset.done $0x0  }
0x26a: {  	[sflag:s7] =	ssyncadd.s32 $0xFFFFFD80  }
0x26b: {  	[spmem:s2] =	stream.indirect.scatter.add.f32 [tilespmem:s13], [sflag:$0x3], $0x30, s15, s16, $0xb8;
	[tilespmem:$0x16F80] =	vst v63  }
0x26c: {  	_ = 	snop  }
0x26d: {  	[spmem:s2] =	stream.indirect.scatter.add.f32 [tilespmem:s30], [sflag:$0x4], $0x30, s17, s16, $0xb8;
	[tilespmem:$0x16F80] =	vst v63  }
0x26e: {  	_ = 	snop  }
0x26f: {  	[spmem:s2] =	stream.indirect.scatter.add.f32 [tilespmem:s31], [sflag:$0x3], $0x30, s19, s16, $0xb8;
	[tilespmem:$0x16F80] =	vst v63  }
0x270: {  	_ = 	snop  }
0x271: {  	[spmem:s2] =	stream.indirect.scatter.add.f32 [tilespmem:s1], [sflag:$0x4], $0x30, s21, s16, $0xb8;
	[tilespmem:$0x16F80] =	vst v63  }
0x272: {  	_ = 	snop  }
0x273: {  	[spmem:s2] =	stream.indirect.scatter.add.f32 [tilespmem:s0], [sflag:$0x3], $0x30, s23, s16, $0xb8;
	[tilespmem:$0x16F80] =	vst v63  }
0x274: {  	_ =	swait.ge [sflag:s25], $0x1800  }
0x275: {  	[sflag:s25] =	ssyncset.done $0x0  }
0x276: {  	[sflag:s25] =	ssyncadd.s32 $0xFFFFE800  }
0x277: {  	_ =	swait.ge [sflag:s26], $0x1800  }
0x278: {  	[sflag:s26] =	ssyncset.done $0x0  }
0x279: {  	[sflag:s26] =	ssyncadd.s32 $0xFFFFE800  }
0x27a: {  	_ =	swait.ge [sflag:s25], $0x1800  }
0x27b: {  	[sflag:s25] =	ssyncset.done $0x0  }
0x27c: {  	[sflag:s25] =	ssyncadd.s32 $0xFFFFE800  }
0x27d: {  	_ =	swait.ge [sflag:s26], $0x1800  }
0x27e: {  	[sflag:s26] =	ssyncset.done $0x0  }
0x27f: {  	[sflag:s26] =	ssyncadd.s32 $0xFFFFE800  }
0x280: {  	_ =	swait.ge [sflag:s25], $0x1800  }
0x281: {  	[sflag:s25] =	ssyncset.done $0x0  }
0x282: {  	[sflag:s25] =	ssyncadd.s32 $0xFFFFE800  }
0x283: {  	[bflag:$0x0] =	sbarrier.arrive $0xFFFF  }
0x284: {  	s5 =	sadd.s32 $0xFFFFFFFF, s5;
	s18 =	rddreg [dreg:$0x13]  }
0x285: {  	p1 =	sne.s32 s5, $0x0;
	s20 =	rddreg [dreg:$0x16]  }
0x286: {  	[hbm:s18], [sflag:s6] =	dma.local @p0 [spmem:s20], $0xF00  }
.Ltmp1:
0x287: {  	s1 =	simm.s32 @p0 $0x5;
	(pc) =	sbr.rel @p1 .LBB2_2-.Ltmp1, $4  }
0x288: {  	_ =	swait.ge @p0 [sflag:s1], $0xF00  }
0x289: {  	[sflag:s1] =	ssyncset.done @p0 $0x0;
	s18 =	rddreg [dreg:$0x12]  }
0x28a: {  	s20 =	rddreg [dreg:$0x15];
	[sflag:s1] =	ssyncadd.s32 @p0 $0xFFFFF100  }
0x28b: {  	[hbm:s18], [sflag:s6] =	dma.local @!p0 [spmem:s20], $0xEA0  }
.LBB2_3:
0x28c: {  	_ =	swait.ge @!p0 [sflag:s4], $0xEA0  }
0x28d: {  	[sflag:s4] =	ssyncset.done @!p0 $0x0  }
0x28e: {  	[sflag:s4] =	ssyncadd.s32 @!p0 $0xFFFFF160  }
0x28f: {  	_ =	sfence.sel $0x180000  }
0x290: {  	[bflag:$0x0] =	sbarrier.arrive $0xFFFF  }
0x291: {  	_ =	strace $0x9000004A  }
0x292: {  	s0 =	stileid.u32;
	[bflag:$0x2] =	sbarrier.arrive $0xFFFF  }
0x293: {  	p0 =	sne.s32 s0, $0x0;
	s0 =	rddreg [dreg:$0x2]  }
0x294: {  	s0 =	sadd.s32 @!p0 $0x100000, s0  }
0x295: {  	[sflag:s0] =	ssyncadd.tile.s32 @!p0 $0x1;
	_ =	shalt  }
.Lfunc_end2:
_tile_overlayer_lowered:
.L_overlay_start_2:
0x296: {  	(tag) =	ssettag $0x2  }
0x297: {  	s0 =	rddreg [dreg:$0x0];
	s2 =	stileid.u32  }
0x298: {  	s1 =	rddreg [dreg:$0x1];
	p0 =	sne.s32 s2, $0x0  }
0x299: {  	s3 =	rddreg [dreg:$0x2];
	[bflag:$0x3] =	sbarrier.arrive $0xFFFF;
	s2 =	simm.s32 @!p0 $0x1C05  }
0x29a: {  	[timem:s3], [sflag:s2] =	dma.local @!p0 [hbm:s0], s1  }
0x29b: {  	s0 =	simm.s32 @!p0 $0x5  }
0x29c: {  	_ =	swait.ge @!p0 [sflag:s0], s1  }
0x29d: {  	s1 =	ssub.s32 @!p0 $0x0, s1;
	[sflag:s0] =	ssyncset.done @!p0 $0x0  }
0x29e: {  	[sflag:s0] =	ssyncadd.s32 @!p0 s1  }
0x29f: {  	[bflag:$0x3] =	sbarrier.arrive $0xFFFF  }
0x2a0: {  	_ =	shalt  }

</sc_bundles>
